<compile_context>
chip_gen: v7x
topology: tpu7x:2x2x1
jax: 0.10.2.dev20260603
libtpu: 0.0.44.dev20260713+nightly
codegen_flags: <defaults>
</compile_context>

<pallas_src>
import jax
import jax.numpy as jnp
from jax import lax
from jax.experimental import pallas as pl
from jax.experimental.pallas import tpu as pltpu
from jax.experimental.pallas import tpu_sc as plsc

N = 100000
E = 3200000
H = 64
S = 10000

NC = 2
NS = 16
G = 4
FW = 16
CH = 512
PC = 128

NT = 102400
SP = 10240
CHT = 6272
EPAD = CHT * CH
CPT = CHT // NS
CPW = CHT // (NC * NS)
PCT = NT // PC
PCPT = PCT // NS
PRB = 10

_f32 = jnp.float32


def _edge_sweep(tbl, src2d, dst2d, acc, sidx, didx, rows, gsem, ssem,
                chunk0, nchunks):

    def body(ob, carry):
        base = chunk0 + ob * 2
        pltpu.sync_copy(src2d.at[base], sidx.at[0])
        pltpu.sync_copy(dst2d.at[base], didx.at[0])
        ga = pltpu.async_copy(tbl.at[sidx.at[0]], rows.at[0], gsem)
        pltpu.sync_copy(src2d.at[base + 1], sidx.at[1])
        pltpu.sync_copy(dst2d.at[base + 1], didx.at[1])
        gb = pltpu.async_copy(tbl.at[sidx.at[1]], rows.at[1], gsem)
        ga.wait()
        sa = pltpu.async_copy(rows.at[0], acc.at[didx.at[0]], ssem, add=True)
        gb.wait()
        sb = pltpu.async_copy(rows.at[1], acc.at[didx.at[1]], ssem, add=True)
        sa.wait()
        sb.wait()
        return carry

    lax.fori_loop(0, nchunks // 2, body, 0)


def _agg_bc_body(h_hbm, src2d, dst2d, out_hbm,
                 sidx, didx, rows, acc, gsem, ssem):
    c = lax.axis_index("c")
    s = lax.axis_index("s")
    r0 = s * (NT // NS)
    for gl in range(G // NC):
        g = c * (G // NC) + gl
        pltpu.sync_copy(h_hbm.at[g, pl.ds(r0, NT // NS)],
                        acc.at[pl.ds(r0, NT // NS)])
        plsc.subcore_barrier()
        _edge_sweep(h_hbm.at[g], src2d, dst2d, acc, sidx, didx, rows,
                    gsem, ssem, s * CPT, CPT)
        plsc.subcore_barrier()
        pltpu.sync_copy(acc.at[pl.ds(r0, NT // NS)],
                        out_hbm.at[g, pl.ds(r0, NT // NS)])
        plsc.subcore_barrier()


def _agg_a_body(x16, src2d, dst2d, zn, out_hbm,
                sidx, didx, rows, acc, gsem, ssem):
    c = lax.axis_index("c")
    s = lax.axis_index("s")
    wid = c * NS + s
    r0 = s * (NT // NS)
    pltpu.sync_copy(zn.at[pl.ds(r0, NT // NS)], acc.at[pl.ds(r0, NT // NS)])
    plsc.subcore_barrier()
    _edge_sweep(x16, src2d, dst2d, acc, sidx, didx, rows, gsem, ssem,
                wid * CPW, CPW)
    plsc.subcore_barrier()
    pltpu.sync_copy(acc.at[pl.ds(r0, NT // NS)],
                    out_hbm.at[c, pl.ds(r0, NT // NS)])
    plsc.subcore_barrier()


def _pool_body(h_hbm, nts2d, zsp, out_hbm, ridx, rowsp, accp, ssem):
    c = lax.axis_index("c")
    s = lax.axis_index("s")
    p0 = s * (SP // NS)
    for gl in range(G // NC):
        g = c * (G // NC) + gl
        pltpu.sync_copy(zsp.at[pl.ds(p0, SP // NS)],
                        accp.at[pl.ds(p0, SP // NS)])
        plsc.subcore_barrier()

        def body(ob, carry):
            cb = s * PCPT + ob * PRB
            pltpu.sync_copy(h_hbm.at[g, pl.ds(cb * PC, PRB * PC)], rowsp)
            pltpu.sync_copy(nts2d.at[pl.ds(cb, PRB)], ridx)
            sds = [pltpu.async_copy(rowsp.at[pl.ds(j * PC, PC)],
                                    accp.at[ridx.at[j]], ssem, add=True)
                   for j in range(PRB)]
            for d in sds:
                d.wait()
            return carry

        lax.fori_loop(0, PCPT // PRB, body, 0)
        plsc.subcore_barrier()
        pltpu.sync_copy(accp.at[pl.ds(p0, SP // NS)],
                        out_hbm.at[g, pl.ds(p0, SP // NS)])
        plsc.subcore_barrier()


_sc_mesh = plsc.VectorSubcoreMesh(core_axis_name="c", subcore_axis_name="s")
_sc_params = pltpu.CompilerParams(use_tc_tiling_on_sc=False)

_agg_bc = pl.kernel(
    _agg_bc_body,
    out_type=jax.ShapeDtypeStruct((G, NT, FW), _f32),
    mesh=_sc_mesh,
    compiler_params=_sc_params,
    scratch_types=[
        pltpu.VMEM((2, CH), jnp.int32),
        pltpu.VMEM((2, CH), jnp.int32),
        pltpu.VMEM((2, CH, FW), _f32),
        pltpu.VMEM_SHARED((NT, FW), _f32),
        pltpu.SemaphoreType.DMA,
        pltpu.SemaphoreType.DMA,
    ],
)

_agg_a = pl.kernel(
    _agg_a_body,
    out_type=jax.ShapeDtypeStruct((NC, NT, FW), _f32),
    mesh=_sc_mesh,
    compiler_params=_sc_params,
    scratch_types=[
        pltpu.VMEM((2, CH), jnp.int32),
        pltpu.VMEM((2, CH), jnp.int32),
        pltpu.VMEM((2, CH, FW), _f32),
        pltpu.VMEM_SHARED((NT, FW), _f32),
        pltpu.SemaphoreType.DMA,
        pltpu.SemaphoreType.DMA,
    ],
)

_pool = pl.kernel(
    _pool_body,
    out_type=jax.ShapeDtypeStruct((G, SP, FW), _f32),
    mesh=_sc_mesh,
    compiler_params=_sc_params,
    scratch_types=[
        pltpu.VMEM((PRB, PC), jnp.int32),
        pltpu.VMEM((PRB * PC, FW), _f32),
        pltpu.VMEM_SHARED((SP, FW), _f32),
        pltpu.SemaphoreType.DMA,
    ],
)

BN = 2048
NBLK = NT // BN


def _mlp_a_body(a2_ref, x_ref, w1, b1, w2, b2, o_ref):
    sval = a2_ref[0, :, 0:1] + a2_ref[1, :, 0:1] + x_ref[...]
    h1 = jnp.maximum(sval * w1[...] + b1[...], 0.0)
    h2 = jnp.maximum(
        jnp.dot(h1, w2[...], preferred_element_type=_f32) + b2[...], 0.0)
    for gi in range(G):
        o_ref[gi] = h2[:, gi * FW:(gi + 1) * FW]


def _mlp_bc_body(g_ref, w1, b1, w2, b2, o_ref):
    acc = jnp.dot(g_ref[0], w1[0:FW, :], preferred_element_type=_f32)
    for gi in range(1, G):
        acc = acc + jnp.dot(g_ref[gi], w1[gi * FW:(gi + 1) * FW, :],
                            preferred_element_type=_f32)
    h1 = jnp.maximum(acc + b1[...], 0.0)
    h2 = jnp.maximum(
        jnp.dot(h1, w2[...], preferred_element_type=_f32) + b2[...], 0.0)
    for gi in range(G):
        o_ref[gi] = h2[:, gi * FW:(gi + 1) * FW]


_W_SPEC = pl.BlockSpec((H, H), lambda i: (0, 0))
_B_SPEC = pl.BlockSpec((1, H), lambda i: (0, 0))
_G_SPEC = pl.BlockSpec((G, BN, FW), lambda i: (0, i, 0))

_mlp_a = pl.pallas_call(
    _mlp_a_body,
    grid=(NBLK,),
    in_specs=[
        pl.BlockSpec((NC, BN, FW), lambda i: (0, i, 0)),
        pl.BlockSpec((BN, 1), lambda i: (i, 0)),
        pl.BlockSpec((1, H), lambda i: (0, 0)),
        _B_SPEC, _W_SPEC, _B_SPEC,
    ],
    out_specs=_G_SPEC,
    out_shape=jax.ShapeDtypeStruct((G, NT, FW), _f32),
)

_mlp_bc = pl.pallas_call(
    _mlp_bc_body,
    grid=(NBLK,),
    in_specs=[_G_SPEC, _W_SPEC, _B_SPEC, _W_SPEC, _B_SPEC],
    out_specs=_G_SPEC,
    out_shape=jax.ShapeDtypeStruct((G, NT, FW), _f32),
)


def kernel(x, edge_index, node_to_subgraph,
           W1a, b1a, W2a, b2a,
           W1b, b1b, W2b, b2b,
           W1c, b1c, W2c, b2c):
    src = edge_index[0]
    dst = edge_index[1]
    epad = jnp.full((EPAD - E,), N, dtype=jnp.int32)
    src2d = jnp.concatenate([src, epad]).reshape(CHT, CH)
    dst2d = jnp.concatenate([dst, epad]).reshape(CHT, CH)
    xp = jnp.pad(x, ((0, NT - N), (0, 0)))
    x16 = jnp.broadcast_to(xp, (NT, FW))
    zn = jnp.zeros((NT, FW), _f32)
    zsp = jnp.zeros((SP, FW), _f32)
    nts2d = jnp.concatenate(
        [node_to_subgraph, jnp.full((NT - N,), S, jnp.int32)]).reshape(PCT, PC)

    a2 = _agg_a(x16, src2d, dst2d, zn)
    h1 = _mlp_a(a2, xp, W1a, b1a.reshape(1, H), W2a, b2a.reshape(1, H))
    g1 = _agg_bc(h1, src2d, dst2d)
    h2 = _mlp_bc(g1, W1b, b1b.reshape(1, H), W2b, b2b.reshape(1, H))
    g2 = _agg_bc(h2, src2d, dst2d)
    h3 = _mlp_bc(g2, W1c, b1c.reshape(1, H), W2c, b2c.reshape(1, H))
    p = _pool(h3, nts2d, zsp)
    out = p[:, :S, :].transpose(1, 0, 2).reshape(S, H)
    return out

# --- scband reference (transcript-rebuilt; emitter-appended) ---
"""Pipeline reference for scband-nested-gin-38474317038530 (READ-ONLY COPY).

The authoritative reference and input builder live on the scoring server;
editing this copy changes nothing except your own understanding.
"""

import jax, jax.numpy as jnp
import numpy as np

N = 100000
E = 3200000
H = 64
S = 10000


def setup_inputs(seed: int = 0) -> dict:
    key = jax.random.key(seed)
    ks = jax.random.split(key, 16)
    inp = {}
    inp["x"] = jax.random.normal(ks[0], (N, 1), dtype=jnp.float32)
    inp["edge_index"] = jax.random.randint(ks[1], (2, E), 0, N, dtype=jnp.int32)
    inp["node_to_subgraph"] = jnp.sort(jax.random.randint(ks[2], (N,), 0, S, dtype=jnp.int32))
    dims = [(1, H), (H, H), (H, H), (H, H), (H, H), (H, H)]
    wnames = ["W1a", "W2a", "W1b", "W2b", "W1c", "W2c"]
    bnames = ["b1a", "b2a", "b1b", "b2b", "b1c", "b2c"]
    for i, (d, nw, nb) in enumerate(zip(dims, wnames, bnames)):
        inp[nw] = jax.random.normal(ks[3 + i], (d[0], d[1]), dtype=jnp.float32) * (1.0 / np.sqrt(d[0]))
        inp[nb] = jnp.zeros((d[1],), dtype=jnp.float32)
    return inp


def _gin_conv(x, src, dst, W1, b1, W2, b2):
    # GINConv with eps=0 (train_eps=False): out = MLP(x + sum_{j in N(i)} x_j)
    agg = jnp.zeros((x.shape[0], x.shape[1]), dtype=x.dtype).at[dst].add(x[src])
    h = agg + x
    h = jax.nn.relu(h @ W1 + b1)
    h = jax.nn.relu(h @ W2 + b2)
    return h


def reference(x, edge_index, node_to_subgraph,
              W1a, b1a, W2a, b2a,
              W1b, b1b, W2b, b2b,
              W1c, b1c, W2c, b2c):
    src, dst = edge_index[0], edge_index[1]
    h = _gin_conv(x, src, dst, W1a, b1a, W2a, b2a)
    h = _gin_conv(h, src, dst, W1b, b1b, W2b, b2b)
    h = _gin_conv(h, src, dst, W1c, b1c, W2c, b2c)
    # global_add_pool over node_to_subgraph (args.graph assumed False -> single pooling)
    out = jax.ops.segment_sum(h, node_to_subgraph, num_segments=S)
    return out

if __name__ == "__main__":
    import jax
    _d = setup_inputs()
    print(jax.jit(kernel)(*tuple(_d.values())))

</pallas_src>

<mosaic_0001>
#map = affine_map<(d0, d1) -> (0, 0, 0)>
#map1 = affine_map<(d0, d1) -> (0, 0)>
module attributes {stable_mosaic.version = 14 : i64} {
  func.func @_agg_bc_body(%arg0: i32, %arg1: i32, %arg2: memref<4x102400x16xf32, #tpu.memory_space<hbm>>, %arg3: memref<6272x512xi32, #tpu.memory_space<hbm>>, %arg4: memref<6272x512xi32, #tpu.memory_space<hbm>>, %arg5: memref<4x102400x16xf32, #tpu.memory_space<hbm>>, %arg6: memref<2x512xi32, #tpu.memory_space<vmem>>, %arg7: memref<2x512xi32, #tpu.memory_space<vmem>>, %arg8: memref<2x512x16xf32, #tpu.memory_space<vmem>>, %arg9: memref<102400x16xf32, #tpu.memory_space<vmem_shared>>, %arg10: memref<!tpu.dma_semaphore, #tpu.memory_space<semaphore_mem>>, %arg11: memref<!tpu.dma_semaphore, #tpu.memory_space<semaphore_mem>>) attributes {dimension_semantics = [#tpu.dimension_semantics<core_parallel>, #tpu.dimension_semantics<subcore_parallel>], iteration_bounds = array<i64: 2, 16>, scalar_prefetch = 0 : i64, scratch_operands = 6 : i64, tpu.core_type = #tpu.core_type<sc_vector_subcore>, window_params = [{transform_indices = #map}, {transform_indices = #map1}, {transform_indices = #map1}, {transform_indices = #map}]} {
    %mul3A = arith.constant 6400 : i32
    %mul3A_0 = arith.muli %arg1, %mul3A : i32
    %mul3A_1 = arith.constant 2 : i32
    %mul3A_2 = arith.muli %arg0, %mul3A_1 : i32
    %add3A = arith.constant 0 : i32
    %add3A_3 = arith.addi %mul3A_2, %add3A : i32
    "tpu.region"() ({
      %run_scoped3A = tpu.sem_alloc : memref<!tpu.dma_semaphore, #tpu.memory_space<semaphore_mem>>
      %dma_start3A = arith.constant 0 : i32
      %dma_start3A_28 = tpu.memref_slice %arg9[%mul3A_0, %dma_start3A] : memref<102400x16xf32, #tpu.memory_space<vmem_shared>> -> memref<6400x16xf32, #tpu.memory_space<vmem_shared>>
      %dma_start3A_29 = arith.constant 0 : i32
      %dma_start3A_30 = tpu.memref_slice %arg2[%add3A_3, %mul3A_0, %dma_start3A_29] : memref<4x102400x16xf32, #tpu.memory_space<hbm>> -> memref<1x6400x16xf32, #tpu.memory_space<hbm>>
      %dma_start3A_31 = tpu.memref_squeeze %dma_start3A_30 : memref<1x6400x16xf32, #tpu.memory_space<hbm>> -> memref<6400x16xf32, #tpu.memory_space<hbm>>
      tpu.enqueue_dma source(%dma_start3A_31 : memref<6400x16xf32, #tpu.memory_space<hbm>>) target(%dma_start3A_28 : memref<6400x16xf32, #tpu.memory_space<vmem_shared>>) target_semaphore(%run_scoped3A : memref<!tpu.dma_semaphore, #tpu.memory_space<semaphore_mem>>)
      %dma_wait3A = arith.constant 0 : i32
      %dma_wait3A_32 = tpu.memref_slice %arg9[%mul3A_0, %dma_wait3A] : memref<102400x16xf32, #tpu.memory_space<vmem_shared>> -> memref<6400x16xf32, #tpu.memory_space<vmem_shared>>
      %dma_wait3A_33 = arith.constant 0 : i32
      %dma_wait3A_34 = tpu.memref_slice %arg2[%add3A_3, %mul3A_0, %dma_wait3A_33] : memref<4x102400x16xf32, #tpu.memory_space<hbm>> -> memref<1x6400x16xf32, #tpu.memory_space<hbm>>
      %dma_wait3A_35 = tpu.memref_squeeze %dma_wait3A_34 : memref<1x6400x16xf32, #tpu.memory_space<hbm>> -> memref<6400x16xf32, #tpu.memory_space<hbm>>
      tpu.wait_dma2 semaphore(%run_scoped3A : memref<!tpu.dma_semaphore, #tpu.memory_space<semaphore_mem>>) src(%dma_wait3A_35 : memref<6400x16xf32, #tpu.memory_space<hbm>>) dst(%dma_wait3A_32 : memref<6400x16xf32, #tpu.memory_space<vmem_shared>>)
      tpu.yield
    }) : () -> ()
    %barrier3A = arith.constant 0 : index
    tpu.barrier barrier_id(%barrier3A)
    %mul3A_4 = arith.constant 392 : i32
    %mul3A_5 = arith.muli %arg1, %mul3A_4 : i32
    %scan3A = arith.constant 0 : i32
    %scan3A_6 = arith.constant 0 : i32
    %scan3A_7 = arith.constant 196 : i32
    %scan3A_8 = arith.addi %scan3A_6, %scan3A_7 : i32
    %scan3A_9 = arith.constant 1 : i32
    scf.for %scan3A_28 = %scan3A_6 to %scan3A_8 step %scan3A_9  : i32 {
      %mul3A_29 = arith.constant 2 : i32
      %mul3A_30 = arith.muli %scan3A_28, %mul3A_29 : i32
      %add3A_31 = arith.addi %mul3A_5, %mul3A_30 : i32
      %run_scoped3A = arith.constant 0 : i32
      "tpu.region"() ({
        %run_scoped3A_149 = tpu.sem_alloc : memref<!tpu.dma_semaphore, #tpu.memory_space<semaphore_mem>>
        %dma_start3A_150 = arith.constant 0 : i32
        %dma_start3A_151 = tpu.memref_slice %arg6[%run_scoped3A, %dma_start3A_150] : memref<2x512xi32, #tpu.memory_space<vmem>> -> memref<1x512xi32, #tpu.memory_space<vmem>>
        %dma_start3A_152 = tpu.memref_squeeze %dma_start3A_151 : memref<1x512xi32, #tpu.memory_space<vmem>> -> memref<512xi32, #tpu.memory_space<vmem>>
        %dma_start3A_153 = arith.constant 0 : i32
        %dma_start3A_154 = tpu.memref_slice %arg3[%add3A_31, %dma_start3A_153] : memref<6272x512xi32, #tpu.memory_space<hbm>> -> memref<1x512xi32, #tpu.memory_space<hbm>>
        %dma_start3A_155 = tpu.memref_squeeze %dma_start3A_154 : memref<1x512xi32, #tpu.memory_space<hbm>> -> memref<512xi32, #tpu.memory_space<hbm>>
        %dma_start3A_156 = arith.constant 0 : i32
        %dma_start3A_157 = tpu.memref_slice %arg6[%run_scoped3A, %dma_start3A_156] : memref<2x512xi32, #tpu.memory_space<vmem>> -> memref<1x512xi32, #tpu.memory_space<vmem>>
        %dma_start3A_158 = tpu.memref_squeeze %dma_start3A_157 : memref<1x512xi32, #tpu.memory_space<vmem>> -> memref<512xi32, #tpu.memory_space<vmem>>
        %dma_start3A_159 = arith.constant 0 : i32
        %dma_start3A_160 = tpu.memref_slice %arg3[%add3A_31, %dma_start3A_159] : memref<6272x512xi32, #tpu.memory_space<hbm>> -> memref<1x512xi32, #tpu.memory_space<hbm>>
        %dma_start3A_161 = tpu.memref_squeeze %dma_start3A_160 : memref<1x512xi32, #tpu.memory_space<hbm>> -> memref<512xi32, #tpu.memory_space<hbm>>
        tpu.enqueue_dma source(%dma_start3A_161 : memref<512xi32, #tpu.memory_space<hbm>>) target(%dma_start3A_158 : memref<512xi32, #tpu.memory_space<vmem>>) target_semaphore(%run_scoped3A_149 : memref<!tpu.dma_semaphore, #tpu.memory_space<semaphore_mem>>)
        %dma_wait3A_162 = arith.constant 0 : i32
        %dma_wait3A_163 = tpu.memref_slice %arg6[%run_scoped3A, %dma_wait3A_162] : memref<2x512xi32, #tpu.memory_space<vmem>> -> memref<1x512xi32, #tpu.memory_space<vmem>>
        %dma_wait3A_164 = tpu.memref_squeeze %dma_wait3A_163 : memref<1x512xi32, #tpu.memory_space<vmem>> -> memref<512xi32, #tpu.memory_space<vmem>>
        %dma_wait3A_165 = arith.constant 0 : i32
        %dma_wait3A_166 = tpu.memref_slice %arg3[%add3A_31, %dma_wait3A_165] : memref<6272x512xi32, #tpu.memory_space<hbm>> -> memref<1x512xi32, #tpu.memory_space<hbm>>
        %dma_wait3A_167 = tpu.memref_squeeze %dma_wait3A_166 : memref<1x512xi32, #tpu.memory_space<hbm>> -> memref<512xi32, #tpu.memory_space<hbm>>
        %dma_wait3A_168 = arith.constant 0 : i32
        %dma_wait3A_169 = tpu.memref_slice %arg6[%run_scoped3A, %dma_wait3A_168] : memref<2x512xi32, #tpu.memory_space<vmem>> -> memref<1x512xi32, #tpu.memory_space<vmem>>
        %dma_wait3A_170 = tpu.memref_squeeze %dma_wait3A_169 : memref<1x512xi32, #tpu.memory_space<vmem>> -> memref<512xi32, #tpu.memory_space<vmem>>
        %dma_wait3A_171 = arith.constant 0 : i32
        %dma_wait3A_172 = tpu.memref_slice %arg3[%add3A_31, %dma_wait3A_171] : memref<6272x512xi32, #tpu.memory_space<hbm>> -> memref<1x512xi32, #tpu.memory_space<hbm>>
        %dma_wait3A_173 = tpu.memref_squeeze %dma_wait3A_172 : memref<1x512xi32, #tpu.memory_space<hbm>> -> memref<512xi32, #tpu.memory_space<hbm>>
        tpu.wait_dma2 semaphore(%run_scoped3A_149 : memref<!tpu.dma_semaphore, #tpu.memory_space<semaphore_mem>>) src(%dma_wait3A_173 : memref<512xi32, #tpu.memory_space<hbm>>) dst(%dma_wait3A_170 : memref<512xi32, #tpu.memory_space<vmem>>)
        tpu.yield
      }) : () -> ()
      %run_scoped3A_32 = arith.constant 0 : i32
      "tpu.region"() ({
        %run_scoped3A_149 = tpu.sem_alloc : memref<!tpu.dma_semaphore, #tpu.memory_space<semaphore_mem>>
        %dma_start3A_150 = arith.constant 0 : i32
        %dma_start3A_151 = tpu.memref_slice %arg7[%run_scoped3A_32, %dma_start3A_150] : memref<2x512xi32, #tpu.memory_space<vmem>> -> memref<1x512xi32, #tpu.memory_space<vmem>>
        %dma_start3A_152 = tpu.memref_squeeze %dma_start3A_151 : memref<1x512xi32, #tpu.memory_space<vmem>> -> memref<512xi32, #tpu.memory_space<vmem>>
        %dma_start3A_153 = arith.constant 0 : i32
        %dma_start3A_154 = tpu.memref_slice %arg4[%add3A_31, %dma_start3A_153] : memref<6272x512xi32, #tpu.memory_space<hbm>> -> memref<1x512xi32, #tpu.memory_space<hbm>>
        %dma_start3A_155 = tpu.memref_squeeze %dma_start3A_154 : memref<1x512xi32, #tpu.memory_space<hbm>> -> memref<512xi32, #tpu.memory_space<hbm>>
        %dma_start3A_156 = arith.constant 0 : i32
        %dma_start3A_157 = tpu.memref_slice %arg7[%run_scoped3A_32, %dma_start3A_156] : memref<2x512xi32, #tpu.memory_space<vmem>> -> memref<1x512xi32, #tpu.memory_space<vmem>>
        %dma_start3A_158 = tpu.memref_squeeze %dma_start3A_157 : memref<1x512xi32, #tpu.memory_space<vmem>> -> memref<512xi32, #tpu.memory_space<vmem>>
        %dma_start3A_159 = arith.constant 0 : i32
        %dma_start3A_160 = tpu.memref_slice %arg4[%add3A_31, %dma_start3A_159] : memref<6272x512xi32, #tpu.memory_space<hbm>> -> memref<1x512xi32, #tpu.memory_space<hbm>>
        %dma_start3A_161 = tpu.memref_squeeze %dma_start3A_160 : memref<1x512xi32, #tpu.memory_space<hbm>> -> memref<512xi32, #tpu.memory_space<hbm>>
        tpu.enqueue_dma source(%dma_start3A_161 : memref<512xi32, #tpu.memory_space<hbm>>) target(%dma_start3A_158 : memref<512xi32, #tpu.memory_space<vmem>>) target_semaphore(%run_scoped3A_149 : memref<!tpu.dma_semaphore, #tpu.memory_space<semaphore_mem>>)
        %dma_wait3A_162 = arith.constant 0 : i32
        %dma_wait3A_163 = tpu.memref_slice %arg7[%run_scoped3A_32, %dma_wait3A_162] : memref<2x512xi32, #tpu.memory_space<vmem>> -> memref<1x512xi32, #tpu.memory_space<vmem>>
        %dma_wait3A_164 = tpu.memref_squeeze %dma_wait3A_163 : memref<1x512xi32, #tpu.memory_space<vmem>> -> memref<512xi32, #tpu.memory_space<vmem>>
        %dma_wait3A_165 = arith.constant 0 : i32
        %dma_wait3A_166 = tpu.memref_slice %arg4[%add3A_31, %dma_wait3A_165] : memref<6272x512xi32, #tpu.memory_space<hbm>> -> memref<1x512xi32, #tpu.memory_space<hbm>>
        %dma_wait3A_167 = tpu.memref_squeeze %dma_wait3A_166 : memref<1x512xi32, #tpu.memory_space<hbm>> -> memref<512xi32, #tpu.memory_space<hbm>>
        %dma_wait3A_168 = arith.constant 0 : i32
        %dma_wait3A_169 = tpu.memref_slice %arg7[%run_scoped3A_32, %dma_wait3A_168] : memref<2x512xi32, #tpu.memory_space<vmem>> -> memref<1x512xi32, #tpu.memory_space<vmem>>
        %dma_wait3A_170 = tpu.memref_squeeze %dma_wait3A_169 : memref<1x512xi32, #tpu.memory_space<vmem>> -> memref<512xi32, #tpu.memory_space<vmem>>
        %dma_wait3A_171 = arith.constant 0 : i32
        %dma_wait3A_172 = tpu.memref_slice %arg4[%add3A_31, %dma_wait3A_171] : memref<6272x512xi32, #tpu.memory_space<hbm>> -> memref<1x512xi32, #tpu.memory_space<hbm>>
        %dma_wait3A_173 = tpu.memref_squeeze %dma_wait3A_172 : memref<1x512xi32, #tpu.memory_space<hbm>> -> memref<512xi32, #tpu.memory_space<hbm>>
        tpu.wait_dma2 semaphore(%run_scoped3A_149 : memref<!tpu.dma_semaphore, #tpu.memory_space<semaphore_mem>>) src(%dma_wait3A_173 : memref<512xi32, #tpu.memory_space<hbm>>) dst(%dma_wait3A_170 : memref<512xi32, #tpu.memory_space<vmem>>)
        tpu.yield
      }) : () -> ()
      %dma_start3A = arith.constant 0 : i32
      %dma_start3A_33 = arith.constant 0 : i32
      %dma_start3A_34 = arith.constant 0 : i32
      %dma_start3A_35 = arith.constant 0 : i32
      %dma_start3A_36 = tpu.memref_slice %arg8[%dma_start3A_33, %dma_start3A_34, %dma_start3A_35] : memref<2x512x16xf32, #tpu.memory_space<vmem>> -> memref<1x512x16xf32, #tpu.memory_space<vmem>>
      %dma_start3A_37 = tpu.memref_squeeze %dma_start3A_36 : memref<1x512x16xf32, #tpu.memory_space<vmem>> -> memref<512x16xf32, #tpu.memory_space<vmem>>
      %dma_start3A_38 = arith.constant 0 : i32
      %dma_start3A_39 = tpu.memref_slice %arg6[%dma_start3A, %dma_start3A_38] : memref<2x512xi32, #tpu.memory_space<vmem>> -> memref<1x512xi32, #tpu.memory_space<vmem>>
      %dma_start3A_40 = tpu.memref_squeeze %dma_start3A_39 : memref<1x512xi32, #tpu.memory_space<vmem>> -> memref<512xi32, #tpu.memory_space<vmem>>
      %dma_start3A_41 = arith.constant 0 : i32
      %dma_start3A_42 = arith.constant 0 : i32
      %dma_start3A_43 = tpu.memref_slice %arg2[%add3A_3, %dma_start3A_41, %dma_start3A_42] : memref<4x102400x16xf32, #tpu.memory_space<hbm>> -> memref<1x102400x16xf32, #tpu.memory_space<hbm>>
      %dma_start3A_44 = tpu.memref_squeeze %dma_start3A_43 : memref<1x102400x16xf32, #tpu.memory_space<hbm>> -> memref<102400x16xf32, #tpu.memory_space<hbm>>
      %dma_start3A_45 = arith.constant 0 : i32
      %dma_start3A_46 = arith.constant 0 : i32
      %dma_start3A_47 = tpu.memref_slice %dma_start3A_44[%dma_start3A_45, %dma_start3A_46] : memref<102400x16xf32, #tpu.memory_space<hbm>> -> memref<102400x16xf32, #tpu.memory_space<hbm>>
      tpu.enqueue_indirect_dma source(%dma_start3A_47 : memref<102400x16xf32, #tpu.memory_space<hbm>>) target(%dma_start3A_37 : memref<512x16xf32, #tpu.memory_space<vmem>>) offsets(%dma_start3A_40 : memref<512xi32, #tpu.memory_space<vmem>>) semaphore(%arg10 : memref<!tpu.dma_semaphore, #tpu.memory_space<semaphore_mem>>)
      %add3A_48 = arith.constant 1 : i32
      %add3A_49 = arith.addi %add3A_31, %add3A_48 : i32
      %run_scoped3A_50 = arith.constant 1 : i32
      "tpu.region"() ({
        %run_scoped3A_149 = tpu.sem_alloc : memref<!tpu.dma_semaphore, #tpu.memory_space<semaphore_mem>>
        %dma_start3A_150 = arith.constant 0 : i32
        %dma_start3A_151 = tpu.memref_slice %arg6[%run_scoped3A_50, %dma_start3A_150] : memref<2x512xi32, #tpu.memory_space<vmem>> -> memref<1x512xi32, #tpu.memory_space<vmem>>
        %dma_start3A_152 = tpu.memref_squeeze %dma_start3A_151 : memref<1x512xi32, #tpu.memory_space<vmem>> -> memref<512xi32, #tpu.memory_space<vmem>>
        %dma_start3A_153 = arith.constant 0 : i32
        %dma_start3A_154 = tpu.memref_slice %arg3[%add3A_49, %dma_start3A_153] : memref<6272x512xi32, #tpu.memory_space<hbm>> -> memref<1x512xi32, #tpu.memory_space<hbm>>
        %dma_start3A_155 = tpu.memref_squeeze %dma_start3A_154 : memref<1x512xi32, #tpu.memory_space<hbm>> -> memref<512xi32, #tpu.memory_space<hbm>>
        %dma_start3A_156 = arith.constant 0 : i32
        %dma_start3A_157 = tpu.memref_slice %arg6[%run_scoped3A_50, %dma_start3A_156] : memref<2x512xi32, #tpu.memory_space<vmem>> -> memref<1x512xi32, #tpu.memory_space<vmem>>
        %dma_start3A_158 = tpu.memref_squeeze %dma_start3A_157 : memref<1x512xi32, #tpu.memory_space<vmem>> -> memref<512xi32, #tpu.memory_space<vmem>>
        %dma_start3A_159 = arith.constant 0 : i32
        %dma_start3A_160 = tpu.memref_slice %arg3[%add3A_49, %dma_start3A_159] : memref<6272x512xi32, #tpu.memory_space<hbm>> -> memref<1x512xi32, #tpu.memory_space<hbm>>
        %dma_start3A_161 = tpu.memref_squeeze %dma_start3A_160 : memref<1x512xi32, #tpu.memory_space<hbm>> -> memref<512xi32, #tpu.memory_space<hbm>>
        tpu.enqueue_dma source(%dma_start3A_161 : memref<512xi32, #tpu.memory_space<hbm>>) target(%dma_start3A_158 : memref<512xi32, #tpu.memory_space<vmem>>) target_semaphore(%run_scoped3A_149 : memref<!tpu.dma_semaphore, #tpu.memory_space<semaphore_mem>>)
        %dma_wait3A_162 = arith.constant 0 : i32
        %dma_wait3A_163 = tpu.memref_slice %arg6[%run_scoped3A_50, %dma_wait3A_162] : memref<2x512xi32, #tpu.memory_space<vmem>> -> memref<1x512xi32, #tpu.memory_space<vmem>>
        %dma_wait3A_164 = tpu.memref_squeeze %dma_wait3A_163 : memref<1x512xi32, #tpu.memory_space<vmem>> -> memref<512xi32, #tpu.memory_space<vmem>>
        %dma_wait3A_165 = arith.constant 0 : i32
        %dma_wait3A_166 = tpu.memref_slice %arg3[%add3A_49, %dma_wait3A_165] : memref<6272x512xi32, #tpu.memory_space<hbm>> -> memref<1x512xi32, #tpu.memory_space<hbm>>
        %dma_wait3A_167 = tpu.memref_squeeze %dma_wait3A_166 : memref<1x512xi32, #tpu.memory_space<hbm>> -> memref<512xi32, #tpu.memory_space<hbm>>
        %dma_wait3A_168 = arith.constant 0 : i32
        %dma_wait3A_169 = tpu.memref_slice %arg6[%run_scoped3A_50, %dma_wait3A_168] : memref<2x512xi32, #tpu.memory_space<vmem>> -> memref<1x512xi32, #tpu.memory_space<vmem>>
        %dma_wait3A_170 = tpu.memref_squeeze %dma_wait3A_169 : memref<1x512xi32, #tpu.memory_space<vmem>> -> memref<512xi32, #tpu.memory_space<vmem>>
        %dma_wait3A_171 = arith.constant 0 : i32
        %dma_wait3A_172 = tpu.memref_slice %arg3[%add3A_49, %dma_wait3A_171] : memref<6272x512xi32, #tpu.memory_space<hbm>> -> memref<1x512xi32, #tpu.memory_space<hbm>>
        %dma_wait3A_173 = tpu.memref_squeeze %dma_wait3A_172 : memref<1x512xi32, #tpu.memory_space<hbm>> -> memref<512xi32, #tpu.memory_space<hbm>>
        tpu.wait_dma2 semaphore(%run_scoped3A_149 : memref<!tpu.dma_semaphore, #tpu.memory_space<semaphore_mem>>) src(%dma_wait3A_173 : memref<512xi32, #tpu.memory_space<hbm>>) dst(%dma_wait3A_170 : memref<512xi32, #tpu.memory_space<vmem>>)
        tpu.yield
      }) : () -> ()
      %add3A_51 = arith.constant 1 : i32
      %add3A_52 = arith.addi %add3A_31, %add3A_51 : i32
      %run_scoped3A_53 = arith.constant 1 : i32
      "tpu.region"() ({
        %run_scoped3A_149 = tpu.sem_alloc : memref<!tpu.dma_semaphore, #tpu.memory_space<semaphore_mem>>
        %dma_start3A_150 = arith.constant 0 : i32
        %dma_start3A_151 = tpu.memref_slice %arg7[%run_scoped3A_53, %dma_start3A_150] : memref<2x512xi32, #tpu.memory_space<vmem>> -> memref<1x512xi32, #tpu.memory_space<vmem>>
        %dma_start3A_152 = tpu.memref_squeeze %dma_start3A_151 : memref<1x512xi32, #tpu.memory_space<vmem>> -> memref<512xi32, #tpu.memory_space<vmem>>
        %dma_start3A_153 = arith.constant 0 : i32
        %dma_start3A_154 = tpu.memref_slice %arg4[%add3A_52, %dma_start3A_153] : memref<6272x512xi32, #tpu.memory_space<hbm>> -> memref<1x512xi32, #tpu.memory_space<hbm>>
        %dma_start3A_155 = tpu.memref_squeeze %dma_start3A_154 : memref<1x512xi32, #tpu.memory_space<hbm>> -> memref<512xi32, #tpu.memory_space<hbm>>
        %dma_start3A_156 = arith.constant 0 : i32
        %dma_start3A_157 = tpu.memref_slice %arg7[%run_scoped3A_53, %dma_start3A_156] : memref<2x512xi32, #tpu.memory_space<vmem>> -> memref<1x512xi32, #tpu.memory_space<vmem>>
        %dma_start3A_158 = tpu.memref_squeeze %dma_start3A_157 : memref<1x512xi32, #tpu.memory_space<vmem>> -> memref<512xi32, #tpu.memory_space<vmem>>
        %dma_start3A_159 = arith.constant 0 : i32
        %dma_start3A_160 = tpu.memref_slice %arg4[%add3A_52, %dma_start3A_159] : memref<6272x512xi32, #tpu.memory_space<hbm>> -> memref<1x512xi32, #tpu.memory_space<hbm>>
        %dma_start3A_161 = tpu.memref_squeeze %dma_start3A_160 : memref<1x512xi32, #tpu.memory_space<hbm>> -> memref<512xi32, #tpu.memory_space<hbm>>
        tpu.enqueue_dma source(%dma_start3A_161 : memref<512xi32, #tpu.memory_space<hbm>>) target(%dma_start3A_158 : memref<512xi32, #tpu.memory_space<vmem>>) target_semaphore(%run_scoped3A_149 : memref<!tpu.dma_semaphore, #tpu.memory_space<semaphore_mem>>)
        %dma_wait3A_162 = arith.constant 0 : i32
        %dma_wait3A_163 = tpu.memref_slice %arg7[%run_scoped3A_53, %dma_wait3A_162] : memref<2x512xi32, #tpu.memory_space<vmem>> -> memref<1x512xi32, #tpu.memory_space<vmem>>
        %dma_wait3A_164 = tpu.memref_squeeze %dma_wait3A_163 : memref<1x512xi32, #tpu.memory_space<vmem>> -> memref<512xi32, #tpu.memory_space<vmem>>
        %dma_wait3A_165 = arith.constant 0 : i32
        %dma_wait3A_166 = tpu.memref_slice %arg4[%add3A_52, %dma_wait3A_165] : memref<6272x512xi32, #tpu.memory_space<hbm>> -> memref<1x512xi32, #tpu.memory_space<hbm>>
        %dma_wait3A_167 = tpu.memref_squeeze %dma_wait3A_166 : memref<1x512xi32, #tpu.memory_space<hbm>> -> memref<512xi32, #tpu.memory_space<hbm>>
        %dma_wait3A_168 = arith.constant 0 : i32
        %dma_wait3A_169 = tpu.memref_slice %arg7[%run_scoped3A_53, %dma_wait3A_168] : memref<2x512xi32, #tpu.memory_space<vmem>> -> memref<1x512xi32, #tpu.memory_space<vmem>>
        %dma_wait3A_170 = tpu.memref_squeeze %dma_wait3A_169 : memref<1x512xi32, #tpu.memory_space<vmem>> -> memref<512xi32, #tpu.memory_space<vmem>>
        %dma_wait3A_171 = arith.constant 0 : i32
        %dma_wait3A_172 = tpu.memref_slice %arg4[%add3A_52, %dma_wait3A_171] : memref<6272x512xi32, #tpu.memory_space<hbm>> -> memref<1x512xi32, #tpu.memory_space<hbm>>
        %dma_wait3A_173 = tpu.memref_squeeze %dma_wait3A_172 : memref<1x512xi32, #tpu.memory_space<hbm>> -> memref<512xi32, #tpu.memory_space<hbm>>
        tpu.wait_dma2 semaphore(%run_scoped3A_149 : memref<!tpu.dma_semaphore, #tpu.memory_space<semaphore_mem>>) src(%dma_wait3A_173 : memref<512xi32, #tpu.memory_space<hbm>>) dst(%dma_wait3A_170 : memref<512xi32, #tpu.memory_space<vmem>>)
        tpu.yield
      }) : () -> ()
      %dma_start3A_54 = arith.constant 1 : i32
      %dma_start3A_55 = arith.constant 1 : i32
      %dma_start3A_56 = arith.constant 0 : i32
      %dma_start3A_57 = arith.constant 0 : i32
      %dma_start3A_58 = tpu.memref_slice %arg8[%dma_start3A_55, %dma_start3A_56, %dma_start3A_57] : memref<2x512x16xf32, #tpu.memory_space<vmem>> -> memref<1x512x16xf32, #tpu.memory_space<vmem>>
      %dma_start3A_59 = tpu.memref_squeeze %dma_start3A_58 : memref<1x512x16xf32, #tpu.memory_space<vmem>> -> memref<512x16xf32, #tpu.memory_space<vmem>>
      %dma_start3A_60 = arith.constant 0 : i32
      %dma_start3A_61 = tpu.memref_slice %arg6[%dma_start3A_54, %dma_start3A_60] : memref<2x512xi32, #tpu.memory_space<vmem>> -> memref<1x512xi32, #tpu.memory_space<vmem>>
      %dma_start3A_62 = tpu.memref_squeeze %dma_start3A_61 : memref<1x512xi32, #tpu.memory_space<vmem>> -> memref<512xi32, #tpu.memory_space<vmem>>
      %dma_start3A_63 = arith.constant 0 : i32
      %dma_start3A_64 = arith.constant 0 : i32
      %dma_start3A_65 = tpu.memref_slice %arg2[%add3A_3, %dma_start3A_63, %dma_start3A_64] : memref<4x102400x16xf32, #tpu.memory_space<hbm>> -> memref<1x102400x16xf32, #tpu.memory_space<hbm>>
      %dma_start3A_66 = tpu.memref_squeeze %dma_start3A_65 : memref<1x102400x16xf32, #tpu.memory_space<hbm>> -> memref<102400x16xf32, #tpu.memory_space<hbm>>
      %dma_start3A_67 = arith.constant 0 : i32
      %dma_start3A_68 = arith.constant 0 : i32
      %dma_start3A_69 = tpu.memref_slice %dma_start3A_66[%dma_start3A_67, %dma_start3A_68] : memref<102400x16xf32, #tpu.memory_space<hbm>> -> memref<102400x16xf32, #tpu.memory_space<hbm>>
      tpu.enqueue_indirect_dma source(%dma_start3A_69 : memref<102400x16xf32, #tpu.memory_space<hbm>>) target(%dma_start3A_59 : memref<512x16xf32, #tpu.memory_space<vmem>>) offsets(%dma_start3A_62 : memref<512xi32, #tpu.memory_space<vmem>>) semaphore(%arg10 : memref<!tpu.dma_semaphore, #tpu.memory_space<semaphore_mem>>)
      %dma_wait3A = arith.constant 0 : i32
      %dma_wait3A_70 = arith.constant 0 : i32
      %dma_wait3A_71 = arith.constant 0 : i32
      %dma_wait3A_72 = arith.constant 0 : i32
      %dma_wait3A_73 = tpu.memref_slice %arg8[%dma_wait3A_70, %dma_wait3A_71, %dma_wait3A_72] : memref<2x512x16xf32, #tpu.memory_space<vmem>> -> memref<1x512x16xf32, #tpu.memory_space<vmem>>
      %dma_wait3A_74 = tpu.memref_squeeze %dma_wait3A_73 : memref<1x512x16xf32, #tpu.memory_space<vmem>> -> memref<512x16xf32, #tpu.memory_space<vmem>>
      %dma_wait3A_75 = arith.constant 0 : i32
      %dma_wait3A_76 = tpu.memref_slice %arg6[%dma_wait3A, %dma_wait3A_75] : memref<2x512xi32, #tpu.memory_space<vmem>> -> memref<1x512xi32, #tpu.memory_space<vmem>>
      %dma_wait3A_77 = tpu.memref_squeeze %dma_wait3A_76 : memref<1x512xi32, #tpu.memory_space<vmem>> -> memref<512xi32, #tpu.memory_space<vmem>>
      %dma_wait3A_78 = arith.constant 0 : i32
      %dma_wait3A_79 = arith.constant 0 : i32
      %dma_wait3A_80 = tpu.memref_slice %arg2[%add3A_3, %dma_wait3A_78, %dma_wait3A_79] : memref<4x102400x16xf32, #tpu.memory_space<hbm>> -> memref<1x102400x16xf32, #tpu.memory_space<hbm>>
      %dma_wait3A_81 = tpu.memref_squeeze %dma_wait3A_80 : memref<1x102400x16xf32, #tpu.memory_space<hbm>> -> memref<102400x16xf32, #tpu.memory_space<hbm>>
      %dma_wait3A_82 = arith.constant 0 : i32
      %dma_wait3A_83 = arith.constant 0 : i32
      %dma_wait3A_84 = tpu.memref_slice %dma_wait3A_81[%dma_wait3A_82, %dma_wait3A_83] : memref<102400x16xf32, #tpu.memory_space<hbm>> -> memref<102400x16xf32, #tpu.memory_space<hbm>>
      tpu.wait_indirect_dma semaphore(%arg10 : memref<!tpu.dma_semaphore, #tpu.memory_space<semaphore_mem>>) src(%dma_wait3A_84 : memref<102400x16xf32, #tpu.memory_space<hbm>>) dst(%dma_wait3A_74 : memref<512x16xf32, #tpu.memory_space<vmem>>)
      %dma_start3A_85 = arith.constant 0 : i32
      %dma_start3A_86 = arith.constant 0 : i32
      %dma_start3A_87 = arith.constant 0 : i32
      %dma_start3A_88 = arith.constant 0 : i32
      %dma_start3A_89 = tpu.memref_slice %arg8[%dma_start3A_85, %dma_start3A_87, %dma_start3A_88] : memref<2x512x16xf32, #tpu.memory_space<vmem>> -> memref<1x512x16xf32, #tpu.memory_space<vmem>>
      %dma_start3A_90 = tpu.memref_squeeze %dma_start3A_89 : memref<1x512x16xf32, #tpu.memory_space<vmem>> -> memref<512x16xf32, #tpu.memory_space<vmem>>
      %dma_start3A_91 = arith.constant 0 : i32
      %dma_start3A_92 = tpu.memref_slice %arg7[%dma_start3A_86, %dma_start3A_91] : memref<2x512xi32, #tpu.memory_space<vmem>> -> memref<1x512xi32, #tpu.memory_space<vmem>>
      %dma_start3A_93 = tpu.memref_squeeze %dma_start3A_92 : memref<1x512xi32, #tpu.memory_space<vmem>> -> memref<512xi32, #tpu.memory_space<vmem>>
      %dma_start3A_94 = arith.constant 0 : i32
      %dma_start3A_95 = arith.constant 0 : i32
      %dma_start3A_96 = tpu.memref_slice %arg9[%dma_start3A_94, %dma_start3A_95] : memref<102400x16xf32, #tpu.memory_space<vmem_shared>> -> memref<102400x16xf32, #tpu.memory_space<vmem_shared>>
      tpu.enqueue_indirect_dma source(%dma_start3A_90 : memref<512x16xf32, #tpu.memory_space<vmem>>) target(%dma_start3A_96 : memref<102400x16xf32, #tpu.memory_space<vmem_shared>>) offsets(%dma_start3A_93 : memref<512xi32, #tpu.memory_space<vmem>>) semaphore(%arg11 : memref<!tpu.dma_semaphore, #tpu.memory_space<semaphore_mem>>) {add = true}
      %dma_wait3A_97 = arith.constant 1 : i32
      %dma_wait3A_98 = arith.constant 1 : i32
      %dma_wait3A_99 = arith.constant 0 : i32
      %dma_wait3A_100 = arith.constant 0 : i32
      %dma_wait3A_101 = tpu.memref_slice %arg8[%dma_wait3A_98, %dma_wait3A_99, %dma_wait3A_100] : memref<2x512x16xf32, #tpu.memory_space<vmem>> -> memref<1x512x16xf32, #tpu.memory_space<vmem>>
      %dma_wait3A_102 = tpu.memref_squeeze %dma_wait3A_101 : memref<1x512x16xf32, #tpu.memory_space<vmem>> -> memref<512x16xf32, #tpu.memory_space<vmem>>
      %dma_wait3A_103 = arith.constant 0 : i32
      %dma_wait3A_104 = tpu.memref_slice %arg6[%dma_wait3A_97, %dma_wait3A_103] : memref<2x512xi32, #tpu.memory_space<vmem>> -> memref<1x512xi32, #tpu.memory_space<vmem>>
      %dma_wait3A_105 = tpu.memref_squeeze %dma_wait3A_104 : memref<1x512xi32, #tpu.memory_space<vmem>> -> memref<512xi32, #tpu.memory_space<vmem>>
      %dma_wait3A_106 = arith.constant 0 : i32
      %dma_wait3A_107 = arith.constant 0 : i32
      %dma_wait3A_108 = tpu.memref_slice %arg2[%add3A_3, %dma_wait3A_106, %dma_wait3A_107] : memref<4x102400x16xf32, #tpu.memory_space<hbm>> -> memref<1x102400x16xf32, #tpu.memory_space<hbm>>
      %dma_wait3A_109 = tpu.memref_squeeze %dma_wait3A_108 : memref<1x102400x16xf32, #tpu.memory_space<hbm>> -> memref<102400x16xf32, #tpu.memory_space<hbm>>
      %dma_wait3A_110 = arith.constant 0 : i32
      %dma_wait3A_111 = arith.constant 0 : i32
      %dma_wait3A_112 = tpu.memref_slice %dma_wait3A_109[%dma_wait3A_110, %dma_wait3A_111] : memref<102400x16xf32, #tpu.memory_space<hbm>> -> memref<102400x16xf32, #tpu.memory_space<hbm>>
      tpu.wait_indirect_dma semaphore(%arg10 : memref<!tpu.dma_semaphore, #tpu.memory_space<semaphore_mem>>) src(%dma_wait3A_112 : memref<102400x16xf32, #tpu.memory_space<hbm>>) dst(%dma_wait3A_102 : memref<512x16xf32, #tpu.memory_space<vmem>>)
      %dma_start3A_113 = arith.constant 1 : i32
      %dma_start3A_114 = arith.constant 1 : i32
      %dma_start3A_115 = arith.constant 0 : i32
      %dma_start3A_116 = arith.constant 0 : i32
      %dma_start3A_117 = tpu.memref_slice %arg8[%dma_start3A_113, %dma_start3A_115, %dma_start3A_116] : memref<2x512x16xf32, #tpu.memory_space<vmem>> -> memref<1x512x16xf32, #tpu.memory_space<vmem>>
      %dma_start3A_118 = tpu.memref_squeeze %dma_start3A_117 : memref<1x512x16xf32, #tpu.memory_space<vmem>> -> memref<512x16xf32, #tpu.memory_space<vmem>>
      %dma_start3A_119 = arith.constant 0 : i32
      %dma_start3A_120 = tpu.memref_slice %arg7[%dma_start3A_114, %dma_start3A_119] : memref<2x512xi32, #tpu.memory_space<vmem>> -> memref<1x512xi32, #tpu.memory_space<vmem>>
      %dma_start3A_121 = tpu.memref_squeeze %dma_start3A_120 : memref<1x512xi32, #tpu.memory_space<vmem>> -> memref<512xi32, #tpu.memory_space<vmem>>
      %dma_start3A_122 = arith.constant 0 : i32
      %dma_start3A_123 = arith.constant 0 : i32
      %dma_start3A_124 = tpu.memref_slice %arg9[%dma_start3A_122, %dma_start3A_123] : memref<102400x16xf32, #tpu.memory_space<vmem_shared>> -> memref<102400x16xf32, #tpu.memory_space<vmem_shared>>
      tpu.enqueue_indirect_dma source(%dma_start3A_118 : memref<512x16xf32, #tpu.memory_space<vmem>>) target(%dma_start3A_124 : memref<102400x16xf32, #tpu.memory_space<vmem_shared>>) offsets(%dma_start3A_121 : memref<512xi32, #tpu.memory_space<vmem>>) semaphore(%arg11 : memref<!tpu.dma_semaphore, #tpu.memory_space<semaphore_mem>>) {add = true}
      %dma_wait3A_125 = arith.constant 0 : i32
      %dma_wait3A_126 = arith.constant 0 : i32
      %dma_wait3A_127 = arith.constant 0 : i32
      %dma_wait3A_128 = arith.constant 0 : i32
      %dma_wait3A_129 = tpu.memref_slice %arg8[%dma_wait3A_125, %dma_wait3A_127, %dma_wait3A_128] : memref<2x512x16xf32, #tpu.memory_space<vmem>> -> memref<1x512x16xf32, #tpu.memory_space<vmem>>
      %dma_wait3A_130 = tpu.memref_squeeze %dma_wait3A_129 : memref<1x512x16xf32, #tpu.memory_space<vmem>> -> memref<512x16xf32, #tpu.memory_space<vmem>>
      %dma_wait3A_131 = arith.constant 0 : i32
      %dma_wait3A_132 = tpu.memref_slice %arg7[%dma_wait3A_126, %dma_wait3A_131] : memref<2x512xi32, #tpu.memory_space<vmem>> -> memref<1x512xi32, #tpu.memory_space<vmem>>
      %dma_wait3A_133 = tpu.memref_squeeze %dma_wait3A_132 : memref<1x512xi32, #tpu.memory_space<vmem>> -> memref<512xi32, #tpu.memory_space<vmem>>
      %dma_wait3A_134 = arith.constant 0 : i32
      %dma_wait3A_135 = arith.constant 0 : i32
      %dma_wait3A_136 = tpu.memref_slice %arg9[%dma_wait3A_134, %dma_wait3A_135] : memref<102400x16xf32, #tpu.memory_space<vmem_shared>> -> memref<102400x16xf32, #tpu.memory_space<vmem_shared>>
      tpu.wait_indirect_dma semaphore(%arg11 : memref<!tpu.dma_semaphore, #tpu.memory_space<semaphore_mem>>) src(%dma_wait3A_130 : memref<512x16xf32, #tpu.memory_space<vmem>>) dst(%dma_wait3A_136 : memref<102400x16xf32, #tpu.memory_space<vmem_shared>>)
      %dma_wait3A_137 = arith.constant 1 : i32
      %dma_wait3A_138 = arith.constant 1 : i32
      %dma_wait3A_139 = arith.constant 0 : i32
      %dma_wait3A_140 = arith.constant 0 : i32
      %dma_wait3A_141 = tpu.memref_slice %arg8[%dma_wait3A_137, %dma_wait3A_139, %dma_wait3A_140] : memref<2x512x16xf32, #tpu.memory_space<vmem>> -> memref<1x512x16xf32, #tpu.memory_space<vmem>>
      %dma_wait3A_142 = tpu.memref_squeeze %dma_wait3A_141 : memref<1x512x16xf32, #tpu.memory_space<vmem>> -> memref<512x16xf32, #tpu.memory_space<vmem>>
      %dma_wait3A_143 = arith.constant 0 : i32
      %dma_wait3A_144 = tpu.memref_slice %arg7[%dma_wait3A_138, %dma_wait3A_143] : memref<2x512xi32, #tpu.memory_space<vmem>> -> memref<1x512xi32, #tpu.memory_space<vmem>>
      %dma_wait3A_145 = tpu.memref_squeeze %dma_wait3A_144 : memref<1x512xi32, #tpu.memory_space<vmem>> -> memref<512xi32, #tpu.memory_space<vmem>>
      %dma_wait3A_146 = arith.constant 0 : i32
      %dma_wait3A_147 = arith.constant 0 : i32
      %dma_wait3A_148 = tpu.memref_slice %arg9[%dma_wait3A_146, %dma_wait3A_147] : memref<102400x16xf32, #tpu.memory_space<vmem_shared>> -> memref<102400x16xf32, #tpu.memory_space<vmem_shared>>
      tpu.wait_indirect_dma semaphore(%arg11 : memref<!tpu.dma_semaphore, #tpu.memory_space<semaphore_mem>>) src(%dma_wait3A_142 : memref<512x16xf32, #tpu.memory_space<vmem>>) dst(%dma_wait3A_148 : memref<102400x16xf32, #tpu.memory_space<vmem_shared>>)
    }
    %scan3A_10 = arith.constant 196 : i32
    %barrier3A_11 = arith.constant 0 : index
    tpu.barrier barrier_id(%barrier3A_11)
    "tpu.region"() ({
      %run_scoped3A = tpu.sem_alloc : memref<!tpu.dma_semaphore, #tpu.memory_space<semaphore_mem>>
      %dma_start3A = arith.constant 0 : i32
      %dma_start3A_28 = tpu.memref_slice %arg5[%add3A_3, %mul3A_0, %dma_start3A] : memref<4x102400x16xf32, #tpu.memory_space<hbm>> -> memref<1x6400x16xf32, #tpu.memory_space<hbm>>
      %dma_start3A_29 = tpu.memref_squeeze %dma_start3A_28 : memref<1x6400x16xf32, #tpu.memory_space<hbm>> -> memref<6400x16xf32, #tpu.memory_space<hbm>>
      %dma_start3A_30 = arith.constant 0 : i32
      %dma_start3A_31 = tpu.memref_slice %arg9[%mul3A_0, %dma_start3A_30] : memref<102400x16xf32, #tpu.memory_space<vmem_shared>> -> memref<6400x16xf32, #tpu.memory_space<vmem_shared>>
      tpu.enqueue_dma source(%dma_start3A_31 : memref<6400x16xf32, #tpu.memory_space<vmem_shared>>) target(%dma_start3A_29 : memref<6400x16xf32, #tpu.memory_space<hbm>>) target_semaphore(%run_scoped3A : memref<!tpu.dma_semaphore, #tpu.memory_space<semaphore_mem>>)
      %dma_wait3A = arith.constant 0 : i32
      %dma_wait3A_32 = tpu.memref_slice %arg5[%add3A_3, %mul3A_0, %dma_wait3A] : memref<4x102400x16xf32, #tpu.memory_space<hbm>> -> memref<1x6400x16xf32, #tpu.memory_space<hbm>>
      %dma_wait3A_33 = tpu.memref_squeeze %dma_wait3A_32 : memref<1x6400x16xf32, #tpu.memory_space<hbm>> -> memref<6400x16xf32, #tpu.memory_space<hbm>>
      %dma_wait3A_34 = arith.constant 0 : i32
      %dma_wait3A_35 = tpu.memref_slice %arg9[%mul3A_0, %dma_wait3A_34] : memref<102400x16xf32, #tpu.memory_space<vmem_shared>> -> memref<6400x16xf32, #tpu.memory_space<vmem_shared>>
      tpu.wait_dma2 semaphore(%run_scoped3A : memref<!tpu.dma_semaphore, #tpu.memory_space<semaphore_mem>>) src(%dma_wait3A_35 : memref<6400x16xf32, #tpu.memory_space<vmem_shared>>) dst(%dma_wait3A_33 : memref<6400x16xf32, #tpu.memory_space<hbm>>)
      tpu.yield
    }) : () -> ()
    %barrier3A_12 = arith.constant 0 : index
    tpu.barrier barrier_id(%barrier3A_12)
    %mul3A_13 = arith.constant 2 : i32
    %mul3A_14 = arith.muli %arg0, %mul3A_13 : i32
    %add3A_15 = arith.constant 1 : i32
    %add3A_16 = arith.addi %mul3A_14, %add3A_15 : i32
    "tpu.region"() ({
      %run_scoped3A = tpu.sem_alloc : memref<!tpu.dma_semaphore, #tpu.memory_space<semaphore_mem>>
      %dma_start3A = arith.constant 0 : i32
      %dma_start3A_28 = tpu.memref_slice %arg9[%mul3A_0, %dma_start3A] : memref<102400x16xf32, #tpu.memory_space<vmem_shared>> -> memref<6400x16xf32, #tpu.memory_space<vmem_shared>>
      %dma_start3A_29 = arith.constant 0 : i32
      %dma_start3A_30 = tpu.memref_slice %arg2[%add3A_16, %mul3A_0, %dma_start3A_29] : memref<4x102400x16xf32, #tpu.memory_space<hbm>> -> memref<1x6400x16xf32, #tpu.memory_space<hbm>>
      %dma_start3A_31 = tpu.memref_squeeze %dma_start3A_30 : memref<1x6400x16xf32, #tpu.memory_space<hbm>> -> memref<6400x16xf32, #tpu.memory_space<hbm>>
      tpu.enqueue_dma source(%dma_start3A_31 : memref<6400x16xf32, #tpu.memory_space<hbm>>) target(%dma_start3A_28 : memref<6400x16xf32, #tpu.memory_space<vmem_shared>>) target_semaphore(%run_scoped3A : memref<!tpu.dma_semaphore, #tpu.memory_space<semaphore_mem>>)
      %dma_wait3A = arith.constant 0 : i32
      %dma_wait3A_32 = tpu.memref_slice %arg9[%mul3A_0, %dma_wait3A] : memref<102400x16xf32, #tpu.memory_space<vmem_shared>> -> memref<6400x16xf32, #tpu.memory_space<vmem_shared>>
      %dma_wait3A_33 = arith.constant 0 : i32
      %dma_wait3A_34 = tpu.memref_slice %arg2[%add3A_16, %mul3A_0, %dma_wait3A_33] : memref<4x102400x16xf32, #tpu.memory_space<hbm>> -> memref<1x6400x16xf32, #tpu.memory_space<hbm>>
      %dma_wait3A_35 = tpu.memref_squeeze %dma_wait3A_34 : memref<1x6400x16xf32, #tpu.memory_space<hbm>> -> memref<6400x16xf32, #tpu.memory_space<hbm>>
      tpu.wait_dma2 semaphore(%run_scoped3A : memref<!tpu.dma_semaphore, #tpu.memory_space<semaphore_mem>>) src(%dma_wait3A_35 : memref<6400x16xf32, #tpu.memory_space<hbm>>) dst(%dma_wait3A_32 : memref<6400x16xf32, #tpu.memory_space<vmem_shared>>)
      tpu.yield
    }) : () -> ()
    %barrier3A_17 = arith.constant 0 : index
    tpu.barrier barrier_id(%barrier3A_17)
    %mul3A_18 = arith.constant 392 : i32
    %mul3A_19 = arith.muli %arg1, %mul3A_18 : i32
    %scan3A_20 = arith.constant 0 : i32
    %scan3A_21 = arith.constant 0 : i32
    %scan3A_22 = arith.constant 196 : i32
    %scan3A_23 = arith.addi %scan3A_21, %scan3A_22 : i32
    %scan3A_24 = arith.constant 1 : i32
    scf.for %scan3A_28 = %scan3A_21 to %scan3A_23 step %scan3A_24  : i32 {
      %mul3A_29 = arith.constant 2 : i32
      %mul3A_30 = arith.muli %scan3A_28, %mul3A_29 : i32
      %add3A_31 = arith.addi %mul3A_19, %mul3A_30 : i32
      %run_scoped3A = arith.constant 0 : i32
      "tpu.region"() ({
        %run_scoped3A_149 = tpu.sem_alloc : memref<!tpu.dma_semaphore, #tpu.memory_space<semaphore_mem>>
        %dma_start3A_150 = arith.constant 0 : i32
        %dma_start3A_151 = tpu.memref_slice %arg6[%run_scoped3A, %dma_start3A_150] : memref<2x512xi32, #tpu.memory_space<vmem>> -> memref<1x512xi32, #tpu.memory_space<vmem>>
        %dma_start3A_152 = tpu.memref_squeeze %dma_start3A_151 : memref<1x512xi32, #tpu.memory_space<vmem>> -> memref<512xi32, #tpu.memory_space<vmem>>
        %dma_start3A_153 = arith.constant 0 : i32
        %dma_start3A_154 = tpu.memref_slice %arg3[%add3A_31, %dma_start3A_153] : memref<6272x512xi32, #tpu.memory_space<hbm>> -> memref<1x512xi32, #tpu.memory_space<hbm>>
        %dma_start3A_155 = tpu.memref_squeeze %dma_start3A_154 : memref<1x512xi32, #tpu.memory_space<hbm>> -> memref<512xi32, #tpu.memory_space<hbm>>
        %dma_start3A_156 = arith.constant 0 : i32
        %dma_start3A_157 = tpu.memref_slice %arg6[%run_scoped3A, %dma_start3A_156] : memref<2x512xi32, #tpu.memory_space<vmem>> -> memref<1x512xi32, #tpu.memory_space<vmem>>
        %dma_start3A_158 = tpu.memref_squeeze %dma_start3A_157 : memref<1x512xi32, #tpu.memory_space<vmem>> -> memref<512xi32, #tpu.memory_space<vmem>>
        %dma_start3A_159 = arith.constant 0 : i32
        %dma_start3A_160 = tpu.memref_slice %arg3[%add3A_31, %dma_start3A_159] : memref<6272x512xi32, #tpu.memory_space<hbm>> -> memref<1x512xi32, #tpu.memory_space<hbm>>
        %dma_start3A_161 = tpu.memref_squeeze %dma_start3A_160 : memref<1x512xi32, #tpu.memory_space<hbm>> -> memref<512xi32, #tpu.memory_space<hbm>>
        tpu.enqueue_dma source(%dma_start3A_161 : memref<512xi32, #tpu.memory_space<hbm>>) target(%dma_start3A_158 : memref<512xi32, #tpu.memory_space<vmem>>) target_semaphore(%run_scoped3A_149 : memref<!tpu.dma_semaphore, #tpu.memory_space<semaphore_mem>>)
        %dma_wait3A_162 = arith.constant 0 : i32
        %dma_wait3A_163 = tpu.memref_slice %arg6[%run_scoped3A, %dma_wait3A_162] : memref<2x512xi32, #tpu.memory_space<vmem>> -> memref<1x512xi32, #tpu.memory_space<vmem>>
        %dma_wait3A_164 = tpu.memref_squeeze %dma_wait3A_163 : memref<1x512xi32, #tpu.memory_space<vmem>> -> memref<512xi32, #tpu.memory_space<vmem>>
        %dma_wait3A_165 = arith.constant 0 : i32
        %dma_wait3A_166 = tpu.memref_slice %arg3[%add3A_31, %dma_wait3A_165] : memref<6272x512xi32, #tpu.memory_space<hbm>> -> memref<1x512xi32, #tpu.memory_space<hbm>>
        %dma_wait3A_167 = tpu.memref_squeeze %dma_wait3A_166 : memref<1x512xi32, #tpu.memory_space<hbm>> -> memref<512xi32, #tpu.memory_space<hbm>>
        %dma_wait3A_168 = arith.constant 0 : i32
        %dma_wait3A_169 = tpu.memref_slice %arg6[%run_scoped3A, %dma_wait3A_168] : memref<2x512xi32, #tpu.memory_space<vmem>> -> memref<1x512xi32, #tpu.memory_space<vmem>>
        %dma_wait3A_170 = tpu.memref_squeeze %dma_wait3A_169 : memref<1x512xi32, #tpu.memory_space<vmem>> -> memref<512xi32, #tpu.memory_space<vmem>>
        %dma_wait3A_171 = arith.constant 0 : i32
        %dma_wait3A_172 = tpu.memref_slice %arg3[%add3A_31, %dma_wait3A_171] : memref<6272x512xi32, #tpu.memory_space<hbm>> -> memref<1x512xi32, #tpu.memory_space<hbm>>
        %dma_wait3A_173 = tpu.memref_squeeze %dma_wait3A_172 : memref<1x512xi32, #tpu.memory_space<hbm>> -> memref<512xi32, #tpu.memory_space<hbm>>
        tpu.wait_dma2 semaphore(%run_scoped3A_149 : memref<!tpu.dma_semaphore, #tpu.memory_space<semaphore_mem>>) src(%dma_wait3A_173 : memref<512xi32, #tpu.memory_space<hbm>>) dst(%dma_wait3A_170 : memref<512xi32, #tpu.memory_space<vmem>>)
        tpu.yield
      }) : () -> ()
      %run_scoped3A_32 = arith.constant 0 : i32
      "tpu.region"() ({
        %run_scoped3A_149 = tpu.sem_alloc : memref<!tpu.dma_semaphore, #tpu.memory_space<semaphore_mem>>
        %dma_start3A_150 = arith.constant 0 : i32
        %dma_start3A_151 = tpu.memref_slice %arg7[%run_scoped3A_32, %dma_start3A_150] : memref<2x512xi32, #tpu.memory_space<vmem>> -> memref<1x512xi32, #tpu.memory_space<vmem>>
        %dma_start3A_152 = tpu.memref_squeeze %dma_start3A_151 : memref<1x512xi32, #tpu.memory_space<vmem>> -> memref<512xi32, #tpu.memory_space<vmem>>
        %dma_start3A_153 = arith.constant 0 : i32
        %dma_start3A_154 = tpu.memref_slice %arg4[%add3A_31, %dma_start3A_153] : memref<6272x512xi32, #tpu.memory_space<hbm>> -> memref<1x512xi32, #tpu.memory_space<hbm>>
        %dma_start3A_155 = tpu.memref_squeeze %dma_start3A_154 : memref<1x512xi32, #tpu.memory_space<hbm>> -> memref<512xi32, #tpu.memory_space<hbm>>
        %dma_start3A_156 = arith.constant 0 : i32
        %dma_start3A_157 = tpu.memref_slice %arg7[%run_scoped3A_32, %dma_start3A_156] : memref<2x512xi32, #tpu.memory_space<vmem>> -> memref<1x512xi32, #tpu.memory_space<vmem>>
        %dma_start3A_158 = tpu.memref_squeeze %dma_start3A_157 : memref<1x512xi32, #tpu.memory_space<vmem>> -> memref<512xi32, #tpu.memory_space<vmem>>
        %dma_start3A_159 = arith.constant 0 : i32
        %dma_start3A_160 = tpu.memref_slice %arg4[%add3A_31, %dma_start3A_159] : memref<6272x512xi32, #tpu.memory_space<hbm>> -> memref<1x512xi32, #tpu.memory_space<hbm>>
        %dma_start3A_161 = tpu.memref_squeeze %dma_start3A_160 : memref<1x512xi32, #tpu.memory_space<hbm>> -> memref<512xi32, #tpu.memory_space<hbm>>
        tpu.enqueue_dma source(%dma_start3A_161 : memref<512xi32, #tpu.memory_space<hbm>>) target(%dma_start3A_158 : memref<512xi32, #tpu.memory_space<vmem>>) target_semaphore(%run_scoped3A_149 : memref<!tpu.dma_semaphore, #tpu.memory_space<semaphore_mem>>)
        %dma_wait3A_162 = arith.constant 0 : i32
        %dma_wait3A_163 = tpu.memref_slice %arg7[%run_scoped3A_32, %dma_wait3A_162] : memref<2x512xi32, #tpu.memory_space<vmem>> -> memref<1x512xi32, #tpu.memory_space<vmem>>
        %dma_wait3A_164 = tpu.memref_squeeze %dma_wait3A_163 : memref<1x512xi32, #tpu.memory_space<vmem>> -> memref<512xi32, #tpu.memory_space<vmem>>
        %dma_wait3A_165 = arith.constant 0 : i32
        %dma_wait3A_166 = tpu.memref_slice %arg4[%add3A_31, %dma_wait3A_165] : memref<6272x512xi32, #tpu.memory_space<hbm>> -> memref<1x512xi32, #tpu.memory_space<hbm>>
        %dma_wait3A_167 = tpu.memref_squeeze %dma_wait3A_166 : memref<1x512xi32, #tpu.memory_space<hbm>> -> memref<512xi32, #tpu.memory_space<hbm>>
        %dma_wait3A_168 = arith.constant 0 : i32
        %dma_wait3A_169 = tpu.memref_slice %arg7[%run_scoped3A_32, %dma_wait3A_168] : memref<2x512xi32, #tpu.memory_space<vmem>> -> memref<1x512xi32, #tpu.memory_space<vmem>>
        %dma_wait3A_170 = tpu.memref_squeeze %dma_wait3A_169 : memref<1x512xi32, #tpu.memory_space<vmem>> -> memref<512xi32, #tpu.memory_space<vmem>>
        %dma_wait3A_171 = arith.constant 0 : i32
        %dma_wait3A_172 = tpu.memref_slice %arg4[%add3A_31, %dma_wait3A_171] : memref<6272x512xi32, #tpu.memory_space<hbm>> -> memref<1x512xi32, #tpu.memory_space<hbm>>
        %dma_wait3A_173 = tpu.memref_squeeze %dma_wait3A_172 : memref<1x512xi32, #tpu.memory_space<hbm>> -> memref<512xi32, #tpu.memory_space<hbm>>
        tpu.wait_dma2 semaphore(%run_scoped3A_149 : memref<!tpu.dma_semaphore, #tpu.memory_space<semaphore_mem>>) src(%dma_wait3A_173 : memref<512xi32, #tpu.memory_space<hbm>>) dst(%dma_wait3A_170 : memref<512xi32, #tpu.memory_space<vmem>>)
        tpu.yield
      }) : () -> ()
      %dma_start3A = arith.constant 0 : i32
      %dma_start3A_33 = arith.constant 0 : i32
      %dma_start3A_34 = arith.constant 0 : i32
      %dma_start3A_35 = arith.constant 0 : i32
      %dma_start3A_36 = tpu.memref_slice %arg8[%dma_start3A_33, %dma_start3A_34, %dma_start3A_35] : memref<2x512x16xf32, #tpu.memory_space<vmem>> -> memref<1x512x16xf32, #tpu.memory_space<vmem>>
      %dma_start3A_37 = tpu.memref_squeeze %dma_start3A_36 : memref<1x512x16xf32, #tpu.memory_space<vmem>> -> memref<512x16xf32, #tpu.memory_space<vmem>>
      %dma_start3A_38 = arith.constant 0 : i32
      %dma_start3A_39 = tpu.memref_slice %arg6[%dma_start3A, %dma_start3A_38] : memref<2x512xi32, #tpu.memory_space<vmem>> -> memref<1x512xi32, #tpu.memory_space<vmem>>
      %dma_start3A_40 = tpu.memref_squeeze %dma_start3A_39 : memref<1x512xi32, #tpu.memory_space<vmem>> -> memref<512xi32, #tpu.memory_space<vmem>>
      %dma_start3A_41 = arith.constant 0 : i32
      %dma_start3A_42 = arith.constant 0 : i32
      %dma_start3A_43 = tpu.memref_slice %arg2[%add3A_16, %dma_start3A_41, %dma_start3A_42] : memref<4x102400x16xf32, #tpu.memory_space<hbm>> -> memref<1x102400x16xf32, #tpu.memory_space<hbm>>
      %dma_start3A_44 = tpu.memref_squeeze %dma_start3A_43 : memref<1x102400x16xf32, #tpu.memory_space<hbm>> -> memref<102400x16xf32, #tpu.memory_space<hbm>>
      %dma_start3A_45 = arith.constant 0 : i32
      %dma_start3A_46 = arith.constant 0 : i32
      %dma_start3A_47 = tpu.memref_slice %dma_start3A_44[%dma_start3A_45, %dma_start3A_46] : memref<102400x16xf32, #tpu.memory_space<hbm>> -> memref<102400x16xf32, #tpu.memory_space<hbm>>
      tpu.enqueue_indirect_dma source(%dma_start3A_47 : memref<102400x16xf32, #tpu.memory_space<hbm>>) target(%dma_start3A_37 : memref<512x16xf32, #tpu.memory_space<vmem>>) offsets(%dma_start3A_40 : memref<512xi32, #tpu.memory_space<vmem>>) semaphore(%arg10 : memref<!tpu.dma_semaphore, #tpu.memory_space<semaphore_mem>>)
      %add3A_48 = arith.constant 1 : i32
      %add3A_49 = arith.addi %add3A_31, %add3A_48 : i32
      %run_scoped3A_50 = arith.constant 1 : i32
      "tpu.region"() ({
        %run_scoped3A_149 = tpu.sem_alloc : memref<!tpu.dma_semaphore, #tpu.memory_space<semaphore_mem>>
        %dma_start3A_150 = arith.constant 0 : i32
        %dma_start3A_151 = tpu.memref_slice %arg6[%run_scoped3A_50, %dma_start3A_150] : memref<2x512xi32, #tpu.memory_space<vmem>> -> memref<1x512xi32, #tpu.memory_space<vmem>>
        %dma_start3A_152 = tpu.memref_squeeze %dma_start3A_151 : memref<1x512xi32, #tpu.memory_space<vmem>> -> memref<512xi32, #tpu.memory_space<vmem>>
        %dma_start3A_153 = arith.constant 0 : i32
        %dma_start3A_154 = tpu.memref_slice %arg3[%add3A_49, %dma_start3A_153] : memref<6272x512xi32, #tpu.memory_space<hbm>> -> memref<1x512xi32, #tpu.memory_space<hbm>>
        %dma_start3A_155 = tpu.memref_squeeze %dma_start3A_154 : memref<1x512xi32, #tpu.memory_space<hbm>> -> memref<512xi32, #tpu.memory_space<hbm>>
        %dma_start3A_156 = arith.constant 0 : i32
        %dma_start3A_157 = tpu.memref_slice %arg6[%run_scoped3A_50, %dma_start3A_156] : memref<2x512xi32, #tpu.memory_space<vmem>> -> memref<1x512xi32, #tpu.memory_space<vmem>>
        %dma_start3A_158 = tpu.memref_squeeze %dma_start3A_157 : memref<1x512xi32, #tpu.memory_space<vmem>> -> memref<512xi32, #tpu.memory_space<vmem>>
        %dma_start3A_159 = arith.constant 0 : i32
        %dma_start3A_160 = tpu.memref_slice %arg3[%add3A_49, %dma_start3A_159] : memref<6272x512xi32, #tpu.memory_space<hbm>> -> memref<1x512xi32, #tpu.memory_space<hbm>>
        %dma_start3A_161 = tpu.memref_squeeze %dma_start3A_160 : memref<1x512xi32, #tpu.memory_space<hbm>> -> memref<512xi32, #tpu.memory_space<hbm>>
        tpu.enqueue_dma source(%dma_start3A_161 : memref<512xi32, #tpu.memory_space<hbm>>) target(%dma_start3A_158 : memref<512xi32, #tpu.memory_space<vmem>>) target_semaphore(%run_scoped3A_149 : memref<!tpu.dma_semaphore, #tpu.memory_space<semaphore_mem>>)
        %dma_wait3A_162 = arith.constant 0 : i32
        %dma_wait3A_163 = tpu.memref_slice %arg6[%run_scoped3A_50, %dma_wait3A_162] : memref<2x512xi32, #tpu.memory_space<vmem>> -> memref<1x512xi32, #tpu.memory_space<vmem>>
        %dma_wait3A_164 = tpu.memref_squeeze %dma_wait3A_163 : memref<1x512xi32, #tpu.memory_space<vmem>> -> memref<512xi32, #tpu.memory_space<vmem>>
        %dma_wait3A_165 = arith.constant 0 : i32
        %dma_wait3A_166 = tpu.memref_slice %arg3[%add3A_49, %dma_wait3A_165] : memref<6272x512xi32, #tpu.memory_space<hbm>> -> memref<1x512xi32, #tpu.memory_space<hbm>>
        %dma_wait3A_167 = tpu.memref_squeeze %dma_wait3A_166 : memref<1x512xi32, #tpu.memory_space<hbm>> -> memref<512xi32, #tpu.memory_space<hbm>>
        %dma_wait3A_168 = arith.constant 0 : i32
        %dma_wait3A_169 = tpu.memref_slice %arg6[%run_scoped3A_50, %dma_wait3A_168] : memref<2x512xi32, #tpu.memory_space<vmem>> -> memref<1x512xi32, #tpu.memory_space<vmem>>
        %dma_wait3A_170 = tpu.memref_squeeze %dma_wait3A_169 : memref<1x512xi32, #tpu.memory_space<vmem>> -> memref<512xi32, #tpu.memory_space<vmem>>
        %dma_wait3A_171 = arith.constant 0 : i32
        %dma_wait3A_172 = tpu.memref_slice %arg3[%add3A_49, %dma_wait3A_171] : memref<6272x512xi32, #tpu.memory_space<hbm>> -> memref<1x512xi32, #tpu.memory_space<hbm>>
        %dma_wait3A_173 = tpu.memref_squeeze %dma_wait3A_172 : memref<1x512xi32, #tpu.memory_space<hbm>> -> memref<512xi32, #tpu.memory_space<hbm>>
        tpu.wait_dma2 semaphore(%run_scoped3A_149 : memref<!tpu.dma_semaphore, #tpu.memory_space<semaphore_mem>>) src(%dma_wait3A_173 : memref<512xi32, #tpu.memory_space<hbm>>) dst(%dma_wait3A_170 : memref<512xi32, #tpu.memory_space<vmem>>)
        tpu.yield
      }) : () -> ()
      %add3A_51 = arith.constant 1 : i32
      %add3A_52 = arith.addi %add3A_31, %add3A_51 : i32
      %run_scoped3A_53 = arith.constant 1 : i32
      "tpu.region"() ({
        %run_scoped3A_149 = tpu.sem_alloc : memref<!tpu.dma_semaphore, #tpu.memory_space<semaphore_mem>>
        %dma_start3A_150 = arith.constant 0 : i32
        %dma_start3A_151 = tpu.memref_slice %arg7[%run_scoped3A_53, %dma_start3A_150] : memref<2x512xi32, #tpu.memory_space<vmem>> -> memref<1x512xi32, #tpu.memory_space<vmem>>
        %dma_start3A_152 = tpu.memref_squeeze %dma_start3A_151 : memref<1x512xi32, #tpu.memory_space<vmem>> -> memref<512xi32, #tpu.memory_space<vmem>>
        %dma_start3A_153 = arith.constant 0 : i32
        %dma_start3A_154 = tpu.memref_slice %arg4[%add3A_52, %dma_start3A_153] : memref<6272x512xi32, #tpu.memory_space<hbm>> -> memref<1x512xi32, #tpu.memory_space<hbm>>
        %dma_start3A_155 = tpu.memref_squeeze %dma_start3A_154 : memref<1x512xi32, #tpu.memory_space<hbm>> -> memref<512xi32, #tpu.memory_space<hbm>>
        %dma_start3A_156 = arith.constant 0 : i32
        %dma_start3A_157 = tpu.memref_slice %arg7[%run_scoped3A_53, %dma_start3A_156] : memref<2x512xi32, #tpu.memory_space<vmem>> -> memref<1x512xi32, #tpu.memory_space<vmem>>
        %dma_start3A_158 = tpu.memref_squeeze %dma_start3A_157 : memref<1x512xi32, #tpu.memory_space<vmem>> -> memref<512xi32, #tpu.memory_space<vmem>>
        %dma_start3A_159 = arith.constant 0 : i32
        %dma_start3A_160 = tpu.memref_slice %arg4[%add3A_52, %dma_start3A_159] : memref<6272x512xi32, #tpu.memory_space<hbm>> -> memref<1x512xi32, #tpu.memory_space<hbm>>
        %dma_start3A_161 = tpu.memref_squeeze %dma_start3A_160 : memref<1x512xi32, #tpu.memory_space<hbm>> -> memref<512xi32, #tpu.memory_space<hbm>>
        tpu.enqueue_dma source(%dma_start3A_161 : memref<512xi32, #tpu.memory_space<hbm>>) target(%dma_start3A_158 : memref<512xi32, #tpu.memory_space<vmem>>) target_semaphore(%run_scoped3A_149 : memref<!tpu.dma_semaphore, #tpu.memory_space<semaphore_mem>>)
        %dma_wait3A_162 = arith.constant 0 : i32
        %dma_wait3A_163 = tpu.memref_slice %arg7[%run_scoped3A_53, %dma_wait3A_162] : memref<2x512xi32, #tpu.memory_space<vmem>> -> memref<1x512xi32, #tpu.memory_space<vmem>>
        %dma_wait3A_164 = tpu.memref_squeeze %dma_wait3A_163 : memref<1x512xi32, #tpu.memory_space<vmem>> -> memref<512xi32, #tpu.memory_space<vmem>>
        %dma_wait3A_165 = arith.constant 0 : i32
        %dma_wait3A_166 = tpu.memref_slice %arg4[%add3A_52, %dma_wait3A_165] : memref<6272x512xi32, #tpu.memory_space<hbm>> -> memref<1x512xi32, #tpu.memory_space<hbm>>
        %dma_wait3A_167 = tpu.memref_squeeze %dma_wait3A_166 : memref<1x512xi32, #tpu.memory_space<hbm>> -> memref<512xi32, #tpu.memory_space<hbm>>
        %dma_wait3A_168 = arith.constant 0 : i32
        %dma_wait3A_169 = tpu.memref_slice %arg7[%run_scoped3A_53, %dma_wait3A_168] : memref<2x512xi32, #tpu.memory_space<vmem>> -> memref<1x512xi32, #tpu.memory_space<vmem>>
        %dma_wait3A_170 = tpu.memref_squeeze %dma_wait3A_169 : memref<1x512xi32, #tpu.memory_space<vmem>> -> memref<512xi32, #tpu.memory_space<vmem>>
        %dma_wait3A_171 = arith.constant 0 : i32
        %dma_wait3A_172 = tpu.memref_slice %arg4[%add3A_52, %dma_wait3A_171] : memref<6272x512xi32, #tpu.memory_space<hbm>> -> memref<1x512xi32, #tpu.memory_space<hbm>>
        %dma_wait3A_173 = tpu.memref_squeeze %dma_wait3A_172 : memref<1x512xi32, #tpu.memory_space<hbm>> -> memref<512xi32, #tpu.memory_space<hbm>>
        tpu.wait_dma2 semaphore(%run_scoped3A_149 : memref<!tpu.dma_semaphore, #tpu.memory_space<semaphore_mem>>) src(%dma_wait3A_173 : memref<512xi32, #tpu.memory_space<hbm>>) dst(%dma_wait3A_170 : memref<512xi32, #tpu.memory_space<vmem>>)
        tpu.yield
      }) : () -> ()
      %dma_start3A_54 = arith.constant 1 : i32
      %dma_start3A_55 = arith.constant 1 : i32
      %dma_start3A_56 = arith.constant 0 : i32
      %dma_start3A_57 = arith.constant 0 : i32
      %dma_start3A_58 = tpu.memref_slice %arg8[%dma_start3A_55, %dma_start3A_56, %dma_start3A_57] : memref<2x512x16xf32, #tpu.memory_space<vmem>> -> memref<1x512x16xf32, #tpu.memory_space<vmem>>
      %dma_start3A_59 = tpu.memref_squeeze %dma_start3A_58 : memref<1x512x16xf32, #tpu.memory_space<vmem>> -> memref<512x16xf32, #tpu.memory_space<vmem>>
      %dma_start3A_60 = arith.constant 0 : i32
      %dma_start3A_61 = tpu.memref_slice %arg6[%dma_start3A_54, %dma_start3A_60] : memref<2x512xi32, #tpu.memory_space<vmem>> -> memref<1x512xi32, #tpu.memory_space<vmem>>
      %dma_start3A_62 = tpu.memref_squeeze %dma_start3A_61 : memref<1x512xi32, #tpu.memory_space<vmem>> -> memref<512xi32, #tpu.memory_space<vmem>>
      %dma_start3A_63 = arith.constant 0 : i32
      %dma_start3A_64 = arith.constant 0 : i32
      %dma_start3A_65 = tpu.memref_slice %arg2[%add3A_16, %dma_start3A_63, %dma_start3A_64] : memref<4x102400x16xf32, #tpu.memory_space<hbm>> -> memref<1x102400x16xf32, #tpu.memory_space<hbm>>
      %dma_start3A_66 = tpu.memref_squeeze %dma_start3A_65 : memref<1x102400x16xf32, #tpu.memory_space<hbm>> -> memref<102400x16xf32, #tpu.memory_space<hbm>>
      %dma_start3A_67 = arith.constant 0 : i32
      %dma_start3A_68 = arith.constant 0 : i32
      %dma_start3A_69 = tpu.memref_slice %dma_start3A_66[%dma_start3A_67, %dma_start3A_68] : memref<102400x16xf32, #tpu.memory_space<hbm>> -> memref<102400x16xf32, #tpu.memory_space<hbm>>
      tpu.enqueue_indirect_dma source(%dma_start3A_69 : memref<102400x16xf32, #tpu.memory_space<hbm>>) target(%dma_start3A_59 : memref<512x16xf32, #tpu.memory_space<vmem>>) offsets(%dma_start3A_62 : memref<512xi32, #tpu.memory_space<vmem>>) semaphore(%arg10 : memref<!tpu.dma_semaphore, #tpu.memory_space<semaphore_mem>>)
      %dma_wait3A = arith.constant 0 : i32
      %dma_wait3A_70 = arith.constant 0 : i32
      %dma_wait3A_71 = arith.constant 0 : i32
      %dma_wait3A_72 = arith.constant 0 : i32
      %dma_wait3A_73 = tpu.memref_slice %arg8[%dma_wait3A_70, %dma_wait3A_71, %dma_wait3A_72] : memref<2x512x16xf32, #tpu.memory_space<vmem>> -> memref<1x512x16xf32, #tpu.memory_space<vmem>>
      %dma_wait3A_74 = tpu.memref_squeeze %dma_wait3A_73 : memref<1x512x16xf32, #tpu.memory_space<vmem>> -> memref<512x16xf32, #tpu.memory_space<vmem>>
      %dma_wait3A_75 = arith.constant 0 : i32
      %dma_wait3A_76 = tpu.memref_slice %arg6[%dma_wait3A, %dma_wait3A_75] : memref<2x512xi32, #tpu.memory_space<vmem>> -> memref<1x512xi32, #tpu.memory_space<vmem>>
      %dma_wait3A_77 = tpu.memref_squeeze %dma_wait3A_76 : memref<1x512xi32, #tpu.memory_space<vmem>> -> memref<512xi32, #tpu.memory_space<vmem>>
      %dma_wait3A_78 = arith.constant 0 : i32
      %dma_wait3A_79 = arith.constant 0 : i32
      %dma_wait3A_80 = tpu.memref_slice %arg2[%add3A_16, %dma_wait3A_78, %dma_wait3A_79] : memref<4x102400x16xf32, #tpu.memory_space<hbm>> -> memref<1x102400x16xf32, #tpu.memory_space<hbm>>
      %dma_wait3A_81 = tpu.memref_squeeze %dma_wait3A_80 : memref<1x102400x16xf32, #tpu.memory_space<hbm>> -> memref<102400x16xf32, #tpu.memory_space<hbm>>
      %dma_wait3A_82 = arith.constant 0 : i32
      %dma_wait3A_83 = arith.constant 0 : i32
      %dma_wait3A_84 = tpu.memref_slice %dma_wait3A_81[%dma_wait3A_82, %dma_wait3A_83] : memref<102400x16xf32, #tpu.memory_space<hbm>> -> memref<102400x16xf32, #tpu.memory_space<hbm>>
      tpu.wait_indirect_dma semaphore(%arg10 : memref<!tpu.dma_semaphore, #tpu.memory_space<semaphore_mem>>) src(%dma_wait3A_84 : memref<102400x16xf32, #tpu.memory_space<hbm>>) dst(%dma_wait3A_74 : memref<512x16xf32, #tpu.memory_space<vmem>>)
      %dma_start3A_85 = arith.constant 0 : i32
      %dma_start3A_86 = arith.constant 0 : i32
      %dma_start3A_87 = arith.constant 0 : i32
      %dma_start3A_88 = arith.constant 0 : i32
      %dma_start3A_89 = tpu.memref_slice %arg8[%dma_start3A_85, %dma_start3A_87, %dma_start3A_88] : memref<2x512x16xf32, #tpu.memory_space<vmem>> -> memref<1x512x16xf32, #tpu.memory_space<vmem>>
      %dma_start3A_90 = tpu.memref_squeeze %dma_start3A_89 : memref<1x512x16xf32, #tpu.memory_space<vmem>> -> memref<512x16xf32, #tpu.memory_space<vmem>>
      %dma_start3A_91 = arith.constant 0 : i32
      %dma_start3A_92 = tpu.memref_slice %arg7[%dma_start3A_86, %dma_start3A_91] : memref<2x512xi32, #tpu.memory_space<vmem>> -> memref<1x512xi32, #tpu.memory_space<vmem>>
      %dma_start3A_93 = tpu.memref_squeeze %dma_start3A_92 : memref<1x512xi32, #tpu.memory_space<vmem>> -> memref<512xi32, #tpu.memory_space<vmem>>
      %dma_start3A_94 = arith.constant 0 : i32
      %dma_start3A_95 = arith.constant 0 : i32
      %dma_start3A_96 = tpu.memref_slice %arg9[%dma_start3A_94, %dma_start3A_95] : memref<102400x16xf32, #tpu.memory_space<vmem_shared>> -> memref<102400x16xf32, #tpu.memory_space<vmem_shared>>
      tpu.enqueue_indirect_dma source(%dma_start3A_90 : memref<512x16xf32, #tpu.memory_space<vmem>>) target(%dma_start3A_96 : memref<102400x16xf32, #tpu.memory_space<vmem_shared>>) offsets(%dma_start3A_93 : memref<512xi32, #tpu.memory_space<vmem>>) semaphore(%arg11 : memref<!tpu.dma_semaphore, #tpu.memory_space<semaphore_mem>>) {add = true}
      %dma_wait3A_97 = arith.constant 1 : i32
      %dma_wait3A_98 = arith.constant 1 : i32
      %dma_wait3A_99 = arith.constant 0 : i32
      %dma_wait3A_100 = arith.constant 0 : i32
      %dma_wait3A_101 = tpu.memref_slice %arg8[%dma_wait3A_98, %dma_wait3A_99, %dma_wait3A_100] : memref<2x512x16xf32, #tpu.memory_space<vmem>> -> memref<1x512x16xf32, #tpu.memory_space<vmem>>
      %dma_wait3A_102 = tpu.memref_squeeze %dma_wait3A_101 : memref<1x512x16xf32, #tpu.memory_space<vmem>> -> memref<512x16xf32, #tpu.memory_space<vmem>>
      %dma_wait3A_103 = arith.constant 0 : i32
      %dma_wait3A_104 = tpu.memref_slice %arg6[%dma_wait3A_97, %dma_wait3A_103] : memref<2x512xi32, #tpu.memory_space<vmem>> -> memref<1x512xi32, #tpu.memory_space<vmem>>
      %dma_wait3A_105 = tpu.memref_squeeze %dma_wait3A_104 : memref<1x512xi32, #tpu.memory_space<vmem>> -> memref<512xi32, #tpu.memory_space<vmem>>
      %dma_wait3A_106 = arith.constant 0 : i32
      %dma_wait3A_107 = arith.constant 0 : i32
      %dma_wait3A_108 = tpu.memref_slice %arg2[%add3A_16, %dma_wait3A_106, %dma_wait3A_107] : memref<4x102400x16xf32, #tpu.memory_space<hbm>> -> memref<1x102400x16xf32, #tpu.memory_space<hbm>>
      %dma_wait3A_109 = tpu.memref_squeeze %dma_wait3A_108 : memref<1x102400x16xf32, #tpu.memory_space<hbm>> -> memref<102400x16xf32, #tpu.memory_space<hbm>>
      %dma_wait3A_110 = arith.constant 0 : i32
      %dma_wait3A_111 = arith.constant 0 : i32
      %dma_wait3A_112 = tpu.memref_slice %dma_wait3A_109[%dma_wait3A_110, %dma_wait3A_111] : memref<102400x16xf32, #tpu.memory_space<hbm>> -> memref<102400x16xf32, #tpu.memory_space<hbm>>
      tpu.wait_indirect_dma semaphore(%arg10 : memref<!tpu.dma_semaphore, #tpu.memory_space<semaphore_mem>>) src(%dma_wait3A_112 : memref<102400x16xf32, #tpu.memory_space<hbm>>) dst(%dma_wait3A_102 : memref<512x16xf32, #tpu.memory_space<vmem>>)
      %dma_start3A_113 = arith.constant 1 : i32
      %dma_start3A_114 = arith.constant 1 : i32
      %dma_start3A_115 = arith.constant 0 : i32
      %dma_start3A_116 = arith.constant 0 : i32
      %dma_start3A_117 = tpu.memref_slice %arg8[%dma_start3A_113, %dma_start3A_115, %dma_start3A_116] : memref<2x512x16xf32, #tpu.memory_space<vmem>> -> memref<1x512x16xf32, #tpu.memory_space<vmem>>
      %dma_start3A_118 = tpu.memref_squeeze %dma_start3A_117 : memref<1x512x16xf32, #tpu.memory_space<vmem>> -> memref<512x16xf32, #tpu.memory_space<vmem>>
      %dma_start3A_119 = arith.constant 0 : i32
      %dma_start3A_120 = tpu.memref_slice %arg7[%dma_start3A_114, %dma_start3A_119] : memref<2x512xi32, #tpu.memory_space<vmem>> -> memref<1x512xi32, #tpu.memory_space<vmem>>
      %dma_start3A_121 = tpu.memref_squeeze %dma_start3A_120 : memref<1x512xi32, #tpu.memory_space<vmem>> -> memref<512xi32, #tpu.memory_space<vmem>>
      %dma_start3A_122 = arith.constant 0 : i32
      %dma_start3A_123 = arith.constant 0 : i32
      %dma_start3A_124 = tpu.memref_slice %arg9[%dma_start3A_122, %dma_start3A_123] : memref<102400x16xf32, #tpu.memory_space<vmem_shared>> -> memref<102400x16xf32, #tpu.memory_space<vmem_shared>>
      tpu.enqueue_indirect_dma source(%dma_start3A_118 : memref<512x16xf32, #tpu.memory_space<vmem>>) target(%dma_start3A_124 : memref<102400x16xf32, #tpu.memory_space<vmem_shared>>) offsets(%dma_start3A_121 : memref<512xi32, #tpu.memory_space<vmem>>) semaphore(%arg11 : memref<!tpu.dma_semaphore, #tpu.memory_space<semaphore_mem>>) {add = true}
      %dma_wait3A_125 = arith.constant 0 : i32
      %dma_wait3A_126 = arith.constant 0 : i32
      %dma_wait3A_127 = arith.constant 0 : i32
      %dma_wait3A_128 = arith.constant 0 : i32
      %dma_wait3A_129 = tpu.memref_slice %arg8[%dma_wait3A_125, %dma_wait3A_127, %dma_wait3A_128] : memref<2x512x16xf32, #tpu.memory_space<vmem>> -> memref<1x512x16xf32, #tpu.memory_space<vmem>>
      %dma_wait3A_130 = tpu.memref_squeeze %dma_wait3A_129 : memref<1x512x16xf32, #tpu.memory_space<vmem>> -> memref<512x16xf32, #tpu.memory_space<vmem>>
      %dma_wait3A_131 = arith.constant 0 : i32
      %dma_wait3A_132 = tpu.memref_slice %arg7[%dma_wait3A_126, %dma_wait3A_131] : memref<2x512xi32, #tpu.memory_space<vmem>> -> memref<1x512xi32, #tpu.memory_space<vmem>>
      %dma_wait3A_133 = tpu.memref_squeeze %dma_wait3A_132 : memref<1x512xi32, #tpu.memory_space<vmem>> -> memref<512xi32, #tpu.memory_space<vmem>>
      %dma_wait3A_134 = arith.constant 0 : i32
      %dma_wait3A_135 = arith.constant 0 : i32
      %dma_wait3A_136 = tpu.memref_slice %arg9[%dma_wait3A_134, %dma_wait3A_135] : memref<102400x16xf32, #tpu.memory_space<vmem_shared>> -> memref<102400x16xf32, #tpu.memory_space<vmem_shared>>
      tpu.wait_indirect_dma semaphore(%arg11 : memref<!tpu.dma_semaphore, #tpu.memory_space<semaphore_mem>>) src(%dma_wait3A_130 : memref<512x16xf32, #tpu.memory_space<vmem>>) dst(%dma_wait3A_136 : memref<102400x16xf32, #tpu.memory_space<vmem_shared>>)
      %dma_wait3A_137 = arith.constant 1 : i32
      %dma_wait3A_138 = arith.constant 1 : i32
      %dma_wait3A_139 = arith.constant 0 : i32
      %dma_wait3A_140 = arith.constant 0 : i32
      %dma_wait3A_141 = tpu.memref_slice %arg8[%dma_wait3A_137, %dma_wait3A_139, %dma_wait3A_140] : memref<2x512x16xf32, #tpu.memory_space<vmem>> -> memref<1x512x16xf32, #tpu.memory_space<vmem>>
      %dma_wait3A_142 = tpu.memref_squeeze %dma_wait3A_141 : memref<1x512x16xf32, #tpu.memory_space<vmem>> -> memref<512x16xf32, #tpu.memory_space<vmem>>
      %dma_wait3A_143 = arith.constant 0 : i32
      %dma_wait3A_144 = tpu.memref_slice %arg7[%dma_wait3A_138, %dma_wait3A_143] : memref<2x512xi32, #tpu.memory_space<vmem>> -> memref<1x512xi32, #tpu.memory_space<vmem>>
      %dma_wait3A_145 = tpu.memref_squeeze %dma_wait3A_144 : memref<1x512xi32, #tpu.memory_space<vmem>> -> memref<512xi32, #tpu.memory_space<vmem>>
      %dma_wait3A_146 = arith.constant 0 : i32
      %dma_wait3A_147 = arith.constant 0 : i32
      %dma_wait3A_148 = tpu.memref_slice %arg9[%dma_wait3A_146, %dma_wait3A_147] : memref<102400x16xf32, #tpu.memory_space<vmem_shared>> -> memref<102400x16xf32, #tpu.memory_space<vmem_shared>>
      tpu.wait_indirect_dma semaphore(%arg11 : memref<!tpu.dma_semaphore, #tpu.memory_space<semaphore_mem>>) src(%dma_wait3A_142 : memref<512x16xf32, #tpu.memory_space<vmem>>) dst(%dma_wait3A_148 : memref<102400x16xf32, #tpu.memory_space<vmem_shared>>)
    }
    %scan3A_25 = arith.constant 196 : i32
    %barrier3A_26 = arith.constant 0 : index
    tpu.barrier barrier_id(%barrier3A_26)
    "tpu.region"() ({
      %run_scoped3A = tpu.sem_alloc : memref<!tpu.dma_semaphore, #tpu.memory_space<semaphore_mem>>
      %dma_start3A = arith.constant 0 : i32
      %dma_start3A_28 = tpu.memref_slice %arg5[%add3A_16, %mul3A_0, %dma_start3A] : memref<4x102400x16xf32, #tpu.memory_space<hbm>> -> memref<1x6400x16xf32, #tpu.memory_space<hbm>>
      %dma_start3A_29 = tpu.memref_squeeze %dma_start3A_28 : memref<1x6400x16xf32, #tpu.memory_space<hbm>> -> memref<6400x16xf32, #tpu.memory_space<hbm>>
      %dma_start3A_30 = arith.constant 0 : i32
      %dma_start3A_31 = tpu.memref_slice %arg9[%mul3A_0, %dma_start3A_30] : memref<102400x16xf32, #tpu.memory_space<vmem_shared>> -> memref<6400x16xf32, #tpu.memory_space<vmem_shared>>
      tpu.enqueue_dma source(%dma_start3A_31 : memref<6400x16xf32, #tpu.memory_space<vmem_shared>>) target(%dma_start3A_29 : memref<6400x16xf32, #tpu.memory_space<hbm>>) target_semaphore(%run_scoped3A : memref<!tpu.dma_semaphore, #tpu.memory_space<semaphore_mem>>)
      %dma_wait3A = arith.constant 0 : i32
      %dma_wait3A_32 = tpu.memref_slice %arg5[%add3A_16, %mul3A_0, %dma_wait3A] : memref<4x102400x16xf32, #tpu.memory_space<hbm>> -> memref<1x6400x16xf32, #tpu.memory_space<hbm>>
      %dma_wait3A_33 = tpu.memref_squeeze %dma_wait3A_32 : memref<1x6400x16xf32, #tpu.memory_space<hbm>> -> memref<6400x16xf32, #tpu.memory_space<hbm>>
      %dma_wait3A_34 = arith.constant 0 : i32
      %dma_wait3A_35 = tpu.memref_slice %arg9[%mul3A_0, %dma_wait3A_34] : memref<102400x16xf32, #tpu.memory_space<vmem_shared>> -> memref<6400x16xf32, #tpu.memory_space<vmem_shared>>
      tpu.wait_dma2 semaphore(%run_scoped3A : memref<!tpu.dma_semaphore, #tpu.memory_space<semaphore_mem>>) src(%dma_wait3A_35 : memref<6400x16xf32, #tpu.memory_space<vmem_shared>>) dst(%dma_wait3A_33 : memref<6400x16xf32, #tpu.memory_space<hbm>>)
      tpu.yield
    }) : () -> ()
    %barrier3A_27 = arith.constant 0 : index
    tpu.barrier barrier_id(%barrier3A_27)
    return
  }
}

#map = affine_map<(d0, d1) -> (0, 0)>
#map1 = affine_map<(d0, d1) -> (0, 0, 0)>
module attributes {stable_mosaic.version = 14 : i64} {
  func.func @_agg_a_body(%arg0: i32, %arg1: i32, %arg2: memref<102400x16xf32, #tpu.memory_space<hbm>>, %arg3: memref<6272x512xi32, #tpu.memory_space<hbm>>, %arg4: memref<6272x512xi32, #tpu.memory_space<hbm>>, %arg5: memref<102400x16xf32, #tpu.memory_space<hbm>>, %arg6: memref<2x102400x16xf32, #tpu.memory_space<hbm>>, %arg7: memref<2x512xi32, #tpu.memory_space<vmem>>, %arg8: memref<2x512xi32, #tpu.memory_space<vmem>>, %arg9: memref<2x512x16xf32, #tpu.memory_space<vmem>>, %arg10: memref<102400x16xf32, #tpu.memory_space<vmem_shared>>, %arg11: memref<!tpu.dma_semaphore, #tpu.memory_space<semaphore_mem>>, %arg12: memref<!tpu.dma_semaphore, #tpu.memory_space<semaphore_mem>>) attributes {dimension_semantics = [#tpu.dimension_semantics<core_parallel>, #tpu.dimension_semantics<subcore_parallel>], iteration_bounds = array<i64: 2, 16>, scalar_prefetch = 0 : i64, scratch_operands = 6 : i64, tpu.core_type = #tpu.core_type<sc_vector_subcore>, window_params = [{transform_indices = #map}, {transform_indices = #map}, {transform_indices = #map}, {transform_indices = #map}, {transform_indices = #map1}]} {
    %mul3A = arith.constant 16 : i32
    %mul3A_0 = arith.muli %arg0, %mul3A : i32
    %add3A = arith.addi %mul3A_0, %arg1 : i32
    %mul3A_1 = arith.constant 6400 : i32
    %mul3A_2 = arith.muli %arg1, %mul3A_1 : i32
    "tpu.region"() ({
      %run_scoped3A = tpu.sem_alloc : memref<!tpu.dma_semaphore, #tpu.memory_space<semaphore_mem>>
      %dma_start3A = arith.constant 0 : i32
      %dma_start3A_12 = tpu.memref_slice %arg10[%mul3A_2, %dma_start3A] : memref<102400x16xf32, #tpu.memory_space<vmem_shared>> -> memref<6400x16xf32, #tpu.memory_space<vmem_shared>>
      %dma_start3A_13 = arith.constant 0 : i32
      %dma_start3A_14 = tpu.memref_slice %arg5[%mul3A_2, %dma_start3A_13] : memref<102400x16xf32, #tpu.memory_space<hbm>> -> memref<6400x16xf32, #tpu.memory_space<hbm>>
      tpu.enqueue_dma source(%dma_start3A_14 : memref<6400x16xf32, #tpu.memory_space<hbm>>) target(%dma_start3A_12 : memref<6400x16xf32, #tpu.memory_space<vmem_shared>>) target_semaphore(%run_scoped3A : memref<!tpu.dma_semaphore, #tpu.memory_space<semaphore_mem>>)
      %dma_wait3A = arith.constant 0 : i32
      %dma_wait3A_15 = tpu.memref_slice %arg10[%mul3A_2, %dma_wait3A] : memref<102400x16xf32, #tpu.memory_space<vmem_shared>> -> memref<6400x16xf32, #tpu.memory_space<vmem_shared>>
      %dma_wait3A_16 = arith.constant 0 : i32
      %dma_wait3A_17 = tpu.memref_slice %arg5[%mul3A_2, %dma_wait3A_16] : memref<102400x16xf32, #tpu.memory_space<hbm>> -> memref<6400x16xf32, #tpu.memory_space<hbm>>
      tpu.wait_dma2 semaphore(%run_scoped3A : memref<!tpu.dma_semaphore, #tpu.memory_space<semaphore_mem>>) src(%dma_wait3A_17 : memref<6400x16xf32, #tpu.memory_space<hbm>>) dst(%dma_wait3A_15 : memref<6400x16xf32, #tpu.memory_space<vmem_shared>>)
      tpu.yield
    }) : () -> ()
    %barrier3A = arith.constant 0 : index
    tpu.barrier barrier_id(%barrier3A)
    %mul3A_3 = arith.constant 196 : i32
    %mul3A_4 = arith.muli %add3A, %mul3A_3 : i32
    %scan3A = arith.constant 0 : i32
    %scan3A_5 = arith.constant 0 : i32
    %scan3A_6 = arith.constant 98 : i32
    %scan3A_7 = arith.addi %scan3A_5, %scan3A_6 : i32
    %scan3A_8 = arith.constant 1 : i32
    scf.for %scan3A_12 = %scan3A_5 to %scan3A_7 step %scan3A_8  : i32 {
      %mul3A_13 = arith.constant 2 : i32
      %mul3A_14 = arith.muli %scan3A_12, %mul3A_13 : i32
      %add3A_15 = arith.addi %mul3A_4, %mul3A_14 : i32
      %run_scoped3A = arith.constant 0 : i32
      "tpu.region"() ({
        %run_scoped3A_117 = tpu.sem_alloc : memref<!tpu.dma_semaphore, #tpu.memory_space<semaphore_mem>>
        %dma_start3A_118 = arith.constant 0 : i32
        %dma_start3A_119 = tpu.memref_slice %arg7[%run_scoped3A, %dma_start3A_118] : memref<2x512xi32, #tpu.memory_space<vmem>> -> memref<1x512xi32, #tpu.memory_space<vmem>>
        %dma_start3A_120 = tpu.memref_squeeze %dma_start3A_119 : memref<1x512xi32, #tpu.memory_space<vmem>> -> memref<512xi32, #tpu.memory_space<vmem>>
        %dma_start3A_121 = arith.constant 0 : i32
        %dma_start3A_122 = tpu.memref_slice %arg3[%add3A_15, %dma_start3A_121] : memref<6272x512xi32, #tpu.memory_space<hbm>> -> memref<1x512xi32, #tpu.memory_space<hbm>>
        %dma_start3A_123 = tpu.memref_squeeze %dma_start3A_122 : memref<1x512xi32, #tpu.memory_space<hbm>> -> memref<512xi32, #tpu.memory_space<hbm>>
        %dma_start3A_124 = arith.constant 0 : i32
        %dma_start3A_125 = tpu.memref_slice %arg7[%run_scoped3A, %dma_start3A_124] : memref<2x512xi32, #tpu.memory_space<vmem>> -> memref<1x512xi32, #tpu.memory_space<vmem>>
        %dma_start3A_126 = tpu.memref_squeeze %dma_start3A_125 : memref<1x512xi32, #tpu.memory_space<vmem>> -> memref<512xi32, #tpu.memory_space<vmem>>
        %dma_start3A_127 = arith.constant 0 : i32
        %dma_start3A_128 = tpu.memref_slice %arg3[%add3A_15, %dma_start3A_127] : memref<6272x512xi32, #tpu.memory_space<hbm>> -> memref<1x512xi32, #tpu.memory_space<hbm>>
        %dma_start3A_129 = tpu.memref_squeeze %dma_start3A_128 : memref<1x512xi32, #tpu.memory_space<hbm>> -> memref<512xi32, #tpu.memory_space<hbm>>
        tpu.enqueue_dma source(%dma_start3A_129 : memref<512xi32, #tpu.memory_space<hbm>>) target(%dma_start3A_126 : memref<512xi32, #tpu.memory_space<vmem>>) target_semaphore(%run_scoped3A_117 : memref<!tpu.dma_semaphore, #tpu.memory_space<semaphore_mem>>)
        %dma_wait3A_130 = arith.constant 0 : i32
        %dma_wait3A_131 = tpu.memref_slice %arg7[%run_scoped3A, %dma_wait3A_130] : memref<2x512xi32, #tpu.memory_space<vmem>> -> memref<1x512xi32, #tpu.memory_space<vmem>>
        %dma_wait3A_132 = tpu.memref_squeeze %dma_wait3A_131 : memref<1x512xi32, #tpu.memory_space<vmem>> -> memref<512xi32, #tpu.memory_space<vmem>>
        %dma_wait3A_133 = arith.constant 0 : i32
        %dma_wait3A_134 = tpu.memref_slice %arg3[%add3A_15, %dma_wait3A_133] : memref<6272x512xi32, #tpu.memory_space<hbm>> -> memref<1x512xi32, #tpu.memory_space<hbm>>
        %dma_wait3A_135 = tpu.memref_squeeze %dma_wait3A_134 : memref<1x512xi32, #tpu.memory_space<hbm>> -> memref<512xi32, #tpu.memory_space<hbm>>
        %dma_wait3A_136 = arith.constant 0 : i32
        %dma_wait3A_137 = tpu.memref_slice %arg7[%run_scoped3A, %dma_wait3A_136] : memref<2x512xi32, #tpu.memory_space<vmem>> -> memref<1x512xi32, #tpu.memory_space<vmem>>
        %dma_wait3A_138 = tpu.memref_squeeze %dma_wait3A_137 : memref<1x512xi32, #tpu.memory_space<vmem>> -> memref<512xi32, #tpu.memory_space<vmem>>
        %dma_wait3A_139 = arith.constant 0 : i32
        %dma_wait3A_140 = tpu.memref_slice %arg3[%add3A_15, %dma_wait3A_139] : memref<6272x512xi32, #tpu.memory_space<hbm>> -> memref<1x512xi32, #tpu.memory_space<hbm>>
        %dma_wait3A_141 = tpu.memref_squeeze %dma_wait3A_140 : memref<1x512xi32, #tpu.memory_space<hbm>> -> memref<512xi32, #tpu.memory_space<hbm>>
        tpu.wait_dma2 semaphore(%run_scoped3A_117 : memref<!tpu.dma_semaphore, #tpu.memory_space<semaphore_mem>>) src(%dma_wait3A_141 : memref<512xi32, #tpu.memory_space<hbm>>) dst(%dma_wait3A_138 : memref<512xi32, #tpu.memory_space<vmem>>)
        tpu.yield
      }) : () -> ()
      %run_scoped3A_16 = arith.constant 0 : i32
      "tpu.region"() ({
        %run_scoped3A_117 = tpu.sem_alloc : memref<!tpu.dma_semaphore, #tpu.memory_space<semaphore_mem>>
        %dma_start3A_118 = arith.constant 0 : i32
        %dma_start3A_119 = tpu.memref_slice %arg8[%run_scoped3A_16, %dma_start3A_118] : memref<2x512xi32, #tpu.memory_space<vmem>> -> memref<1x512xi32, #tpu.memory_space<vmem>>
        %dma_start3A_120 = tpu.memref_squeeze %dma_start3A_119 : memref<1x512xi32, #tpu.memory_space<vmem>> -> memref<512xi32, #tpu.memory_space<vmem>>
        %dma_start3A_121 = arith.constant 0 : i32
        %dma_start3A_122 = tpu.memref_slice %arg4[%add3A_15, %dma_start3A_121] : memref<6272x512xi32, #tpu.memory_space<hbm>> -> memref<1x512xi32, #tpu.memory_space<hbm>>
        %dma_start3A_123 = tpu.memref_squeeze %dma_start3A_122 : memref<1x512xi32, #tpu.memory_space<hbm>> -> memref<512xi32, #tpu.memory_space<hbm>>
        %dma_start3A_124 = arith.constant 0 : i32
        %dma_start3A_125 = tpu.memref_slice %arg8[%run_scoped3A_16, %dma_start3A_124] : memref<2x512xi32, #tpu.memory_space<vmem>> -> memref<1x512xi32, #tpu.memory_space<vmem>>
        %dma_start3A_126 = tpu.memref_squeeze %dma_start3A_125 : memref<1x512xi32, #tpu.memory_space<vmem>> -> memref<512xi32, #tpu.memory_space<vmem>>
        %dma_start3A_127 = arith.constant 0 : i32
        %dma_start3A_128 = tpu.memref_slice %arg4[%add3A_15, %dma_start3A_127] : memref<6272x512xi32, #tpu.memory_space<hbm>> -> memref<1x512xi32, #tpu.memory_space<hbm>>
        %dma_start3A_129 = tpu.memref_squeeze %dma_start3A_128 : memref<1x512xi32, #tpu.memory_space<hbm>> -> memref<512xi32, #tpu.memory_space<hbm>>
        tpu.enqueue_dma source(%dma_start3A_129 : memref<512xi32, #tpu.memory_space<hbm>>) target(%dma_start3A_126 : memref<512xi32, #tpu.memory_space<vmem>>) target_semaphore(%run_scoped3A_117 : memref<!tpu.dma_semaphore, #tpu.memory_space<semaphore_mem>>)
        %dma_wait3A_130 = arith.constant 0 : i32
        %dma_wait3A_131 = tpu.memref_slice %arg8[%run_scoped3A_16, %dma_wait3A_130] : memref<2x512xi32, #tpu.memory_space<vmem>> -> memref<1x512xi32, #tpu.memory_space<vmem>>
        %dma_wait3A_132 = tpu.memref_squeeze %dma_wait3A_131 : memref<1x512xi32, #tpu.memory_space<vmem>> -> memref<512xi32, #tpu.memory_space<vmem>>
        %dma_wait3A_133 = arith.constant 0 : i32
        %dma_wait3A_134 = tpu.memref_slice %arg4[%add3A_15, %dma_wait3A_133] : memref<6272x512xi32, #tpu.memory_space<hbm>> -> memref<1x512xi32, #tpu.memory_space<hbm>>
        %dma_wait3A_135 = tpu.memref_squeeze %dma_wait3A_134 : memref<1x512xi32, #tpu.memory_space<hbm>> -> memref<512xi32, #tpu.memory_space<hbm>>
        %dma_wait3A_136 = arith.constant 0 : i32
        %dma_wait3A_137 = tpu.memref_slice %arg8[%run_scoped3A_16, %dma_wait3A_136] : memref<2x512xi32, #tpu.memory_space<vmem>> -> memref<1x512xi32, #tpu.memory_space<vmem>>
        %dma_wait3A_138 = tpu.memref_squeeze %dma_wait3A_137 : memref<1x512xi32, #tpu.memory_space<vmem>> -> memref<512xi32, #tpu.memory_space<vmem>>
        %dma_wait3A_139 = arith.constant 0 : i32
        %dma_wait3A_140 = tpu.memref_slice %arg4[%add3A_15, %dma_wait3A_139] : memref<6272x512xi32, #tpu.memory_space<hbm>> -> memref<1x512xi32, #tpu.memory_space<hbm>>
        %dma_wait3A_141 = tpu.memref_squeeze %dma_wait3A_140 : memref<1x512xi32, #tpu.memory_space<hbm>> -> memref<512xi32, #tpu.memory_space<hbm>>
        tpu.wait_dma2 semaphore(%run_scoped3A_117 : memref<!tpu.dma_semaphore, #tpu.memory_space<semaphore_mem>>) src(%dma_wait3A_141 : memref<512xi32, #tpu.memory_space<hbm>>) dst(%dma_wait3A_138 : memref<512xi32, #tpu.memory_space<vmem>>)
        tpu.yield
      }) : () -> ()
      %dma_start3A = arith.constant 0 : i32
      %dma_start3A_17 = arith.constant 0 : i32
      %dma_start3A_18 = arith.constant 0 : i32
      %dma_start3A_19 = arith.constant 0 : i32
      %dma_start3A_20 = tpu.memref_slice %arg9[%dma_start3A_17, %dma_start3A_18, %dma_start3A_19] : memref<2x512x16xf32, #tpu.memory_space<vmem>> -> memref<1x512x16xf32, #tpu.memory_space<vmem>>
      %dma_start3A_21 = tpu.memref_squeeze %dma_start3A_20 : memref<1x512x16xf32, #tpu.memory_space<vmem>> -> memref<512x16xf32, #tpu.memory_space<vmem>>
      %dma_start3A_22 = arith.constant 0 : i32
      %dma_start3A_23 = tpu.memref_slice %arg7[%dma_start3A, %dma_start3A_22] : memref<2x512xi32, #tpu.memory_space<vmem>> -> memref<1x512xi32, #tpu.memory_space<vmem>>
      %dma_start3A_24 = tpu.memref_squeeze %dma_start3A_23 : memref<1x512xi32, #tpu.memory_space<vmem>> -> memref<512xi32, #tpu.memory_space<vmem>>
      %dma_start3A_25 = arith.constant 0 : i32
      %dma_start3A_26 = arith.constant 0 : i32
      %dma_start3A_27 = tpu.memref_slice %arg2[%dma_start3A_25, %dma_start3A_26] : memref<102400x16xf32, #tpu.memory_space<hbm>> -> memref<102400x16xf32, #tpu.memory_space<hbm>>
      tpu.enqueue_indirect_dma source(%dma_start3A_27 : memref<102400x16xf32, #tpu.memory_space<hbm>>) target(%dma_start3A_21 : memref<512x16xf32, #tpu.memory_space<vmem>>) offsets(%dma_start3A_24 : memref<512xi32, #tpu.memory_space<vmem>>) semaphore(%arg11 : memref<!tpu.dma_semaphore, #tpu.memory_space<semaphore_mem>>)
      %add3A_28 = arith.constant 1 : i32
      %add3A_29 = arith.addi %add3A_15, %add3A_28 : i32
      %run_scoped3A_30 = arith.constant 1 : i32
      "tpu.region"() ({
        %run_scoped3A_117 = tpu.sem_alloc : memref<!tpu.dma_semaphore, #tpu.memory_space<semaphore_mem>>
        %dma_start3A_118 = arith.constant 0 : i32
        %dma_start3A_119 = tpu.memref_slice %arg7[%run_scoped3A_30, %dma_start3A_118] : memref<2x512xi32, #tpu.memory_space<vmem>> -> memref<1x512xi32, #tpu.memory_space<vmem>>
        %dma_start3A_120 = tpu.memref_squeeze %dma_start3A_119 : memref<1x512xi32, #tpu.memory_space<vmem>> -> memref<512xi32, #tpu.memory_space<vmem>>
        %dma_start3A_121 = arith.constant 0 : i32
        %dma_start3A_122 = tpu.memref_slice %arg3[%add3A_29, %dma_start3A_121] : memref<6272x512xi32, #tpu.memory_space<hbm>> -> memref<1x512xi32, #tpu.memory_space<hbm>>
        %dma_start3A_123 = tpu.memref_squeeze %dma_start3A_122 : memref<1x512xi32, #tpu.memory_space<hbm>> -> memref<512xi32, #tpu.memory_space<hbm>>
        %dma_start3A_124 = arith.constant 0 : i32
        %dma_start3A_125 = tpu.memref_slice %arg7[%run_scoped3A_30, %dma_start3A_124] : memref<2x512xi32, #tpu.memory_space<vmem>> -> memref<1x512xi32, #tpu.memory_space<vmem>>
        %dma_start3A_126 = tpu.memref_squeeze %dma_start3A_125 : memref<1x512xi32, #tpu.memory_space<vmem>> -> memref<512xi32, #tpu.memory_space<vmem>>
        %dma_start3A_127 = arith.constant 0 : i32
        %dma_start3A_128 = tpu.memref_slice %arg3[%add3A_29, %dma_start3A_127] : memref<6272x512xi32, #tpu.memory_space<hbm>> -> memref<1x512xi32, #tpu.memory_space<hbm>>
        %dma_start3A_129 = tpu.memref_squeeze %dma_start3A_128 : memref<1x512xi32, #tpu.memory_space<hbm>> -> memref<512xi32, #tpu.memory_space<hbm>>
        tpu.enqueue_dma source(%dma_start3A_129 : memref<512xi32, #tpu.memory_space<hbm>>) target(%dma_start3A_126 : memref<512xi32, #tpu.memory_space<vmem>>) target_semaphore(%run_scoped3A_117 : memref<!tpu.dma_semaphore, #tpu.memory_space<semaphore_mem>>)
        %dma_wait3A_130 = arith.constant 0 : i32
        %dma_wait3A_131 = tpu.memref_slice %arg7[%run_scoped3A_30, %dma_wait3A_130] : memref<2x512xi32, #tpu.memory_space<vmem>> -> memref<1x512xi32, #tpu.memory_space<vmem>>
        %dma_wait3A_132 = tpu.memref_squeeze %dma_wait3A_131 : memref<1x512xi32, #tpu.memory_space<vmem>> -> memref<512xi32, #tpu.memory_space<vmem>>
        %dma_wait3A_133 = arith.constant 0 : i32
        %dma_wait3A_134 = tpu.memref_slice %arg3[%add3A_29, %dma_wait3A_133] : memref<6272x512xi32, #tpu.memory_space<hbm>> -> memref<1x512xi32, #tpu.memory_space<hbm>>
        %dma_wait3A_135 = tpu.memref_squeeze %dma_wait3A_134 : memref<1x512xi32, #tpu.memory_space<hbm>> -> memref<512xi32, #tpu.memory_space<hbm>>
        %dma_wait3A_136 = arith.constant 0 : i32
        %dma_wait3A_137 = tpu.memref_slice %arg7[%run_scoped3A_30, %dma_wait3A_136] : memref<2x512xi32, #tpu.memory_space<vmem>> -> memref<1x512xi32, #tpu.memory_space<vmem>>
        %dma_wait3A_138 = tpu.memref_squeeze %dma_wait3A_137 : memref<1x512xi32, #tpu.memory_space<vmem>> -> memref<512xi32, #tpu.memory_space<vmem>>
        %dma_wait3A_139 = arith.constant 0 : i32
        %dma_wait3A_140 = tpu.memref_slice %arg3[%add3A_29, %dma_wait3A_139] : memref<6272x512xi32, #tpu.memory_space<hbm>> -> memref<1x512xi32, #tpu.memory_space<hbm>>
        %dma_wait3A_141 = tpu.memref_squeeze %dma_wait3A_140 : memref<1x512xi32, #tpu.memory_space<hbm>> -> memref<512xi32, #tpu.memory_space<hbm>>
        tpu.wait_dma2 semaphore(%run_scoped3A_117 : memref<!tpu.dma_semaphore, #tpu.memory_space<semaphore_mem>>) src(%dma_wait3A_141 : memref<512xi32, #tpu.memory_space<hbm>>) dst(%dma_wait3A_138 : memref<512xi32, #tpu.memory_space<vmem>>)
        tpu.yield
      }) : () -> ()
      %add3A_31 = arith.constant 1 : i32
      %add3A_32 = arith.addi %add3A_15, %add3A_31 : i32
      %run_scoped3A_33 = arith.constant 1 : i32
      "tpu.region"() ({
        %run_scoped3A_117 = tpu.sem_alloc : memref<!tpu.dma_semaphore, #tpu.memory_space<semaphore_mem>>
        %dma_start3A_118 = arith.constant 0 : i32
        %dma_start3A_119 = tpu.memref_slice %arg8[%run_scoped3A_33, %dma_start3A_118] : memref<2x512xi32, #tpu.memory_space<vmem>> -> memref<1x512xi32, #tpu.memory_space<vmem>>
        %dma_start3A_120 = tpu.memref_squeeze %dma_start3A_119 : memref<1x512xi32, #tpu.memory_space<vmem>> -> memref<512xi32, #tpu.memory_space<vmem>>
        %dma_start3A_121 = arith.constant 0 : i32
        %dma_start3A_122 = tpu.memref_slice %arg4[%add3A_32, %dma_start3A_121] : memref<6272x512xi32, #tpu.memory_space<hbm>> -> memref<1x512xi32, #tpu.memory_space<hbm>>
        %dma_start3A_123 = tpu.memref_squeeze %dma_start3A_122 : memref<1x512xi32, #tpu.memory_space<hbm>> -> memref<512xi32, #tpu.memory_space<hbm>>
        %dma_start3A_124 = arith.constant 0 : i32
        %dma_start3A_125 = tpu.memref_slice %arg8[%run_scoped3A_33, %dma_start3A_124] : memref<2x512xi32, #tpu.memory_space<vmem>> -> memref<1x512xi32, #tpu.memory_space<vmem>>
        %dma_start3A_126 = tpu.memref_squeeze %dma_start3A_125 : memref<1x512xi32, #tpu.memory_space<vmem>> -> memref<512xi32, #tpu.memory_space<vmem>>
        %dma_start3A_127 = arith.constant 0 : i32
        %dma_start3A_128 = tpu.memref_slice %arg4[%add3A_32, %dma_start3A_127] : memref<6272x512xi32, #tpu.memory_space<hbm>> -> memref<1x512xi32, #tpu.memory_space<hbm>>
        %dma_start3A_129 = tpu.memref_squeeze %dma_start3A_128 : memref<1x512xi32, #tpu.memory_space<hbm>> -> memref<512xi32, #tpu.memory_space<hbm>>
        tpu.enqueue_dma source(%dma_start3A_129 : memref<512xi32, #tpu.memory_space<hbm>>) target(%dma_start3A_126 : memref<512xi32, #tpu.memory_space<vmem>>) target_semaphore(%run_scoped3A_117 : memref<!tpu.dma_semaphore, #tpu.memory_space<semaphore_mem>>)
        %dma_wait3A_130 = arith.constant 0 : i32
        %dma_wait3A_131 = tpu.memref_slice %arg8[%run_scoped3A_33, %dma_wait3A_130] : memref<2x512xi32, #tpu.memory_space<vmem>> -> memref<1x512xi32, #tpu.memory_space<vmem>>
        %dma_wait3A_132 = tpu.memref_squeeze %dma_wait3A_131 : memref<1x512xi32, #tpu.memory_space<vmem>> -> memref<512xi32, #tpu.memory_space<vmem>>
        %dma_wait3A_133 = arith.constant 0 : i32
        %dma_wait3A_134 = tpu.memref_slice %arg4[%add3A_32, %dma_wait3A_133] : memref<6272x512xi32, #tpu.memory_space<hbm>> -> memref<1x512xi32, #tpu.memory_space<hbm>>
        %dma_wait3A_135 = tpu.memref_squeeze %dma_wait3A_134 : memref<1x512xi32, #tpu.memory_space<hbm>> -> memref<512xi32, #tpu.memory_space<hbm>>
        %dma_wait3A_136 = arith.constant 0 : i32
        %dma_wait3A_137 = tpu.memref_slice %arg8[%run_scoped3A_33, %dma_wait3A_136] : memref<2x512xi32, #tpu.memory_space<vmem>> -> memref<1x512xi32, #tpu.memory_space<vmem>>
        %dma_wait3A_138 = tpu.memref_squeeze %dma_wait3A_137 : memref<1x512xi32, #tpu.memory_space<vmem>> -> memref<512xi32, #tpu.memory_space<vmem>>
        %dma_wait3A_139 = arith.constant 0 : i32
        %dma_wait3A_140 = tpu.memref_slice %arg4[%add3A_32, %dma_wait3A_139] : memref<6272x512xi32, #tpu.memory_space<hbm>> -> memref<1x512xi32, #tpu.memory_space<hbm>>
        %dma_wait3A_141 = tpu.memref_squeeze %dma_wait3A_140 : memref<1x512xi32, #tpu.memory_space<hbm>> -> memref<512xi32, #tpu.memory_space<hbm>>
        tpu.wait_dma2 semaphore(%run_scoped3A_117 : memref<!tpu.dma_semaphore, #tpu.memory_space<semaphore_mem>>) src(%dma_wait3A_141 : memref<512xi32, #tpu.memory_space<hbm>>) dst(%dma_wait3A_138 : memref<512xi32, #tpu.memory_space<vmem>>)
        tpu.yield
      }) : () -> ()
      %dma_start3A_34 = arith.constant 1 : i32
      %dma_start3A_35 = arith.constant 1 : i32
      %dma_start3A_36 = arith.constant 0 : i32
      %dma_start3A_37 = arith.constant 0 : i32
      %dma_start3A_38 = tpu.memref_slice %arg9[%dma_start3A_35, %dma_start3A_36, %dma_start3A_37] : memref<2x512x16xf32, #tpu.memory_space<vmem>> -> memref<1x512x16xf32, #tpu.memory_space<vmem>>
      %dma_start3A_39 = tpu.memref_squeeze %dma_start3A_38 : memref<1x512x16xf32, #tpu.memory_space<vmem>> -> memref<512x16xf32, #tpu.memory_space<vmem>>
      %dma_start3A_40 = arith.constant 0 : i32
      %dma_start3A_41 = tpu.memref_slice %arg7[%dma_start3A_34, %dma_start3A_40] : memref<2x512xi32, #tpu.memory_space<vmem>> -> memref<1x512xi32, #tpu.memory_space<vmem>>
      %dma_start3A_42 = tpu.memref_squeeze %dma_start3A_41 : memref<1x512xi32, #tpu.memory_space<vmem>> -> memref<512xi32, #tpu.memory_space<vmem>>
      %dma_start3A_43 = arith.constant 0 : i32
      %dma_start3A_44 = arith.constant 0 : i32
      %dma_start3A_45 = tpu.memref_slice %arg2[%dma_start3A_43, %dma_start3A_44] : memref<102400x16xf32, #tpu.memory_space<hbm>> -> memref<102400x16xf32, #tpu.memory_space<hbm>>
      tpu.enqueue_indirect_dma source(%dma_start3A_45 : memref<102400x16xf32, #tpu.memory_space<hbm>>) target(%dma_start3A_39 : memref<512x16xf32, #tpu.memory_space<vmem>>) offsets(%dma_start3A_42 : memref<512xi32, #tpu.memory_space<vmem>>) semaphore(%arg11 : memref<!tpu.dma_semaphore, #tpu.memory_space<semaphore_mem>>)
      %dma_wait3A = arith.constant 0 : i32
      %dma_wait3A_46 = arith.constant 0 : i32
      %dma_wait3A_47 = arith.constant 0 : i32
      %dma_wait3A_48 = arith.constant 0 : i32
      %dma_wait3A_49 = tpu.memref_slice %arg9[%dma_wait3A_46, %dma_wait3A_47, %dma_wait3A_48] : memref<2x512x16xf32, #tpu.memory_space<vmem>> -> memref<1x512x16xf32, #tpu.memory_space<vmem>>
      %dma_wait3A_50 = tpu.memref_squeeze %dma_wait3A_49 : memref<1x512x16xf32, #tpu.memory_space<vmem>> -> memref<512x16xf32, #tpu.memory_space<vmem>>
      %dma_wait3A_51 = arith.constant 0 : i32
      %dma_wait3A_52 = tpu.memref_slice %arg7[%dma_wait3A, %dma_wait3A_51] : memref<2x512xi32, #tpu.memory_space<vmem>> -> memref<1x512xi32, #tpu.memory_space<vmem>>
      %dma_wait3A_53 = tpu.memref_squeeze %dma_wait3A_52 : memref<1x512xi32, #tpu.memory_space<vmem>> -> memref<512xi32, #tpu.memory_space<vmem>>
      %dma_wait3A_54 = arith.constant 0 : i32
      %dma_wait3A_55 = arith.constant 0 : i32
      %dma_wait3A_56 = tpu.memref_slice %arg2[%dma_wait3A_54, %dma_wait3A_55] : memref<102400x16xf32, #tpu.memory_space<hbm>> -> memref<102400x16xf32, #tpu.memory_space<hbm>>
      tpu.wait_indirect_dma semaphore(%arg11 : memref<!tpu.dma_semaphore, #tpu.memory_space<semaphore_mem>>) src(%dma_wait3A_56 : memref<102400x16xf32, #tpu.memory_space<hbm>>) dst(%dma_wait3A_50 : memref<512x16xf32, #tpu.memory_space<vmem>>)
      %dma_start3A_57 = arith.constant 0 : i32
      %dma_start3A_58 = arith.constant 0 : i32
      %dma_start3A_59 = arith.constant 0 : i32
      %dma_start3A_60 = arith.constant 0 : i32
      %dma_start3A_61 = tpu.memref_slice %arg9[%dma_start3A_57, %dma_start3A_59, %dma_start3A_60] : memref<2x512x16xf32, #tpu.memory_space<vmem>> -> memref<1x512x16xf32, #tpu.memory_space<vmem>>
      %dma_start3A_62 = tpu.memref_squeeze %dma_start3A_61 : memref<1x512x16xf32, #tpu.memory_space<vmem>> -> memref<512x16xf32, #tpu.memory_space<vmem>>
      %dma_start3A_63 = arith.constant 0 : i32
      %dma_start3A_64 = tpu.memref_slice %arg8[%dma_start3A_58, %dma_start3A_63] : memref<2x512xi32, #tpu.memory_space<vmem>> -> memref<1x512xi32, #tpu.memory_space<vmem>>
      %dma_start3A_65 = tpu.memref_squeeze %dma_start3A_64 : memref<1x512xi32, #tpu.memory_space<vmem>> -> memref<512xi32, #tpu.memory_space<vmem>>
      %dma_start3A_66 = arith.constant 0 : i32
      %dma_start3A_67 = arith.constant 0 : i32
      %dma_start3A_68 = tpu.memref_slice %arg10[%dma_start3A_66, %dma_start3A_67] : memref<102400x16xf32, #tpu.memory_space<vmem_shared>> -> memref<102400x16xf32, #tpu.memory_space<vmem_shared>>
      tpu.enqueue_indirect_dma source(%dma_start3A_62 : memref<512x16xf32, #tpu.memory_space<vmem>>) target(%dma_start3A_68 : memref<102400x16xf32, #tpu.memory_space<vmem_shared>>) offsets(%dma_start3A_65 : memref<512xi32, #tpu.memory_space<vmem>>) semaphore(%arg12 : memref<!tpu.dma_semaphore, #tpu.memory_space<semaphore_mem>>) {add = true}
      %dma_wait3A_69 = arith.constant 1 : i32
      %dma_wait3A_70 = arith.constant 1 : i32
      %dma_wait3A_71 = arith.constant 0 : i32
      %dma_wait3A_72 = arith.constant 0 : i32
      %dma_wait3A_73 = tpu.memref_slice %arg9[%dma_wait3A_70, %dma_wait3A_71, %dma_wait3A_72] : memref<2x512x16xf32, #tpu.memory_space<vmem>> -> memref<1x512x16xf32, #tpu.memory_space<vmem>>
      %dma_wait3A_74 = tpu.memref_squeeze %dma_wait3A_73 : memref<1x512x16xf32, #tpu.memory_space<vmem>> -> memref<512x16xf32, #tpu.memory_space<vmem>>
      %dma_wait3A_75 = arith.constant 0 : i32
      %dma_wait3A_76 = tpu.memref_slice %arg7[%dma_wait3A_69, %dma_wait3A_75] : memref<2x512xi32, #tpu.memory_space<vmem>> -> memref<1x512xi32, #tpu.memory_space<vmem>>
      %dma_wait3A_77 = tpu.memref_squeeze %dma_wait3A_76 : memref<1x512xi32, #tpu.memory_space<vmem>> -> memref<512xi32, #tpu.memory_space<vmem>>
      %dma_wait3A_78 = arith.constant 0 : i32
      %dma_wait3A_79 = arith.constant 0 : i32
      %dma_wait3A_80 = tpu.memref_slice %arg2[%dma_wait3A_78, %dma_wait3A_79] : memref<102400x16xf32, #tpu.memory_space<hbm>> -> memref<102400x16xf32, #tpu.memory_space<hbm>>
      tpu.wait_indirect_dma semaphore(%arg11 : memref<!tpu.dma_semaphore, #tpu.memory_space<semaphore_mem>>) src(%dma_wait3A_80 : memref<102400x16xf32, #tpu.memory_space<hbm>>) dst(%dma_wait3A_74 : memref<512x16xf32, #tpu.memory_space<vmem>>)
      %dma_start3A_81 = arith.constant 1 : i32
      %dma_start3A_82 = arith.constant 1 : i32
      %dma_start3A_83 = arith.constant 0 : i32
      %dma_start3A_84 = arith.constant 0 : i32
      %dma_start3A_85 = tpu.memref_slice %arg9[%dma_start3A_81, %dma_start3A_83, %dma_start3A_84] : memref<2x512x16xf32, #tpu.memory_space<vmem>> -> memref<1x512x16xf32, #tpu.memory_space<vmem>>
      %dma_start3A_86 = tpu.memref_squeeze %dma_start3A_85 : memref<1x512x16xf32, #tpu.memory_space<vmem>> -> memref<512x16xf32, #tpu.memory_space<vmem>>
      %dma_start3A_87 = arith.constant 0 : i32
      %dma_start3A_88 = tpu.memref_slice %arg8[%dma_start3A_82, %dma_start3A_87] : memref<2x512xi32, #tpu.memory_space<vmem>> -> memref<1x512xi32, #tpu.memory_space<vmem>>
      %dma_start3A_89 = tpu.memref_squeeze %dma_start3A_88 : memref<1x512xi32, #tpu.memory_space<vmem>> -> memref<512xi32, #tpu.memory_space<vmem>>
      %dma_start3A_90 = arith.constant 0 : i32
      %dma_start3A_91 = arith.constant 0 : i32
      %dma_start3A_92 = tpu.memref_slice %arg10[%dma_start3A_90, %dma_start3A_91] : memref<102400x16xf32, #tpu.memory_space<vmem_shared>> -> memref<102400x16xf32, #tpu.memory_space<vmem_shared>>
      tpu.enqueue_indirect_dma source(%dma_start3A_86 : memref<512x16xf32, #tpu.memory_space<vmem>>) target(%dma_start3A_92 : memref<102400x16xf32, #tpu.memory_space<vmem_shared>>) offsets(%dma_start3A_89 : memref<512xi32, #tpu.memory_space<vmem>>) semaphore(%arg12 : memref<!tpu.dma_semaphore, #tpu.memory_space<semaphore_mem>>) {add = true}
      %dma_wait3A_93 = arith.constant 0 : i32
      %dma_wait3A_94 = arith.constant 0 : i32
      %dma_wait3A_95 = arith.constant 0 : i32
      %dma_wait3A_96 = arith.constant 0 : i32
      %dma_wait3A_97 = tpu.memref_slice %arg9[%dma_wait3A_93, %dma_wait3A_95, %dma_wait3A_96] : memref<2x512x16xf32, #tpu.memory_space<vmem>> -> memref<1x512x16xf32, #tpu.memory_space<vmem>>
      %dma_wait3A_98 = tpu.memref_squeeze %dma_wait3A_97 : memref<1x512x16xf32, #tpu.memory_space<vmem>> -> memref<512x16xf32, #tpu.memory_space<vmem>>
      %dma_wait3A_99 = arith.constant 0 : i32
      %dma_wait3A_100 = tpu.memref_slice %arg8[%dma_wait3A_94, %dma_wait3A_99] : memref<2x512xi32, #tpu.memory_space<vmem>> -> memref<1x512xi32, #tpu.memory_space<vmem>>
      %dma_wait3A_101 = tpu.memref_squeeze %dma_wait3A_100 : memref<1x512xi32, #tpu.memory_space<vmem>> -> memref<512xi32, #tpu.memory_space<vmem>>
      %dma_wait3A_102 = arith.constant 0 : i32
      %dma_wait3A_103 = arith.constant 0 : i32
      %dma_wait3A_104 = tpu.memref_slice %arg10[%dma_wait3A_102, %dma_wait3A_103] : memref<102400x16xf32, #tpu.memory_space<vmem_shared>> -> memref<102400x16xf32, #tpu.memory_space<vmem_shared>>
      tpu.wait_indirect_dma semaphore(%arg12 : memref<!tpu.dma_semaphore, #tpu.memory_space<semaphore_mem>>) src(%dma_wait3A_98 : memref<512x16xf32, #tpu.memory_space<vmem>>) dst(%dma_wait3A_104 : memref<102400x16xf32, #tpu.memory_space<vmem_shared>>)
      %dma_wait3A_105 = arith.constant 1 : i32
      %dma_wait3A_106 = arith.constant 1 : i32
      %dma_wait3A_107 = arith.constant 0 : i32
      %dma_wait3A_108 = arith.constant 0 : i32
      %dma_wait3A_109 = tpu.memref_slice %arg9[%dma_wait3A_105, %dma_wait3A_107, %dma_wait3A_108] : memref<2x512x16xf32, #tpu.memory_space<vmem>> -> memref<1x512x16xf32, #tpu.memory_space<vmem>>
      %dma_wait3A_110 = tpu.memref_squeeze %dma_wait3A_109 : memref<1x512x16xf32, #tpu.memory_space<vmem>> -> memref<512x16xf32, #tpu.memory_space<vmem>>
      %dma_wait3A_111 = arith.constant 0 : i32
      %dma_wait3A_112 = tpu.memref_slice %arg8[%dma_wait3A_106, %dma_wait3A_111] : memref<2x512xi32, #tpu.memory_space<vmem>> -> memref<1x512xi32, #tpu.memory_space<vmem>>
      %dma_wait3A_113 = tpu.memref_squeeze %dma_wait3A_112 : memref<1x512xi32, #tpu.memory_space<vmem>> -> memref<512xi32, #tpu.memory_space<vmem>>
      %dma_wait3A_114 = arith.constant 0 : i32
      %dma_wait3A_115 = arith.constant 0 : i32
      %dma_wait3A_116 = tpu.memref_slice %arg10[%dma_wait3A_114, %dma_wait3A_115] : memref<102400x16xf32, #tpu.memory_space<vmem_shared>> -> memref<102400x16xf32, #tpu.memory_space<vmem_shared>>
      tpu.wait_indirect_dma semaphore(%arg12 : memref<!tpu.dma_semaphore, #tpu.memory_space<semaphore_mem>>) src(%dma_wait3A_110 : memref<512x16xf32, #tpu.memory_space<vmem>>) dst(%dma_wait3A_116 : memref<102400x16xf32, #tpu.memory_space<vmem_shared>>)
    }
    %scan3A_9 = arith.constant 98 : i32
    %barrier3A_10 = arith.constant 0 : index
    tpu.barrier barrier_id(%barrier3A_10)
    "tpu.region"() ({
      %run_scoped3A = tpu.sem_alloc : memref<!tpu.dma_semaphore, #tpu.memory_space<semaphore_mem>>
      %dma_start3A = arith.constant 0 : i32
      %dma_start3A_12 = tpu.memref_slice %arg6[%arg0, %mul3A_2, %dma_start3A] : memref<2x102400x16xf32, #tpu.memory_space<hbm>> -> memref<1x6400x16xf32, #tpu.memory_space<hbm>>
      %dma_start3A_13 = tpu.memref_squeeze %dma_start3A_12 : memref<1x6400x16xf32, #tpu.memory_space<hbm>> -> memref<6400x16xf32, #tpu.memory_space<hbm>>
      %dma_start3A_14 = arith.constant 0 : i32
      %dma_start3A_15 = tpu.memref_slice %arg10[%mul3A_2, %dma_start3A_14] : memref<102400x16xf32, #tpu.memory_space<vmem_shared>> -> memref<6400x16xf32, #tpu.memory_space<vmem_shared>>
      tpu.enqueue_dma source(%dma_start3A_15 : memref<6400x16xf32, #tpu.memory_space<vmem_shared>>) target(%dma_start3A_13 : memref<6400x16xf32, #tpu.memory_space<hbm>>) target_semaphore(%run_scoped3A : memref<!tpu.dma_semaphore, #tpu.memory_space<semaphore_mem>>)
      %dma_wait3A = arith.constant 0 : i32
      %dma_wait3A_16 = tpu.memref_slice %arg6[%arg0, %mul3A_2, %dma_wait3A] : memref<2x102400x16xf32, #tpu.memory_space<hbm>> -> memref<1x6400x16xf32, #tpu.memory_space<hbm>>
      %dma_wait3A_17 = tpu.memref_squeeze %dma_wait3A_16 : memref<1x6400x16xf32, #tpu.memory_space<hbm>> -> memref<6400x16xf32, #tpu.memory_space<hbm>>
      %dma_wait3A_18 = arith.constant 0 : i32
      %dma_wait3A_19 = tpu.memref_slice %arg10[%mul3A_2, %dma_wait3A_18] : memref<102400x16xf32, #tpu.memory_space<vmem_shared>> -> memref<6400x16xf32, #tpu.memory_space<vmem_shared>>
      tpu.wait_dma2 semaphore(%run_scoped3A : memref<!tpu.dma_semaphore, #tpu.memory_space<semaphore_mem>>) src(%dma_wait3A_19 : memref<6400x16xf32, #tpu.memory_space<vmem_shared>>) dst(%dma_wait3A_17 : memref<6400x16xf32, #tpu.memory_space<hbm>>)
      tpu.yield
    }) : () -> ()
    %barrier3A_11 = arith.constant 0 : index
    tpu.barrier barrier_id(%barrier3A_11)
    return
  }
}

#map = affine_map<(d0, d1) -> (0, 0, 0)>
#map1 = affine_map<(d0, d1) -> (0, 0)>
module attributes {stable_mosaic.version = 14 : i64} {
  func.func @_pool_body(%arg0: i32, %arg1: i32, %arg2: memref<4x102400x16xf32, #tpu.memory_space<hbm>>, %arg3: memref<800x128xi32, #tpu.memory_space<hbm>>, %arg4: memref<10240x16xf32, #tpu.memory_space<hbm>>, %arg5: memref<4x10240x16xf32, #tpu.memory_space<hbm>>, %arg6: memref<10x128xi32, #tpu.memory_space<vmem>>, %arg7: memref<1280x16xf32, #tpu.memory_space<vmem>>, %arg8: memref<10240x16xf32, #tpu.memory_space<vmem_shared>>, %arg9: memref<!tpu.dma_semaphore, #tpu.memory_space<semaphore_mem>>) attributes {dimension_semantics = [#tpu.dimension_semantics<core_parallel>, #tpu.dimension_semantics<subcore_parallel>], iteration_bounds = array<i64: 2, 16>, scalar_prefetch = 0 : i64, scratch_operands = 4 : i64, tpu.core_type = #tpu.core_type<sc_vector_subcore>, window_params = [{transform_indices = #map}, {transform_indices = #map1}, {transform_indices = #map1}, {transform_indices = #map}]} {
    %mul3A = arith.constant 640 : i32
    %mul3A_0 = arith.muli %arg1, %mul3A : i32
    %mul3A_1 = arith.constant 2 : i32
    %mul3A_2 = arith.muli %arg0, %mul3A_1 : i32
    %add3A = arith.constant 0 : i32
    %add3A_3 = arith.addi %mul3A_2, %add3A : i32
    "tpu.region"() ({
      %run_scoped3A = tpu.sem_alloc : memref<!tpu.dma_semaphore, #tpu.memory_space<semaphore_mem>>
      %dma_start3A = arith.constant 0 : i32
      %dma_start3A_24 = tpu.memref_slice %arg8[%mul3A_0, %dma_start3A] : memref<10240x16xf32, #tpu.memory_space<vmem_shared>> -> memref<640x16xf32, #tpu.memory_space<vmem_shared>>
      %dma_start3A_25 = arith.constant 0 : i32
      %dma_start3A_26 = tpu.memref_slice %arg4[%mul3A_0, %dma_start3A_25] : memref<10240x16xf32, #tpu.memory_space<hbm>> -> memref<640x16xf32, #tpu.memory_space<hbm>>
      tpu.enqueue_dma source(%dma_start3A_26 : memref<640x16xf32, #tpu.memory_space<hbm>>) target(%dma_start3A_24 : memref<640x16xf32, #tpu.memory_space<vmem_shared>>) target_semaphore(%run_scoped3A : memref<!tpu.dma_semaphore, #tpu.memory_space<semaphore_mem>>)
      %dma_wait3A = arith.constant 0 : i32
      %dma_wait3A_27 = tpu.memref_slice %arg8[%mul3A_0, %dma_wait3A] : memref<10240x16xf32, #tpu.memory_space<vmem_shared>> -> memref<640x16xf32, #tpu.memory_space<vmem_shared>>
      %dma_wait3A_28 = arith.constant 0 : i32
      %dma_wait3A_29 = tpu.memref_slice %arg4[%mul3A_0, %dma_wait3A_28] : memref<10240x16xf32, #tpu.memory_space<hbm>> -> memref<640x16xf32, #tpu.memory_space<hbm>>
      tpu.wait_dma2 semaphore(%run_scoped3A : memref<!tpu.dma_semaphore, #tpu.memory_space<semaphore_mem>>) src(%dma_wait3A_29 : memref<640x16xf32, #tpu.memory_space<hbm>>) dst(%dma_wait3A_27 : memref<640x16xf32, #tpu.memory_space<vmem_shared>>)
      tpu.yield
    }) : () -> ()
    %barrier3A = arith.constant 0 : index
    tpu.barrier barrier_id(%barrier3A)
    %scan3A = arith.constant 0 : i32
    %scan3A_4 = arith.constant 0 : i32
    %scan3A_5 = arith.constant 5 : i32
    %scan3A_6 = arith.addi %scan3A_4, %scan3A_5 : i32
    %scan3A_7 = arith.constant 1 : i32
    scf.for %scan3A_24 = %scan3A_4 to %scan3A_6 step %scan3A_7  : i32 {
      %mul3A_25 = arith.constant 50 : i32
      %mul3A_26 = arith.muli %arg1, %mul3A_25 : i32
      %mul3A_27 = arith.constant 10 : i32
      %mul3A_28 = arith.muli %scan3A_24, %mul3A_27 : i32
      %add3A_29 = arith.addi %mul3A_26, %mul3A_28 : i32
      %mul3A_30 = arith.constant 128 : i32
      %mul3A_31 = arith.muli %add3A_29, %mul3A_30 : i32
      "tpu.region"() ({
        %run_scoped3A = tpu.sem_alloc : memref<!tpu.dma_semaphore, #tpu.memory_space<semaphore_mem>>
        %dma_start3A_230 = arith.constant 0 : i32
        %dma_start3A_231 = tpu.memref_slice %arg2[%add3A_3, %mul3A_31, %dma_start3A_230] : memref<4x102400x16xf32, #tpu.memory_space<hbm>> -> memref<1x1280x16xf32, #tpu.memory_space<hbm>>
        %dma_start3A_232 = tpu.memref_squeeze %dma_start3A_231 : memref<1x1280x16xf32, #tpu.memory_space<hbm>> -> memref<1280x16xf32, #tpu.memory_space<hbm>>
        %dma_start3A_233 = arith.constant 0 : i32
        %dma_start3A_234 = tpu.memref_slice %arg2[%add3A_3, %mul3A_31, %dma_start3A_233] : memref<4x102400x16xf32, #tpu.memory_space<hbm>> -> memref<1x1280x16xf32, #tpu.memory_space<hbm>>
        %dma_start3A_235 = tpu.memref_squeeze %dma_start3A_234 : memref<1x1280x16xf32, #tpu.memory_space<hbm>> -> memref<1280x16xf32, #tpu.memory_space<hbm>>
        tpu.enqueue_dma source(%dma_start3A_235 : memref<1280x16xf32, #tpu.memory_space<hbm>>) target(%arg7 : memref<1280x16xf32, #tpu.memory_space<vmem>>) target_semaphore(%run_scoped3A : memref<!tpu.dma_semaphore, #tpu.memory_space<semaphore_mem>>)
        %dma_wait3A_236 = arith.constant 0 : i32
        %dma_wait3A_237 = tpu.memref_slice %arg2[%add3A_3, %mul3A_31, %dma_wait3A_236] : memref<4x102400x16xf32, #tpu.memory_space<hbm>> -> memref<1x1280x16xf32, #tpu.memory_space<hbm>>
        %dma_wait3A_238 = tpu.memref_squeeze %dma_wait3A_237 : memref<1x1280x16xf32, #tpu.memory_space<hbm>> -> memref<1280x16xf32, #tpu.memory_space<hbm>>
        %dma_wait3A_239 = arith.constant 0 : i32
        %dma_wait3A_240 = tpu.memref_slice %arg2[%add3A_3, %mul3A_31, %dma_wait3A_239] : memref<4x102400x16xf32, #tpu.memory_space<hbm>> -> memref<1x1280x16xf32, #tpu.memory_space<hbm>>
        %dma_wait3A_241 = tpu.memref_squeeze %dma_wait3A_240 : memref<1x1280x16xf32, #tpu.memory_space<hbm>> -> memref<1280x16xf32, #tpu.memory_space<hbm>>
        tpu.wait_dma2 semaphore(%run_scoped3A : memref<!tpu.dma_semaphore, #tpu.memory_space<semaphore_mem>>) src(%dma_wait3A_241 : memref<1280x16xf32, #tpu.memory_space<hbm>>) dst(%arg7 : memref<1280x16xf32, #tpu.memory_space<vmem>>)
        tpu.yield
      }) : () -> ()
      "tpu.region"() ({
        %run_scoped3A = tpu.sem_alloc : memref<!tpu.dma_semaphore, #tpu.memory_space<semaphore_mem>>
        %dma_start3A_230 = arith.constant 0 : i32
        %dma_start3A_231 = tpu.memref_slice %arg3[%add3A_29, %dma_start3A_230] : memref<800x128xi32, #tpu.memory_space<hbm>> -> memref<10x128xi32, #tpu.memory_space<hbm>>
        %dma_start3A_232 = arith.constant 0 : i32
        %dma_start3A_233 = tpu.memref_slice %arg3[%add3A_29, %dma_start3A_232] : memref<800x128xi32, #tpu.memory_space<hbm>> -> memref<10x128xi32, #tpu.memory_space<hbm>>
        tpu.enqueue_dma source(%dma_start3A_233 : memref<10x128xi32, #tpu.memory_space<hbm>>) target(%arg6 : memref<10x128xi32, #tpu.memory_space<vmem>>) target_semaphore(%run_scoped3A : memref<!tpu.dma_semaphore, #tpu.memory_space<semaphore_mem>>)
        %dma_wait3A_234 = arith.constant 0 : i32
        %dma_wait3A_235 = tpu.memref_slice %arg3[%add3A_29, %dma_wait3A_234] : memref<800x128xi32, #tpu.memory_space<hbm>> -> memref<10x128xi32, #tpu.memory_space<hbm>>
        %dma_wait3A_236 = arith.constant 0 : i32
        %dma_wait3A_237 = tpu.memref_slice %arg3[%add3A_29, %dma_wait3A_236] : memref<800x128xi32, #tpu.memory_space<hbm>> -> memref<10x128xi32, #tpu.memory_space<hbm>>
        tpu.wait_dma2 semaphore(%run_scoped3A : memref<!tpu.dma_semaphore, #tpu.memory_space<semaphore_mem>>) src(%dma_wait3A_237 : memref<10x128xi32, #tpu.memory_space<hbm>>) dst(%arg6 : memref<10x128xi32, #tpu.memory_space<vmem>>)
        tpu.yield
      }) : () -> ()
      %dma_start3A = arith.constant 0 : i32
      %dma_start3A_32 = arith.constant 0 : i32
      %dma_start3A_33 = arith.constant 0 : i32
      %dma_start3A_34 = tpu.memref_slice %arg7[%dma_start3A_32, %dma_start3A_33] : memref<1280x16xf32, #tpu.memory_space<vmem>> -> memref<128x16xf32, #tpu.memory_space<vmem>>
      %dma_start3A_35 = arith.constant 0 : i32
      %dma_start3A_36 = tpu.memref_slice %arg6[%dma_start3A, %dma_start3A_35] : memref<10x128xi32, #tpu.memory_space<vmem>> -> memref<1x128xi32, #tpu.memory_space<vmem>>
      %dma_start3A_37 = tpu.memref_squeeze %dma_start3A_36 : memref<1x128xi32, #tpu.memory_space<vmem>> -> memref<128xi32, #tpu.memory_space<vmem>>
      %dma_start3A_38 = arith.constant 0 : i32
      %dma_start3A_39 = arith.constant 0 : i32
      %dma_start3A_40 = tpu.memref_slice %arg8[%dma_start3A_38, %dma_start3A_39] : memref<10240x16xf32, #tpu.memory_space<vmem_shared>> -> memref<10240x16xf32, #tpu.memory_space<vmem_shared>>
      tpu.enqueue_indirect_dma source(%dma_start3A_34 : memref<128x16xf32, #tpu.memory_space<vmem>>) target(%dma_start3A_40 : memref<10240x16xf32, #tpu.memory_space<vmem_shared>>) offsets(%dma_start3A_37 : memref<128xi32, #tpu.memory_space<vmem>>) semaphore(%arg9 : memref<!tpu.dma_semaphore, #tpu.memory_space<semaphore_mem>>) {add = true}
      %dma_start3A_41 = arith.constant 1 : i32
      %dma_start3A_42 = arith.constant 128 : i32
      %dma_start3A_43 = arith.constant 0 : i32
      %dma_start3A_44 = tpu.memref_slice %arg7[%dma_start3A_42, %dma_start3A_43] : memref<1280x16xf32, #tpu.memory_space<vmem>> -> memref<128x16xf32, #tpu.memory_space<vmem>>
      %dma_start3A_45 = arith.constant 0 : i32
      %dma_start3A_46 = tpu.memref_slice %arg6[%dma_start3A_41, %dma_start3A_45] : memref<10x128xi32, #tpu.memory_space<vmem>> -> memref<1x128xi32, #tpu.memory_space<vmem>>
      %dma_start3A_47 = tpu.memref_squeeze %dma_start3A_46 : memref<1x128xi32, #tpu.memory_space<vmem>> -> memref<128xi32, #tpu.memory_space<vmem>>
      %dma_start3A_48 = arith.constant 0 : i32
      %dma_start3A_49 = arith.constant 0 : i32
      %dma_start3A_50 = tpu.memref_slice %arg8[%dma_start3A_48, %dma_start3A_49] : memref<10240x16xf32, #tpu.memory_space<vmem_shared>> -> memref<10240x16xf32, #tpu.memory_space<vmem_shared>>
      tpu.enqueue_indirect_dma source(%dma_start3A_44 : memref<128x16xf32, #tpu.memory_space<vmem>>) target(%dma_start3A_50 : memref<10240x16xf32, #tpu.memory_space<vmem_shared>>) offsets(%dma_start3A_47 : memref<128xi32, #tpu.memory_space<vmem>>) semaphore(%arg9 : memref<!tpu.dma_semaphore, #tpu.memory_space<semaphore_mem>>) {add = true}
      %dma_start3A_51 = arith.constant 2 : i32
      %dma_start3A_52 = arith.constant 256 : i32
      %dma_start3A_53 = arith.constant 0 : i32
      %dma_start3A_54 = tpu.memref_slice %arg7[%dma_start3A_52, %dma_start3A_53] : memref<1280x16xf32, #tpu.memory_space<vmem>> -> memref<128x16xf32, #tpu.memory_space<vmem>>
      %dma_start3A_55 = arith.constant 0 : i32
      %dma_start3A_56 = tpu.memref_slice %arg6[%dma_start3A_51, %dma_start3A_55] : memref<10x128xi32, #tpu.memory_space<vmem>> -> memref<1x128xi32, #tpu.memory_space<vmem>>
      %dma_start3A_57 = tpu.memref_squeeze %dma_start3A_56 : memref<1x128xi32, #tpu.memory_space<vmem>> -> memref<128xi32, #tpu.memory_space<vmem>>
      %dma_start3A_58 = arith.constant 0 : i32
      %dma_start3A_59 = arith.constant 0 : i32
      %dma_start3A_60 = tpu.memref_slice %arg8[%dma_start3A_58, %dma_start3A_59] : memref<10240x16xf32, #tpu.memory_space<vmem_shared>> -> memref<10240x16xf32, #tpu.memory_space<vmem_shared>>
      tpu.enqueue_indirect_dma source(%dma_start3A_54 : memref<128x16xf32, #tpu.memory_space<vmem>>) target(%dma_start3A_60 : memref<10240x16xf32, #tpu.memory_space<vmem_shared>>) offsets(%dma_start3A_57 : memref<128xi32, #tpu.memory_space<vmem>>) semaphore(%arg9 : memref<!tpu.dma_semaphore, #tpu.memory_space<semaphore_mem>>) {add = true}
      %dma_start3A_61 = arith.constant 3 : i32
      %dma_start3A_62 = arith.constant 384 : i32
      %dma_start3A_63 = arith.constant 0 : i32
      %dma_start3A_64 = tpu.memref_slice %arg7[%dma_start3A_62, %dma_start3A_63] : memref<1280x16xf32, #tpu.memory_space<vmem>> -> memref<128x16xf32, #tpu.memory_space<vmem>>
      %dma_start3A_65 = arith.constant 0 : i32
      %dma_start3A_66 = tpu.memref_slice %arg6[%dma_start3A_61, %dma_start3A_65] : memref<10x128xi32, #tpu.memory_space<vmem>> -> memref<1x128xi32, #tpu.memory_space<vmem>>
      %dma_start3A_67 = tpu.memref_squeeze %dma_start3A_66 : memref<1x128xi32, #tpu.memory_space<vmem>> -> memref<128xi32, #tpu.memory_space<vmem>>
      %dma_start3A_68 = arith.constant 0 : i32
      %dma_start3A_69 = arith.constant 0 : i32
      %dma_start3A_70 = tpu.memref_slice %arg8[%dma_start3A_68, %dma_start3A_69] : memref<10240x16xf32, #tpu.memory_space<vmem_shared>> -> memref<10240x16xf32, #tpu.memory_space<vmem_shared>>
      tpu.enqueue_indirect_dma source(%dma_start3A_64 : memref<128x16xf32, #tpu.memory_space<vmem>>) target(%dma_start3A_70 : memref<10240x16xf32, #tpu.memory_space<vmem_shared>>) offsets(%dma_start3A_67 : memref<128xi32, #tpu.memory_space<vmem>>) semaphore(%arg9 : memref<!tpu.dma_semaphore, #tpu.memory_space<semaphore_mem>>) {add = true}
      %dma_start3A_71 = arith.constant 4 : i32
      %dma_start3A_72 = arith.constant 512 : i32
      %dma_start3A_73 = arith.constant 0 : i32
      %dma_start3A_74 = tpu.memref_slice %arg7[%dma_start3A_72, %dma_start3A_73] : memref<1280x16xf32, #tpu.memory_space<vmem>> -> memref<128x16xf32, #tpu.memory_space<vmem>>
      %dma_start3A_75 = arith.constant 0 : i32
      %dma_start3A_76 = tpu.memref_slice %arg6[%dma_start3A_71, %dma_start3A_75] : memref<10x128xi32, #tpu.memory_space<vmem>> -> memref<1x128xi32, #tpu.memory_space<vmem>>
      %dma_start3A_77 = tpu.memref_squeeze %dma_start3A_76 : memref<1x128xi32, #tpu.memory_space<vmem>> -> memref<128xi32, #tpu.memory_space<vmem>>
      %dma_start3A_78 = arith.constant 0 : i32
      %dma_start3A_79 = arith.constant 0 : i32
      %dma_start3A_80 = tpu.memref_slice %arg8[%dma_start3A_78, %dma_start3A_79] : memref<10240x16xf32, #tpu.memory_space<vmem_shared>> -> memref<10240x16xf32, #tpu.memory_space<vmem_shared>>
      tpu.enqueue_indirect_dma source(%dma_start3A_74 : memref<128x16xf32, #tpu.memory_space<vmem>>) target(%dma_start3A_80 : memref<10240x16xf32, #tpu.memory_space<vmem_shared>>) offsets(%dma_start3A_77 : memref<128xi32, #tpu.memory_space<vmem>>) semaphore(%arg9 : memref<!tpu.dma_semaphore, #tpu.memory_space<semaphore_mem>>) {add = true}
      %dma_start3A_81 = arith.constant 5 : i32
      %dma_start3A_82 = arith.constant 640 : i32
      %dma_start3A_83 = arith.constant 0 : i32
      %dma_start3A_84 = tpu.memref_slice %arg7[%dma_start3A_82, %dma_start3A_83] : memref<1280x16xf32, #tpu.memory_space<vmem>> -> memref<128x16xf32, #tpu.memory_space<vmem>>
      %dma_start3A_85 = arith.constant 0 : i32
      %dma_start3A_86 = tpu.memref_slice %arg6[%dma_start3A_81, %dma_start3A_85] : memref<10x128xi32, #tpu.memory_space<vmem>> -> memref<1x128xi32, #tpu.memory_space<vmem>>
      %dma_start3A_87 = tpu.memref_squeeze %dma_start3A_86 : memref<1x128xi32, #tpu.memory_space<vmem>> -> memref<128xi32, #tpu.memory_space<vmem>>
      %dma_start3A_88 = arith.constant 0 : i32
      %dma_start3A_89 = arith.constant 0 : i32
      %dma_start3A_90 = tpu.memref_slice %arg8[%dma_start3A_88, %dma_start3A_89] : memref<10240x16xf32, #tpu.memory_space<vmem_shared>> -> memref<10240x16xf32, #tpu.memory_space<vmem_shared>>
      tpu.enqueue_indirect_dma source(%dma_start3A_84 : memref<128x16xf32, #tpu.memory_space<vmem>>) target(%dma_start3A_90 : memref<10240x16xf32, #tpu.memory_space<vmem_shared>>) offsets(%dma_start3A_87 : memref<128xi32, #tpu.memory_space<vmem>>) semaphore(%arg9 : memref<!tpu.dma_semaphore, #tpu.memory_space<semaphore_mem>>) {add = true}
      %dma_start3A_91 = arith.constant 6 : i32
      %dma_start3A_92 = arith.constant 768 : i32
      %dma_start3A_93 = arith.constant 0 : i32
      %dma_start3A_94 = tpu.memref_slice %arg7[%dma_start3A_92, %dma_start3A_93] : memref<1280x16xf32, #tpu.memory_space<vmem>> -> memref<128x16xf32, #tpu.memory_space<vmem>>
      %dma_start3A_95 = arith.constant 0 : i32
      %dma_start3A_96 = tpu.memref_slice %arg6[%dma_start3A_91, %dma_start3A_95] : memref<10x128xi32, #tpu.memory_space<vmem>> -> memref<1x128xi32, #tpu.memory_space<vmem>>
      %dma_start3A_97 = tpu.memref_squeeze %dma_start3A_96 : memref<1x128xi32, #tpu.memory_space<vmem>> -> memref<128xi32, #tpu.memory_space<vmem>>
      %dma_start3A_98 = arith.constant 0 : i32
      %dma_start3A_99 = arith.constant 0 : i32
      %dma_start3A_100 = tpu.memref_slice %arg8[%dma_start3A_98, %dma_start3A_99] : memref<10240x16xf32, #tpu.memory_space<vmem_shared>> -> memref<10240x16xf32, #tpu.memory_space<vmem_shared>>
      tpu.enqueue_indirect_dma source(%dma_start3A_94 : memref<128x16xf32, #tpu.memory_space<vmem>>) target(%dma_start3A_100 : memref<10240x16xf32, #tpu.memory_space<vmem_shared>>) offsets(%dma_start3A_97 : memref<128xi32, #tpu.memory_space<vmem>>) semaphore(%arg9 : memref<!tpu.dma_semaphore, #tpu.memory_space<semaphore_mem>>) {add = true}
      %dma_start3A_101 = arith.constant 7 : i32
      %dma_start3A_102 = arith.constant 896 : i32
      %dma_start3A_103 = arith.constant 0 : i32
      %dma_start3A_104 = tpu.memref_slice %arg7[%dma_start3A_102, %dma_start3A_103] : memref<1280x16xf32, #tpu.memory_space<vmem>> -> memref<128x16xf32, #tpu.memory_space<vmem>>
      %dma_start3A_105 = arith.constant 0 : i32
      %dma_start3A_106 = tpu.memref_slice %arg6[%dma_start3A_101, %dma_start3A_105] : memref<10x128xi32, #tpu.memory_space<vmem>> -> memref<1x128xi32, #tpu.memory_space<vmem>>
      %dma_start3A_107 = tpu.memref_squeeze %dma_start3A_106 : memref<1x128xi32, #tpu.memory_space<vmem>> -> memref<128xi32, #tpu.memory_space<vmem>>
      %dma_start3A_108 = arith.constant 0 : i32
      %dma_start3A_109 = arith.constant 0 : i32
      %dma_start3A_110 = tpu.memref_slice %arg8[%dma_start3A_108, %dma_start3A_109] : memref<10240x16xf32, #tpu.memory_space<vmem_shared>> -> memref<10240x16xf32, #tpu.memory_space<vmem_shared>>
      tpu.enqueue_indirect_dma source(%dma_start3A_104 : memref<128x16xf32, #tpu.memory_space<vmem>>) target(%dma_start3A_110 : memref<10240x16xf32, #tpu.memory_space<vmem_shared>>) offsets(%dma_start3A_107 : memref<128xi32, #tpu.memory_space<vmem>>) semaphore(%arg9 : memref<!tpu.dma_semaphore, #tpu.memory_space<semaphore_mem>>) {add = true}
      %dma_start3A_111 = arith.constant 8 : i32
      %dma_start3A_112 = arith.constant 1024 : i32
      %dma_start3A_113 = arith.constant 0 : i32
      %dma_start3A_114 = tpu.memref_slice %arg7[%dma_start3A_112, %dma_start3A_113] : memref<1280x16xf32, #tpu.memory_space<vmem>> -> memref<128x16xf32, #tpu.memory_space<vmem>>
      %dma_start3A_115 = arith.constant 0 : i32
      %dma_start3A_116 = tpu.memref_slice %arg6[%dma_start3A_111, %dma_start3A_115] : memref<10x128xi32, #tpu.memory_space<vmem>> -> memref<1x128xi32, #tpu.memory_space<vmem>>
      %dma_start3A_117 = tpu.memref_squeeze %dma_start3A_116 : memref<1x128xi32, #tpu.memory_space<vmem>> -> memref<128xi32, #tpu.memory_space<vmem>>
      %dma_start3A_118 = arith.constant 0 : i32
      %dma_start3A_119 = arith.constant 0 : i32
      %dma_start3A_120 = tpu.memref_slice %arg8[%dma_start3A_118, %dma_start3A_119] : memref<10240x16xf32, #tpu.memory_space<vmem_shared>> -> memref<10240x16xf32, #tpu.memory_space<vmem_shared>>
      tpu.enqueue_indirect_dma source(%dma_start3A_114 : memref<128x16xf32, #tpu.memory_space<vmem>>) target(%dma_start3A_120 : memref<10240x16xf32, #tpu.memory_space<vmem_shared>>) offsets(%dma_start3A_117 : memref<128xi32, #tpu.memory_space<vmem>>) semaphore(%arg9 : memref<!tpu.dma_semaphore, #tpu.memory_space<semaphore_mem>>) {add = true}
      %dma_start3A_121 = arith.constant 9 : i32
      %dma_start3A_122 = arith.constant 1152 : i32
      %dma_start3A_123 = arith.constant 0 : i32
      %dma_start3A_124 = tpu.memref_slice %arg7[%dma_start3A_122, %dma_start3A_123] : memref<1280x16xf32, #tpu.memory_space<vmem>> -> memref<128x16xf32, #tpu.memory_space<vmem>>
      %dma_start3A_125 = arith.constant 0 : i32
      %dma_start3A_126 = tpu.memref_slice %arg6[%dma_start3A_121, %dma_start3A_125] : memref<10x128xi32, #tpu.memory_space<vmem>> -> memref<1x128xi32, #tpu.memory_space<vmem>>
      %dma_start3A_127 = tpu.memref_squeeze %dma_start3A_126 : memref<1x128xi32, #tpu.memory_space<vmem>> -> memref<128xi32, #tpu.memory_space<vmem>>
      %dma_start3A_128 = arith.constant 0 : i32
      %dma_start3A_129 = arith.constant 0 : i32
      %dma_start3A_130 = tpu.memref_slice %arg8[%dma_start3A_128, %dma_start3A_129] : memref<10240x16xf32, #tpu.memory_space<vmem_shared>> -> memref<10240x16xf32, #tpu.memory_space<vmem_shared>>
      tpu.enqueue_indirect_dma source(%dma_start3A_124 : memref<128x16xf32, #tpu.memory_space<vmem>>) target(%dma_start3A_130 : memref<10240x16xf32, #tpu.memory_space<vmem_shared>>) offsets(%dma_start3A_127 : memref<128xi32, #tpu.memory_space<vmem>>) semaphore(%arg9 : memref<!tpu.dma_semaphore, #tpu.memory_space<semaphore_mem>>) {add = true}
      %dma_wait3A = arith.constant 0 : i32
      %dma_wait3A_131 = arith.constant 0 : i32
      %dma_wait3A_132 = arith.constant 0 : i32
      %dma_wait3A_133 = tpu.memref_slice %arg7[%dma_wait3A_131, %dma_wait3A_132] : memref<1280x16xf32, #tpu.memory_space<vmem>> -> memref<128x16xf32, #tpu.memory_space<vmem>>
      %dma_wait3A_134 = arith.constant 0 : i32
      %dma_wait3A_135 = tpu.memref_slice %arg6[%dma_wait3A, %dma_wait3A_134] : memref<10x128xi32, #tpu.memory_space<vmem>> -> memref<1x128xi32, #tpu.memory_space<vmem>>
      %dma_wait3A_136 = tpu.memref_squeeze %dma_wait3A_135 : memref<1x128xi32, #tpu.memory_space<vmem>> -> memref<128xi32, #tpu.memory_space<vmem>>
      %dma_wait3A_137 = arith.constant 0 : i32
      %dma_wait3A_138 = arith.constant 0 : i32
      %dma_wait3A_139 = tpu.memref_slice %arg8[%dma_wait3A_137, %dma_wait3A_138] : memref<10240x16xf32, #tpu.memory_space<vmem_shared>> -> memref<10240x16xf32, #tpu.memory_space<vmem_shared>>
      tpu.wait_indirect_dma semaphore(%arg9 : memref<!tpu.dma_semaphore, #tpu.memory_space<semaphore_mem>>) src(%dma_wait3A_133 : memref<128x16xf32, #tpu.memory_space<vmem>>) dst(%dma_wait3A_139 : memref<10240x16xf32, #tpu.memory_space<vmem_shared>>)
      %dma_wait3A_140 = arith.constant 1 : i32
      %dma_wait3A_141 = arith.constant 128 : i32
      %dma_wait3A_142 = arith.constant 0 : i32
      %dma_wait3A_143 = tpu.memref_slice %arg7[%dma_wait3A_141, %dma_wait3A_142] : memref<1280x16xf32, #tpu.memory_space<vmem>> -> memref<128x16xf32, #tpu.memory_space<vmem>>
      %dma_wait3A_144 = arith.constant 0 : i32
      %dma_wait3A_145 = tpu.memref_slice %arg6[%dma_wait3A_140, %dma_wait3A_144] : memref<10x128xi32, #tpu.memory_space<vmem>> -> memref<1x128xi32, #tpu.memory_space<vmem>>
      %dma_wait3A_146 = tpu.memref_squeeze %dma_wait3A_145 : memref<1x128xi32, #tpu.memory_space<vmem>> -> memref<128xi32, #tpu.memory_space<vmem>>
      %dma_wait3A_147 = arith.constant 0 : i32
      %dma_wait3A_148 = arith.constant 0 : i32
      %dma_wait3A_149 = tpu.memref_slice %arg8[%dma_wait3A_147, %dma_wait3A_148] : memref<10240x16xf32, #tpu.memory_space<vmem_shared>> -> memref<10240x16xf32, #tpu.memory_space<vmem_shared>>
      tpu.wait_indirect_dma semaphore(%arg9 : memref<!tpu.dma_semaphore, #tpu.memory_space<semaphore_mem>>) src(%dma_wait3A_143 : memref<128x16xf32, #tpu.memory_space<vmem>>) dst(%dma_wait3A_149 : memref<10240x16xf32, #tpu.memory_space<vmem_shared>>)
      %dma_wait3A_150 = arith.constant 2 : i32
      %dma_wait3A_151 = arith.constant 256 : i32
      %dma_wait3A_152 = arith.constant 0 : i32
      %dma_wait3A_153 = tpu.memref_slice %arg7[%dma_wait3A_151, %dma_wait3A_152] : memref<1280x16xf32, #tpu.memory_space<vmem>> -> memref<128x16xf32, #tpu.memory_space<vmem>>
      %dma_wait3A_154 = arith.constant 0 : i32
      %dma_wait3A_155 = tpu.memref_slice %arg6[%dma_wait3A_150, %dma_wait3A_154] : memref<10x128xi32, #tpu.memory_space<vmem>> -> memref<1x128xi32, #tpu.memory_space<vmem>>
      %dma_wait3A_156 = tpu.memref_squeeze %dma_wait3A_155 : memref<1x128xi32, #tpu.memory_space<vmem>> -> memref<128xi32, #tpu.memory_space<vmem>>
      %dma_wait3A_157 = arith.constant 0 : i32
      %dma_wait3A_158 = arith.constant 0 : i32
      %dma_wait3A_159 = tpu.memref_slice %arg8[%dma_wait3A_157, %dma_wait3A_158] : memref<10240x16xf32, #tpu.memory_space<vmem_shared>> -> memref<10240x16xf32, #tpu.memory_space<vmem_shared>>
      tpu.wait_indirect_dma semaphore(%arg9 : memref<!tpu.dma_semaphore, #tpu.memory_space<semaphore_mem>>) src(%dma_wait3A_153 : memref<128x16xf32, #tpu.memory_space<vmem>>) dst(%dma_wait3A_159 : memref<10240x16xf32, #tpu.memory_space<vmem_shared>>)
      %dma_wait3A_160 = arith.constant 3 : i32
      %dma_wait3A_161 = arith.constant 384 : i32
      %dma_wait3A_162 = arith.constant 0 : i32
      %dma_wait3A_163 = tpu.memref_slice %arg7[%dma_wait3A_161, %dma_wait3A_162] : memref<1280x16xf32, #tpu.memory_space<vmem>> -> memref<128x16xf32, #tpu.memory_space<vmem>>
      %dma_wait3A_164 = arith.constant 0 : i32
      %dma_wait3A_165 = tpu.memref_slice %arg6[%dma_wait3A_160, %dma_wait3A_164] : memref<10x128xi32, #tpu.memory_space<vmem>> -> memref<1x128xi32, #tpu.memory_space<vmem>>
      %dma_wait3A_166 = tpu.memref_squeeze %dma_wait3A_165 : memref<1x128xi32, #tpu.memory_space<vmem>> -> memref<128xi32, #tpu.memory_space<vmem>>
      %dma_wait3A_167 = arith.constant 0 : i32
      %dma_wait3A_168 = arith.constant 0 : i32
      %dma_wait3A_169 = tpu.memref_slice %arg8[%dma_wait3A_167, %dma_wait3A_168] : memref<10240x16xf32, #tpu.memory_space<vmem_shared>> -> memref<10240x16xf32, #tpu.memory_space<vmem_shared>>
      tpu.wait_indirect_dma semaphore(%arg9 : memref<!tpu.dma_semaphore, #tpu.memory_space<semaphore_mem>>) src(%dma_wait3A_163 : memref<128x16xf32, #tpu.memory_space<vmem>>) dst(%dma_wait3A_169 : memref<10240x16xf32, #tpu.memory_space<vmem_shared>>)
      %dma_wait3A_170 = arith.constant 4 : i32
      %dma_wait3A_171 = arith.constant 512 : i32
      %dma_wait3A_172 = arith.constant 0 : i32
      %dma_wait3A_173 = tpu.memref_slice %arg7[%dma_wait3A_171, %dma_wait3A_172] : memref<1280x16xf32, #tpu.memory_space<vmem>> -> memref<128x16xf32, #tpu.memory_space<vmem>>
      %dma_wait3A_174 = arith.constant 0 : i32
      %dma_wait3A_175 = tpu.memref_slice %arg6[%dma_wait3A_170, %dma_wait3A_174] : memref<10x128xi32, #tpu.memory_space<vmem>> -> memref<1x128xi32, #tpu.memory_space<vmem>>
      %dma_wait3A_176 = tpu.memref_squeeze %dma_wait3A_175 : memref<1x128xi32, #tpu.memory_space<vmem>> -> memref<128xi32, #tpu.memory_space<vmem>>
      %dma_wait3A_177 = arith.constant 0 : i32
      %dma_wait3A_178 = arith.constant 0 : i32
      %dma_wait3A_179 = tpu.memref_slice %arg8[%dma_wait3A_177, %dma_wait3A_178] : memref<10240x16xf32, #tpu.memory_space<vmem_shared>> -> memref<10240x16xf32, #tpu.memory_space<vmem_shared>>
      tpu.wait_indirect_dma semaphore(%arg9 : memref<!tpu.dma_semaphore, #tpu.memory_space<semaphore_mem>>) src(%dma_wait3A_173 : memref<128x16xf32, #tpu.memory_space<vmem>>) dst(%dma_wait3A_179 : memref<10240x16xf32, #tpu.memory_space<vmem_shared>>)
      %dma_wait3A_180 = arith.constant 5 : i32
      %dma_wait3A_181 = arith.constant 640 : i32
      %dma_wait3A_182 = arith.constant 0 : i32
      %dma_wait3A_183 = tpu.memref_slice %arg7[%dma_wait3A_181, %dma_wait3A_182] : memref<1280x16xf32, #tpu.memory_space<vmem>> -> memref<128x16xf32, #tpu.memory_space<vmem>>
      %dma_wait3A_184 = arith.constant 0 : i32
      %dma_wait3A_185 = tpu.memref_slice %arg6[%dma_wait3A_180, %dma_wait3A_184] : memref<10x128xi32, #tpu.memory_space<vmem>> -> memref<1x128xi32, #tpu.memory_space<vmem>>
      %dma_wait3A_186 = tpu.memref_squeeze %dma_wait3A_185 : memref<1x128xi32, #tpu.memory_space<vmem>> -> memref<128xi32, #tpu.memory_space<vmem>>
      %dma_wait3A_187 = arith.constant 0 : i32
      %dma_wait3A_188 = arith.constant 0 : i32
      %dma_wait3A_189 = tpu.memref_slice %arg8[%dma_wait3A_187, %dma_wait3A_188] : memref<10240x16xf32, #tpu.memory_space<vmem_shared>> -> memref<10240x16xf32, #tpu.memory_space<vmem_shared>>
      tpu.wait_indirect_dma semaphore(%arg9 : memref<!tpu.dma_semaphore, #tpu.memory_space<semaphore_mem>>) src(%dma_wait3A_183 : memref<128x16xf32, #tpu.memory_space<vmem>>) dst(%dma_wait3A_189 : memref<10240x16xf32, #tpu.memory_space<vmem_shared>>)
      %dma_wait3A_190 = arith.constant 6 : i32
      %dma_wait3A_191 = arith.constant 768 : i32
      %dma_wait3A_192 = arith.constant 0 : i32
      %dma_wait3A_193 = tpu.memref_slice %arg7[%dma_wait3A_191, %dma_wait3A_192] : memref<1280x16xf32, #tpu.memory_space<vmem>> -> memref<128x16xf32, #tpu.memory_space<vmem>>
      %dma_wait3A_194 = arith.constant 0 : i32
      %dma_wait3A_195 = tpu.memref_slice %arg6[%dma_wait3A_190, %dma_wait3A_194] : memref<10x128xi32, #tpu.memory_space<vmem>> -> memref<1x128xi32, #tpu.memory_space<vmem>>
      %dma_wait3A_196 = tpu.memref_squeeze %dma_wait3A_195 : memref<1x128xi32, #tpu.memory_space<vmem>> -> memref<128xi32, #tpu.memory_space<vmem>>
      %dma_wait3A_197 = arith.constant 0 : i32
      %dma_wait3A_198 = arith.constant 0 : i32
      %dma_wait3A_199 = tpu.memref_slice %arg8[%dma_wait3A_197, %dma_wait3A_198] : memref<10240x16xf32, #tpu.memory_space<vmem_shared>> -> memref<10240x16xf32, #tpu.memory_space<vmem_shared>>
      tpu.wait_indirect_dma semaphore(%arg9 : memref<!tpu.dma_semaphore, #tpu.memory_space<semaphore_mem>>) src(%dma_wait3A_193 : memref<128x16xf32, #tpu.memory_space<vmem>>) dst(%dma_wait3A_199 : memref<10240x16xf32, #tpu.memory_space<vmem_shared>>)
      %dma_wait3A_200 = arith.constant 7 : i32
      %dma_wait3A_201 = arith.constant 896 : i32
      %dma_wait3A_202 = arith.constant 0 : i32
      %dma_wait3A_203 = tpu.memref_slice %arg7[%dma_wait3A_201, %dma_wait3A_202] : memref<1280x16xf32, #tpu.memory_space<vmem>> -> memref<128x16xf32, #tpu.memory_space<vmem>>
      %dma_wait3A_204 = arith.constant 0 : i32
      %dma_wait3A_205 = tpu.memref_slice %arg6[%dma_wait3A_200, %dma_wait3A_204] : memref<10x128xi32, #tpu.memory_space<vmem>> -> memref<1x128xi32, #tpu.memory_space<vmem>>
      %dma_wait3A_206 = tpu.memref_squeeze %dma_wait3A_205 : memref<1x128xi32, #tpu.memory_space<vmem>> -> memref<128xi32, #tpu.memory_space<vmem>>
      %dma_wait3A_207 = arith.constant 0 : i32
      %dma_wait3A_208 = arith.constant 0 : i32
      %dma_wait3A_209 = tpu.memref_slice %arg8[%dma_wait3A_207, %dma_wait3A_208] : memref<10240x16xf32, #tpu.memory_space<vmem_shared>> -> memref<10240x16xf32, #tpu.memory_space<vmem_shared>>
      tpu.wait_indirect_dma semaphore(%arg9 : memref<!tpu.dma_semaphore, #tpu.memory_space<semaphore_mem>>) src(%dma_wait3A_203 : memref<128x16xf32, #tpu.memory_space<vmem>>) dst(%dma_wait3A_209 : memref<10240x16xf32, #tpu.memory_space<vmem_shared>>)
      %dma_wait3A_210 = arith.constant 8 : i32
      %dma_wait3A_211 = arith.constant 1024 : i32
      %dma_wait3A_212 = arith.constant 0 : i32
      %dma_wait3A_213 = tpu.memref_slice %arg7[%dma_wait3A_211, %dma_wait3A_212] : memref<1280x16xf32, #tpu.memory_space<vmem>> -> memref<128x16xf32, #tpu.memory_space<vmem>>
      %dma_wait3A_214 = arith.constant 0 : i32
      %dma_wait3A_215 = tpu.memref_slice %arg6[%dma_wait3A_210, %dma_wait3A_214] : memref<10x128xi32, #tpu.memory_space<vmem>> -> memref<1x128xi32, #tpu.memory_space<vmem>>
      %dma_wait3A_216 = tpu.memref_squeeze %dma_wait3A_215 : memref<1x128xi32, #tpu.memory_space<vmem>> -> memref<128xi32, #tpu.memory_space<vmem>>
      %dma_wait3A_217 = arith.constant 0 : i32
      %dma_wait3A_218 = arith.constant 0 : i32
      %dma_wait3A_219 = tpu.memref_slice %arg8[%dma_wait3A_217, %dma_wait3A_218] : memref<10240x16xf32, #tpu.memory_space<vmem_shared>> -> memref<10240x16xf32, #tpu.memory_space<vmem_shared>>
      tpu.wait_indirect_dma semaphore(%arg9 : memref<!tpu.dma_semaphore, #tpu.memory_space<semaphore_mem>>) src(%dma_wait3A_213 : memref<128x16xf32, #tpu.memory_space<vmem>>) dst(%dma_wait3A_219 : memref<10240x16xf32, #tpu.memory_space<vmem_shared>>)
      %dma_wait3A_220 = arith.constant 9 : i32
      %dma_wait3A_221 = arith.constant 1152 : i32
      %dma_wait3A_222 = arith.constant 0 : i32
      %dma_wait3A_223 = tpu.memref_slice %arg7[%dma_wait3A_221, %dma_wait3A_222] : memref<1280x16xf32, #tpu.memory_space<vmem>> -> memref<128x16xf32, #tpu.memory_space<vmem>>
      %dma_wait3A_224 = arith.constant 0 : i32
      %dma_wait3A_225 = tpu.memref_slice %arg6[%dma_wait3A_220, %dma_wait3A_224] : memref<10x128xi32, #tpu.memory_space<vmem>> -> memref<1x128xi32, #tpu.memory_space<vmem>>
      %dma_wait3A_226 = tpu.memref_squeeze %dma_wait3A_225 : memref<1x128xi32, #tpu.memory_space<vmem>> -> memref<128xi32, #tpu.memory_space<vmem>>
      %dma_wait3A_227 = arith.constant 0 : i32
      %dma_wait3A_228 = arith.constant 0 : i32
      %dma_wait3A_229 = tpu.memref_slice %arg8[%dma_wait3A_227, %dma_wait3A_228] : memref<10240x16xf32, #tpu.memory_space<vmem_shared>> -> memref<10240x16xf32, #tpu.memory_space<vmem_shared>>
      tpu.wait_indirect_dma semaphore(%arg9 : memref<!tpu.dma_semaphore, #tpu.memory_space<semaphore_mem>>) src(%dma_wait3A_223 : memref<128x16xf32, #tpu.memory_space<vmem>>) dst(%dma_wait3A_229 : memref<10240x16xf32, #tpu.memory_space<vmem_shared>>)
    }
    %scan3A_8 = arith.constant 5 : i32
    %barrier3A_9 = arith.constant 0 : index
    tpu.barrier barrier_id(%barrier3A_9)
    "tpu.region"() ({
      %run_scoped3A = tpu.sem_alloc : memref<!tpu.dma_semaphore, #tpu.memory_space<semaphore_mem>>
      %dma_start3A = arith.constant 0 : i32
      %dma_start3A_24 = tpu.memref_slice %arg5[%add3A_3, %mul3A_0, %dma_start3A] : memref<4x10240x16xf32, #tpu.memory_space<hbm>> -> memref<1x640x16xf32, #tpu.memory_space<hbm>>
      %dma_start3A_25 = tpu.memref_squeeze %dma_start3A_24 : memref<1x640x16xf32, #tpu.memory_space<hbm>> -> memref<640x16xf32, #tpu.memory_space<hbm>>
      %dma_start3A_26 = arith.constant 0 : i32
      %dma_start3A_27 = tpu.memref_slice %arg8[%mul3A_0, %dma_start3A_26] : memref<10240x16xf32, #tpu.memory_space<vmem_shared>> -> memref<640x16xf32, #tpu.memory_space<vmem_shared>>
      tpu.enqueue_dma source(%dma_start3A_27 : memref<640x16xf32, #tpu.memory_space<vmem_shared>>) target(%dma_start3A_25 : memref<640x16xf32, #tpu.memory_space<hbm>>) target_semaphore(%run_scoped3A : memref<!tpu.dma_semaphore, #tpu.memory_space<semaphore_mem>>)
      %dma_wait3A = arith.constant 0 : i32
      %dma_wait3A_28 = tpu.memref_slice %arg5[%add3A_3, %mul3A_0, %dma_wait3A] : memref<4x10240x16xf32, #tpu.memory_space<hbm>> -> memref<1x640x16xf32, #tpu.memory_space<hbm>>
      %dma_wait3A_29 = tpu.memref_squeeze %dma_wait3A_28 : memref<1x640x16xf32, #tpu.memory_space<hbm>> -> memref<640x16xf32, #tpu.memory_space<hbm>>
      %dma_wait3A_30 = arith.constant 0 : i32
      %dma_wait3A_31 = tpu.memref_slice %arg8[%mul3A_0, %dma_wait3A_30] : memref<10240x16xf32, #tpu.memory_space<vmem_shared>> -> memref<640x16xf32, #tpu.memory_space<vmem_shared>>
      tpu.wait_dma2 semaphore(%run_scoped3A : memref<!tpu.dma_semaphore, #tpu.memory_space<semaphore_mem>>) src(%dma_wait3A_31 : memref<640x16xf32, #tpu.memory_space<vmem_shared>>) dst(%dma_wait3A_29 : memref<640x16xf32, #tpu.memory_space<hbm>>)
      tpu.yield
    }) : () -> ()
    %barrier3A_10 = arith.constant 0 : index
    tpu.barrier barrier_id(%barrier3A_10)
    %mul3A_11 = arith.constant 2 : i32
    %mul3A_12 = arith.muli %arg0, %mul3A_11 : i32
    %add3A_13 = arith.constant 1 : i32
    %add3A_14 = arith.addi %mul3A_12, %add3A_13 : i32
    "tpu.region"() ({
      %run_scoped3A = tpu.sem_alloc : memref<!tpu.dma_semaphore, #tpu.memory_space<semaphore_mem>>
      %dma_start3A = arith.constant 0 : i32
      %dma_start3A_24 = tpu.memref_slice %arg8[%mul3A_0, %dma_start3A] : memref<10240x16xf32, #tpu.memory_space<vmem_shared>> -> memref<640x16xf32, #tpu.memory_space<vmem_shared>>
      %dma_start3A_25 = arith.constant 0 : i32
      %dma_start3A_26 = tpu.memref_slice %arg4[%mul3A_0, %dma_start3A_25] : memref<10240x16xf32, #tpu.memory_space<hbm>> -> memref<640x16xf32, #tpu.memory_space<hbm>>
      tpu.enqueue_dma source(%dma_start3A_26 : memref<640x16xf32, #tpu.memory_space<hbm>>) target(%dma_start3A_24 : memref<640x16xf32, #tpu.memory_space<vmem_shared>>) target_semaphore(%run_scoped3A : memref<!tpu.dma_semaphore, #tpu.memory_space<semaphore_mem>>)
      %dma_wait3A = arith.constant 0 : i32
      %dma_wait3A_27 = tpu.memref_slice %arg8[%mul3A_0, %dma_wait3A] : memref<10240x16xf32, #tpu.memory_space<vmem_shared>> -> memref<640x16xf32, #tpu.memory_space<vmem_shared>>
      %dma_wait3A_28 = arith.constant 0 : i32
      %dma_wait3A_29 = tpu.memref_slice %arg4[%mul3A_0, %dma_wait3A_28] : memref<10240x16xf32, #tpu.memory_space<hbm>> -> memref<640x16xf32, #tpu.memory_space<hbm>>
      tpu.wait_dma2 semaphore(%run_scoped3A : memref<!tpu.dma_semaphore, #tpu.memory_space<semaphore_mem>>) src(%dma_wait3A_29 : memref<640x16xf32, #tpu.memory_space<hbm>>) dst(%dma_wait3A_27 : memref<640x16xf32, #tpu.memory_space<vmem_shared>>)
      tpu.yield
    }) : () -> ()
    %barrier3A_15 = arith.constant 0 : index
    tpu.barrier barrier_id(%barrier3A_15)
    %scan3A_16 = arith.constant 0 : i32
    %scan3A_17 = arith.constant 0 : i32
    %scan3A_18 = arith.constant 5 : i32
    %scan3A_19 = arith.addi %scan3A_17, %scan3A_18 : i32
    %scan3A_20 = arith.constant 1 : i32
    scf.for %scan3A_24 = %scan3A_17 to %scan3A_19 step %scan3A_20  : i32 {
      %mul3A_25 = arith.constant 50 : i32
      %mul3A_26 = arith.muli %arg1, %mul3A_25 : i32
      %mul3A_27 = arith.constant 10 : i32
      %mul3A_28 = arith.muli %scan3A_24, %mul3A_27 : i32
      %add3A_29 = arith.addi %mul3A_26, %mul3A_28 : i32
      %mul3A_30 = arith.constant 128 : i32
      %mul3A_31 = arith.muli %add3A_29, %mul3A_30 : i32
      "tpu.region"() ({
        %run_scoped3A = tpu.sem_alloc : memref<!tpu.dma_semaphore, #tpu.memory_space<semaphore_mem>>
        %dma_start3A_230 = arith.constant 0 : i32
        %dma_start3A_231 = tpu.memref_slice %arg2[%add3A_14, %mul3A_31, %dma_start3A_230] : memref<4x102400x16xf32, #tpu.memory_space<hbm>> -> memref<1x1280x16xf32, #tpu.memory_space<hbm>>
        %dma_start3A_232 = tpu.memref_squeeze %dma_start3A_231 : memref<1x1280x16xf32, #tpu.memory_space<hbm>> -> memref<1280x16xf32, #tpu.memory_space<hbm>>
        %dma_start3A_233 = arith.constant 0 : i32
        %dma_start3A_234 = tpu.memref_slice %arg2[%add3A_14, %mul3A_31, %dma_start3A_233] : memref<4x102400x16xf32, #tpu.memory_space<hbm>> -> memref<1x1280x16xf32, #tpu.memory_space<hbm>>
        %dma_start3A_235 = tpu.memref_squeeze %dma_start3A_234 : memref<1x1280x16xf32, #tpu.memory_space<hbm>> -> memref<1280x16xf32, #tpu.memory_space<hbm>>
        tpu.enqueue_dma source(%dma_start3A_235 : memref<1280x16xf32, #tpu.memory_space<hbm>>) target(%arg7 : memref<1280x16xf32, #tpu.memory_space<vmem>>) target_semaphore(%run_scoped3A : memref<!tpu.dma_semaphore, #tpu.memory_space<semaphore_mem>>)
        %dma_wait3A_236 = arith.constant 0 : i32
        %dma_wait3A_237 = tpu.memref_slice %arg2[%add3A_14, %mul3A_31, %dma_wait3A_236] : memref<4x102400x16xf32, #tpu.memory_space<hbm>> -> memref<1x1280x16xf32, #tpu.memory_space<hbm>>
        %dma_wait3A_238 = tpu.memref_squeeze %dma_wait3A_237 : memref<1x1280x16xf32, #tpu.memory_space<hbm>> -> memref<1280x16xf32, #tpu.memory_space<hbm>>
        %dma_wait3A_239 = arith.constant 0 : i32
        %dma_wait3A_240 = tpu.memref_slice %arg2[%add3A_14, %mul3A_31, %dma_wait3A_239] : memref<4x102400x16xf32, #tpu.memory_space<hbm>> -> memref<1x1280x16xf32, #tpu.memory_space<hbm>>
        %dma_wait3A_241 = tpu.memref_squeeze %dma_wait3A_240 : memref<1x1280x16xf32, #tpu.memory_space<hbm>> -> memref<1280x16xf32, #tpu.memory_space<hbm>>
        tpu.wait_dma2 semaphore(%run_scoped3A : memref<!tpu.dma_semaphore, #tpu.memory_space<semaphore_mem>>) src(%dma_wait3A_241 : memref<1280x16xf32, #tpu.memory_space<hbm>>) dst(%arg7 : memref<1280x16xf32, #tpu.memory_space<vmem>>)
        tpu.yield
      }) : () -> ()
      "tpu.region"() ({
        %run_scoped3A = tpu.sem_alloc : memref<!tpu.dma_semaphore, #tpu.memory_space<semaphore_mem>>
        %dma_start3A_230 = arith.constant 0 : i32
        %dma_start3A_231 = tpu.memref_slice %arg3[%add3A_29, %dma_start3A_230] : memref<800x128xi32, #tpu.memory_space<hbm>> -> memref<10x128xi32, #tpu.memory_space<hbm>>
        %dma_start3A_232 = arith.constant 0 : i32
        %dma_start3A_233 = tpu.memref_slice %arg3[%add3A_29, %dma_start3A_232] : memref<800x128xi32, #tpu.memory_space<hbm>> -> memref<10x128xi32, #tpu.memory_space<hbm>>
        tpu.enqueue_dma source(%dma_start3A_233 : memref<10x128xi32, #tpu.memory_space<hbm>>) target(%arg6 : memref<10x128xi32, #tpu.memory_space<vmem>>) target_semaphore(%run_scoped3A : memref<!tpu.dma_semaphore, #tpu.memory_space<semaphore_mem>>)
        %dma_wait3A_234 = arith.constant 0 : i32
        %dma_wait3A_235 = tpu.memref_slice %arg3[%add3A_29, %dma_wait3A_234] : memref<800x128xi32, #tpu.memory_space<hbm>> -> memref<10x128xi32, #tpu.memory_space<hbm>>
        %dma_wait3A_236 = arith.constant 0 : i32
        %dma_wait3A_237 = tpu.memref_slice %arg3[%add3A_29, %dma_wait3A_236] : memref<800x128xi32, #tpu.memory_space<hbm>> -> memref<10x128xi32, #tpu.memory_space<hbm>>
        tpu.wait_dma2 semaphore(%run_scoped3A : memref<!tpu.dma_semaphore, #tpu.memory_space<semaphore_mem>>) src(%dma_wait3A_237 : memref<10x128xi32, #tpu.memory_space<hbm>>) dst(%arg6 : memref<10x128xi32, #tpu.memory_space<vmem>>)
        tpu.yield
      }) : () -> ()
      %dma_start3A = arith.constant 0 : i32
      %dma_start3A_32 = arith.constant 0 : i32
      %dma_start3A_33 = arith.constant 0 : i32
      %dma_start3A_34 = tpu.memref_slice %arg7[%dma_start3A_32, %dma_start3A_33] : memref<1280x16xf32, #tpu.memory_space<vmem>> -> memref<128x16xf32, #tpu.memory_space<vmem>>
      %dma_start3A_35 = arith.constant 0 : i32
      %dma_start3A_36 = tpu.memref_slice %arg6[%dma_start3A, %dma_start3A_35] : memref<10x128xi32, #tpu.memory_space<vmem>> -> memref<1x128xi32, #tpu.memory_space<vmem>>
      %dma_start3A_37 = tpu.memref_squeeze %dma_start3A_36 : memref<1x128xi32, #tpu.memory_space<vmem>> -> memref<128xi32, #tpu.memory_space<vmem>>
      %dma_start3A_38 = arith.constant 0 : i32
      %dma_start3A_39 = arith.constant 0 : i32
      %dma_start3A_40 = tpu.memref_slice %arg8[%dma_start3A_38, %dma_start3A_39] : memref<10240x16xf32, #tpu.memory_space<vmem_shared>> -> memref<10240x16xf32, #tpu.memory_space<vmem_shared>>
      tpu.enqueue_indirect_dma source(%dma_start3A_34 : memref<128x16xf32, #tpu.memory_space<vmem>>) target(%dma_start3A_40 : memref<10240x16xf32, #tpu.memory_space<vmem_shared>>) offsets(%dma_start3A_37 : memref<128xi32, #tpu.memory_space<vmem>>) semaphore(%arg9 : memref<!tpu.dma_semaphore, #tpu.memory_space<semaphore_mem>>) {add = true}
      %dma_start3A_41 = arith.constant 1 : i32
      %dma_start3A_42 = arith.constant 128 : i32
      %dma_start3A_43 = arith.constant 0 : i32
      %dma_start3A_44 = tpu.memref_slice %arg7[%dma_start3A_42, %dma_start3A_43] : memref<1280x16xf32, #tpu.memory_space<vmem>> -> memref<128x16xf32, #tpu.memory_space<vmem>>
      %dma_start3A_45 = arith.constant 0 : i32
      %dma_start3A_46 = tpu.memref_slice %arg6[%dma_start3A_41, %dma_start3A_45] : memref<10x128xi32, #tpu.memory_space<vmem>> -> memref<1x128xi32, #tpu.memory_space<vmem>>
      %dma_start3A_47 = tpu.memref_squeeze %dma_start3A_46 : memref<1x128xi32, #tpu.memory_space<vmem>> -> memref<128xi32, #tpu.memory_space<vmem>>
      %dma_start3A_48 = arith.constant 0 : i32
      %dma_start3A_49 = arith.constant 0 : i32
      %dma_start3A_50 = tpu.memref_slice %arg8[%dma_start3A_48, %dma_start3A_49] : memref<10240x16xf32, #tpu.memory_space<vmem_shared>> -> memref<10240x16xf32, #tpu.memory_space<vmem_shared>>
      tpu.enqueue_indirect_dma source(%dma_start3A_44 : memref<128x16xf32, #tpu.memory_space<vmem>>) target(%dma_start3A_50 : memref<10240x16xf32, #tpu.memory_space<vmem_shared>>) offsets(%dma_start3A_47 : memref<128xi32, #tpu.memory_space<vmem>>) semaphore(%arg9 : memref<!tpu.dma_semaphore, #tpu.memory_space<semaphore_mem>>) {add = true}
      %dma_start3A_51 = arith.constant 2 : i32
      %dma_start3A_52 = arith.constant 256 : i32
      %dma_start3A_53 = arith.constant 0 : i32
      %dma_start3A_54 = tpu.memref_slice %arg7[%dma_start3A_52, %dma_start3A_53] : memref<1280x16xf32, #tpu.memory_space<vmem>> -> memref<128x16xf32, #tpu.memory_space<vmem>>
      %dma_start3A_55 = arith.constant 0 : i32
      %dma_start3A_56 = tpu.memref_slice %arg6[%dma_start3A_51, %dma_start3A_55] : memref<10x128xi32, #tpu.memory_space<vmem>> -> memref<1x128xi32, #tpu.memory_space<vmem>>
      %dma_start3A_57 = tpu.memref_squeeze %dma_start3A_56 : memref<1x128xi32, #tpu.memory_space<vmem>> -> memref<128xi32, #tpu.memory_space<vmem>>
      %dma_start3A_58 = arith.constant 0 : i32
      %dma_start3A_59 = arith.constant 0 : i32
      %dma_start3A_60 = tpu.memref_slice %arg8[%dma_start3A_58, %dma_start3A_59] : memref<10240x16xf32, #tpu.memory_space<vmem_shared>> -> memref<10240x16xf32, #tpu.memory_space<vmem_shared>>
      tpu.enqueue_indirect_dma source(%dma_start3A_54 : memref<128x16xf32, #tpu.memory_space<vmem>>) target(%dma_start3A_60 : memref<10240x16xf32, #tpu.memory_space<vmem_shared>>) offsets(%dma_start3A_57 : memref<128xi32, #tpu.memory_space<vmem>>) semaphore(%arg9 : memref<!tpu.dma_semaphore, #tpu.memory_space<semaphore_mem>>) {add = true}
      %dma_start3A_61 = arith.constant 3 : i32
      %dma_start3A_62 = arith.constant 384 : i32
      %dma_start3A_63 = arith.constant 0 : i32
      %dma_start3A_64 = tpu.memref_slice %arg7[%dma_start3A_62, %dma_start3A_63] : memref<1280x16xf32, #tpu.memory_space<vmem>> -> memref<128x16xf32, #tpu.memory_space<vmem>>
      %dma_start3A_65 = arith.constant 0 : i32
      %dma_start3A_66 = tpu.memref_slice %arg6[%dma_start3A_61, %dma_start3A_65] : memref<10x128xi32, #tpu.memory_space<vmem>> -> memref<1x128xi32, #tpu.memory_space<vmem>>
      %dma_start3A_67 = tpu.memref_squeeze %dma_start3A_66 : memref<1x128xi32, #tpu.memory_space<vmem>> -> memref<128xi32, #tpu.memory_space<vmem>>
      %dma_start3A_68 = arith.constant 0 : i32
      %dma_start3A_69 = arith.constant 0 : i32
      %dma_start3A_70 = tpu.memref_slice %arg8[%dma_start3A_68, %dma_start3A_69] : memref<10240x16xf32, #tpu.memory_space<vmem_shared>> -> memref<10240x16xf32, #tpu.memory_space<vmem_shared>>
      tpu.enqueue_indirect_dma source(%dma_start3A_64 : memref<128x16xf32, #tpu.memory_space<vmem>>) target(%dma_start3A_70 : memref<10240x16xf32, #tpu.memory_space<vmem_shared>>) offsets(%dma_start3A_67 : memref<128xi32, #tpu.memory_space<vmem>>) semaphore(%arg9 : memref<!tpu.dma_semaphore, #tpu.memory_space<semaphore_mem>>) {add = true}
      %dma_start3A_71 = arith.constant 4 : i32
      %dma_start3A_72 = arith.constant 512 : i32
      %dma_start3A_73 = arith.constant 0 : i32
      %dma_start3A_74 = tpu.memref_slice %arg7[%dma_start3A_72, %dma_start3A_73] : memref<1280x16xf32, #tpu.memory_space<vmem>> -> memref<128x16xf32, #tpu.memory_space<vmem>>
      %dma_start3A_75 = arith.constant 0 : i32
      %dma_start3A_76 = tpu.memref_slice %arg6[%dma_start3A_71, %dma_start3A_75] : memref<10x128xi32, #tpu.memory_space<vmem>> -> memref<1x128xi32, #tpu.memory_space<vmem>>
      %dma_start3A_77 = tpu.memref_squeeze %dma_start3A_76 : memref<1x128xi32, #tpu.memory_space<vmem>> -> memref<128xi32, #tpu.memory_space<vmem>>
      %dma_start3A_78 = arith.constant 0 : i32
      %dma_start3A_79 = arith.constant 0 : i32
      %dma_start3A_80 = tpu.memref_slice %arg8[%dma_start3A_78, %dma_start3A_79] : memref<10240x16xf32, #tpu.memory_space<vmem_shared>> -> memref<10240x16xf32, #tpu.memory_space<vmem_shared>>
      tpu.enqueue_indirect_dma source(%dma_start3A_74 : memref<128x16xf32, #tpu.memory_space<vmem>>) target(%dma_start3A_80 : memref<10240x16xf32, #tpu.memory_space<vmem_shared>>) offsets(%dma_start3A_77 : memref<128xi32, #tpu.memory_space<vmem>>) semaphore(%arg9 : memref<!tpu.dma_semaphore, #tpu.memory_space<semaphore_mem>>) {add = true}
      %dma_start3A_81 = arith.constant 5 : i32
      %dma_start3A_82 = arith.constant 640 : i32
      %dma_start3A_83 = arith.constant 0 : i32
      %dma_start3A_84 = tpu.memref_slice %arg7[%dma_start3A_82, %dma_start3A_83] : memref<1280x16xf32, #tpu.memory_space<vmem>> -> memref<128x16xf32, #tpu.memory_space<vmem>>
      %dma_start3A_85 = arith.constant 0 : i32
      %dma_start3A_86 = tpu.memref_slice %arg6[%dma_start3A_81, %dma_start3A_85] : memref<10x128xi32, #tpu.memory_space<vmem>> -> memref<1x128xi32, #tpu.memory_space<vmem>>
      %dma_start3A_87 = tpu.memref_squeeze %dma_start3A_86 : memref<1x128xi32, #tpu.memory_space<vmem>> -> memref<128xi32, #tpu.memory_space<vmem>>
      %dma_start3A_88 = arith.constant 0 : i32
      %dma_start3A_89 = arith.constant 0 : i32
      %dma_start3A_90 = tpu.memref_slice %arg8[%dma_start3A_88, %dma_start3A_89] : memref<10240x16xf32, #tpu.memory_space<vmem_shared>> -> memref<10240x16xf32, #tpu.memory_space<vmem_shared>>
      tpu.enqueue_indirect_dma source(%dma_start3A_84 : memref<128x16xf32, #tpu.memory_space<vmem>>) target(%dma_start3A_90 : memref<10240x16xf32, #tpu.memory_space<vmem_shared>>) offsets(%dma_start3A_87 : memref<128xi32, #tpu.memory_space<vmem>>) semaphore(%arg9 : memref<!tpu.dma_semaphore, #tpu.memory_space<semaphore_mem>>) {add = true}
      %dma_start3A_91 = arith.constant 6 : i32
      %dma_start3A_92 = arith.constant 768 : i32
      %dma_start3A_93 = arith.constant 0 : i32
      %dma_start3A_94 = tpu.memref_slice %arg7[%dma_start3A_92, %dma_start3A_93] : memref<1280x16xf32, #tpu.memory_space<vmem>> -> memref<128x16xf32, #tpu.memory_space<vmem>>
      %dma_start3A_95 = arith.constant 0 : i32
      %dma_start3A_96 = tpu.memref_slice %arg6[%dma_start3A_91, %dma_start3A_95] : memref<10x128xi32, #tpu.memory_space<vmem>> -> memref<1x128xi32, #tpu.memory_space<vmem>>
      %dma_start3A_97 = tpu.memref_squeeze %dma_start3A_96 : memref<1x128xi32, #tpu.memory_space<vmem>> -> memref<128xi32, #tpu.memory_space<vmem>>
      %dma_start3A_98 = arith.constant 0 : i32
      %dma_start3A_99 = arith.constant 0 : i32
      %dma_start3A_100 = tpu.memref_slice %arg8[%dma_start3A_98, %dma_start3A_99] : memref<10240x16xf32, #tpu.memory_space<vmem_shared>> -> memref<10240x16xf32, #tpu.memory_space<vmem_shared>>
      tpu.enqueue_indirect_dma source(%dma_start3A_94 : memref<128x16xf32, #tpu.memory_space<vmem>>) target(%dma_start3A_100 : memref<10240x16xf32, #tpu.memory_space<vmem_shared>>) offsets(%dma_start3A_97 : memref<128xi32, #tpu.memory_space<vmem>>) semaphore(%arg9 : memref<!tpu.dma_semaphore, #tpu.memory_space<semaphore_mem>>) {add = true}
      %dma_start3A_101 = arith.constant 7 : i32
      %dma_start3A_102 = arith.constant 896 : i32
      %dma_start3A_103 = arith.constant 0 : i32
      %dma_start3A_104 = tpu.memref_slice %arg7[%dma_start3A_102, %dma_start3A_103] : memref<1280x16xf32, #tpu.memory_space<vmem>> -> memref<128x16xf32, #tpu.memory_space<vmem>>
      %dma_start3A_105 = arith.constant 0 : i32
      %dma_start3A_106 = tpu.memref_slice %arg6[%dma_start3A_101, %dma_start3A_105] : memref<10x128xi32, #tpu.memory_space<vmem>> -> memref<1x128xi32, #tpu.memory_space<vmem>>
      %dma_start3A_107 = tpu.memref_squeeze %dma_start3A_106 : memref<1x128xi32, #tpu.memory_space<vmem>> -> memref<128xi32, #tpu.memory_space<vmem>>
      %dma_start3A_108 = arith.constant 0 : i32
      %dma_start3A_109 = arith.constant 0 : i32
      %dma_start3A_110 = tpu.memref_slice %arg8[%dma_start3A_108, %dma_start3A_109] : memref<10240x16xf32, #tpu.memory_space<vmem_shared>> -> memref<10240x16xf32, #tpu.memory_space<vmem_shared>>
      tpu.enqueue_indirect_dma source(%dma_start3A_104 : memref<128x16xf32, #tpu.memory_space<vmem>>) target(%dma_start3A_110 : memref<10240x16xf32, #tpu.memory_space<vmem_shared>>) offsets(%dma_start3A_107 : memref<128xi32, #tpu.memory_space<vmem>>) semaphore(%arg9 : memref<!tpu.dma_semaphore, #tpu.memory_space<semaphore_mem>>) {add = true}
      %dma_start3A_111 = arith.constant 8 : i32
      %dma_start3A_112 = arith.constant 1024 : i32
      %dma_start3A_113 = arith.constant 0 : i32
      %dma_start3A_114 = tpu.memref_slice %arg7[%dma_start3A_112, %dma_start3A_113] : memref<1280x16xf32, #tpu.memory_space<vmem>> -> memref<128x16xf32, #tpu.memory_space<vmem>>
      %dma_start3A_115 = arith.constant 0 : i32
      %dma_start3A_116 = tpu.memref_slice %arg6[%dma_start3A_111, %dma_start3A_115] : memref<10x128xi32, #tpu.memory_space<vmem>> -> memref<1x128xi32, #tpu.memory_space<vmem>>
      %dma_start3A_117 = tpu.memref_squeeze %dma_start3A_116 : memref<1x128xi32, #tpu.memory_space<vmem>> -> memref<128xi32, #tpu.memory_space<vmem>>
      %dma_start3A_118 = arith.constant 0 : i32
      %dma_start3A_119 = arith.constant 0 : i32
      %dma_start3A_120 = tpu.memref_slice %arg8[%dma_start3A_118, %dma_start3A_119] : memref<10240x16xf32, #tpu.memory_space<vmem_shared>> -> memref<10240x16xf32, #tpu.memory_space<vmem_shared>>
      tpu.enqueue_indirect_dma source(%dma_start3A_114 : memref<128x16xf32, #tpu.memory_space<vmem>>) target(%dma_start3A_120 : memref<10240x16xf32, #tpu.memory_space<vmem_shared>>) offsets(%dma_start3A_117 : memref<128xi32, #tpu.memory_space<vmem>>) semaphore(%arg9 : memref<!tpu.dma_semaphore, #tpu.memory_space<semaphore_mem>>) {add = true}
      %dma_start3A_121 = arith.constant 9 : i32
      %dma_start3A_122 = arith.constant 1152 : i32
      %dma_start3A_123 = arith.constant 0 : i32
      %dma_start3A_124 = tpu.memref_slice %arg7[%dma_start3A_122, %dma_start3A_123] : memref<1280x16xf32, #tpu.memory_space<vmem>> -> memref<128x16xf32, #tpu.memory_space<vmem>>
      %dma_start3A_125 = arith.constant 0 : i32
      %dma_start3A_126 = tpu.memref_slice %arg6[%dma_start3A_121, %dma_start3A_125] : memref<10x128xi32, #tpu.memory_space<vmem>> -> memref<1x128xi32, #tpu.memory_space<vmem>>
      %dma_start3A_127 = tpu.memref_squeeze %dma_start3A_126 : memref<1x128xi32, #tpu.memory_space<vmem>> -> memref<128xi32, #tpu.memory_space<vmem>>
      %dma_start3A_128 = arith.constant 0 : i32
      %dma_start3A_129 = arith.constant 0 : i32
      %dma_start3A_130 = tpu.memref_slice %arg8[%dma_start3A_128, %dma_start3A_129] : memref<10240x16xf32, #tpu.memory_space<vmem_shared>> -> memref<10240x16xf32, #tpu.memory_space<vmem_shared>>
      tpu.enqueue_indirect_dma source(%dma_start3A_124 : memref<128x16xf32, #tpu.memory_space<vmem>>) target(%dma_start3A_130 : memref<10240x16xf32, #tpu.memory_space<vmem_shared>>) offsets(%dma_start3A_127 : memref<128xi32, #tpu.memory_space<vmem>>) semaphore(%arg9 : memref<!tpu.dma_semaphore, #tpu.memory_space<semaphore_mem>>) {add = true}
      %dma_wait3A = arith.constant 0 : i32
      %dma_wait3A_131 = arith.constant 0 : i32
      %dma_wait3A_132 = arith.constant 0 : i32
      %dma_wait3A_133 = tpu.memref_slice %arg7[%dma_wait3A_131, %dma_wait3A_132] : memref<1280x16xf32, #tpu.memory_space<vmem>> -> memref<128x16xf32, #tpu.memory_space<vmem>>
      %dma_wait3A_134 = arith.constant 0 : i32
      %dma_wait3A_135 = tpu.memref_slice %arg6[%dma_wait3A, %dma_wait3A_134] : memref<10x128xi32, #tpu.memory_space<vmem>> -> memref<1x128xi32, #tpu.memory_space<vmem>>
      %dma_wait3A_136 = tpu.memref_squeeze %dma_wait3A_135 : memref<1x128xi32, #tpu.memory_space<vmem>> -> memref<128xi32, #tpu.memory_space<vmem>>
      %dma_wait3A_137 = arith.constant 0 : i32
      %dma_wait3A_138 = arith.constant 0 : i32
      %dma_wait3A_139 = tpu.memref_slice %arg8[%dma_wait3A_137, %dma_wait3A_138] : memref<10240x16xf32, #tpu.memory_space<vmem_shared>> -> memref<10240x16xf32, #tpu.memory_space<vmem_shared>>
      tpu.wait_indirect_dma semaphore(%arg9 : memref<!tpu.dma_semaphore, #tpu.memory_space<semaphore_mem>>) src(%dma_wait3A_133 : memref<128x16xf32, #tpu.memory_space<vmem>>) dst(%dma_wait3A_139 : memref<10240x16xf32, #tpu.memory_space<vmem_shared>>)
      %dma_wait3A_140 = arith.constant 1 : i32
      %dma_wait3A_141 = arith.constant 128 : i32
      %dma_wait3A_142 = arith.constant 0 : i32
      %dma_wait3A_143 = tpu.memref_slice %arg7[%dma_wait3A_141, %dma_wait3A_142] : memref<1280x16xf32, #tpu.memory_space<vmem>> -> memref<128x16xf32, #tpu.memory_space<vmem>>
      %dma_wait3A_144 = arith.constant 0 : i32
      %dma_wait3A_145 = tpu.memref_slice %arg6[%dma_wait3A_140, %dma_wait3A_144] : memref<10x128xi32, #tpu.memory_space<vmem>> -> memref<1x128xi32, #tpu.memory_space<vmem>>
      %dma_wait3A_146 = tpu.memref_squeeze %dma_wait3A_145 : memref<1x128xi32, #tpu.memory_space<vmem>> -> memref<128xi32, #tpu.memory_space<vmem>>
      %dma_wait3A_147 = arith.constant 0 : i32
      %dma_wait3A_148 = arith.constant 0 : i32
      %dma_wait3A_149 = tpu.memref_slice %arg8[%dma_wait3A_147, %dma_wait3A_148] : memref<10240x16xf32, #tpu.memory_space<vmem_shared>> -> memref<10240x16xf32, #tpu.memory_space<vmem_shared>>
      tpu.wait_indirect_dma semaphore(%arg9 : memref<!tpu.dma_semaphore, #tpu.memory_space<semaphore_mem>>) src(%dma_wait3A_143 : memref<128x16xf32, #tpu.memory_space<vmem>>) dst(%dma_wait3A_149 : memref<10240x16xf32, #tpu.memory_space<vmem_shared>>)
      %dma_wait3A_150 = arith.constant 2 : i32
      %dma_wait3A_151 = arith.constant 256 : i32
      %dma_wait3A_152 = arith.constant 0 : i32
      %dma_wait3A_153 = tpu.memref_slice %arg7[%dma_wait3A_151, %dma_wait3A_152] : memref<1280x16xf32, #tpu.memory_space<vmem>> -> memref<128x16xf32, #tpu.memory_space<vmem>>
      %dma_wait3A_154 = arith.constant 0 : i32
      %dma_wait3A_155 = tpu.memref_slice %arg6[%dma_wait3A_150, %dma_wait3A_154] : memref<10x128xi32, #tpu.memory_space<vmem>> -> memref<1x128xi32, #tpu.memory_space<vmem>>
      %dma_wait3A_156 = tpu.memref_squeeze %dma_wait3A_155 : memref<1x128xi32, #tpu.memory_space<vmem>> -> memref<128xi32, #tpu.memory_space<vmem>>
      %dma_wait3A_157 = arith.constant 0 : i32
      %dma_wait3A_158 = arith.constant 0 : i32
      %dma_wait3A_159 = tpu.memref_slice %arg8[%dma_wait3A_157, %dma_wait3A_158] : memref<10240x16xf32, #tpu.memory_space<vmem_shared>> -> memref<10240x16xf32, #tpu.memory_space<vmem_shared>>
      tpu.wait_indirect_dma semaphore(%arg9 : memref<!tpu.dma_semaphore, #tpu.memory_space<semaphore_mem>>) src(%dma_wait3A_153 : memref<128x16xf32, #tpu.memory_space<vmem>>) dst(%dma_wait3A_159 : memref<10240x16xf32, #tpu.memory_space<vmem_shared>>)
      %dma_wait3A_160 = arith.constant 3 : i32
      %dma_wait3A_161 = arith.constant 384 : i32
      %dma_wait3A_162 = arith.constant 0 : i32
      %dma_wait3A_163 = tpu.memref_slice %arg7[%dma_wait3A_161, %dma_wait3A_162] : memref<1280x16xf32, #tpu.memory_space<vmem>> -> memref<128x16xf32, #tpu.memory_space<vmem>>
      %dma_wait3A_164 = arith.constant 0 : i32
      %dma_wait3A_165 = tpu.memref_slice %arg6[%dma_wait3A_160, %dma_wait3A_164] : memref<10x128xi32, #tpu.memory_space<vmem>> -> memref<1x128xi32, #tpu.memory_space<vmem>>
      %dma_wait3A_166 = tpu.memref_squeeze %dma_wait3A_165 : memref<1x128xi32, #tpu.memory_space<vmem>> -> memref<128xi32, #tpu.memory_space<vmem>>
      %dma_wait3A_167 = arith.constant 0 : i32
      %dma_wait3A_168 = arith.constant 0 : i32
      %dma_wait3A_169 = tpu.memref_slice %arg8[%dma_wait3A_167, %dma_wait3A_168] : memref<10240x16xf32, #tpu.memory_space<vmem_shared>> -> memref<10240x16xf32, #tpu.memory_space<vmem_shared>>
      tpu.wait_indirect_dma semaphore(%arg9 : memref<!tpu.dma_semaphore, #tpu.memory_space<semaphore_mem>>) src(%dma_wait3A_163 : memref<128x16xf32, #tpu.memory_space<vmem>>) dst(%dma_wait3A_169 : memref<10240x16xf32, #tpu.memory_space<vmem_shared>>)
      %dma_wait3A_170 = arith.constant 4 : i32
      %dma_wait3A_171 = arith.constant 512 : i32
      %dma_wait3A_172 = arith.constant 0 : i32
      %dma_wait3A_173 = tpu.memref_slice %arg7[%dma_wait3A_171, %dma_wait3A_172] : memref<1280x16xf32, #tpu.memory_space<vmem>> -> memref<128x16xf32, #tpu.memory_space<vmem>>
      %dma_wait3A_174 = arith.constant 0 : i32
      %dma_wait3A_175 = tpu.memref_slice %arg6[%dma_wait3A_170, %dma_wait3A_174] : memref<10x128xi32, #tpu.memory_space<vmem>> -> memref<1x128xi32, #tpu.memory_space<vmem>>
      %dma_wait3A_176 = tpu.memref_squeeze %dma_wait3A_175 : memref<1x128xi32, #tpu.memory_space<vmem>> -> memref<128xi32, #tpu.memory_space<vmem>>
      %dma_wait3A_177 = arith.constant 0 : i32
      %dma_wait3A_178 = arith.constant 0 : i32
      %dma_wait3A_179 = tpu.memref_slice %arg8[%dma_wait3A_177, %dma_wait3A_178] : memref<10240x16xf32, #tpu.memory_space<vmem_shared>> -> memref<10240x16xf32, #tpu.memory_space<vmem_shared>>
      tpu.wait_indirect_dma semaphore(%arg9 : memref<!tpu.dma_semaphore, #tpu.memory_space<semaphore_mem>>) src(%dma_wait3A_173 : memref<128x16xf32, #tpu.memory_space<vmem>>) dst(%dma_wait3A_179 : memref<10240x16xf32, #tpu.memory_space<vmem_shared>>)
      %dma_wait3A_180 = arith.constant 5 : i32
      %dma_wait3A_181 = arith.constant 640 : i32
      %dma_wait3A_182 = arith.constant 0 : i32
      %dma_wait3A_183 = tpu.memref_slice %arg7[%dma_wait3A_181, %dma_wait3A_182] : memref<1280x16xf32, #tpu.memory_space<vmem>> -> memref<128x16xf32, #tpu.memory_space<vmem>>
      %dma_wait3A_184 = arith.constant 0 : i32
      %dma_wait3A_185 = tpu.memref_slice %arg6[%dma_wait3A_180, %dma_wait3A_184] : memref<10x128xi32, #tpu.memory_space<vmem>> -> memref<1x128xi32, #tpu.memory_space<vmem>>
      %dma_wait3A_186 = tpu.memref_squeeze %dma_wait3A_185 : memref<1x128xi32, #tpu.memory_space<vmem>> -> memref<128xi32, #tpu.memory_space<vmem>>
      %dma_wait3A_187 = arith.constant 0 : i32
      %dma_wait3A_188 = arith.constant 0 : i32
      %dma_wait3A_189 = tpu.memref_slice %arg8[%dma_wait3A_187, %dma_wait3A_188] : memref<10240x16xf32, #tpu.memory_space<vmem_shared>> -> memref<10240x16xf32, #tpu.memory_space<vmem_shared>>
      tpu.wait_indirect_dma semaphore(%arg9 : memref<!tpu.dma_semaphore, #tpu.memory_space<semaphore_mem>>) src(%dma_wait3A_183 : memref<128x16xf32, #tpu.memory_space<vmem>>) dst(%dma_wait3A_189 : memref<10240x16xf32, #tpu.memory_space<vmem_shared>>)
      %dma_wait3A_190 = arith.constant 6 : i32
      %dma_wait3A_191 = arith.constant 768 : i32
      %dma_wait3A_192 = arith.constant 0 : i32
      %dma_wait3A_193 = tpu.memref_slice %arg7[%dma_wait3A_191, %dma_wait3A_192] : memref<1280x16xf32, #tpu.memory_space<vmem>> -> memref<128x16xf32, #tpu.memory_space<vmem>>
      %dma_wait3A_194 = arith.constant 0 : i32
      %dma_wait3A_195 = tpu.memref_slice %arg6[%dma_wait3A_190, %dma_wait3A_194] : memref<10x128xi32, #tpu.memory_space<vmem>> -> memref<1x128xi32, #tpu.memory_space<vmem>>
      %dma_wait3A_196 = tpu.memref_squeeze %dma_wait3A_195 : memref<1x128xi32, #tpu.memory_space<vmem>> -> memref<128xi32, #tpu.memory_space<vmem>>
      %dma_wait3A_197 = arith.constant 0 : i32
      %dma_wait3A_198 = arith.constant 0 : i32
      %dma_wait3A_199 = tpu.memref_slice %arg8[%dma_wait3A_197, %dma_wait3A_198] : memref<10240x16xf32, #tpu.memory_space<vmem_shared>> -> memref<10240x16xf32, #tpu.memory_space<vmem_shared>>
      tpu.wait_indirect_dma semaphore(%arg9 : memref<!tpu.dma_semaphore, #tpu.memory_space<semaphore_mem>>) src(%dma_wait3A_193 : memref<128x16xf32, #tpu.memory_space<vmem>>) dst(%dma_wait3A_199 : memref<10240x16xf32, #tpu.memory_space<vmem_shared>>)
      %dma_wait3A_200 = arith.constant 7 : i32
      %dma_wait3A_201 = arith.constant 896 : i32
      %dma_wait3A_202 = arith.constant 0 : i32
      %dma_wait3A_203 = tpu.memref_slice %arg7[%dma_wait3A_201, %dma_wait3A_202] : memref<1280x16xf32, #tpu.memory_space<vmem>> -> memref<128x16xf32, #tpu.memory_space<vmem>>
      %dma_wait3A_204 = arith.constant 0 : i32
      %dma_wait3A_205 = tpu.memref_slice %arg6[%dma_wait3A_200, %dma_wait3A_204] : memref<10x128xi32, #tpu.memory_space<vmem>> -> memref<1x128xi32, #tpu.memory_space<vmem>>
      %dma_wait3A_206 = tpu.memref_squeeze %dma_wait3A_205 : memref<1x128xi32, #tpu.memory_space<vmem>> -> memref<128xi32, #tpu.memory_space<vmem>>
      %dma_wait3A_207 = arith.constant 0 : i32
      %dma_wait3A_208 = arith.constant 0 : i32
      %dma_wait3A_209 = tpu.memref_slice %arg8[%dma_wait3A_207, %dma_wait3A_208] : memref<10240x16xf32, #tpu.memory_space<vmem_shared>> -> memref<10240x16xf32, #tpu.memory_space<vmem_shared>>
      tpu.wait_indirect_dma semaphore(%arg9 : memref<!tpu.dma_semaphore, #tpu.memory_space<semaphore_mem>>) src(%dma_wait3A_203 : memref<128x16xf32, #tpu.memory_space<vmem>>) dst(%dma_wait3A_209 : memref<10240x16xf32, #tpu.memory_space<vmem_shared>>)
      %dma_wait3A_210 = arith.constant 8 : i32
      %dma_wait3A_211 = arith.constant 1024 : i32
      %dma_wait3A_212 = arith.constant 0 : i32
      %dma_wait3A_213 = tpu.memref_slice %arg7[%dma_wait3A_211, %dma_wait3A_212] : memref<1280x16xf32, #tpu.memory_space<vmem>> -> memref<128x16xf32, #tpu.memory_space<vmem>>
      %dma_wait3A_214 = arith.constant 0 : i32
      %dma_wait3A_215 = tpu.memref_slice %arg6[%dma_wait3A_210, %dma_wait3A_214] : memref<10x128xi32, #tpu.memory_space<vmem>> -> memref<1x128xi32, #tpu.memory_space<vmem>>
      %dma_wait3A_216 = tpu.memref_squeeze %dma_wait3A_215 : memref<1x128xi32, #tpu.memory_space<vmem>> -> memref<128xi32, #tpu.memory_space<vmem>>
      %dma_wait3A_217 = arith.constant 0 : i32
      %dma_wait3A_218 = arith.constant 0 : i32
      %dma_wait3A_219 = tpu.memref_slice %arg8[%dma_wait3A_217, %dma_wait3A_218] : memref<10240x16xf32, #tpu.memory_space<vmem_shared>> -> memref<10240x16xf32, #tpu.memory_space<vmem_shared>>
      tpu.wait_indirect_dma semaphore(%arg9 : memref<!tpu.dma_semaphore, #tpu.memory_space<semaphore_mem>>) src(%dma_wait3A_213 : memref<128x16xf32, #tpu.memory_space<vmem>>) dst(%dma_wait3A_219 : memref<10240x16xf32, #tpu.memory_space<vmem_shared>>)
      %dma_wait3A_220 = arith.constant 9 : i32
      %dma_wait3A_221 = arith.constant 1152 : i32
      %dma_wait3A_222 = arith.constant 0 : i32
      %dma_wait3A_223 = tpu.memref_slice %arg7[%dma_wait3A_221, %dma_wait3A_222] : memref<1280x16xf32, #tpu.memory_space<vmem>> -> memref<128x16xf32, #tpu.memory_space<vmem>>
      %dma_wait3A_224 = arith.constant 0 : i32
      %dma_wait3A_225 = tpu.memref_slice %arg6[%dma_wait3A_220, %dma_wait3A_224] : memref<10x128xi32, #tpu.memory_space<vmem>> -> memref<1x128xi32, #tpu.memory_space<vmem>>
      %dma_wait3A_226 = tpu.memref_squeeze %dma_wait3A_225 : memref<1x128xi32, #tpu.memory_space<vmem>> -> memref<128xi32, #tpu.memory_space<vmem>>
      %dma_wait3A_227 = arith.constant 0 : i32
      %dma_wait3A_228 = arith.constant 0 : i32
      %dma_wait3A_229 = tpu.memref_slice %arg8[%dma_wait3A_227, %dma_wait3A_228] : memref<10240x16xf32, #tpu.memory_space<vmem_shared>> -> memref<10240x16xf32, #tpu.memory_space<vmem_shared>>
      tpu.wait_indirect_dma semaphore(%arg9 : memref<!tpu.dma_semaphore, #tpu.memory_space<semaphore_mem>>) src(%dma_wait3A_223 : memref<128x16xf32, #tpu.memory_space<vmem>>) dst(%dma_wait3A_229 : memref<10240x16xf32, #tpu.memory_space<vmem_shared>>)
    }
    %scan3A_21 = arith.constant 5 : i32
    %barrier3A_22 = arith.constant 0 : index
    tpu.barrier barrier_id(%barrier3A_22)
    "tpu.region"() ({
      %run_scoped3A = tpu.sem_alloc : memref<!tpu.dma_semaphore, #tpu.memory_space<semaphore_mem>>
      %dma_start3A = arith.constant 0 : i32
      %dma_start3A_24 = tpu.memref_slice %arg5[%add3A_14, %mul3A_0, %dma_start3A] : memref<4x10240x16xf32, #tpu.memory_space<hbm>> -> memref<1x640x16xf32, #tpu.memory_space<hbm>>
      %dma_start3A_25 = tpu.memref_squeeze %dma_start3A_24 : memref<1x640x16xf32, #tpu.memory_space<hbm>> -> memref<640x16xf32, #tpu.memory_space<hbm>>
      %dma_start3A_26 = arith.constant 0 : i32
      %dma_start3A_27 = tpu.memref_slice %arg8[%mul3A_0, %dma_start3A_26] : memref<10240x16xf32, #tpu.memory_space<vmem_shared>> -> memref<640x16xf32, #tpu.memory_space<vmem_shared>>
      tpu.enqueue_dma source(%dma_start3A_27 : memref<640x16xf32, #tpu.memory_space<vmem_shared>>) target(%dma_start3A_25 : memref<640x16xf32, #tpu.memory_space<hbm>>) target_semaphore(%run_scoped3A : memref<!tpu.dma_semaphore, #tpu.memory_space<semaphore_mem>>)
      %dma_wait3A = arith.constant 0 : i32
      %dma_wait3A_28 = tpu.memref_slice %arg5[%add3A_14, %mul3A_0, %dma_wait3A] : memref<4x10240x16xf32, #tpu.memory_space<hbm>> -> memref<1x640x16xf32, #tpu.memory_space<hbm>>
      %dma_wait3A_29 = tpu.memref_squeeze %dma_wait3A_28 : memref<1x640x16xf32, #tpu.memory_space<hbm>> -> memref<640x16xf32, #tpu.memory_space<hbm>>
      %dma_wait3A_30 = arith.constant 0 : i32
      %dma_wait3A_31 = tpu.memref_slice %arg8[%mul3A_0, %dma_wait3A_30] : memref<10240x16xf32, #tpu.memory_space<vmem_shared>> -> memref<640x16xf32, #tpu.memory_space<vmem_shared>>
      tpu.wait_dma2 semaphore(%run_scoped3A : memref<!tpu.dma_semaphore, #tpu.memory_space<semaphore_mem>>) src(%dma_wait3A_31 : memref<640x16xf32, #tpu.memory_space<vmem_shared>>) dst(%dma_wait3A_29 : memref<640x16xf32, #tpu.memory_space<hbm>>)
      tpu.yield
    }) : () -> ()
    %barrier3A_23 = arith.constant 0 : index
    tpu.barrier barrier_id(%barrier3A_23)
    return
  }
}

#map = affine_map<(d0, d1) -> (0, 0, 0)>
#map1 = affine_map<(d0, d1) -> (0, 0)>
module attributes {stable_mosaic.version = 14 : i64} {
  func.func @_agg_bc_body(%arg0: i32, %arg1: i32, %arg2: memref<4x102400x16xf32, #tpu.memory_space<hbm>>, %arg3: memref<6272x512xi32, #tpu.memory_space<hbm>>, %arg4: memref<6272x512xi32, #tpu.memory_space<hbm>>, %arg5: memref<4x102400x16xf32, #tpu.memory_space<hbm>>, %arg6: memref<2x512xi32, #tpu.memory_space<vmem>>, %arg7: memref<2x512xi32, #tpu.memory_space<vmem>>, %arg8: memref<2x512x16xf32, #tpu.memory_space<vmem>>, %arg9: memref<102400x16xf32, #tpu.memory_space<vmem_shared>>, %arg10: memref<!tpu.dma_semaphore, #tpu.memory_space<semaphore_mem>>, %arg11: memref<!tpu.dma_semaphore, #tpu.memory_space<semaphore_mem>>) attributes {dimension_semantics = [#tpu.dimension_semantics<core_parallel>, #tpu.dimension_semantics<subcore_parallel>], iteration_bounds = array<i64: 2, 16>, scalar_prefetch = 0 : i64, scratch_operands = 6 : i64, tpu.core_type = #tpu.core_type<sc_vector_subcore>, window_params = [{transform_indices = #map}, {transform_indices = #map1}, {transform_indices = #map1}, {transform_indices = #map}]} {
    %mul3A = arith.constant 6400 : i32
    %mul3A_0 = arith.muli %arg1, %mul3A : i32
    %mul3A_1 = arith.constant 2 : i32
    %mul3A_2 = arith.muli %arg0, %mul3A_1 : i32
    %add3A = arith.constant 0 : i32
    %add3A_3 = arith.addi %mul3A_2, %add3A : i32
    "tpu.region"() ({
      %run_scoped3A = tpu.sem_alloc : memref<!tpu.dma_semaphore, #tpu.memory_space<semaphore_mem>>
      %dma_start3A = arith.constant 0 : i32
      %dma_start3A_28 = tpu.memref_slice %arg9[%mul3A_0, %dma_start3A] : memref<102400x16xf32, #tpu.memory_space<vmem_shared>> -> memref<6400x16xf32, #tpu.memory_space<vmem_shared>>
      %dma_start3A_29 = arith.constant 0 : i32
      %dma_start3A_30 = tpu.memref_slice %arg2[%add3A_3, %mul3A_0, %dma_start3A_29] : memref<4x102400x16xf32, #tpu.memory_space<hbm>> -> memref<1x6400x16xf32, #tpu.memory_space<hbm>>
      %dma_start3A_31 = tpu.memref_squeeze %dma_start3A_30 : memref<1x6400x16xf32, #tpu.memory_space<hbm>> -> memref<6400x16xf32, #tpu.memory_space<hbm>>
      tpu.enqueue_dma source(%dma_start3A_31 : memref<6400x16xf32, #tpu.memory_space<hbm>>) target(%dma_start3A_28 : memref<6400x16xf32, #tpu.memory_space<vmem_shared>>) target_semaphore(%run_scoped3A : memref<!tpu.dma_semaphore, #tpu.memory_space<semaphore_mem>>)
      %dma_wait3A = arith.constant 0 : i32
      %dma_wait3A_32 = tpu.memref_slice %arg9[%mul3A_0, %dma_wait3A] : memref<102400x16xf32, #tpu.memory_space<vmem_shared>> -> memref<6400x16xf32, #tpu.memory_space<vmem_shared>>
      %dma_wait3A_33 = arith.constant 0 : i32
      %dma_wait3A_34 = tpu.memref_slice %arg2[%add3A_3, %mul3A_0, %dma_wait3A_33] : memref<4x102400x16xf32, #tpu.memory_space<hbm>> -> memref<1x6400x16xf32, #tpu.memory_space<hbm>>
      %dma_wait3A_35 = tpu.memref_squeeze %dma_wait3A_34 : memref<1x6400x16xf32, #tpu.memory_space<hbm>> -> memref<6400x16xf32, #tpu.memory_space<hbm>>
      tpu.wait_dma2 semaphore(%run_scoped3A : memref<!tpu.dma_semaphore, #tpu.memory_space<semaphore_mem>>) src(%dma_wait3A_35 : memref<6400x16xf32, #tpu.memory_space<hbm>>) dst(%dma_wait3A_32 : memref<6400x16xf32, #tpu.memory_space<vmem_shared>>)
      tpu.yield
    }) : () -> ()
    %barrier3A = arith.constant 0 : index
    tpu.barrier barrier_id(%barrier3A)
    %mul3A_4 = arith.constant 392 : i32
    %mul3A_5 = arith.muli %arg1, %mul3A_4 : i32
    %scan3A = arith.constant 0 : i32
    %scan3A_6 = arith.constant 0 : i32
    %scan3A_7 = arith.constant 196 : i32
    %scan3A_8 = arith.addi %scan3A_6, %scan3A_7 : i32
    %scan3A_9 = arith.constant 1 : i32
    scf.for %scan3A_28 = %scan3A_6 to %scan3A_8 step %scan3A_9  : i32 {
      %mul3A_29 = arith.constant 2 : i32
      %mul3A_30 = arith.muli %scan3A_28, %mul3A_29 : i32
      %add3A_31 = arith.addi %mul3A_5, %mul3A_30 : i32
      %run_scoped3A = arith.constant 0 : i32
      "tpu.region"() ({
        %run_scoped3A_149 = tpu.sem_alloc : memref<!tpu.dma_semaphore, #tpu.memory_space<semaphore_mem>>
        %dma_start3A_150 = arith.constant 0 : i32
        %dma_start3A_151 = tpu.memref_slice %arg6[%run_scoped3A, %dma_start3A_150] : memref<2x512xi32, #tpu.memory_space<vmem>> -> memref<1x512xi32, #tpu.memory_space<vmem>>
        %dma_start3A_152 = tpu.memref_squeeze %dma_start3A_151 : memref<1x512xi32, #tpu.memory_space<vmem>> -> memref<512xi32, #tpu.memory_space<vmem>>
        %dma_start3A_153 = arith.constant 0 : i32
        %dma_start3A_154 = tpu.memref_slice %arg3[%add3A_31, %dma_start3A_153] : memref<6272x512xi32, #tpu.memory_space<hbm>> -> memref<1x512xi32, #tpu.memory_space<hbm>>
        %dma_start3A_155 = tpu.memref_squeeze %dma_start3A_154 : memref<1x512xi32, #tpu.memory_space<hbm>> -> memref<512xi32, #tpu.memory_space<hbm>>
        %dma_start3A_156 = arith.constant 0 : i32
        %dma_start3A_157 = tpu.memref_slice %arg6[%run_scoped3A, %dma_start3A_156] : memref<2x512xi32, #tpu.memory_space<vmem>> -> memref<1x512xi32, #tpu.memory_space<vmem>>
        %dma_start3A_158 = tpu.memref_squeeze %dma_start3A_157 : memref<1x512xi32, #tpu.memory_space<vmem>> -> memref<512xi32, #tpu.memory_space<vmem>>
        %dma_start3A_159 = arith.constant 0 : i32
        %dma_start3A_160 = tpu.memref_slice %arg3[%add3A_31, %dma_start3A_159] : memref<6272x512xi32, #tpu.memory_space<hbm>> -> memref<1x512xi32, #tpu.memory_space<hbm>>
        %dma_start3A_161 = tpu.memref_squeeze %dma_start3A_160 : memref<1x512xi32, #tpu.memory_space<hbm>> -> memref<512xi32, #tpu.memory_space<hbm>>
        tpu.enqueue_dma source(%dma_start3A_161 : memref<512xi32, #tpu.memory_space<hbm>>) target(%dma_start3A_158 : memref<512xi32, #tpu.memory_space<vmem>>) target_semaphore(%run_scoped3A_149 : memref<!tpu.dma_semaphore, #tpu.memory_space<semaphore_mem>>)
        %dma_wait3A_162 = arith.constant 0 : i32
        %dma_wait3A_163 = tpu.memref_slice %arg6[%run_scoped3A, %dma_wait3A_162] : memref<2x512xi32, #tpu.memory_space<vmem>> -> memref<1x512xi32, #tpu.memory_space<vmem>>
        %dma_wait3A_164 = tpu.memref_squeeze %dma_wait3A_163 : memref<1x512xi32, #tpu.memory_space<vmem>> -> memref<512xi32, #tpu.memory_space<vmem>>
        %dma_wait3A_165 = arith.constant 0 : i32
        %dma_wait3A_166 = tpu.memref_slice %arg3[%add3A_31, %dma_wait3A_165] : memref<6272x512xi32, #tpu.memory_space<hbm>> -> memref<1x512xi32, #tpu.memory_space<hbm>>
        %dma_wait3A_167 = tpu.memref_squeeze %dma_wait3A_166 : memref<1x512xi32, #tpu.memory_space<hbm>> -> memref<512xi32, #tpu.memory_space<hbm>>
        %dma_wait3A_168 = arith.constant 0 : i32
        %dma_wait3A_169 = tpu.memref_slice %arg6[%run_scoped3A, %dma_wait3A_168] : memref<2x512xi32, #tpu.memory_space<vmem>> -> memref<1x512xi32, #tpu.memory_space<vmem>>
        %dma_wait3A_170 = tpu.memref_squeeze %dma_wait3A_169 : memref<1x512xi32, #tpu.memory_space<vmem>> -> memref<512xi32, #tpu.memory_space<vmem>>
        %dma_wait3A_171 = arith.constant 0 : i32
        %dma_wait3A_172 = tpu.memref_slice %arg3[%add3A_31, %dma_wait3A_171] : memref<6272x512xi32, #tpu.memory_space<hbm>> -> memref<1x512xi32, #tpu.memory_space<hbm>>
        %dma_wait3A_173 = tpu.memref_squeeze %dma_wait3A_172 : memref<1x512xi32, #tpu.memory_space<hbm>> -> memref<512xi32, #tpu.memory_space<hbm>>
        tpu.wait_dma2 semaphore(%run_scoped3A_149 : memref<!tpu.dma_semaphore, #tpu.memory_space<semaphore_mem>>) src(%dma_wait3A_173 : memref<512xi32, #tpu.memory_space<hbm>>) dst(%dma_wait3A_170 : memref<512xi32, #tpu.memory_space<vmem>>)
        tpu.yield
      }) : () -> ()
      %run_scoped3A_32 = arith.constant 0 : i32
      "tpu.region"() ({
        %run_scoped3A_149 = tpu.sem_alloc : memref<!tpu.dma_semaphore, #tpu.memory_space<semaphore_mem>>
        %dma_start3A_150 = arith.constant 0 : i32
        %dma_start3A_151 = tpu.memref_slice %arg7[%run_scoped3A_32, %dma_start3A_150] : memref<2x512xi32, #tpu.memory_space<vmem>> -> memref<1x512xi32, #tpu.memory_space<vmem>>
        %dma_start3A_152 = tpu.memref_squeeze %dma_start3A_151 : memref<1x512xi32, #tpu.memory_space<vmem>> -> memref<512xi32, #tpu.memory_space<vmem>>
        %dma_start3A_153 = arith.constant 0 : i32
        %dma_start3A_154 = tpu.memref_slice %arg4[%add3A_31, %dma_start3A_153] : memref<6272x512xi32, #tpu.memory_space<hbm>> -> memref<1x512xi32, #tpu.memory_space<hbm>>
        %dma_start3A_155 = tpu.memref_squeeze %dma_start3A_154 : memref<1x512xi32, #tpu.memory_space<hbm>> -> memref<512xi32, #tpu.memory_space<hbm>>
        %dma_start3A_156 = arith.constant 0 : i32
        %dma_start3A_157 = tpu.memref_slice %arg7[%run_scoped3A_32, %dma_start3A_156] : memref<2x512xi32, #tpu.memory_space<vmem>> -> memref<1x512xi32, #tpu.memory_space<vmem>>
        %dma_start3A_158 = tpu.memref_squeeze %dma_start3A_157 : memref<1x512xi32, #tpu.memory_space<vmem>> -> memref<512xi32, #tpu.memory_space<vmem>>
        %dma_start3A_159 = arith.constant 0 : i32
        %dma_start3A_160 = tpu.memref_slice %arg4[%add3A_31, %dma_start3A_159] : memref<6272x512xi32, #tpu.memory_space<hbm>> -> memref<1x512xi32, #tpu.memory_space<hbm>>
        %dma_start3A_161 = tpu.memref_squeeze %dma_start3A_160 : memref<1x512xi32, #tpu.memory_space<hbm>> -> memref<512xi32, #tpu.memory_space<hbm>>
        tpu.enqueue_dma source(%dma_start3A_161 : memref<512xi32, #tpu.memory_space<hbm>>) target(%dma_start3A_158 : memref<512xi32, #tpu.memory_space<vmem>>) target_semaphore(%run_scoped3A_149 : memref<!tpu.dma_semaphore, #tpu.memory_space<semaphore_mem>>)
        %dma_wait3A_162 = arith.constant 0 : i32
        %dma_wait3A_163 = tpu.memref_slice %arg7[%run_scoped3A_32, %dma_wait3A_162] : memref<2x512xi32, #tpu.memory_space<vmem>> -> memref<1x512xi32, #tpu.memory_space<vmem>>
        %dma_wait3A_164 = tpu.memref_squeeze %dma_wait3A_163 : memref<1x512xi32, #tpu.memory_space<vmem>> -> memref<512xi32, #tpu.memory_space<vmem>>
        %dma_wait3A_165 = arith.constant 0 : i32
        %dma_wait3A_166 = tpu.memref_slice %arg4[%add3A_31, %dma_wait3A_165] : memref<6272x512xi32, #tpu.memory_space<hbm>> -> memref<1x512xi32, #tpu.memory_space<hbm>>
        %dma_wait3A_167 = tpu.memref_squeeze %dma_wait3A_166 : memref<1x512xi32, #tpu.memory_space<hbm>> -> memref<512xi32, #tpu.memory_space<hbm>>
        %dma_wait3A_168 = arith.constant 0 : i32
        %dma_wait3A_169 = tpu.memref_slice %arg7[%run_scoped3A_32, %dma_wait3A_168] : memref<2x512xi32, #tpu.memory_space<vmem>> -> memref<1x512xi32, #tpu.memory_space<vmem>>
        %dma_wait3A_170 = tpu.memref_squeeze %dma_wait3A_169 : memref<1x512xi32, #tpu.memory_space<vmem>> -> memref<512xi32, #tpu.memory_space<vmem>>
        %dma_wait3A_171 = arith.constant 0 : i32
        %dma_wait3A_172 = tpu.memref_slice %arg4[%add3A_31, %dma_wait3A_171] : memref<6272x512xi32, #tpu.memory_space<hbm>> -> memref<1x512xi32, #tpu.memory_space<hbm>>
        %dma_wait3A_173 = tpu.memref_squeeze %dma_wait3A_172 : memref<1x512xi32, #tpu.memory_space<hbm>> -> memref<512xi32, #tpu.memory_space<hbm>>
        tpu.wait_dma2 semaphore(%run_scoped3A_149 : memref<!tpu.dma_semaphore, #tpu.memory_space<semaphore_mem>>) src(%dma_wait3A_173 : memref<512xi32, #tpu.memory_space<hbm>>) dst(%dma_wait3A_170 : memref<512xi32, #tpu.memory_space<vmem>>)
        tpu.yield
      }) : () -> ()
      %dma_start3A = arith.constant 0 : i32
      %dma_start3A_33 = arith.constant 0 : i32
      %dma_start3A_34 = arith.constant 0 : i32
      %dma_start3A_35 = arith.constant 0 : i32
      %dma_start3A_36 = tpu.memref_slice %arg8[%dma_start3A_33, %dma_start3A_34, %dma_start3A_35] : memref<2x512x16xf32, #tpu.memory_space<vmem>> -> memref<1x512x16xf32, #tpu.memory_space<vmem>>
      %dma_start3A_37 = tpu.memref_squeeze %dma_start3A_36 : memref<1x512x16xf32, #tpu.memory_space<vmem>> -> memref<512x16xf32, #tpu.memory_space<vmem>>
      %dma_start3A_38 = arith.constant 0 : i32
      %dma_start3A_39 = tpu.memref_slice %arg6[%dma_start3A, %dma_start3A_38] : memref<2x512xi32, #tpu.memory_space<vmem>> -> memref<1x512xi32, #tpu.memory_space<vmem>>
      %dma_start3A_40 = tpu.memref_squeeze %dma_start3A_39 : memref<1x512xi32, #tpu.memory_space<vmem>> -> memref<512xi32, #tpu.memory_space<vmem>>
      %dma_start3A_41 = arith.constant 0 : i32
      %dma_start3A_42 = arith.constant 0 : i32
      %dma_start3A_43 = tpu.memref_slice %arg2[%add3A_3, %dma_start3A_41, %dma_start3A_42] : memref<4x102400x16xf32, #tpu.memory_space<hbm>> -> memref<1x102400x16xf32, #tpu.memory_space<hbm>>
      %dma_start3A_44 = tpu.memref_squeeze %dma_start3A_43 : memref<1x102400x16xf32, #tpu.memory_space<hbm>> -> memref<102400x16xf32, #tpu.memory_space<hbm>>
      %dma_start3A_45 = arith.constant 0 : i32
      %dma_start3A_46 = arith.constant 0 : i32
      %dma_start3A_47 = tpu.memref_slice %dma_start3A_44[%dma_start3A_45, %dma_start3A_46] : memref<102400x16xf32, #tpu.memory_space<hbm>> -> memref<102400x16xf32, #tpu.memory_space<hbm>>
      tpu.enqueue_indirect_dma source(%dma_start3A_47 : memref<102400x16xf32, #tpu.memory_space<hbm>>) target(%dma_start3A_37 : memref<512x16xf32, #tpu.memory_space<vmem>>) offsets(%dma_start3A_40 : memref<512xi32, #tpu.memory_space<vmem>>) semaphore(%arg10 : memref<!tpu.dma_semaphore, #tpu.memory_space<semaphore_mem>>)
      %add3A_48 = arith.constant 1 : i32
      %add3A_49 = arith.addi %add3A_31, %add3A_48 : i32
      %run_scoped3A_50 = arith.constant 1 : i32
      "tpu.region"() ({
        %run_scoped3A_149 = tpu.sem_alloc : memref<!tpu.dma_semaphore, #tpu.memory_space<semaphore_mem>>
        %dma_start3A_150 = arith.constant 0 : i32
        %dma_start3A_151 = tpu.memref_slice %arg6[%run_scoped3A_50, %dma_start3A_150] : memref<2x512xi32, #tpu.memory_space<vmem>> -> memref<1x512xi32, #tpu.memory_space<vmem>>
        %dma_start3A_152 = tpu.memref_squeeze %dma_start3A_151 : memref<1x512xi32, #tpu.memory_space<vmem>> -> memref<512xi32, #tpu.memory_space<vmem>>
        %dma_start3A_153 = arith.constant 0 : i32
        %dma_start3A_154 = tpu.memref_slice %arg3[%add3A_49, %dma_start3A_153] : memref<6272x512xi32, #tpu.memory_space<hbm>> -> memref<1x512xi32, #tpu.memory_space<hbm>>
        %dma_start3A_155 = tpu.memref_squeeze %dma_start3A_154 : memref<1x512xi32, #tpu.memory_space<hbm>> -> memref<512xi32, #tpu.memory_space<hbm>>
        %dma_start3A_156 = arith.constant 0 : i32
        %dma_start3A_157 = tpu.memref_slice %arg6[%run_scoped3A_50, %dma_start3A_156] : memref<2x512xi32, #tpu.memory_space<vmem>> -> memref<1x512xi32, #tpu.memory_space<vmem>>
        %dma_start3A_158 = tpu.memref_squeeze %dma_start3A_157 : memref<1x512xi32, #tpu.memory_space<vmem>> -> memref<512xi32, #tpu.memory_space<vmem>>
        %dma_start3A_159 = arith.constant 0 : i32
        %dma_start3A_160 = tpu.memref_slice %arg3[%add3A_49, %dma_start3A_159] : memref<6272x512xi32, #tpu.memory_space<hbm>> -> memref<1x512xi32, #tpu.memory_space<hbm>>
        %dma_start3A_161 = tpu.memref_squeeze %dma_start3A_160 : memref<1x512xi32, #tpu.memory_space<hbm>> -> memref<512xi32, #tpu.memory_space<hbm>>
        tpu.enqueue_dma source(%dma_start3A_161 : memref<512xi32, #tpu.memory_space<hbm>>) target(%dma_start3A_158 : memref<512xi32, #tpu.memory_space<vmem>>) target_semaphore(%run_scoped3A_149 : memref<!tpu.dma_semaphore, #tpu.memory_space<semaphore_mem>>)
        %dma_wait3A_162 = arith.constant 0 : i32
        %dma_wait3A_163 = tpu.memref_slice %arg6[%run_scoped3A_50, %dma_wait3A_162] : memref<2x512xi32, #tpu.memory_space<vmem>> -> memref<1x512xi32, #tpu.memory_space<vmem>>
        %dma_wait3A_164 = tpu.memref_squeeze %dma_wait3A_163 : memref<1x512xi32, #tpu.memory_space<vmem>> -> memref<512xi32, #tpu.memory_space<vmem>>
        %dma_wait3A_165 = arith.constant 0 : i32
        %dma_wait3A_166 = tpu.memref_slice %arg3[%add3A_49, %dma_wait3A_165] : memref<6272x512xi32, #tpu.memory_space<hbm>> -> memref<1x512xi32, #tpu.memory_space<hbm>>
        %dma_wait3A_167 = tpu.memref_squeeze %dma_wait3A_166 : memref<1x512xi32, #tpu.memory_space<hbm>> -> memref<512xi32, #tpu.memory_space<hbm>>
        %dma_wait3A_168 = arith.constant 0 : i32
        %dma_wait3A_169 = tpu.memref_slice %arg6[%run_scoped3A_50, %dma_wait3A_168] : memref<2x512xi32, #tpu.memory_space<vmem>> -> memref<1x512xi32, #tpu.memory_space<vmem>>
        %dma_wait3A_170 = tpu.memref_squeeze %dma_wait3A_169 : memref<1x512xi32, #tpu.memory_space<vmem>> -> memref<512xi32, #tpu.memory_space<vmem>>
        %dma_wait3A_171 = arith.constant 0 : i32
        %dma_wait3A_172 = tpu.memref_slice %arg3[%add3A_49, %dma_wait3A_171] : memref<6272x512xi32, #tpu.memory_space<hbm>> -> memref<1x512xi32, #tpu.memory_space<hbm>>
        %dma_wait3A_173 = tpu.memref_squeeze %dma_wait3A_172 : memref<1x512xi32, #tpu.memory_space<hbm>> -> memref<512xi32, #tpu.memory_space<hbm>>
        tpu.wait_dma2 semaphore(%run_scoped3A_149 : memref<!tpu.dma_semaphore, #tpu.memory_space<semaphore_mem>>) src(%dma_wait3A_173 : memref<512xi32, #tpu.memory_space<hbm>>) dst(%dma_wait3A_170 : memref<512xi32, #tpu.memory_space<vmem>>)
        tpu.yield
      }) : () -> ()
      %add3A_51 = arith.constant 1 : i32
      %add3A_52 = arith.addi %add3A_31, %add3A_51 : i32
      %run_scoped3A_53 = arith.constant 1 : i32
      "tpu.region"() ({
        %run_scoped3A_149 = tpu.sem_alloc : memref<!tpu.dma_semaphore, #tpu.memory_space<semaphore_mem>>
        %dma_start3A_150 = arith.constant 0 : i32
        %dma_start3A_151 = tpu.memref_slice %arg7[%run_scoped3A_53, %dma_start3A_150] : memref<2x512xi32, #tpu.memory_space<vmem>> -> memref<1x512xi32, #tpu.memory_space<vmem>>
        %dma_start3A_152 = tpu.memref_squeeze %dma_start3A_151 : memref<1x512xi32, #tpu.memory_space<vmem>> -> memref<512xi32, #tpu.memory_space<vmem>>
        %dma_start3A_153 = arith.constant 0 : i32
        %dma_start3A_154 = tpu.memref_slice %arg4[%add3A_52, %dma_start3A_153] : memref<6272x512xi32, #tpu.memory_space<hbm>> -> memref<1x512xi32, #tpu.memory_space<hbm>>
        %dma_start3A_155 = tpu.memref_squeeze %dma_start3A_154 : memref<1x512xi32, #tpu.memory_space<hbm>> -> memref<512xi32, #tpu.memory_space<hbm>>
        %dma_start3A_156 = arith.constant 0 : i32
        %dma_start3A_157 = tpu.memref_slice %arg7[%run_scoped3A_53, %dma_start3A_156] : memref<2x512xi32, #tpu.memory_space<vmem>> -> memref<1x512xi32, #tpu.memory_space<vmem>>
        %dma_start3A_158 = tpu.memref_squeeze %dma_start3A_157 : memref<1x512xi32, #tpu.memory_space<vmem>> -> memref<512xi32, #tpu.memory_space<vmem>>
        %dma_start3A_159 = arith.constant 0 : i32
        %dma_start3A_160 = tpu.memref_slice %arg4[%add3A_52, %dma_start3A_159] : memref<6272x512xi32, #tpu.memory_space<hbm>> -> memref<1x512xi32, #tpu.memory_space<hbm>>
        %dma_start3A_161 = tpu.memref_squeeze %dma_start3A_160 : memref<1x512xi32, #tpu.memory_space<hbm>> -> memref<512xi32, #tpu.memory_space<hbm>>
        tpu.enqueue_dma source(%dma_start3A_161 : memref<512xi32, #tpu.memory_space<hbm>>) target(%dma_start3A_158 : memref<512xi32, #tpu.memory_space<vmem>>) target_semaphore(%run_scoped3A_149 : memref<!tpu.dma_semaphore, #tpu.memory_space<semaphore_mem>>)
        %dma_wait3A_162 = arith.constant 0 : i32
        %dma_wait3A_163 = tpu.memref_slice %arg7[%run_scoped3A_53, %dma_wait3A_162] : memref<2x512xi32, #tpu.memory_space<vmem>> -> memref<1x512xi32, #tpu.memory_space<vmem>>
        %dma_wait3A_164 = tpu.memref_squeeze %dma_wait3A_163 : memref<1x512xi32, #tpu.memory_space<vmem>> -> memref<512xi32, #tpu.memory_space<vmem>>
        %dma_wait3A_165 = arith.constant 0 : i32
        %dma_wait3A_166 = tpu.memref_slice %arg4[%add3A_52, %dma_wait3A_165] : memref<6272x512xi32, #tpu.memory_space<hbm>> -> memref<1x512xi32, #tpu.memory_space<hbm>>
        %dma_wait3A_167 = tpu.memref_squeeze %dma_wait3A_166 : memref<1x512xi32, #tpu.memory_space<hbm>> -> memref<512xi32, #tpu.memory_space<hbm>>
        %dma_wait3A_168 = arith.constant 0 : i32
        %dma_wait3A_169 = tpu.memref_slice %arg7[%run_scoped3A_53, %dma_wait3A_168] : memref<2x512xi32, #tpu.memory_space<vmem>> -> memref<1x512xi32, #tpu.memory_space<vmem>>
        %dma_wait3A_170 = tpu.memref_squeeze %dma_wait3A_169 : memref<1x512xi32, #tpu.memory_space<vmem>> -> memref<512xi32, #tpu.memory_space<vmem>>
        %dma_wait3A_171 = arith.constant 0 : i32
        %dma_wait3A_172 = tpu.memref_slice %arg4[%add3A_52, %dma_wait3A_171] : memref<6272x512xi32, #tpu.memory_space<hbm>> -> memref<1x512xi32, #tpu.memory_space<hbm>>
        %dma_wait3A_173 = tpu.memref_squeeze %dma_wait3A_172 : memref<1x512xi32, #tpu.memory_space<hbm>> -> memref<512xi32, #tpu.memory_space<hbm>>
        tpu.wait_dma2 semaphore(%run_scoped3A_149 : memref<!tpu.dma_semaphore, #tpu.memory_space<semaphore_mem>>) src(%dma_wait3A_173 : memref<512xi32, #tpu.memory_space<hbm>>) dst(%dma_wait3A_170 : memref<512xi32, #tpu.memory_space<vmem>>)
        tpu.yield
      }) : () -> ()
      %dma_start3A_54 = arith.constant 1 : i32
      %dma_start3A_55 = arith.constant 1 : i32
      %dma_start3A_56 = arith.constant 0 : i32
      %dma_start3A_57 = arith.constant 0 : i32
      %dma_start3A_58 = tpu.memref_slice %arg8[%dma_start3A_55, %dma_start3A_56, %dma_start3A_57] : memref<2x512x16xf32, #tpu.memory_space<vmem>> -> memref<1x512x16xf32, #tpu.memory_space<vmem>>
      %dma_start3A_59 = tpu.memref_squeeze %dma_start3A_58 : memref<1x512x16xf32, #tpu.memory_space<vmem>> -> memref<512x16xf32, #tpu.memory_space<vmem>>
      %dma_start3A_60 = arith.constant 0 : i32
      %dma_start3A_61 = tpu.memref_slice %arg6[%dma_start3A_54, %dma_start3A_60] : memref<2x512xi32, #tpu.memory_space<vmem>> -> memref<1x512xi32, #tpu.memory_space<vmem>>
      %dma_start3A_62 = tpu.memref_squeeze %dma_start3A_61 : memref<1x512xi32, #tpu.memory_space<vmem>> -> memref<512xi32, #tpu.memory_space<vmem>>
      %dma_start3A_63 = arith.constant 0 : i32
      %dma_start3A_64 = arith.constant 0 : i32
      %dma_start3A_65 = tpu.memref_slice %arg2[%add3A_3, %dma_start3A_63, %dma_start3A_64] : memref<4x102400x16xf32, #tpu.memory_space<hbm>> -> memref<1x102400x16xf32, #tpu.memory_space<hbm>>
      %dma_start3A_66 = tpu.memref_squeeze %dma_start3A_65 : memref<1x102400x16xf32, #tpu.memory_space<hbm>> -> memref<102400x16xf32, #tpu.memory_space<hbm>>
      %dma_start3A_67 = arith.constant 0 : i32
      %dma_start3A_68 = arith.constant 0 : i32
      %dma_start3A_69 = tpu.memref_slice %dma_start3A_66[%dma_start3A_67, %dma_start3A_68] : memref<102400x16xf32, #tpu.memory_space<hbm>> -> memref<102400x16xf32, #tpu.memory_space<hbm>>
      tpu.enqueue_indirect_dma source(%dma_start3A_69 : memref<102400x16xf32, #tpu.memory_space<hbm>>) target(%dma_start3A_59 : memref<512x16xf32, #tpu.memory_space<vmem>>) offsets(%dma_start3A_62 : memref<512xi32, #tpu.memory_space<vmem>>) semaphore(%arg10 : memref<!tpu.dma_semaphore, #tpu.memory_space<semaphore_mem>>)
      %dma_wait3A = arith.constant 0 : i32
      %dma_wait3A_70 = arith.constant 0 : i32
      %dma_wait3A_71 = arith.constant 0 : i32
      %dma_wait3A_72 = arith.constant 0 : i32
      %dma_wait3A_73 = tpu.memref_slice %arg8[%dma_wait3A_70, %dma_wait3A_71, %dma_wait3A_72] : memref<2x512x16xf32, #tpu.memory_space<vmem>> -> memref<1x512x16xf32, #tpu.memory_space<vmem>>
      %dma_wait3A_74 = tpu.memref_squeeze %dma_wait3A_73 : memref<1x512x16xf32, #tpu.memory_space<vmem>> -> memref<512x16xf32, #tpu.memory_space<vmem>>
      %dma_wait3A_75 = arith.constant 0 : i32
      %dma_wait3A_76 = tpu.memref_slice %arg6[%dma_wait3A, %dma_wait3A_75] : memref<2x512xi32, #tpu.memory_space<vmem>> -> memref<1x512xi32, #tpu.memory_space<vmem>>
      %dma_wait3A_77 = tpu.memref_squeeze %dma_wait3A_76 : memref<1x512xi32, #tpu.memory_space<vmem>> -> memref<512xi32, #tpu.memory_space<vmem>>
      %dma_wait3A_78 = arith.constant 0 : i32
      %dma_wait3A_79 = arith.constant 0 : i32
      %dma_wait3A_80 = tpu.memref_slice %arg2[%add3A_3, %dma_wait3A_78, %dma_wait3A_79] : memref<4x102400x16xf32, #tpu.memory_space<hbm>> -> memref<1x102400x16xf32, #tpu.memory_space<hbm>>
      %dma_wait3A_81 = tpu.memref_squeeze %dma_wait3A_80 : memref<1x102400x16xf32, #tpu.memory_space<hbm>> -> memref<102400x16xf32, #tpu.memory_space<hbm>>
      %dma_wait3A_82 = arith.constant 0 : i32
      %dma_wait3A_83 = arith.constant 0 : i32
      %dma_wait3A_84 = tpu.memref_slice %dma_wait3A_81[%dma_wait3A_82, %dma_wait3A_83] : memref<102400x16xf32, #tpu.memory_space<hbm>> -> memref<102400x16xf32, #tpu.memory_space<hbm>>
      tpu.wait_indirect_dma semaphore(%arg10 : memref<!tpu.dma_semaphore, #tpu.memory_space<semaphore_mem>>) src(%dma_wait3A_84 : memref<102400x16xf32, #tpu.memory_space<hbm>>) dst(%dma_wait3A_74 : memref<512x16xf32, #tpu.memory_space<vmem>>)
      %dma_start3A_85 = arith.constant 0 : i32
      %dma_start3A_86 = arith.constant 0 : i32
      %dma_start3A_87 = arith.constant 0 : i32
      %dma_start3A_88 = arith.constant 0 : i32
      %dma_start3A_89 = tpu.memref_slice %arg8[%dma_start3A_85, %dma_start3A_87, %dma_start3A_88] : memref<2x512x16xf32, #tpu.memory_space<vmem>> -> memref<1x512x16xf32, #tpu.memory_space<vmem>>
      %dma_start3A_90 = tpu.memref_squeeze %dma_start3A_89 : memref<1x512x16xf32, #tpu.memory_space<vmem>> -> memref<512x16xf32, #tpu.memory_space<vmem>>
      %dma_start3A_91 = arith.constant 0 : i32
      %dma_start3A_92 = tpu.memref_slice %arg7[%dma_start3A_86, %dma_start3A_91] : memref<2x512xi32, #tpu.memory_space<vmem>> -> memref<1x512xi32, #tpu.memory_space<vmem>>
      %dma_start3A_93 = tpu.memref_squeeze %dma_start3A_92 : memref<1x512xi32, #tpu.memory_space<vmem>> -> memref<512xi32, #tpu.memory_space<vmem>>
      %dma_start3A_94 = arith.constant 0 : i32
      %dma_start3A_95 = arith.constant 0 : i32
      %dma_start3A_96 = tpu.memref_slice %arg9[%dma_start3A_94, %dma_start3A_95] : memref<102400x16xf32, #tpu.memory_space<vmem_shared>> -> memref<102400x16xf32, #tpu.memory_space<vmem_shared>>
      tpu.enqueue_indirect_dma source(%dma_start3A_90 : memref<512x16xf32, #tpu.memory_space<vmem>>) target(%dma_start3A_96 : memref<102400x16xf32, #tpu.memory_space<vmem_shared>>) offsets(%dma_start3A_93 : memref<512xi32, #tpu.memory_space<vmem>>) semaphore(%arg11 : memref<!tpu.dma_semaphore, #tpu.memory_space<semaphore_mem>>) {add = true}
      %dma_wait3A_97 = arith.constant 1 : i32
      %dma_wait3A_98 = arith.constant 1 : i32
      %dma_wait3A_99 = arith.constant 0 : i32
      %dma_wait3A_100 = arith.constant 0 : i32
      %dma_wait3A_101 = tpu.memref_slice %arg8[%dma_wait3A_98, %dma_wait3A_99, %dma_wait3A_100] : memref<2x512x16xf32, #tpu.memory_space<vmem>> -> memref<1x512x16xf32, #tpu.memory_space<vmem>>
      %dma_wait3A_102 = tpu.memref_squeeze %dma_wait3A_101 : memref<1x512x16xf32, #tpu.memory_space<vmem>> -> memref<512x16xf32, #tpu.memory_space<vmem>>
      %dma_wait3A_103 = arith.constant 0 : i32
      %dma_wait3A_104 = tpu.memref_slice %arg6[%dma_wait3A_97, %dma_wait3A_103] : memref<2x512xi32, #tpu.memory_space<vmem>> -> memref<1x512xi32, #tpu.memory_space<vmem>>
      %dma_wait3A_105 = tpu.memref_squeeze %dma_wait3A_104 : memref<1x512xi32, #tpu.memory_space<vmem>> -> memref<512xi32, #tpu.memory_space<vmem>>
      %dma_wait3A_106 = arith.constant 0 : i32
      %dma_wait3A_107 = arith.constant 0 : i32
      %dma_wait3A_108 = tpu.memref_slice %arg2[%add3A_3, %dma_wait3A_106, %dma_wait3A_107] : memref<4x102400x16xf32, #tpu.memory_space<hbm>> -> memref<1x102400x16xf32, #tpu.memory_space<hbm>>
      %dma_wait3A_109 = tpu.memref_squeeze %dma_wait3A_108 : memref<1x102400x16xf32, #tpu.memory_space<hbm>> -> memref<102400x16xf32, #tpu.memory_space<hbm>>
      %dma_wait3A_110 = arith.constant 0 : i32
      %dma_wait3A_111 = arith.constant 0 : i32
      %dma_wait3A_112 = tpu.memref_slice %dma_wait3A_109[%dma_wait3A_110, %dma_wait3A_111] : memref<102400x16xf32, #tpu.memory_space<hbm>> -> memref<102400x16xf32, #tpu.memory_space<hbm>>
      tpu.wait_indirect_dma semaphore(%arg10 : memref<!tpu.dma_semaphore, #tpu.memory_space<semaphore_mem>>) src(%dma_wait3A_112 : memref<102400x16xf32, #tpu.memory_space<hbm>>) dst(%dma_wait3A_102 : memref<512x16xf32, #tpu.memory_space<vmem>>)
      %dma_start3A_113 = arith.constant 1 : i32
      %dma_start3A_114 = arith.constant 1 : i32
      %dma_start3A_115 = arith.constant 0 : i32
      %dma_start3A_116 = arith.constant 0 : i32
      %dma_start3A_117 = tpu.memref_slice %arg8[%dma_start3A_113, %dma_start3A_115, %dma_start3A_116] : memref<2x512x16xf32, #tpu.memory_space<vmem>> -> memref<1x512x16xf32, #tpu.memory_space<vmem>>
      %dma_start3A_118 = tpu.memref_squeeze %dma_start3A_117 : memref<1x512x16xf32, #tpu.memory_space<vmem>> -> memref<512x16xf32, #tpu.memory_space<vmem>>
      %dma_start3A_119 = arith.constant 0 : i32
      %dma_start3A_120 = tpu.memref_slice %arg7[%dma_start3A_114, %dma_start3A_119] : memref<2x512xi32, #tpu.memory_space<vmem>> -> memref<1x512xi32, #tpu.memory_space<vmem>>
      %dma_start3A_121 = tpu.memref_squeeze %dma_start3A_120 : memref<1x512xi32, #tpu.memory_space<vmem>> -> memref<512xi32, #tpu.memory_space<vmem>>
      %dma_start3A_122 = arith.constant 0 : i32
      %dma_start3A_123 = arith.constant 0 : i32
      %dma_start3A_124 = tpu.memref_slice %arg9[%dma_start3A_122, %dma_start3A_123] : memref<102400x16xf32, #tpu.memory_space<vmem_shared>> -> memref<102400x16xf32, #tpu.memory_space<vmem_shared>>
      tpu.enqueue_indirect_dma source(%dma_start3A_118 : memref<512x16xf32, #tpu.memory_space<vmem>>) target(%dma_start3A_124 : memref<102400x16xf32, #tpu.memory_space<vmem_shared>>) offsets(%dma_start3A_121 : memref<512xi32, #tpu.memory_space<vmem>>) semaphore(%arg11 : memref<!tpu.dma_semaphore, #tpu.memory_space<semaphore_mem>>) {add = true}
      %dma_wait3A_125 = arith.constant 0 : i32
      %dma_wait3A_126 = arith.constant 0 : i32
      %dma_wait3A_127 = arith.constant 0 : i32
      %dma_wait3A_128 = arith.constant 0 : i32
      %dma_wait3A_129 = tpu.memref_slice %arg8[%dma_wait3A_125, %dma_wait3A_127, %dma_wait3A_128] : memref<2x512x16xf32, #tpu.memory_space<vmem>> -> memref<1x512x16xf32, #tpu.memory_space<vmem>>
      %dma_wait3A_130 = tpu.memref_squeeze %dma_wait3A_129 : memref<1x512x16xf32, #tpu.memory_space<vmem>> -> memref<512x16xf32, #tpu.memory_space<vmem>>
      %dma_wait3A_131 = arith.constant 0 : i32
      %dma_wait3A_132 = tpu.memref_slice %arg7[%dma_wait3A_126, %dma_wait3A_131] : memref<2x512xi32, #tpu.memory_space<vmem>> -> memref<1x512xi32, #tpu.memory_space<vmem>>
      %dma_wait3A_133 = tpu.memref_squeeze %dma_wait3A_132 : memref<1x512xi32, #tpu.memory_space<vmem>> -> memref<512xi32, #tpu.memory_space<vmem>>
      %dma_wait3A_134 = arith.constant 0 : i32
      %dma_wait3A_135 = arith.constant 0 : i32
      %dma_wait3A_136 = tpu.memref_slice %arg9[%dma_wait3A_134, %dma_wait3A_135] : memref<102400x16xf32, #tpu.memory_space<vmem_shared>> -> memref<102400x16xf32, #tpu.memory_space<vmem_shared>>
      tpu.wait_indirect_dma semaphore(%arg11 : memref<!tpu.dma_semaphore, #tpu.memory_space<semaphore_mem>>) src(%dma_wait3A_130 : memref<512x16xf32, #tpu.memory_space<vmem>>) dst(%dma_wait3A_136 : memref<102400x16xf32, #tpu.memory_space<vmem_shared>>)
      %dma_wait3A_137 = arith.constant 1 : i32
      %dma_wait3A_138 = arith.constant 1 : i32
      %dma_wait3A_139 = arith.constant 0 : i32
      %dma_wait3A_140 = arith.constant 0 : i32
      %dma_wait3A_141 = tpu.memref_slice %arg8[%dma_wait3A_137, %dma_wait3A_139, %dma_wait3A_140] : memref<2x512x16xf32, #tpu.memory_space<vmem>> -> memref<1x512x16xf32, #tpu.memory_space<vmem>>
      %dma_wait3A_142 = tpu.memref_squeeze %dma_wait3A_141 : memref<1x512x16xf32, #tpu.memory_space<vmem>> -> memref<512x16xf32, #tpu.memory_space<vmem>>
      %dma_wait3A_143 = arith.constant 0 : i32
      %dma_wait3A_144 = tpu.memref_slice %arg7[%dma_wait3A_138, %dma_wait3A_143] : memref<2x512xi32, #tpu.memory_space<vmem>> -> memref<1x512xi32, #tpu.memory_space<vmem>>
      %dma_wait3A_145 = tpu.memref_squeeze %dma_wait3A_144 : memref<1x512xi32, #tpu.memory_space<vmem>> -> memref<512xi32, #tpu.memory_space<vmem>>
      %dma_wait3A_146 = arith.constant 0 : i32
      %dma_wait3A_147 = arith.constant 0 : i32
      %dma_wait3A_148 = tpu.memref_slice %arg9[%dma_wait3A_146, %dma_wait3A_147] : memref<102400x16xf32, #tpu.memory_space<vmem_shared>> -> memref<102400x16xf32, #tpu.memory_space<vmem_shared>>
      tpu.wait_indirect_dma semaphore(%arg11 : memref<!tpu.dma_semaphore, #tpu.memory_space<semaphore_mem>>) src(%dma_wait3A_142 : memref<512x16xf32, #tpu.memory_space<vmem>>) dst(%dma_wait3A_148 : memref<102400x16xf32, #tpu.memory_space<vmem_shared>>)
    }
    %scan3A_10 = arith.constant 196 : i32
    %barrier3A_11 = arith.constant 0 : index
    tpu.barrier barrier_id(%barrier3A_11)
    "tpu.region"() ({
      %run_scoped3A = tpu.sem_alloc : memref<!tpu.dma_semaphore, #tpu.memory_space<semaphore_mem>>
      %dma_start3A = arith.constant 0 : i32
      %dma_start3A_28 = tpu.memref_slice %arg5[%add3A_3, %mul3A_0, %dma_start3A] : memref<4x102400x16xf32, #tpu.memory_space<hbm>> -> memref<1x6400x16xf32, #tpu.memory_space<hbm>>
      %dma_start3A_29 = tpu.memref_squeeze %dma_start3A_28 : memref<1x6400x16xf32, #tpu.memory_space<hbm>> -> memref<6400x16xf32, #tpu.memory_space<hbm>>
      %dma_start3A_30 = arith.constant 0 : i32
      %dma_start3A_31 = tpu.memref_slice %arg9[%mul3A_0, %dma_start3A_30] : memref<102400x16xf32, #tpu.memory_space<vmem_shared>> -> memref<6400x16xf32, #tpu.memory_space<vmem_shared>>
      tpu.enqueue_dma source(%dma_start3A_31 : memref<6400x16xf32, #tpu.memory_space<vmem_shared>>) target(%dma_start3A_29 : memref<6400x16xf32, #tpu.memory_space<hbm>>) target_semaphore(%run_scoped3A : memref<!tpu.dma_semaphore, #tpu.memory_space<semaphore_mem>>)
      %dma_wait3A = arith.constant 0 : i32
      %dma_wait3A_32 = tpu.memref_slice %arg5[%add3A_3, %mul3A_0, %dma_wait3A] : memref<4x102400x16xf32, #tpu.memory_space<hbm>> -> memref<1x6400x16xf32, #tpu.memory_space<hbm>>
      %dma_wait3A_33 = tpu.memref_squeeze %dma_wait3A_32 : memref<1x6400x16xf32, #tpu.memory_space<hbm>> -> memref<6400x16xf32, #tpu.memory_space<hbm>>
      %dma_wait3A_34 = arith.constant 0 : i32
      %dma_wait3A_35 = tpu.memref_slice %arg9[%mul3A_0, %dma_wait3A_34] : memref<102400x16xf32, #tpu.memory_space<vmem_shared>> -> memref<6400x16xf32, #tpu.memory_space<vmem_shared>>
      tpu.wait_dma2 semaphore(%run_scoped3A : memref<!tpu.dma_semaphore, #tpu.memory_space<semaphore_mem>>) src(%dma_wait3A_35 : memref<6400x16xf32, #tpu.memory_space<vmem_shared>>) dst(%dma_wait3A_33 : memref<6400x16xf32, #tpu.memory_space<hbm>>)
      tpu.yield
    }) : () -> ()
    %barrier3A_12 = arith.constant 0 : index
    tpu.barrier barrier_id(%barrier3A_12)
    %mul3A_13 = arith.constant 2 : i32
    %mul3A_14 = arith.muli %arg0, %mul3A_13 : i32
    %add3A_15 = arith.constant 1 : i32
    %add3A_16 = arith.addi %mul3A_14, %add3A_15 : i32
    "tpu.region"() ({
      %run_scoped3A = tpu.sem_alloc : memref<!tpu.dma_semaphore, #tpu.memory_space<semaphore_mem>>
      %dma_start3A = arith.constant 0 : i32
      %dma_start3A_28 = tpu.memref_slice %arg9[%mul3A_0, %dma_start3A] : memref<102400x16xf32, #tpu.memory_space<vmem_shared>> -> memref<6400x16xf32, #tpu.memory_space<vmem_shared>>
      %dma_start3A_29 = arith.constant 0 : i32
      %dma_start3A_30 = tpu.memref_slice %arg2[%add3A_16, %mul3A_0, %dma_start3A_29] : memref<4x102400x16xf32, #tpu.memory_space<hbm>> -> memref<1x6400x16xf32, #tpu.memory_space<hbm>>
      %dma_start3A_31 = tpu.memref_squeeze %dma_start3A_30 : memref<1x6400x16xf32, #tpu.memory_space<hbm>> -> memref<6400x16xf32, #tpu.memory_space<hbm>>
      tpu.enqueue_dma source(%dma_start3A_31 : memref<6400x16xf32, #tpu.memory_space<hbm>>) target(%dma_start3A_28 : memref<6400x16xf32, #tpu.memory_space<vmem_shared>>) target_semaphore(%run_scoped3A : memref<!tpu.dma_semaphore, #tpu.memory_space<semaphore_mem>>)
      %dma_wait3A = arith.constant 0 : i32
      %dma_wait3A_32 = tpu.memref_slice %arg9[%mul3A_0, %dma_wait3A] : memref<102400x16xf32, #tpu.memory_space<vmem_shared>> -> memref<6400x16xf32, #tpu.memory_space<vmem_shared>>
      %dma_wait3A_33 = arith.constant 0 : i32
      %dma_wait3A_34 = tpu.memref_slice %arg2[%add3A_16, %mul3A_0, %dma_wait3A_33] : memref<4x102400x16xf32, #tpu.memory_space<hbm>> -> memref<1x6400x16xf32, #tpu.memory_space<hbm>>
      %dma_wait3A_35 = tpu.memref_squeeze %dma_wait3A_34 : memref<1x6400x16xf32, #tpu.memory_space<hbm>> -> memref<6400x16xf32, #tpu.memory_space<hbm>>
      tpu.wait_dma2 semaphore(%run_scoped3A : memref<!tpu.dma_semaphore, #tpu.memory_space<semaphore_mem>>) src(%dma_wait3A_35 : memref<6400x16xf32, #tpu.memory_space<hbm>>) dst(%dma_wait3A_32 : memref<6400x16xf32, #tpu.memory_space<vmem_shared>>)
      tpu.yield
    }) : () -> ()
    %barrier3A_17 = arith.constant 0 : index
    tpu.barrier barrier_id(%barrier3A_17)
    %mul3A_18 = arith.constant 392 : i32
    %mul3A_19 = arith.muli %arg1, %mul3A_18 : i32
    %scan3A_20 = arith.constant 0 : i32
    %scan3A_21 = arith.constant 0 : i32
    %scan3A_22 = arith.constant 196 : i32
    %scan3A_23 = arith.addi %scan3A_21, %scan3A_22 : i32
    %scan3A_24 = arith.constant 1 : i32
    scf.for %scan3A_28 = %scan3A_21 to %scan3A_23 step %scan3A_24  : i32 {
      %mul3A_29 = arith.constant 2 : i32
      %mul3A_30 = arith.muli %scan3A_28, %mul3A_29 : i32
      %add3A_31 = arith.addi %mul3A_19, %mul3A_30 : i32
      %run_scoped3A = arith.constant 0 : i32
      "tpu.region"() ({
        %run_scoped3A_149 = tpu.sem_alloc : memref<!tpu.dma_semaphore, #tpu.memory_space<semaphore_mem>>
        %dma_start3A_150 = arith.constant 0 : i32
        %dma_start3A_151 = tpu.memref_slice %arg6[%run_scoped3A, %dma_start3A_150] : memref<2x512xi32, #tpu.memory_space<vmem>> -> memref<1x512xi32, #tpu.memory_space<vmem>>
        %dma_start3A_152 = tpu.memref_squeeze %dma_start3A_151 : memref<1x512xi32, #tpu.memory_space<vmem>> -> memref<512xi32, #tpu.memory_space<vmem>>
        %dma_start3A_153 = arith.constant 0 : i32
        %dma_start3A_154 = tpu.memref_slice %arg3[%add3A_31, %dma_start3A_153] : memref<6272x512xi32, #tpu.memory_space<hbm>> -> memref<1x512xi32, #tpu.memory_space<hbm>>
        %dma_start3A_155 = tpu.memref_squeeze %dma_start3A_154 : memref<1x512xi32, #tpu.memory_space<hbm>> -> memref<512xi32, #tpu.memory_space<hbm>>
        %dma_start3A_156 = arith.constant 0 : i32
        %dma_start3A_157 = tpu.memref_slice %arg6[%run_scoped3A, %dma_start3A_156] : memref<2x512xi32, #tpu.memory_space<vmem>> -> memref<1x512xi32, #tpu.memory_space<vmem>>
        %dma_start3A_158 = tpu.memref_squeeze %dma_start3A_157 : memref<1x512xi32, #tpu.memory_space<vmem>> -> memref<512xi32, #tpu.memory_space<vmem>>
        %dma_start3A_159 = arith.constant 0 : i32
        %dma_start3A_160 = tpu.memref_slice %arg3[%add3A_31, %dma_start3A_159] : memref<6272x512xi32, #tpu.memory_space<hbm>> -> memref<1x512xi32, #tpu.memory_space<hbm>>
        %dma_start3A_161 = tpu.memref_squeeze %dma_start3A_160 : memref<1x512xi32, #tpu.memory_space<hbm>> -> memref<512xi32, #tpu.memory_space<hbm>>
        tpu.enqueue_dma source(%dma_start3A_161 : memref<512xi32, #tpu.memory_space<hbm>>) target(%dma_start3A_158 : memref<512xi32, #tpu.memory_space<vmem>>) target_semaphore(%run_scoped3A_149 : memref<!tpu.dma_semaphore, #tpu.memory_space<semaphore_mem>>)
        %dma_wait3A_162 = arith.constant 0 : i32
        %dma_wait3A_163 = tpu.memref_slice %arg6[%run_scoped3A, %dma_wait3A_162] : memref<2x512xi32, #tpu.memory_space<vmem>> -> memref<1x512xi32, #tpu.memory_space<vmem>>
        %dma_wait3A_164 = tpu.memref_squeeze %dma_wait3A_163 : memref<1x512xi32, #tpu.memory_space<vmem>> -> memref<512xi32, #tpu.memory_space<vmem>>
        %dma_wait3A_165 = arith.constant 0 : i32
        %dma_wait3A_166 = tpu.memref_slice %arg3[%add3A_31, %dma_wait3A_165] : memref<6272x512xi32, #tpu.memory_space<hbm>> -> memref<1x512xi32, #tpu.memory_space<hbm>>
        %dma_wait3A_167 = tpu.memref_squeeze %dma_wait3A_166 : memref<1x512xi32, #tpu.memory_space<hbm>> -> memref<512xi32, #tpu.memory_space<hbm>>
        %dma_wait3A_168 = arith.constant 0 : i32
        %dma_wait3A_169 = tpu.memref_slice %arg6[%run_scoped3A, %dma_wait3A_168] : memref<2x512xi32, #tpu.memory_space<vmem>> -> memref<1x512xi32, #tpu.memory_space<vmem>>
        %dma_wait3A_170 = tpu.memref_squeeze %dma_wait3A_169 : memref<1x512xi32, #tpu.memory_space<vmem>> -> memref<512xi32, #tpu.memory_space<vmem>>
        %dma_wait3A_171 = arith.constant 0 : i32
        %dma_wait3A_172 = tpu.memref_slice %arg3[%add3A_31, %dma_wait3A_171] : memref<6272x512xi32, #tpu.memory_space<hbm>> -> memref<1x512xi32, #tpu.memory_space<hbm>>
        %dma_wait3A_173 = tpu.memref_squeeze %dma_wait3A_172 : memref<1x512xi32, #tpu.memory_space<hbm>> -> memref<512xi32, #tpu.memory_space<hbm>>
        tpu.wait_dma2 semaphore(%run_scoped3A_149 : memref<!tpu.dma_semaphore, #tpu.memory_space<semaphore_mem>>) src(%dma_wait3A_173 : memref<512xi32, #tpu.memory_space<hbm>>) dst(%dma_wait3A_170 : memref<512xi32, #tpu.memory_space<vmem>>)
        tpu.yield
      }) : () -> ()
      %run_scoped3A_32 = arith.constant 0 : i32
      "tpu.region"() ({
        %run_scoped3A_149 = tpu.sem_alloc : memref<!tpu.dma_semaphore, #tpu.memory_space<semaphore_mem>>
        %dma_start3A_150 = arith.constant 0 : i32
        %dma_start3A_151 = tpu.memref_slice %arg7[%run_scoped3A_32, %dma_start3A_150] : memref<2x512xi32, #tpu.memory_space<vmem>> -> memref<1x512xi32, #tpu.memory_space<vmem>>
        %dma_start3A_152 = tpu.memref_squeeze %dma_start3A_151 : memref<1x512xi32, #tpu.memory_space<vmem>> -> memref<512xi32, #tpu.memory_space<vmem>>
        %dma_start3A_153 = arith.constant 0 : i32
        %dma_start3A_154 = tpu.memref_slice %arg4[%add3A_31, %dma_start3A_153] : memref<6272x512xi32, #tpu.memory_space<hbm>> -> memref<1x512xi32, #tpu.memory_space<hbm>>
        %dma_start3A_155 = tpu.memref_squeeze %dma_start3A_154 : memref<1x512xi32, #tpu.memory_space<hbm>> -> memref<512xi32, #tpu.memory_space<hbm>>
        %dma_start3A_156 = arith.constant 0 : i32
        %dma_start3A_157 = tpu.memref_slice %arg7[%run_scoped3A_32, %dma_start3A_156] : memref<2x512xi32, #tpu.memory_space<vmem>> -> memref<1x512xi32, #tpu.memory_space<vmem>>
        %dma_start3A_158 = tpu.memref_squeeze %dma_start3A_157 : memref<1x512xi32, #tpu.memory_space<vmem>> -> memref<512xi32, #tpu.memory_space<vmem>>
        %dma_start3A_159 = arith.constant 0 : i32
        %dma_start3A_160 = tpu.memref_slice %arg4[%add3A_31, %dma_start3A_159] : memref<6272x512xi32, #tpu.memory_space<hbm>> -> memref<1x512xi32, #tpu.memory_space<hbm>>
        %dma_start3A_161 = tpu.memref_squeeze %dma_start3A_160 : memref<1x512xi32, #tpu.memory_space<hbm>> -> memref<512xi32, #tpu.memory_space<hbm>>
        tpu.enqueue_dma source(%dma_start3A_161 : memref<512xi32, #tpu.memory_space<hbm>>) target(%dma_start3A_158 : memref<512xi32, #tpu.memory_space<vmem>>) target_semaphore(%run_scoped3A_149 : memref<!tpu.dma_semaphore, #tpu.memory_space<semaphore_mem>>)
        %dma_wait3A_162 = arith.constant 0 : i32
        %dma_wait3A_163 = tpu.memref_slice %arg7[%run_scoped3A_32, %dma_wait3A_162] : memref<2x512xi32, #tpu.memory_space<vmem>> -> memref<1x512xi32, #tpu.memory_space<vmem>>
        %dma_wait3A_164 = tpu.memref_squeeze %dma_wait3A_163 : memref<1x512xi32, #tpu.memory_space<vmem>> -> memref<512xi32, #tpu.memory_space<vmem>>
        %dma_wait3A_165 = arith.constant 0 : i32
        %dma_wait3A_166 = tpu.memref_slice %arg4[%add3A_31, %dma_wait3A_165] : memref<6272x512xi32, #tpu.memory_space<hbm>> -> memref<1x512xi32, #tpu.memory_space<hbm>>
        %dma_wait3A_167 = tpu.memref_squeeze %dma_wait3A_166 : memref<1x512xi32, #tpu.memory_space<hbm>> -> memref<512xi32, #tpu.memory_space<hbm>>
        %dma_wait3A_168 = arith.constant 0 : i32
        %dma_wait3A_169 = tpu.memref_slice %arg7[%run_scoped3A_32, %dma_wait3A_168] : memref<2x512xi32, #tpu.memory_space<vmem>> -> memref<1x512xi32, #tpu.memory_space<vmem>>
        %dma_wait3A_170 = tpu.memref_squeeze %dma_wait3A_169 : memref<1x512xi32, #tpu.memory_space<vmem>> -> memref<512xi32, #tpu.memory_space<vmem>>
        %dma_wait3A_171 = arith.constant 0 : i32
        %dma_wait3A_172 = tpu.memref_slice %arg4[%add3A_31, %dma_wait3A_171] : memref<6272x512xi32, #tpu.memory_space<hbm>> -> memref<1x512xi32, #tpu.memory_space<hbm>>
        %dma_wait3A_173 = tpu.memref_squeeze %dma_wait3A_172 : memref<1x512xi32, #tpu.memory_space<hbm>> -> memref<512xi32, #tpu.memory_space<hbm>>
        tpu.wait_dma2 semaphore(%run_scoped3A_149 : memref<!tpu.dma_semaphore, #tpu.memory_space<semaphore_mem>>) src(%dma_wait3A_173 : memref<512xi32, #tpu.memory_space<hbm>>) dst(%dma_wait3A_170 : memref<512xi32, #tpu.memory_space<vmem>>)
        tpu.yield
      }) : () -> ()
      %dma_start3A = arith.constant 0 : i32
      %dma_start3A_33 = arith.constant 0 : i32
      %dma_start3A_34 = arith.constant 0 : i32
      %dma_start3A_35 = arith.constant 0 : i32
      %dma_start3A_36 = tpu.memref_slice %arg8[%dma_start3A_33, %dma_start3A_34, %dma_start3A_35] : memref<2x512x16xf32, #tpu.memory_space<vmem>> -> memref<1x512x16xf32, #tpu.memory_space<vmem>>
      %dma_start3A_37 = tpu.memref_squeeze %dma_start3A_36 : memref<1x512x16xf32, #tpu.memory_space<vmem>> -> memref<512x16xf32, #tpu.memory_space<vmem>>
      %dma_start3A_38 = arith.constant 0 : i32
      %dma_start3A_39 = tpu.memref_slice %arg6[%dma_start3A, %dma_start3A_38] : memref<2x512xi32, #tpu.memory_space<vmem>> -> memref<1x512xi32, #tpu.memory_space<vmem>>
      %dma_start3A_40 = tpu.memref_squeeze %dma_start3A_39 : memref<1x512xi32, #tpu.memory_space<vmem>> -> memref<512xi32, #tpu.memory_space<vmem>>
      %dma_start3A_41 = arith.constant 0 : i32
      %dma_start3A_42 = arith.constant 0 : i32
      %dma_start3A_43 = tpu.memref_slice %arg2[%add3A_16, %dma_start3A_41, %dma_start3A_42] : memref<4x102400x16xf32, #tpu.memory_space<hbm>> -> memref<1x102400x16xf32, #tpu.memory_space<hbm>>
      %dma_start3A_44 = tpu.memref_squeeze %dma_start3A_43 : memref<1x102400x16xf32, #tpu.memory_space<hbm>> -> memref<102400x16xf32, #tpu.memory_space<hbm>>
      %dma_start3A_45 = arith.constant 0 : i32
      %dma_start3A_46 = arith.constant 0 : i32
      %dma_start3A_47 = tpu.memref_slice %dma_start3A_44[%dma_start3A_45, %dma_start3A_46] : memref<102400x16xf32, #tpu.memory_space<hbm>> -> memref<102400x16xf32, #tpu.memory_space<hbm>>
      tpu.enqueue_indirect_dma source(%dma_start3A_47 : memref<102400x16xf32, #tpu.memory_space<hbm>>) target(%dma_start3A_37 : memref<512x16xf32, #tpu.memory_space<vmem>>) offsets(%dma_start3A_40 : memref<512xi32, #tpu.memory_space<vmem>>) semaphore(%arg10 : memref<!tpu.dma_semaphore, #tpu.memory_space<semaphore_mem>>)
      %add3A_48 = arith.constant 1 : i32
      %add3A_49 = arith.addi %add3A_31, %add3A_48 : i32
      %run_scoped3A_50 = arith.constant 1 : i32
      "tpu.region"() ({
        %run_scoped3A_149 = tpu.sem_alloc : memref<!tpu.dma_semaphore, #tpu.memory_space<semaphore_mem>>
        %dma_start3A_150 = arith.constant 0 : i32
        %dma_start3A_151 = tpu.memref_slice %arg6[%run_scoped3A_50, %dma_start3A_150] : memref<2x512xi32, #tpu.memory_space<vmem>> -> memref<1x512xi32, #tpu.memory_space<vmem>>
        %dma_start3A_152 = tpu.memref_squeeze %dma_start3A_151 : memref<1x512xi32, #tpu.memory_space<vmem>> -> memref<512xi32, #tpu.memory_space<vmem>>
        %dma_start3A_153 = arith.constant 0 : i32
        %dma_start3A_154 = tpu.memref_slice %arg3[%add3A_49, %dma_start3A_153] : memref<6272x512xi32, #tpu.memory_space<hbm>> -> memref<1x512xi32, #tpu.memory_space<hbm>>
        %dma_start3A_155 = tpu.memref_squeeze %dma_start3A_154 : memref<1x512xi32, #tpu.memory_space<hbm>> -> memref<512xi32, #tpu.memory_space<hbm>>
        %dma_start3A_156 = arith.constant 0 : i32
        %dma_start3A_157 = tpu.memref_slice %arg6[%run_scoped3A_50, %dma_start3A_156] : memref<2x512xi32, #tpu.memory_space<vmem>> -> memref<1x512xi32, #tpu.memory_space<vmem>>
        %dma_start3A_158 = tpu.memref_squeeze %dma_start3A_157 : memref<1x512xi32, #tpu.memory_space<vmem>> -> memref<512xi32, #tpu.memory_space<vmem>>
        %dma_start3A_159 = arith.constant 0 : i32
        %dma_start3A_160 = tpu.memref_slice %arg3[%add3A_49, %dma_start3A_159] : memref<6272x512xi32, #tpu.memory_space<hbm>> -> memref<1x512xi32, #tpu.memory_space<hbm>>
        %dma_start3A_161 = tpu.memref_squeeze %dma_start3A_160 : memref<1x512xi32, #tpu.memory_space<hbm>> -> memref<512xi32, #tpu.memory_space<hbm>>
        tpu.enqueue_dma source(%dma_start3A_161 : memref<512xi32, #tpu.memory_space<hbm>>) target(%dma_start3A_158 : memref<512xi32, #tpu.memory_space<vmem>>) target_semaphore(%run_scoped3A_149 : memref<!tpu.dma_semaphore, #tpu.memory_space<semaphore_mem>>)
        %dma_wait3A_162 = arith.constant 0 : i32
        %dma_wait3A_163 = tpu.memref_slice %arg6[%run_scoped3A_50, %dma_wait3A_162] : memref<2x512xi32, #tpu.memory_space<vmem>> -> memref<1x512xi32, #tpu.memory_space<vmem>>
        %dma_wait3A_164 = tpu.memref_squeeze %dma_wait3A_163 : memref<1x512xi32, #tpu.memory_space<vmem>> -> memref<512xi32, #tpu.memory_space<vmem>>
        %dma_wait3A_165 = arith.constant 0 : i32
        %dma_wait3A_166 = tpu.memref_slice %arg3[%add3A_49, %dma_wait3A_165] : memref<6272x512xi32, #tpu.memory_space<hbm>> -> memref<1x512xi32, #tpu.memory_space<hbm>>
        %dma_wait3A_167 = tpu.memref_squeeze %dma_wait3A_166 : memref<1x512xi32, #tpu.memory_space<hbm>> -> memref<512xi32, #tpu.memory_space<hbm>>
        %dma_wait3A_168 = arith.constant 0 : i32
        %dma_wait3A_169 = tpu.memref_slice %arg6[%run_scoped3A_50, %dma_wait3A_168] : memref<2x512xi32, #tpu.memory_space<vmem>> -> memref<1x512xi32, #tpu.memory_space<vmem>>
        %dma_wait3A_170 = tpu.memref_squeeze %dma_wait3A_169 : memref<1x512xi32, #tpu.memory_space<vmem>> -> memref<512xi32, #tpu.memory_space<vmem>>
        %dma_wait3A_171 = arith.constant 0 : i32
        %dma_wait3A_172 = tpu.memref_slice %arg3[%add3A_49, %dma_wait3A_171] : memref<6272x512xi32, #tpu.memory_space<hbm>> -> memref<1x512xi32, #tpu.memory_space<hbm>>
        %dma_wait3A_173 = tpu.memref_squeeze %dma_wait3A_172 : memref<1x512xi32, #tpu.memory_space<hbm>> -> memref<512xi32, #tpu.memory_space<hbm>>
        tpu.wait_dma2 semaphore(%run_scoped3A_149 : memref<!tpu.dma_semaphore, #tpu.memory_space<semaphore_mem>>) src(%dma_wait3A_173 : memref<512xi32, #tpu.memory_space<hbm>>) dst(%dma_wait3A_170 : memref<512xi32, #tpu.memory_space<vmem>>)
        tpu.yield
      }) : () -> ()
      %add3A_51 = arith.constant 1 : i32
      %add3A_52 = arith.addi %add3A_31, %add3A_51 : i32
      %run_scoped3A_53 = arith.constant 1 : i32
      "tpu.region"() ({
        %run_scoped3A_149 = tpu.sem_alloc : memref<!tpu.dma_semaphore, #tpu.memory_space<semaphore_mem>>
        %dma_start3A_150 = arith.constant 0 : i32
        %dma_start3A_151 = tpu.memref_slice %arg7[%run_scoped3A_53, %dma_start3A_150] : memref<2x512xi32, #tpu.memory_space<vmem>> -> memref<1x512xi32, #tpu.memory_space<vmem>>
        %dma_start3A_152 = tpu.memref_squeeze %dma_start3A_151 : memref<1x512xi32, #tpu.memory_space<vmem>> -> memref<512xi32, #tpu.memory_space<vmem>>
        %dma_start3A_153 = arith.constant 0 : i32
        %dma_start3A_154 = tpu.memref_slice %arg4[%add3A_52, %dma_start3A_153] : memref<6272x512xi32, #tpu.memory_space<hbm>> -> memref<1x512xi32, #tpu.memory_space<hbm>>
        %dma_start3A_155 = tpu.memref_squeeze %dma_start3A_154 : memref<1x512xi32, #tpu.memory_space<hbm>> -> memref<512xi32, #tpu.memory_space<hbm>>
        %dma_start3A_156 = arith.constant 0 : i32
        %dma_start3A_157 = tpu.memref_slice %arg7[%run_scoped3A_53, %dma_start3A_156] : memref<2x512xi32, #tpu.memory_space<vmem>> -> memref<1x512xi32, #tpu.memory_space<vmem>>
        %dma_start3A_158 = tpu.memref_squeeze %dma_start3A_157 : memref<1x512xi32, #tpu.memory_space<vmem>> -> memref<512xi32, #tpu.memory_space<vmem>>
        %dma_start3A_159 = arith.constant 0 : i32
        %dma_start3A_160 = tpu.memref_slice %arg4[%add3A_52, %dma_start3A_159] : memref<6272x512xi32, #tpu.memory_space<hbm>> -> memref<1x512xi32, #tpu.memory_space<hbm>>
        %dma_start3A_161 = tpu.memref_squeeze %dma_start3A_160 : memref<1x512xi32, #tpu.memory_space<hbm>> -> memref<512xi32, #tpu.memory_space<hbm>>
        tpu.enqueue_dma source(%dma_start3A_161 : memref<512xi32, #tpu.memory_space<hbm>>) target(%dma_start3A_158 : memref<512xi32, #tpu.memory_space<vmem>>) target_semaphore(%run_scoped3A_149 : memref<!tpu.dma_semaphore, #tpu.memory_space<semaphore_mem>>)
        %dma_wait3A_162 = arith.constant 0 : i32
        %dma_wait3A_163 = tpu.memref_slice %arg7[%run_scoped3A_53, %dma_wait3A_162] : memref<2x512xi32, #tpu.memory_space<vmem>> -> memref<1x512xi32, #tpu.memory_space<vmem>>
        %dma_wait3A_164 = tpu.memref_squeeze %dma_wait3A_163 : memref<1x512xi32, #tpu.memory_space<vmem>> -> memref<512xi32, #tpu.memory_space<vmem>>
        %dma_wait3A_165 = arith.constant 0 : i32
        %dma_wait3A_166 = tpu.memref_slice %arg4[%add3A_52, %dma_wait3A_165] : memref<6272x512xi32, #tpu.memory_space<hbm>> -> memref<1x512xi32, #tpu.memory_space<hbm>>
        %dma_wait3A_167 = tpu.memref_squeeze %dma_wait3A_166 : memref<1x512xi32, #tpu.memory_space<hbm>> -> memref<512xi32, #tpu.memory_space<hbm>>
        %dma_wait3A_168 = arith.constant 0 : i32
        %dma_wait3A_169 = tpu.memref_slice %arg7[%run_scoped3A_53, %dma_wait3A_168] : memref<2x512xi32, #tpu.memory_space<vmem>> -> memref<1x512xi32, #tpu.memory_space<vmem>>
        %dma_wait3A_170 = tpu.memref_squeeze %dma_wait3A_169 : memref<1x512xi32, #tpu.memory_space<vmem>> -> memref<512xi32, #tpu.memory_space<vmem>>
        %dma_wait3A_171 = arith.constant 0 : i32
        %dma_wait3A_172 = tpu.memref_slice %arg4[%add3A_52, %dma_wait3A_171] : memref<6272x512xi32, #tpu.memory_space<hbm>> -> memref<1x512xi32, #tpu.memory_space<hbm>>
        %dma_wait3A_173 = tpu.memref_squeeze %dma_wait3A_172 : memref<1x512xi32, #tpu.memory_space<hbm>> -> memref<512xi32, #tpu.memory_space<hbm>>
        tpu.wait_dma2 semaphore(%run_scoped3A_149 : memref<!tpu.dma_semaphore, #tpu.memory_space<semaphore_mem>>) src(%dma_wait3A_173 : memref<512xi32, #tpu.memory_space<hbm>>) dst(%dma_wait3A_170 : memref<512xi32, #tpu.memory_space<vmem>>)
        tpu.yield
      }) : () -> ()
      %dma_start3A_54 = arith.constant 1 : i32
      %dma_start3A_55 = arith.constant 1 : i32
      %dma_start3A_56 = arith.constant 0 : i32
      %dma_start3A_57 = arith.constant 0 : i32
      %dma_start3A_58 = tpu.memref_slice %arg8[%dma_start3A_55, %dma_start3A_56, %dma_start3A_57] : memref<2x512x16xf32, #tpu.memory_space<vmem>> -> memref<1x512x16xf32, #tpu.memory_space<vmem>>
      %dma_start3A_59 = tpu.memref_squeeze %dma_start3A_58 : memref<1x512x16xf32, #tpu.memory_space<vmem>> -> memref<512x16xf32, #tpu.memory_space<vmem>>
      %dma_start3A_60 = arith.constant 0 : i32
      %dma_start3A_61 = tpu.memref_slice %arg6[%dma_start3A_54, %dma_start3A_60] : memref<2x512xi32, #tpu.memory_space<vmem>> -> memref<1x512xi32, #tpu.memory_space<vmem>>
      %dma_start3A_62 = tpu.memref_squeeze %dma_start3A_61 : memref<1x512xi32, #tpu.memory_space<vmem>> -> memref<512xi32, #tpu.memory_space<vmem>>
      %dma_start3A_63 = arith.constant 0 : i32
      %dma_start3A_64 = arith.constant 0 : i32
      %dma_start3A_65 = tpu.memref_slice %arg2[%add3A_16, %dma_start3A_63, %dma_start3A_64] : memref<4x102400x16xf32, #tpu.memory_space<hbm>> -> memref<1x102400x16xf32, #tpu.memory_space<hbm>>
      %dma_start3A_66 = tpu.memref_squeeze %dma_start3A_65 : memref<1x102400x16xf32, #tpu.memory_space<hbm>> -> memref<102400x16xf32, #tpu.memory_space<hbm>>
      %dma_start3A_67 = arith.constant 0 : i32
      %dma_start3A_68 = arith.constant 0 : i32
      %dma_start3A_69 = tpu.memref_slice %dma_start3A_66[%dma_start3A_67, %dma_start3A_68] : memref<102400x16xf32, #tpu.memory_space<hbm>> -> memref<102400x16xf32, #tpu.memory_space<hbm>>
      tpu.enqueue_indirect_dma source(%dma_start3A_69 : memref<102400x16xf32, #tpu.memory_space<hbm>>) target(%dma_start3A_59 : memref<512x16xf32, #tpu.memory_space<vmem>>) offsets(%dma_start3A_62 : memref<512xi32, #tpu.memory_space<vmem>>) semaphore(%arg10 : memref<!tpu.dma_semaphore, #tpu.memory_space<semaphore_mem>>)
      %dma_wait3A = arith.constant 0 : i32
      %dma_wait3A_70 = arith.constant 0 : i32
      %dma_wait3A_71 = arith.constant 0 : i32
      %dma_wait3A_72 = arith.constant 0 : i32
      %dma_wait3A_73 = tpu.memref_slice %arg8[%dma_wait3A_70, %dma_wait3A_71, %dma_wait3A_72] : memref<2x512x16xf32, #tpu.memory_space<vmem>> -> memref<1x512x16xf32, #tpu.memory_space<vmem>>
      %dma_wait3A_74 = tpu.memref_squeeze %dma_wait3A_73 : memref<1x512x16xf32, #tpu.memory_space<vmem>> -> memref<512x16xf32, #tpu.memory_space<vmem>>
      %dma_wait3A_75 = arith.constant 0 : i32
      %dma_wait3A_76 = tpu.memref_slice %arg6[%dma_wait3A, %dma_wait3A_75] : memref<2x512xi32, #tpu.memory_space<vmem>> -> memref<1x512xi32, #tpu.memory_space<vmem>>
      %dma_wait3A_77 = tpu.memref_squeeze %dma_wait3A_76 : memref<1x512xi32, #tpu.memory_space<vmem>> -> memref<512xi32, #tpu.memory_space<vmem>>
      %dma_wait3A_78 = arith.constant 0 : i32
      %dma_wait3A_79 = arith.constant 0 : i32
      %dma_wait3A_80 = tpu.memref_slice %arg2[%add3A_16, %dma_wait3A_78, %dma_wait3A_79] : memref<4x102400x16xf32, #tpu.memory_space<hbm>> -> memref<1x102400x16xf32, #tpu.memory_space<hbm>>
      %dma_wait3A_81 = tpu.memref_squeeze %dma_wait3A_80 : memref<1x102400x16xf32, #tpu.memory_space<hbm>> -> memref<102400x16xf32, #tpu.memory_space<hbm>>
      %dma_wait3A_82 = arith.constant 0 : i32
      %dma_wait3A_83 = arith.constant 0 : i32
      %dma_wait3A_84 = tpu.memref_slice %dma_wait3A_81[%dma_wait3A_82, %dma_wait3A_83] : memref<102400x16xf32, #tpu.memory_space<hbm>> -> memref<102400x16xf32, #tpu.memory_space<hbm>>
      tpu.wait_indirect_dma semaphore(%arg10 : memref<!tpu.dma_semaphore, #tpu.memory_space<semaphore_mem>>) src(%dma_wait3A_84 : memref<102400x16xf32, #tpu.memory_space<hbm>>) dst(%dma_wait3A_74 : memref<512x16xf32, #tpu.memory_space<vmem>>)
      %dma_start3A_85 = arith.constant 0 : i32
      %dma_start3A_86 = arith.constant 0 : i32
      %dma_start3A_87 = arith.constant 0 : i32
      %dma_start3A_88 = arith.constant 0 : i32
      %dma_start3A_89 = tpu.memref_slice %arg8[%dma_start3A_85, %dma_start3A_87, %dma_start3A_88] : memref<2x512x16xf32, #tpu.memory_space<vmem>> -> memref<1x512x16xf32, #tpu.memory_space<vmem>>
      %dma_start3A_90 = tpu.memref_squeeze %dma_start3A_89 : memref<1x512x16xf32, #tpu.memory_space<vmem>> -> memref<512x16xf32, #tpu.memory_space<vmem>>
      %dma_start3A_91 = arith.constant 0 : i32
      %dma_start3A_92 = tpu.memref_slice %arg7[%dma_start3A_86, %dma_start3A_91] : memref<2x512xi32, #tpu.memory_space<vmem>> -> memref<1x512xi32, #tpu.memory_space<vmem>>
      %dma_start3A_93 = tpu.memref_squeeze %dma_start3A_92 : memref<1x512xi32, #tpu.memory_space<vmem>> -> memref<512xi32, #tpu.memory_space<vmem>>
      %dma_start3A_94 = arith.constant 0 : i32
      %dma_start3A_95 = arith.constant 0 : i32
      %dma_start3A_96 = tpu.memref_slice %arg9[%dma_start3A_94, %dma_start3A_95] : memref<102400x16xf32, #tpu.memory_space<vmem_shared>> -> memref<102400x16xf32, #tpu.memory_space<vmem_shared>>
      tpu.enqueue_indirect_dma source(%dma_start3A_90 : memref<512x16xf32, #tpu.memory_space<vmem>>) target(%dma_start3A_96 : memref<102400x16xf32, #tpu.memory_space<vmem_shared>>) offsets(%dma_start3A_93 : memref<512xi32, #tpu.memory_space<vmem>>) semaphore(%arg11 : memref<!tpu.dma_semaphore, #tpu.memory_space<semaphore_mem>>) {add = true}
      %dma_wait3A_97 = arith.constant 1 : i32
      %dma_wait3A_98 = arith.constant 1 : i32
      %dma_wait3A_99 = arith.constant 0 : i32
      %dma_wait3A_100 = arith.constant 0 : i32
      %dma_wait3A_101 = tpu.memref_slice %arg8[%dma_wait3A_98, %dma_wait3A_99, %dma_wait3A_100] : memref<2x512x16xf32, #tpu.memory_space<vmem>> -> memref<1x512x16xf32, #tpu.memory_space<vmem>>
      %dma_wait3A_102 = tpu.memref_squeeze %dma_wait3A_101 : memref<1x512x16xf32, #tpu.memory_space<vmem>> -> memref<512x16xf32, #tpu.memory_space<vmem>>
      %dma_wait3A_103 = arith.constant 0 : i32
      %dma_wait3A_104 = tpu.memref_slice %arg6[%dma_wait3A_97, %dma_wait3A_103] : memref<2x512xi32, #tpu.memory_space<vmem>> -> memref<1x512xi32, #tpu.memory_space<vmem>>
      %dma_wait3A_105 = tpu.memref_squeeze %dma_wait3A_104 : memref<1x512xi32, #tpu.memory_space<vmem>> -> memref<512xi32, #tpu.memory_space<vmem>>
      %dma_wait3A_106 = arith.constant 0 : i32
      %dma_wait3A_107 = arith.constant 0 : i32
      %dma_wait3A_108 = tpu.memref_slice %arg2[%add3A_16, %dma_wait3A_106, %dma_wait3A_107] : memref<4x102400x16xf32, #tpu.memory_space<hbm>> -> memref<1x102400x16xf32, #tpu.memory_space<hbm>>
      %dma_wait3A_109 = tpu.memref_squeeze %dma_wait3A_108 : memref<1x102400x16xf32, #tpu.memory_space<hbm>> -> memref<102400x16xf32, #tpu.memory_space<hbm>>
      %dma_wait3A_110 = arith.constant 0 : i32
      %dma_wait3A_111 = arith.constant 0 : i32
      %dma_wait3A_112 = tpu.memref_slice %dma_wait3A_109[%dma_wait3A_110, %dma_wait3A_111] : memref<102400x16xf32, #tpu.memory_space<hbm>> -> memref<102400x16xf32, #tpu.memory_space<hbm>>
      tpu.wait_indirect_dma semaphore(%arg10 : memref<!tpu.dma_semaphore, #tpu.memory_space<semaphore_mem>>) src(%dma_wait3A_112 : memref<102400x16xf32, #tpu.memory_space<hbm>>) dst(%dma_wait3A_102 : memref<512x16xf32, #tpu.memory_space<vmem>>)
      %dma_start3A_113 = arith.constant 1 : i32
      %dma_start3A_114 = arith.constant 1 : i32
      %dma_start3A_115 = arith.constant 0 : i32
      %dma_start3A_116 = arith.constant 0 : i32
      %dma_start3A_117 = tpu.memref_slice %arg8[%dma_start3A_113, %dma_start3A_115, %dma_start3A_116] : memref<2x512x16xf32, #tpu.memory_space<vmem>> -> memref<1x512x16xf32, #tpu.memory_space<vmem>>
      %dma_start3A_118 = tpu.memref_squeeze %dma_start3A_117 : memref<1x512x16xf32, #tpu.memory_space<vmem>> -> memref<512x16xf32, #tpu.memory_space<vmem>>
      %dma_start3A_119 = arith.constant 0 : i32
      %dma_start3A_120 = tpu.memref_slice %arg7[%dma_start3A_114, %dma_start3A_119] : memref<2x512xi32, #tpu.memory_space<vmem>> -> memref<1x512xi32, #tpu.memory_space<vmem>>
      %dma_start3A_121 = tpu.memref_squeeze %dma_start3A_120 : memref<1x512xi32, #tpu.memory_space<vmem>> -> memref<512xi32, #tpu.memory_space<vmem>>
      %dma_start3A_122 = arith.constant 0 : i32
      %dma_start3A_123 = arith.constant 0 : i32
      %dma_start3A_124 = tpu.memref_slice %arg9[%dma_start3A_122, %dma_start3A_123] : memref<102400x16xf32, #tpu.memory_space<vmem_shared>> -> memref<102400x16xf32, #tpu.memory_space<vmem_shared>>
      tpu.enqueue_indirect_dma source(%dma_start3A_118 : memref<512x16xf32, #tpu.memory_space<vmem>>) target(%dma_start3A_124 : memref<102400x16xf32, #tpu.memory_space<vmem_shared>>) offsets(%dma_start3A_121 : memref<512xi32, #tpu.memory_space<vmem>>) semaphore(%arg11 : memref<!tpu.dma_semaphore, #tpu.memory_space<semaphore_mem>>) {add = true}
      %dma_wait3A_125 = arith.constant 0 : i32
      %dma_wait3A_126 = arith.constant 0 : i32
      %dma_wait3A_127 = arith.constant 0 : i32
      %dma_wait3A_128 = arith.constant 0 : i32
      %dma_wait3A_129 = tpu.memref_slice %arg8[%dma_wait3A_125, %dma_wait3A_127, %dma_wait3A_128] : memref<2x512x16xf32, #tpu.memory_space<vmem>> -> memref<1x512x16xf32, #tpu.memory_space<vmem>>
      %dma_wait3A_130 = tpu.memref_squeeze %dma_wait3A_129 : memref<1x512x16xf32, #tpu.memory_space<vmem>> -> memref<512x16xf32, #tpu.memory_space<vmem>>
      %dma_wait3A_131 = arith.constant 0 : i32
      %dma_wait3A_132 = tpu.memref_slice %arg7[%dma_wait3A_126, %dma_wait3A_131] : memref<2x512xi32, #tpu.memory_space<vmem>> -> memref<1x512xi32, #tpu.memory_space<vmem>>
      %dma_wait3A_133 = tpu.memref_squeeze %dma_wait3A_132 : memref<1x512xi32, #tpu.memory_space<vmem>> -> memref<512xi32, #tpu.memory_space<vmem>>
      %dma_wait3A_134 = arith.constant 0 : i32
      %dma_wait3A_135 = arith.constant 0 : i32
      %dma_wait3A_136 = tpu.memref_slice %arg9[%dma_wait3A_134, %dma_wait3A_135] : memref<102400x16xf32, #tpu.memory_space<vmem_shared>> -> memref<102400x16xf32, #tpu.memory_space<vmem_shared>>
      tpu.wait_indirect_dma semaphore(%arg11 : memref<!tpu.dma_semaphore, #tpu.memory_space<semaphore_mem>>) src(%dma_wait3A_130 : memref<512x16xf32, #tpu.memory_space<vmem>>) dst(%dma_wait3A_136 : memref<102400x16xf32, #tpu.memory_space<vmem_shared>>)
      %dma_wait3A_137 = arith.constant 1 : i32
      %dma_wait3A_138 = arith.constant 1 : i32
      %dma_wait3A_139 = arith.constant 0 : i32
      %dma_wait3A_140 = arith.constant 0 : i32
      %dma_wait3A_141 = tpu.memref_slice %arg8[%dma_wait3A_137, %dma_wait3A_139, %dma_wait3A_140] : memref<2x512x16xf32, #tpu.memory_space<vmem>> -> memref<1x512x16xf32, #tpu.memory_space<vmem>>
      %dma_wait3A_142 = tpu.memref_squeeze %dma_wait3A_141 : memref<1x512x16xf32, #tpu.memory_space<vmem>> -> memref<512x16xf32, #tpu.memory_space<vmem>>
      %dma_wait3A_143 = arith.constant 0 : i32
      %dma_wait3A_144 = tpu.memref_slice %arg7[%dma_wait3A_138, %dma_wait3A_143] : memref<2x512xi32, #tpu.memory_space<vmem>> -> memref<1x512xi32, #tpu.memory_space<vmem>>
      %dma_wait3A_145 = tpu.memref_squeeze %dma_wait3A_144 : memref<1x512xi32, #tpu.memory_space<vmem>> -> memref<512xi32, #tpu.memory_space<vmem>>
      %dma_wait3A_146 = arith.constant 0 : i32
      %dma_wait3A_147 = arith.constant 0 : i32
      %dma_wait3A_148 = tpu.memref_slice %arg9[%dma_wait3A_146, %dma_wait3A_147] : memref<102400x16xf32, #tpu.memory_space<vmem_shared>> -> memref<102400x16xf32, #tpu.memory_space<vmem_shared>>
      tpu.wait_indirect_dma semaphore(%arg11 : memref<!tpu.dma_semaphore, #tpu.memory_space<semaphore_mem>>) src(%dma_wait3A_142 : memref<512x16xf32, #tpu.memory_space<vmem>>) dst(%dma_wait3A_148 : memref<102400x16xf32, #tpu.memory_space<vmem_shared>>)
    }
    %scan3A_25 = arith.constant 196 : i32
    %barrier3A_26 = arith.constant 0 : index
    tpu.barrier barrier_id(%barrier3A_26)
    "tpu.region"() ({
      %run_scoped3A = tpu.sem_alloc : memref<!tpu.dma_semaphore, #tpu.memory_space<semaphore_mem>>
      %dma_start3A = arith.constant 0 : i32
      %dma_start3A_28 = tpu.memref_slice %arg5[%add3A_16, %mul3A_0, %dma_start3A] : memref<4x102400x16xf32, #tpu.memory_space<hbm>> -> memref<1x6400x16xf32, #tpu.memory_space<hbm>>
      %dma_start3A_29 = tpu.memref_squeeze %dma_start3A_28 : memref<1x6400x16xf32, #tpu.memory_space<hbm>> -> memref<6400x16xf32, #tpu.memory_space<hbm>>
      %dma_start3A_30 = arith.constant 0 : i32
      %dma_start3A_31 = tpu.memref_slice %arg9[%mul3A_0, %dma_start3A_30] : memref<102400x16xf32, #tpu.memory_space<vmem_shared>> -> memref<6400x16xf32, #tpu.memory_space<vmem_shared>>
      tpu.enqueue_dma source(%dma_start3A_31 : memref<6400x16xf32, #tpu.memory_space<vmem_shared>>) target(%dma_start3A_29 : memref<6400x16xf32, #tpu.memory_space<hbm>>) target_semaphore(%run_scoped3A : memref<!tpu.dma_semaphore, #tpu.memory_space<semaphore_mem>>)
      %dma_wait3A = arith.constant 0 : i32
      %dma_wait3A_32 = tpu.memref_slice %arg5[%add3A_16, %mul3A_0, %dma_wait3A] : memref<4x102400x16xf32, #tpu.memory_space<hbm>> -> memref<1x6400x16xf32, #tpu.memory_space<hbm>>
      %dma_wait3A_33 = tpu.memref_squeeze %dma_wait3A_32 : memref<1x6400x16xf32, #tpu.memory_space<hbm>> -> memref<6400x16xf32, #tpu.memory_space<hbm>>
      %dma_wait3A_34 = arith.constant 0 : i32
      %dma_wait3A_35 = tpu.memref_slice %arg9[%mul3A_0, %dma_wait3A_34] : memref<102400x16xf32, #tpu.memory_space<vmem_shared>> -> memref<6400x16xf32, #tpu.memory_space<vmem_shared>>
      tpu.wait_dma2 semaphore(%run_scoped3A : memref<!tpu.dma_semaphore, #tpu.memory_space<semaphore_mem>>) src(%dma_wait3A_35 : memref<6400x16xf32, #tpu.memory_space<vmem_shared>>) dst(%dma_wait3A_33 : memref<6400x16xf32, #tpu.memory_space<hbm>>)
      tpu.yield
    }) : () -> ()
    %barrier3A_27 = arith.constant 0 : index
    tpu.barrier barrier_id(%barrier3A_27)
    return
  }
}

module attributes {stable_mosaic.version = 14 : i64} {
  func.func @_mlp_a_body(%arg0: i32, %arg1: memref<2x2048x16xf32, #tpu.memory_space<vmem>>, %arg2: memref<2048x1xf32, #tpu.memory_space<vmem>>, %arg3: memref<1x64xf32, #tpu.memory_space<vmem>>, %arg4: memref<1x64xf32, #tpu.memory_space<vmem>>, %arg5: memref<64x64xf32, #tpu.memory_space<vmem>>, %arg6: memref<1x64xf32, #tpu.memory_space<vmem>>, %arg7: memref<4x2048x16xf32, #tpu.memory_space<vmem>>) attributes {dimension_semantics = [#tpu.dimension_semantics<arbitrary>], iteration_bounds = array<i64: 50>, scalar_prefetch = 0 : i64, scratch_operands = 0 : i64, tpu.core_type = #tpu.core_type<tc>, window_params = [{transform_indices = @transform_0, window_bounds = array<i64: 2, 2048, 16>}, {transform_indices = @transform_1, window_bounds = array<i64: 2048, 1>}, {pipeline_mode = #tpu.pipeline_mode<synchronous>, transform_indices = @transform_2, window_bounds = array<i64: 1, 64>}, {pipeline_mode = #tpu.pipeline_mode<synchronous>, transform_indices = @transform_3, window_bounds = array<i64: 1, 64>}, {pipeline_mode = #tpu.pipeline_mode<synchronous>, transform_indices = @transform_4, window_bounds = array<i64: 64, 64>}, {pipeline_mode = #tpu.pipeline_mode<synchronous>, transform_indices = @transform_5, window_bounds = array<i64: 1, 64>}, {transform_indices = @transform_6, window_bounds = array<i64: 4, 2048, 16>}]} {
    %get3A = arith.constant 0 : index
    %get3A_0 = arith.constant 0 : index
    %get3A_1 = arith.constant 0 : index
    %get3A_2 = vector.load %arg1[%get3A, %get3A_0, %get3A_1] : memref<2x2048x16xf32, #tpu.memory_space<vmem>>, vector<1x2048x1xf32>
    %get3A_3 = vector.shape_cast %get3A_2 : vector<1x2048x1xf32> to vector<2048x1xf32>
    %get3A_4 = arith.constant 1 : index
    %get3A_5 = arith.constant 0 : index
    %get3A_6 = arith.constant 0 : index
    %get3A_7 = vector.load %arg1[%get3A_4, %get3A_5, %get3A_6] : memref<2x2048x16xf32, #tpu.memory_space<vmem>>, vector<1x2048x1xf32>
    %get3A_8 = vector.shape_cast %get3A_7 : vector<1x2048x1xf32> to vector<2048x1xf32>
    %add3A = arith.addf %get3A_3, %get3A_8 : vector<2048x1xf32>
    %get3A_9 = arith.constant 0 : index
    %get3A_10 = arith.constant 0 : index
    %get3A_11 = vector.load %arg2[%get3A_9, %get3A_10] : memref<2048x1xf32, #tpu.memory_space<vmem>>, vector<2048x1xf32>
    %add3A_12 = arith.addf %add3A, %get3A_11 : vector<2048x1xf32>
    %get3A_13 = arith.constant 0 : index
    %get3A_14 = arith.constant 0 : index
    %get3A_15 = vector.load %arg3[%get3A_13, %get3A_14] : memref<1x64xf32, #tpu.memory_space<vmem>>, vector<1x64xf32>
    %mul3A = vector.broadcast %add3A_12 : vector<2048x1xf32> to vector<2048x64xf32>
    %mul3A_16 = vector.broadcast %get3A_15 : vector<1x64xf32> to vector<2048x64xf32>
    %mul3A_17 = arith.mulf %mul3A, %mul3A_16 : vector<2048x64xf32>
    %get3A_18 = arith.constant 0 : index
    %get3A_19 = arith.constant 0 : index
    %get3A_20 = vector.load %arg4[%get3A_18, %get3A_19] : memref<1x64xf32, #tpu.memory_space<vmem>>, vector<1x64xf32>
    %add3A_21 = vector.broadcast %get3A_20 : vector<1x64xf32> to vector<2048x64xf32>
    %add3A_22 = arith.addf %mul3A_17, %add3A_21 : vector<2048x64xf32>
    %max3A = arith.constant 0.000000e+00 : f32
    %max3A_23 = vector.broadcast %max3A : f32 to vector<2048x64xf32>
    %max3A_24 = arith.maximumf %add3A_22, %max3A_23 : vector<2048x64xf32>
    %get3A_25 = arith.constant 0 : index
    %get3A_26 = arith.constant 0 : index
    %get3A_27 = vector.load %arg5[%get3A_25, %get3A_26] : memref<64x64xf32, #tpu.memory_space<vmem>>, vector<64x64xf32>
    %dot_general3A = arith.constant dense<0.000000e+00> : vector<2048x64xf32>
    %dot_general3A_28 = tpu.matmul %max3A_24, %get3A_27, %dot_general3A {dimension_numbers = #tpu.dot_dimension_numbers<[1], [0], [0], [1], [0, 0, 1, 1], [], []>, transpose_lhs_hint = false} : vector<2048x64xf32>, vector<64x64xf32>, vector<2048x64xf32> -> vector<2048x64xf32>
    %get3A_29 = arith.constant 0 : index
    %get3A_30 = arith.constant 0 : index
    %get3A_31 = vector.load %arg6[%get3A_29, %get3A_30] : memref<1x64xf32, #tpu.memory_space<vmem>>, vector<1x64xf32>
    %add3A_32 = vector.broadcast %get3A_31 : vector<1x64xf32> to vector<2048x64xf32>
    %add3A_33 = arith.addf %dot_general3A_28, %add3A_32 : vector<2048x64xf32>
    %max3A_34 = arith.constant 0.000000e+00 : f32
    %max3A_35 = vector.broadcast %max3A_34 : f32 to vector<2048x64xf32>
    %max3A_36 = arith.maximumf %add3A_33, %max3A_35 : vector<2048x64xf32>
    %slice3A = vector.extract_strided_slice %max3A_36 {offsets = [0, 0], sizes = [2048, 16], strides = [1, 1]} : vector<2048x64xf32> to vector<2048x16xf32>
    %swap3A = arith.constant 0 : index
    %swap3A_37 = arith.constant 0 : index
    %swap3A_38 = arith.constant 0 : index
    %swap3A_39 = vector.load %arg7[%swap3A, %swap3A_37, %swap3A_38] : memref<4x2048x16xf32, #tpu.memory_space<vmem>>, vector<1x2048x16xf32>
    %swap3A_40 = vector.shape_cast %swap3A_39 : vector<1x2048x16xf32> to vector<2048x16xf32>
    %swap3A_41 = vector.shape_cast %slice3A : vector<2048x16xf32> to vector<1x2048x16xf32>
    tpu.vector_store %arg7[%swap3A, %swap3A_37, %swap3A_38], %swap3A_41 {strides = array<i32>} : memref<4x2048x16xf32, #tpu.memory_space<vmem>>, vector<1x2048x16xf32>,
    %slice3A_42 = vector.extract_strided_slice %max3A_36 {offsets = [0, 16], sizes = [2048, 16], strides = [1, 1]} : vector<2048x64xf32> to vector<2048x16xf32>
    %swap3A_43 = arith.constant 1 : index
    %swap3A_44 = arith.constant 0 : index
    %swap3A_45 = arith.constant 0 : index
    %swap3A_46 = vector.load %arg7[%swap3A_43, %swap3A_44, %swap3A_45] : memref<4x2048x16xf32, #tpu.memory_space<vmem>>, vector<1x2048x16xf32>
    %swap3A_47 = vector.shape_cast %swap3A_46 : vector<1x2048x16xf32> to vector<2048x16xf32>
    %swap3A_48 = vector.shape_cast %slice3A_42 : vector<2048x16xf32> to vector<1x2048x16xf32>
    tpu.vector_store %arg7[%swap3A_43, %swap3A_44, %swap3A_45], %swap3A_48 {strides = array<i32>} : memref<4x2048x16xf32, #tpu.memory_space<vmem>>, vector<1x2048x16xf32>,
    %slice3A_49 = vector.extract_strided_slice %max3A_36 {offsets = [0, 32], sizes = [2048, 16], strides = [1, 1]} : vector<2048x64xf32> to vector<2048x16xf32>
    %swap3A_50 = arith.constant 2 : index
    %swap3A_51 = arith.constant 0 : index
    %swap3A_52 = arith.constant 0 : index
    %swap3A_53 = vector.load %arg7[%swap3A_50, %swap3A_51, %swap3A_52] : memref<4x2048x16xf32, #tpu.memory_space<vmem>>, vector<1x2048x16xf32>
    %swap3A_54 = vector.shape_cast %swap3A_53 : vector<1x2048x16xf32> to vector<2048x16xf32>
    %swap3A_55 = vector.shape_cast %slice3A_49 : vector<2048x16xf32> to vector<1x2048x16xf32>
    tpu.vector_store %arg7[%swap3A_50, %swap3A_51, %swap3A_52], %swap3A_55 {strides = array<i32>} : memref<4x2048x16xf32, #tpu.memory_space<vmem>>, vector<1x2048x16xf32>,
    %slice3A_56 = vector.extract_strided_slice %max3A_36 {offsets = [0, 48], sizes = [2048, 16], strides = [1, 1]} : vector<2048x64xf32> to vector<2048x16xf32>
    %swap3A_57 = arith.constant 3 : index
    %swap3A_58 = arith.constant 0 : index
    %swap3A_59 = arith.constant 0 : index
    %swap3A_60 = vector.load %arg7[%swap3A_57, %swap3A_58, %swap3A_59] : memref<4x2048x16xf32, #tpu.memory_space<vmem>>, vector<1x2048x16xf32>
    %swap3A_61 = vector.shape_cast %swap3A_60 : vector<1x2048x16xf32> to vector<2048x16xf32>
    %swap3A_62 = vector.shape_cast %slice3A_56 : vector<2048x16xf32> to vector<1x2048x16xf32>
    tpu.vector_store %arg7[%swap3A_57, %swap3A_58, %swap3A_59], %swap3A_62 {strides = array<i32>} : memref<4x2048x16xf32, #tpu.memory_space<vmem>>, vector<1x2048x16xf32>,
    return
  }
  func.func @transform_0(%arg0: i32) -> (i32, i32, i32) {
    %c0_i32 = arith.constant 0 : i32
    %c0_i32_0 = arith.constant 0 : i32
    %c0_i32_1 = arith.constant 0 : i32
    return %c0_i32, %arg0, %c0_i32_0 : i32, i32, i32
  }
  func.func @transform_1(%arg0: i32) -> (i32, i32) {
    %c0_i32 = arith.constant 0 : i32
    %c0_i32_0 = arith.constant 0 : i32
    return %arg0, %c0_i32 : i32, i32
  }
  func.func @transform_2(%arg0: i32) -> (i32, i32) {
    %c0_i32 = arith.constant 0 : i32
    %c0_i32_0 = arith.constant 0 : i32
    %c0_i32_1 = arith.constant 0 : i32
    return %c0_i32, %c0_i32_0 : i32, i32
  }
  func.func @transform_3(%arg0: i32) -> (i32, i32) {
    %c0_i32 = arith.constant 0 : i32
    %c0_i32_0 = arith.constant 0 : i32
    %c0_i32_1 = arith.constant 0 : i32
    return %c0_i32, %c0_i32_0 : i32, i32
  }
  func.func @transform_4(%arg0: i32) -> (i32, i32) {
    %c0_i32 = arith.constant 0 : i32
    %c0_i32_0 = arith.constant 0 : i32
    %c0_i32_1 = arith.constant 0 : i32
    return %c0_i32, %c0_i32_0 : i32, i32
  }
  func.func @transform_5(%arg0: i32) -> (i32, i32) {
    %c0_i32 = arith.constant 0 : i32
    %c0_i32_0 = arith.constant 0 : i32
    %c0_i32_1 = arith.constant 0 : i32
    return %c0_i32, %c0_i32_0 : i32, i32
  }
  func.func @transform_6(%arg0: i32) -> (i32, i32, i32) {
    %c0_i32 = arith.constant 0 : i32
    %c0_i32_0 = arith.constant 0 : i32
    %c0_i32_1 = arith.constant 0 : i32
    return %c0_i32, %arg0, %c0_i32_0 : i32, i32, i32
  }
}

module attributes {stable_mosaic.version = 14 : i64} {
  func.func @_mlp_bc_body(%arg0: i32, %arg1: memref<4x2048x16xf32, #tpu.memory_space<vmem>>, %arg2: memref<64x64xf32, #tpu.memory_space<vmem>>, %arg3: memref<1x64xf32, #tpu.memory_space<vmem>>, %arg4: memref<64x64xf32, #tpu.memory_space<vmem>>, %arg5: memref<1x64xf32, #tpu.memory_space<vmem>>, %arg6: memref<4x2048x16xf32, #tpu.memory_space<vmem>>) attributes {dimension_semantics = [#tpu.dimension_semantics<arbitrary>], iteration_bounds = array<i64: 50>, scalar_prefetch = 0 : i64, scratch_operands = 0 : i64, tpu.core_type = #tpu.core_type<tc>, window_params = [{transform_indices = @transform_0, window_bounds = array<i64: 4, 2048, 16>}, {pipeline_mode = #tpu.pipeline_mode<synchronous>, transform_indices = @transform_1, window_bounds = array<i64: 64, 64>}, {pipeline_mode = #tpu.pipeline_mode<synchronous>, transform_indices = @transform_2, window_bounds = array<i64: 1, 64>}, {pipeline_mode = #tpu.pipeline_mode<synchronous>, transform_indices = @transform_3, window_bounds = array<i64: 64, 64>}, {pipeline_mode = #tpu.pipeline_mode<synchronous>, transform_indices = @transform_4, window_bounds = array<i64: 1, 64>}, {transform_indices = @transform_5, window_bounds = array<i64: 4, 2048, 16>}]} {
    %get3A = arith.constant 0 : index
    %get3A_0 = arith.constant 0 : index
    %get3A_1 = arith.constant 0 : index
    %get3A_2 = vector.load %arg1[%get3A, %get3A_0, %get3A_1] : memref<4x2048x16xf32, #tpu.memory_space<vmem>>, vector<1x2048x16xf32>
    %get3A_3 = vector.shape_cast %get3A_2 : vector<1x2048x16xf32> to vector<2048x16xf32>
    %get3A_4 = arith.constant 0 : index
    %get3A_5 = arith.constant 0 : index
    %get3A_6 = vector.load %arg2[%get3A_4, %get3A_5] : memref<64x64xf32, #tpu.memory_space<vmem>>, vector<16x64xf32>
    %dot_general3A = arith.constant dense<0.000000e+00> : vector<2048x64xf32>
    %dot_general3A_7 = tpu.matmul %get3A_3, %get3A_6, %dot_general3A {dimension_numbers = #tpu.dot_dimension_numbers<[1], [0], [0], [1], [0, 0, 1, 1], [], []>, transpose_lhs_hint = false} : vector<2048x16xf32>, vector<16x64xf32>, vector<2048x64xf32> -> vector<2048x64xf32>
    %get3A_8 = arith.constant 1 : index
    %get3A_9 = arith.constant 0 : index
    %get3A_10 = arith.constant 0 : index
    %get3A_11 = vector.load %arg1[%get3A_8, %get3A_9, %get3A_10] : memref<4x2048x16xf32, #tpu.memory_space<vmem>>, vector<1x2048x16xf32>
    %get3A_12 = vector.shape_cast %get3A_11 : vector<1x2048x16xf32> to vector<2048x16xf32>
    %get3A_13 = arith.constant 16 : index
    %get3A_14 = arith.constant 0 : index
    %get3A_15 = vector.load %arg2[%get3A_13, %get3A_14] : memref<64x64xf32, #tpu.memory_space<vmem>>, vector<16x64xf32>
    %dot_general3A_16 = arith.constant dense<0.000000e+00> : vector<2048x64xf32>
    %dot_general3A_17 = tpu.matmul %get3A_12, %get3A_15, %dot_general3A_16 {dimension_numbers = #tpu.dot_dimension_numbers<[1], [0], [0], [1], [0, 0, 1, 1], [], []>, transpose_lhs_hint = false} : vector<2048x16xf32>, vector<16x64xf32>, vector<2048x64xf32> -> vector<2048x64xf32>
    %add3A = arith.addf %dot_general3A_7, %dot_general3A_17 : vector<2048x64xf32>
    %get3A_18 = arith.constant 2 : index
    %get3A_19 = arith.constant 0 : index
    %get3A_20 = arith.constant 0 : index
    %get3A_21 = vector.load %arg1[%get3A_18, %get3A_19, %get3A_20] : memref<4x2048x16xf32, #tpu.memory_space<vmem>>, vector<1x2048x16xf32>
    %get3A_22 = vector.shape_cast %get3A_21 : vector<1x2048x16xf32> to vector<2048x16xf32>
    %get3A_23 = arith.constant 32 : index
    %get3A_24 = arith.constant 0 : index
    %get3A_25 = vector.load %arg2[%get3A_23, %get3A_24] : memref<64x64xf32, #tpu.memory_space<vmem>>, vector<16x64xf32>
    %dot_general3A_26 = arith.constant dense<0.000000e+00> : vector<2048x64xf32>
    %dot_general3A_27 = tpu.matmul %get3A_22, %get3A_25, %dot_general3A_26 {dimension_numbers = #tpu.dot_dimension_numbers<[1], [0], [0], [1], [0, 0, 1, 1], [], []>, transpose_lhs_hint = false} : vector<2048x16xf32>, vector<16x64xf32>, vector<2048x64xf32> -> vector<2048x64xf32>
    %add3A_28 = arith.addf %add3A, %dot_general3A_27 : vector<2048x64xf32>
    %get3A_29 = arith.constant 3 : index
    %get3A_30 = arith.constant 0 : index
    %get3A_31 = arith.constant 0 : index
    %get3A_32 = vector.load %arg1[%get3A_29, %get3A_30, %get3A_31] : memref<4x2048x16xf32, #tpu.memory_space<vmem>>, vector<1x2048x16xf32>
    %get3A_33 = vector.shape_cast %get3A_32 : vector<1x2048x16xf32> to vector<2048x16xf32>
    %get3A_34 = arith.constant 48 : index
    %get3A_35 = arith.constant 0 : index
    %get3A_36 = vector.load %arg2[%get3A_34, %get3A_35] : memref<64x64xf32, #tpu.memory_space<vmem>>, vector<16x64xf32>
    %dot_general3A_37 = arith.constant dense<0.000000e+00> : vector<2048x64xf32>
    %dot_general3A_38 = tpu.matmul %get3A_33, %get3A_36, %dot_general3A_37 {dimension_numbers = #tpu.dot_dimension_numbers<[1], [0], [0], [1], [0, 0, 1, 1], [], []>, transpose_lhs_hint = false} : vector<2048x16xf32>, vector<16x64xf32>, vector<2048x64xf32> -> vector<2048x64xf32>
    %add3A_39 = arith.addf %add3A_28, %dot_general3A_38 : vector<2048x64xf32>
    %get3A_40 = arith.constant 0 : index
    %get3A_41 = arith.constant 0 : index
    %get3A_42 = vector.load %arg3[%get3A_40, %get3A_41] : memref<1x64xf32, #tpu.memory_space<vmem>>, vector<1x64xf32>
    %add3A_43 = vector.broadcast %get3A_42 : vector<1x64xf32> to vector<2048x64xf32>
    %add3A_44 = arith.addf %add3A_39, %add3A_43 : vector<2048x64xf32>
    %max3A = arith.constant 0.000000e+00 : f32
    %max3A_45 = vector.broadcast %max3A : f32 to vector<2048x64xf32>
    %max3A_46 = arith.maximumf %add3A_44, %max3A_45 : vector<2048x64xf32>
    %get3A_47 = arith.constant 0 : index
    %get3A_48 = arith.constant 0 : index
    %get3A_49 = vector.load %arg4[%get3A_47, %get3A_48] : memref<64x64xf32, #tpu.memory_space<vmem>>, vector<64x64xf32>
    %dot_general3A_50 = arith.constant dense<0.000000e+00> : vector<2048x64xf32>
    %dot_general3A_51 = tpu.matmul %max3A_46, %get3A_49, %dot_general3A_50 {dimension_numbers = #tpu.dot_dimension_numbers<[1], [0], [0], [1], [0, 0, 1, 1], [], []>, transpose_lhs_hint = false} : vector<2048x64xf32>, vector<64x64xf32>, vector<2048x64xf32> -> vector<2048x64xf32>
    %get3A_52 = arith.constant 0 : index
    %get3A_53 = arith.constant 0 : index
    %get3A_54 = vector.load %arg5[%get3A_52, %get3A_53] : memref<1x64xf32, #tpu.memory_space<vmem>>, vector<1x64xf32>
    %add3A_55 = vector.broadcast %get3A_54 : vector<1x64xf32> to vector<2048x64xf32>
    %add3A_56 = arith.addf %dot_general3A_51, %add3A_55 : vector<2048x64xf32>
    %max3A_57 = arith.constant 0.000000e+00 : f32
    %max3A_58 = vector.broadcast %max3A_57 : f32 to vector<2048x64xf32>
    %max3A_59 = arith.maximumf %add3A_56, %max3A_58 : vector<2048x64xf32>
    %slice3A = vector.extract_strided_slice %max3A_59 {offsets = [0, 0], sizes = [2048, 16], strides = [1, 1]} : vector<2048x64xf32> to vector<2048x16xf32>
    %swap3A = arith.constant 0 : index
    %swap3A_60 = arith.constant 0 : index
    %swap3A_61 = arith.constant 0 : index
    %swap3A_62 = vector.load %arg6[%swap3A, %swap3A_60, %swap3A_61] : memref<4x2048x16xf32, #tpu.memory_space<vmem>>, vector<1x2048x16xf32>
    %swap3A_63 = vector.shape_cast %swap3A_62 : vector<1x2048x16xf32> to vector<2048x16xf32>
    %swap3A_64 = vector.shape_cast %slice3A : vector<2048x16xf32> to vector<1x2048x16xf32>
    tpu.vector_store %arg6[%swap3A, %swap3A_60, %swap3A_61], %swap3A_64 {strides = array<i32>} : memref<4x2048x16xf32, #tpu.memory_space<vmem>>, vector<1x2048x16xf32>,
    %slice3A_65 = vector.extract_strided_slice %max3A_59 {offsets = [0, 16], sizes = [2048, 16], strides = [1, 1]} : vector<2048x64xf32> to vector<2048x16xf32>
    %swap3A_66 = arith.constant 1 : index
    %swap3A_67 = arith.constant 0 : index
    %swap3A_68 = arith.constant 0 : index
    %swap3A_69 = vector.load %arg6[%swap3A_66, %swap3A_67, %swap3A_68] : memref<4x2048x16xf32, #tpu.memory_space<vmem>>, vector<1x2048x16xf32>
    %swap3A_70 = vector.shape_cast %swap3A_69 : vector<1x2048x16xf32> to vector<2048x16xf32>
    %swap3A_71 = vector.shape_cast %slice3A_65 : vector<2048x16xf32> to vector<1x2048x16xf32>
    tpu.vector_store %arg6[%swap3A_66, %swap3A_67, %swap3A_68], %swap3A_71 {strides = array<i32>} : memref<4x2048x16xf32, #tpu.memory_space<vmem>>, vector<1x2048x16xf32>,
    %slice3A_72 = vector.extract_strided_slice %max3A_59 {offsets = [0, 32], sizes = [2048, 16], strides = [1, 1]} : vector<2048x64xf32> to vector<2048x16xf32>
    %swap3A_73 = arith.constant 2 : index
    %swap3A_74 = arith.constant 0 : index
    %swap3A_75 = arith.constant 0 : index
    %swap3A_76 = vector.load %arg6[%swap3A_73, %swap3A_74, %swap3A_75] : memref<4x2048x16xf32, #tpu.memory_space<vmem>>, vector<1x2048x16xf32>
    %swap3A_77 = vector.shape_cast %swap3A_76 : vector<1x2048x16xf32> to vector<2048x16xf32>
    %swap3A_78 = vector.shape_cast %slice3A_72 : vector<2048x16xf32> to vector<1x2048x16xf32>
    tpu.vector_store %arg6[%swap3A_73, %swap3A_74, %swap3A_75], %swap3A_78 {strides = array<i32>} : memref<4x2048x16xf32, #tpu.memory_space<vmem>>, vector<1x2048x16xf32>,
    %slice3A_79 = vector.extract_strided_slice %max3A_59 {offsets = [0, 48], sizes = [2048, 16], strides = [1, 1]} : vector<2048x64xf32> to vector<2048x16xf32>
    %swap3A_80 = arith.constant 3 : index
    %swap3A_81 = arith.constant 0 : index
    %swap3A_82 = arith.constant 0 : index
    %swap3A_83 = vector.load %arg6[%swap3A_80, %swap3A_81, %swap3A_82] : memref<4x2048x16xf32, #tpu.memory_space<vmem>>, vector<1x2048x16xf32>
    %swap3A_84 = vector.shape_cast %swap3A_83 : vector<1x2048x16xf32> to vector<2048x16xf32>
    %swap3A_85 = vector.shape_cast %slice3A_79 : vector<2048x16xf32> to vector<1x2048x16xf32>
    tpu.vector_store %arg6[%swap3A_80, %swap3A_81, %swap3A_82], %swap3A_85 {strides = array<i32>} : memref<4x2048x16xf32, #tpu.memory_space<vmem>>, vector<1x2048x16xf32>,
    return
  }
  func.func @transform_0(%arg0: i32) -> (i32, i32, i32) {
    %c0_i32 = arith.constant 0 : i32
    %c0_i32_0 = arith.constant 0 : i32
    %c0_i32_1 = arith.constant 0 : i32
    return %c0_i32, %arg0, %c0_i32_0 : i32, i32, i32
  }
  func.func @transform_1(%arg0: i32) -> (i32, i32) {
    %c0_i32 = arith.constant 0 : i32
    %c0_i32_0 = arith.constant 0 : i32
    %c0_i32_1 = arith.constant 0 : i32
    return %c0_i32, %c0_i32_0 : i32, i32
  }
  func.func @transform_2(%arg0: i32) -> (i32, i32) {
    %c0_i32 = arith.constant 0 : i32
    %c0_i32_0 = arith.constant 0 : i32
    %c0_i32_1 = arith.constant 0 : i32
    return %c0_i32, %c0_i32_0 : i32, i32
  }
  func.func @transform_3(%arg0: i32) -> (i32, i32) {
    %c0_i32 = arith.constant 0 : i32
    %c0_i32_0 = arith.constant 0 : i32
    %c0_i32_1 = arith.constant 0 : i32
    return %c0_i32, %c0_i32_0 : i32, i32
  }
  func.func @transform_4(%arg0: i32) -> (i32, i32) {
    %c0_i32 = arith.constant 0 : i32
    %c0_i32_0 = arith.constant 0 : i32
    %c0_i32_1 = arith.constant 0 : i32
    return %c0_i32, %c0_i32_0 : i32, i32
  }
  func.func @transform_5(%arg0: i32) -> (i32, i32, i32) {
    %c0_i32 = arith.constant 0 : i32
    %c0_i32_0 = arith.constant 0 : i32
    %c0_i32_1 = arith.constant 0 : i32
    return %c0_i32, %arg0, %c0_i32_0 : i32, i32, i32
  }
}

</mosaic_0001>

<sc_bundles>
// kernel: kernel.12.cloned.1.call-start
scs
__scs_entry_jumppad:
0x0: {  	(pc) =	sbr.rel $0x88, $3  }
0x1: {  	(tag) =	ssettag $0x0;
	lr =	simm.s32 $0x1  }
0x2: {  	[smem:$0x3F92] =	sst lr;
	_ =	strace $0xD0000000  }
0x3: {  	_ = 	snop  }
0x4: {  	_ = 	snop  }
0x5: {  	_ = 	snop  }
0x6: {  	_ = 	snop  }
0x7: {  	_ = 	snop  }
__scs_overlays_trampoline_lowered:
0x8: {  	[smem:$0x3FA1] =	sst s0  }
0x9: {  	[smem:$0x3FA2] =	sst s1  }
0xa: {  	[smem:$0x3FA3] =	sst s2  }
0xb: {  	[smem:$0x3FA4] =	sst s3  }
0xc: {  	[smem:$0x3FA5] =	sst s4  }
0xd: {  	[smem:$0x3FA6] =	sst s5  }
0xe: {  	[smem:$0x3FA7] =	sst s6  }
0xf: {  	[smem:$0x3FA8] =	sst s7  }
0x10: {  	[smem:$0x3FA9] =	sst s8  }
0x11: {  	[smem:$0x3FAA] =	sst s9;
	s0 =	simm.s32 @!p0 $0x0  }
0x12: {  	s1 =	sld [smem:$0x3F90];
	s0 =	simm.s32 @p0 $0x1  }
0x13: {  	[smem:$0x3FAB] =	sst s0;
	s0 =	simm.s32 @!p1 $0x0  }
0x14: {  	s2 =	sld [smem:$0x3F8F];
	s0 =	simm.s32 @p1 $0x1  }
0x15: {  	[smem:$0x3FAC] =	sst s0;
	s0 =	simm.s32 @!p2 $0x0  }
0x16: {  	s3 =	sld [smem:$0x3FDB];
	s0 =	simm.s32 @p2 $0x1  }
0x17: {  	s4 =	simm.s32 $0x1BF5;
	[smem:$0x3FAE] =	sst s0  }
0x18: {  	s0 =	sld [smem:$0x3F91];
	_ =	swait.ge [sflag:s4], $0x0  }
0x19: {  	s7 =	sld [smem:$0x3F92]  }
0x1a: {  	s8 =	sadd.s32 $0xFFFFE003, lr  }
0x1b: {  	s9 =	sadd.s32 $0xFFFFFEF7, lr;
	s5 =	simm.s32 $0xFFFFFFFF;
	p2 =	slt.u32 s8, $0xFFFFF086  }
0x1c: {  	p1 =	slt.u32 s9, $0xF7A;
	s5 =	simm.s32 @!p2 $0x0  }
0x1d: {  	s5 =	simm.s32 @p1 $0x1;
	p0 =	seq.s32 s7, s2  }
0x1e: {  	s7 =	smul.u32 @!p0 $0xF7A, s2;
	p2 =	seq.s32 @!p0 s5, $0x0  }
0x1f: {  	s9 =	smul.u32 $0xF7A, s1;
	s8 =	simm.s32 @!p0 $0x1BF5;
	p2 =	por !p2, p0  }
0x20: {  	[sflag:s8] =	ssyncset.s32 @!p0 $0xFFFFF086;
	s6 =	sadd.s32 @!p0 s3, s7;
	s7 =	simm.s32 @!p0 $0x108  }
0x21: {  	s3 =	sadd.s32 s3, s9;
	s6 =	sadd.s32 @!p0 $0x88, s6;
	s7 =	simm.s32 @p2 $0x1082  }
0x22: {  	[simem:s7], [sflag:s8] =	dma.local @!p0 [hbm:s6], $0xF7A  }
0x23: {  	s9 =	sor.u32 $0xD0000000, s2;
	s6 =	simm.s32 $0x108;
	_ =	swait.ge @!p0 [sflag:s8], $0x0  }
0x24: {  	s3 =	sadd.s32 $0x88, s3;
	s6 =	simm.s32 @!p1 $0x1082;
	[sflag:s4] =	ssyncset.s32 $0xFFFFF086  }
0x25: {  	[simem:s6], [sflag:s4] =	dma.local [hbm:s3], $0xF7A  }
0x26: {  	[smem:$0x3F92] =	sst s1;
	(tag) =	ssettag s2;
	_ =	strace s9  }
0x27: {  	s1 =	sld [smem:$0x3FA2]  }
0x28: {  	s2 =	sld [smem:$0x3FA3]  }
0x29: {  	s4 =	sld [smem:$0x3FA5]  }
0x2a: {  	p0 =	seq.s32 s5, $0x0;
	s5 =	sld [smem:$0x3FA6]  }
0x2b: {  	s6 =	sld [smem:$0x3FA7]  }
0x2c: {  	s7 =	sld [smem:$0x3FA8]  }
0x2d: {  	s3 =	simm.s32 $0x108;
	s8 =	sld [smem:$0x3FA9]  }
0x2e: {  	s3 =	simm.s32 @!p0 $0x1082;
	s9 =	sld [smem:$0x3FAA]  }
0x2f: {  	lr =	sadd.s32 s0, s3;
	s0 =	sld [smem:$0x3FA1]  }
0x30: {  	s3 =	sld [smem:$0x3FA4]  }
0x31: {  	[smem:$0x3FAD] =	sst s10  }
0x32: {  	s10 =	sld [smem:$0x3FAB];
	_ =	sdelay $0x3  }
0x33: {  	p0 =	seq.s32 s10, $0x1;
	s10 =	sld [smem:$0x3FAD];
	_ =	sdelay $0x3  }
0x34: {  	[smem:$0x3FAD] =	sst s10  }
0x35: {  	s10 =	sld [smem:$0x3FAC];
	_ =	sdelay $0x3  }
0x36: {  	p1 =	seq.s32 s10, $0x1;
	s10 =	sld [smem:$0x3FAD];
	_ =	sdelay $0x3  }
0x37: {  	[smem:$0x3FAD] =	sst s10  }
0x38: {  	s10 =	sld [smem:$0x3FAE]  }
0x39: {  	_ = 	snop;
	(pc) =	sbr.ind lr, $3  }
0x3a: {  	_ = 	snop  }
0x3b: {  	_ = 	snop  }
0x3c: {  	p2 =	seq.s32 s10, $0x1;
	s10 =	sld [smem:$0x3FAD]  }
0x3d: {  	_ =	shalt  }
0x3e: {  	_ =	shalt  }
0x3f: {  	_ =	shalt  }
0x40: {  	_ =	shalt  }
0x41: {  	_ =	shalt  }
0x42: {  	_ =	shalt  }
0x43: {  	_ =	shalt  }
0x44: {  	_ =	shalt  }
0x45: {  	_ =	shalt  }
0x46: {  	_ =	shalt  }
0x47: {  	_ =	shalt  }
0x48: {  	_ =	shalt  }
0x49: {  	_ =	shalt  }
0x4a: {  	_ =	shalt  }
0x4b: {  	_ =	shalt  }
0x4c: {  	_ =	shalt  }
0x4d: {  	_ =	shalt  }
0x4e: {  	_ =	shalt  }
0x4f: {  	_ =	shalt  }
0x50: {  	_ =	shalt  }
0x51: {  	_ =	shalt  }
0x52: {  	_ =	shalt  }
0x53: {  	_ =	shalt  }
0x54: {  	_ =	shalt  }
0x55: {  	_ =	shalt  }
0x56: {  	_ =	shalt  }
0x57: {  	_ =	shalt  }
0x58: {  	_ =	shalt  }
0x59: {  	_ =	shalt  }
0x5a: {  	_ =	shalt  }
0x5b: {  	_ =	shalt  }
0x5c: {  	_ =	shalt  }
0x5d: {  	_ =	shalt  }
0x5e: {  	_ =	shalt  }
0x5f: {  	_ =	shalt  }
0x60: {  	_ =	shalt  }
0x61: {  	_ =	shalt  }
0x62: {  	_ =	shalt  }
0x63: {  	_ =	shalt  }
0x64: {  	_ =	shalt  }
0x65: {  	_ =	shalt  }
0x66: {  	_ =	shalt  }
0x67: {  	_ =	shalt  }
0x68: {  	_ =	shalt  }
0x69: {  	_ =	shalt  }
0x6a: {  	_ =	shalt  }
0x6b: {  	_ =	shalt  }
0x6c: {  	_ =	shalt  }
0x6d: {  	_ =	shalt  }
0x6e: {  	_ =	shalt  }
0x6f: {  	_ =	shalt  }
0x70: {  	_ =	shalt  }
0x71: {  	_ =	shalt  }
0x72: {  	_ =	shalt  }
0x73: {  	_ =	shalt  }
0x74: {  	_ =	shalt  }
0x75: {  	_ =	shalt  }
0x76: {  	_ =	shalt  }
0x77: {  	_ =	shalt  }
0x78: {  	_ =	shalt  }
0x79: {  	_ =	shalt  }
0x7a: {  	_ =	shalt  }
0x7b: {  	_ =	shalt  }
0x7c: {  	_ =	shalt  }
0x7d: {  	_ =	shalt  }
0x7e: {  	_ =	shalt  }
0x7f: {  	_ =	shalt  }
0x80: {  	_ =	shalt  }
0x81: {  	_ =	shalt  }
0x82: {  	_ =	shalt  }
0x83: {  	_ =	shalt  }
0x84: {  	_ =	shalt  }
0x85: {  	_ =	shalt  }
0x86: {  	_ =	shalt  }
0x87: {  	_ =	shalt  }
.Lfunc_end0:
.L_simem_size_0:
called_computation.1_lowered:
.L_overlay_start_0:
0x88: {  	s2 =	sld [smem:$0x3FD9]  }
0x89: {  	s3 =	sld [smem:$0x3FFE];
	_ =	sdelay $0x1  }
0x8a: {  	s1 =	srdreg.scid  }
0x8b: {  	s0 =	sand.u32 $0x1, s1  }
0x8c: {  	s16 =	sshll.u32 s0, $0xA;
	s2 =	sadd.s32 s3, s2  }
0x8d: {  	s2 =	sadd.s32 s2, s16  }
0x8e: {  	[smem:$0x3FB9] =	sst s2  }
0x8f: {  	_ = 	snop  }
0x90: {  	(tm) =	ssettm $0x1  }
0x91: {  	s17 =	sld [smem:$0x3FFB];
	_ =	sdelay $0x3  }
0x92: {  	_ =	strace s17  }
0x93: {  	s2 =	sld [smem:$0x3FFC];
	_ =	sdelay $0x3  }
0x94: {  	_ =	strace s2  }
0x95: {  	s2 =	sld [smem:$0x3FFD];
	_ =	sdelay $0x3  }
0x96: {  	_ =	strace s2  }
0x97: {  	_ =	strace $0x8FFFFFFF  }
0x98: {  	s18 =	sld [smem:$0x3FDB];
	_ =	sdelay $0x1  }
0x99: {  	s19 =	simm.s32 $_scs_section_size  }
0x9a: {  	s4 =	simm.s32 $_size__tile_overlayer_lowered;
	s5 =	simm.s32 $_tile_overlayer_lowered  }
0x9b: {  	s22 =	simm.s32 $0x1BFF;
	s21 =	sshll.u32 s5, $0x1;
	s2 =	sadd.s32 s19, s18  }
0x9c: {  	s6 =	simm.s32 $0x0;
	s20 =	sshll.u32 s4, $0x1;
	s4 =	sadd.s32 s21, s2  }
0x9d: {  	[timem:s6], [sflag:s22] =	dma.local [hbm:s4], s20  }
0x9e: {  	_ =	swait.ge [sflag:s22], s20  }
0x9f: {  	s3 =	ssub.s32 $0x0, s20;
	[sflag:s22] =	ssyncset.done $0x0  }
0xa0: {  	[sflag:s22] =	ssyncadd.s32 s3;
	_ =	sdelay $0x1  }
0xa1: {  	s23 =	simm.s32 $0x1B8B  }
0xa2: {  	_ =	swait.ge [sflag:s23], $0x1  }
0xa3: {  	[sflag:s23] =	ssyncset.done $0x0  }
0xa4: {  	s25 =	simm.s32 $0x1B8E;
	s24 =	sld [smem:$0x3FFE];
	[sflag:s23] =	ssyncadd.s32 $0xFFFFFFFF  }
0xa5: {  	s26 =	simm.s32 $execute0_lowered;
	[smem:$0x3FD2] =	sst s25  }
0xa6: {  	s4 =	sshll.u32 s26, $0x1;
	_ =	strace $0x80000049;
	[dreg:$0x1] =	wrdreg $0xFFFFFFFF  }
0xa7: {  	s28 =	simm.s32 $_size_execute0_lowered;
	s2 =	sadd.s32 s2, s4;
	[dreg:$0x0] =	wrdreg $0x0  }
0xa8: {  	s4 =	sshll.u32 s28, $0x1;
	[dreg:$0x2] =	wrdreg s2  }
0xa9: {  	[dreg:$0x3] =	wrdreg s4  }
0xaa: {  	[dreg:$0x4] =	wrdreg $0xC0  }
0xab: {  	_ =	task [dreg:s6], $0x5FFFF  }
0xac: {  	[dreg:$0x1] =	wrdreg $0xFFFFFFFF  }
0xad: {  	[dreg:$0x0] =	wrdreg $0x60  }
0xae: {  	[dreg:$0x2] =	wrdreg s24  }
0xaf: {  	[dreg:$0x3] =	wrdreg $0x48000  }
0xb0: {  	[dreg:$0x4] =	wrdreg $0x9  }
0xb1: {  	_ =	task.clear_ibuf [dreg:s6], $0x5FFFF;
	_ =	strace $0x90000049  }
0xb2: {  	s29 =	simm.s32 $0x9;
	_ =	strace $0x8000004B  }
0xb3: {  	_ =	swait.ge [sflag:s29], $0x1  }
0xb4: {  	[sflag:s29] =	ssyncadd.s32 $0xFFFFFFFF  }
0xb5: {  	_ =	strace $0x9000004B  }
0xb6: {  	_ =	sfence  }
0xb7: {  	s30 =	sld [smem:$0x0];
	_ =	sdelay $0x2  }
0xb8: {  	s31 =	sshll.u32 s1, $0xD;
	s1 =	sshrl.u32 s1, $0x2  }
0xb9: {  	s3 =	sand.u32 $0x4000, s31;
	s1 =	sadd.s32 s1, s30  }
0xba: {  	s0 =	sor.u32 s3, s0;
	s1 =	sshll.u32 s1, $0x11  }
0xbb: {  	s0 =	sor.u32 s1, s0  }
0xbc: {  	s0 =	sadd.s32 $0x8F2B, s0  }
0xbd: {  	[sflag:s0] =	ssyncadd.remote.s32 $0x1  }
0xbe: {  	_ =	sfence.sel $0xFFFF  }
0xbf: {  	[dreg:$0x0] =	wrdreg $0xFFFFFFFF;
	(pc) =	sbr.abs _section_cstart, $3  }
0xc0: {  	[dreg:$0x1] =	wrdreg $0xFFFFFFFF  }
0xc1: {  	_ =	task.clear_ibuf [dreg:s6], $0x2FFFF;
	_ =	strace $0x9FFFFFFF  }
0xc2: {  	(tm) =	ssettm $0x7FFFFFFF  }
0xc3: {  	_ =	shalt  }
tec
execute0_lowered:
.L_overlay_start_1:
0x0: {  	(tag) =	ssettag $0x1  }
0x1: {  	s4 =	rddreg [dreg:$0x0]  }
0x2: {  	s2 =	rddreg [dreg:$0x1]  }
0x3: {  	s0 =	rddreg [dreg:$0x2]  }
0x4: {  	s1 =	stileid.u32;
	s6 =	srdreg.scid  }
0x5: {  	s3 =	simm.s32 $0x0;
	s17 =	simm.s32 $0x200;
	s18 =	simm.s32 $0x800  }
0x6: {  	s19 =	simm.s32 $0x600;
	s20 =	simm.s32 $0x2800;
	s21 =	simm.s32 $0x1  }
0x7: {  	s22 =	simm.s32 $0x2;
	s23 =	simm.s32 $0x0;
	s5 =	smul.u32 $0x6200, s1  }
0x8: {  	s6 =	sand.u32 $0x1, s6;
	s7 =	smul.u32 $0x19000, s1;
	[smem:$0x7FF] =	sst s3  }
0x9: {  	s9 =	sadd.s32 $0xC6C00, s4;
	s11 =	sadd.s32 $0x18EC00, s4;
	s29 =	sshll.u32 s1, $0x6  }
0xa: {  	s8 =	smul.u32 $0x320000, s6;
	_ =	strace $0x8000004A;
	s6 =	ssub.s32 $0x2, s6  }
0xb: {  	s13 =	sadd.s32 s5, s4;
	s28 =	sshrl.u32 s6, $0x1;
	s14 =	sadd.s32 s7, s2  }
0xc: {  	s5 =	sor.u32 $0x1C03, s29;
	s10 =	sadd.s32 s7, s8;
	s12 =	ssub.s32 s6, s28  }
0xd: {  	s15 =	sadd.s32 $0x190000, s8;
	s30 =	sshrl.u32 s8, $0x3;
	s14 =	sshrl.u32 s14, $0x3  }
0xe: {  	s10 =	sshrl.u32 s10, $0x3;
	s7 =	sadd.s32 s7, s15;
	s6 =	sadd.s32 s9, s30  }
0xf: {  	s31 =	sshrl.u32 s15, $0x3;
	s15 =	simm.s32 $0x3;
	s16 =	sshrl.u32 s7, $0x3  }
0x10: {  	s4 =	sadd.s32 s9, s10;
	s7 =	sadd.s32 s11, s10;
	s8 =	sadd.s32 s9, s16  }
0x11: {  	s9 =	sadd.s32 s9, s31;
	s10 =	sadd.s32 s11, s16;
	s11 =	smax.u32 s12, $0x1  }
0x12: {  	s12 =	sadd.s32 $0x64C00, s13;
	s13 =	sadd.s32 $0x2C00, s13;
	s16 =	simm.s32 $0x400  }
.LBB2_1:
0x13: {  	[spmem:s14], [sflag:s5] =	dma.local [hbm:s4], $0x3200  }
0x14: {  	_ =	swait.ge [sflag:s15], $0x3200  }
0x15: {  	[sflag:s15] =	ssyncset.done $0x0  }
0x16: {  	[sflag:s15] =	ssyncadd.s32 $0xFFFFCE00  }
0x17: {  	s24 =	sadd.s32 $0x0, s12;
	[bflag:$0x0] =	sbarrier.arrive $0xFFFF  }
0x18: {  	[tilespmem:s3], [sflag:$0x3] =	stream.linear.gather [hbm4b:s24+s3], $0x200, $0x38;
	[tilespmem:$0x1D800] =	vst v63  }
0x19: {  	_ =	swait.ge [sflag:s15], $0x200  }
0x1a: {  	[sflag:s15] =	ssyncset.done $0x0  }
0x1b: {  	s25 =	sadd.s32 $0x0, s13;
	[sflag:s15] =	ssyncadd.s32 $0xFFFFFE00  }
0x1c: {  	[tilespmem:s16], [sflag:$0x3] =	stream.linear.gather [hbm4b:s25+s3], $0x200, $0x38;
	[tilespmem:$0x1D800] =	vst v63  }
0x1d: {  	_ =	swait.ge [sflag:s15], $0x200  }
0x1e: {  	[sflag:s15] =	ssyncset.done $0x0  }
0x1f: {  	[sflag:s15] =	ssyncadd.s32 $0xFFFFFE00  }
0x20: {  	[tilespmem:s18], [sflag:$0x1] =	stream.indirect.gather [hbm4b:s6+s17], $0x10, s3, s17, $0xb8;
	[tilespmem:$0x1D800] =	vst v63  }
0x21: {  	s24 =	sadd.s32 $0x40, s24  }
0x22: {  	[tilespmem:s17], [sflag:$0x3] =	stream.linear.gather [hbm4b:s24+s3], $0x200, $0x38;
	[tilespmem:$0x1D800] =	vst v63  }
0x23: {  	_ =	swait.ge [sflag:s15], $0x200  }
0x24: {  	[sflag:s15] =	ssyncset.done $0x0  }
0x25: {  	s31 =	sadd.s32 $0x40, s25;
	[sflag:s15] =	ssyncadd.s32 $0xFFFFFE00  }
0x26: {  	[tilespmem:s19], [sflag:$0x3] =	stream.linear.gather [hbm4b:s31+s3], $0x200, $0x38;
	[tilespmem:$0x1D800] =	vst v63  }
0x27: {  	_ =	swait.ge [sflag:s15], $0x200  }
0x28: {  	[sflag:s15] =	ssyncset.done $0x0  }
0x29: {  	[sflag:s15] =	ssyncadd.s32 $0xFFFFFE00  }
0x2a: {  	[tilespmem:s20], [sflag:$0x1] =	stream.indirect.gather [hbm4b:s6+s17], $0x10, s17, s17, $0xb8;
	[tilespmem:$0x1D800] =	vst v63  }
0x2b: {  	_ =	swait.ge [sflag:s21], $0x2000  }
0x2c: {  	[sflag:s21] =	ssyncset.done $0x0  }
0x2d: {  	[sflag:s21] =	ssyncadd.s32 $0xFFFFE000  }
0x2e: {  	[spmem:s2] =	stream.indirect.scatter.add.f32 [tilespmem:s18], [sflag:$0x2], $0x10, s16, s17, $0xb8;
	[tilespmem:$0x1D800] =	vst v63  }
0x2f: {  	_ =	swait.ge [sflag:s21], $0x2000  }
0x30: {  	[sflag:s21] =	ssyncset.done $0x0  }
0x31: {  	[sflag:s21] =	ssyncadd.s32 $0xFFFFE000  }
0x32: {  	[spmem:s2] =	stream.indirect.scatter.add.f32 [tilespmem:s20], [sflag:$0x2], $0x10, s19, s17, $0xb8;
	[tilespmem:$0x1D800] =	vst v63  }
0x33: {  	_ =	swait.ge [sflag:s22], $0x2000  }
0x34: {  	[sflag:s22] =	ssyncset.done $0x0  }
0x35: {  	[sflag:s22] =	ssyncadd.s32 $0xFFFFE000  }
0x36: {  	_ =	swait.ge [sflag:s22], $0x2000  }
0x37: {  	s26 =	simm.s32 $0x100;
	s24 =	simm.s32 $0x80;
	[sflag:s22] =	ssyncset.done $0x0  }
.LBB2_2:
0x38: {  	s28 =	sadd.s32 s24, s12  }
0x39: {  	[sflag:s22] =	ssyncadd.s32 $0xFFFFE000;
	s29 =	smov.u32 s26;
	s25 =	sadd.s32 $0x80, s26  }
0x3a: {  	[tilespmem:s3], [sflag:$0x3] =	stream.linear.gather [hbm4b:s28+s3], $0x200, $0x38;
	[tilespmem:$0x1D800] =	vst v63  }
0x3b: {  	p0 =	sne.s32 s26, $0x6180;
	_ =	swait.ge [sflag:s15], $0x200  }
0x3c: {  	[sflag:s15] =	ssyncset.done $0x0  }
0x3d: {  	s26 =	sadd.s32 s24, s13;
	s24 =	smov.u32 s29;
	[sflag:s15] =	ssyncadd.s32 $0xFFFFFE00  }
0x3e: {  	[tilespmem:s16], [sflag:$0x3] =	stream.linear.gather [hbm4b:s26+s3], $0x200, $0x38;
	[tilespmem:$0x1D800] =	vst v63  }
0x3f: {  	_ =	swait.ge [sflag:s15], $0x200  }
0x40: {  	[sflag:s15] =	ssyncset.done $0x0  }
0x41: {  	[sflag:s15] =	ssyncadd.s32 $0xFFFFFE00  }
0x42: {  	[tilespmem:s18], [sflag:$0x1] =	stream.indirect.gather [hbm4b:s6+s17], $0x10, s3, s17, $0xb8;
	[tilespmem:$0x1D800] =	vst v63  }
0x43: {  	s28 =	sadd.s32 $0x40, s28  }
0x44: {  	[tilespmem:s17], [sflag:$0x3] =	stream.linear.gather [hbm4b:s28+s3], $0x200, $0x38;
	[tilespmem:$0x1D800] =	vst v63  }
0x45: {  	_ =	swait.ge [sflag:s15], $0x200  }
0x46: {  	[sflag:s15] =	ssyncset.done $0x0  }
0x47: {  	s26 =	sadd.s32 $0x40, s26;
	[sflag:s15] =	ssyncadd.s32 $0xFFFFFE00  }
0x48: {  	[tilespmem:s19], [sflag:$0x3] =	stream.linear.gather [hbm4b:s26+s3], $0x200, $0x38;
	[tilespmem:$0x1D800] =	vst v63  }
0x49: {  	_ =	swait.ge [sflag:s15], $0x200  }
0x4a: {  	[sflag:s15] =	ssyncset.done $0x0  }
0x4b: {  	[sflag:s15] =	ssyncadd.s32 $0xFFFFFE00  }
0x4c: {  	[tilespmem:s20], [sflag:$0x1] =	stream.indirect.gather [hbm4b:s6+s17], $0x10, s17, s17, $0xb8;
	[tilespmem:$0x1D800] =	vst v63  }
0x4d: {  	_ =	swait.ge [sflag:s21], $0x2000  }
0x4e: {  	[sflag:s21] =	ssyncset.done $0x0  }
0x4f: {  	[sflag:s21] =	ssyncadd.s32 $0xFFFFE000  }
0x50: {  	[spmem:s2] =	stream.indirect.scatter.add.f32 [tilespmem:s18], [sflag:$0x2], $0x10, s16, s17, $0xb8;
	[tilespmem:$0x1D800] =	vst v63  }
0x51: {  	_ =	swait.ge [sflag:s21], $0x2000  }
0x52: {  	[sflag:s21] =	ssyncset.done $0x0  }
0x53: {  	[sflag:s21] =	ssyncadd.s32 $0xFFFFE000  }
0x54: {  	[spmem:s2] =	stream.indirect.scatter.add.f32 [tilespmem:s20], [sflag:$0x2], $0x10, s19, s17, $0xb8;
	[tilespmem:$0x1D800] =	vst v63  }
.Ltmp0:
0x55: {  	_ =	swait.ge [sflag:s22], $0x2000;
	(pc) =	sbr.rel @p0 .LBB2_2-.Ltmp0, $4  }
0x56: {  	[sflag:s22] =	ssyncset.done $0x0  }
0x57: {  	[sflag:s22] =	ssyncadd.s32 $0xFFFFE000  }
0x58: {  	_ =	swait.ge [sflag:s22], $0x2000  }
0x59: {  	s26 =	smov.u32 s25;
	[sflag:s22] =	ssyncset.done $0x0  }
0x5a: {  	s25 =	sadd.s32 s24, s12;
	[sflag:s22] =	ssyncadd.s32 $0xFFFFE000  }
0x5b: {  	[tilespmem:s3], [sflag:$0x3] =	stream.linear.gather [hbm4b:s25+s3], $0x200, $0x38;
	[tilespmem:$0x1D800] =	vst v63  }
0x5c: {  	_ =	swait.ge [sflag:s15], $0x200  }
0x5d: {  	[sflag:s15] =	ssyncset.done $0x0  }
0x5e: {  	s28 =	sadd.s32 s24, s13;
	[sflag:s15] =	ssyncadd.s32 $0xFFFFFE00  }
0x5f: {  	[tilespmem:s16], [sflag:$0x3] =	stream.linear.gather [hbm4b:s28+s3], $0x200, $0x38;
	[tilespmem:$0x1D800] =	vst v63  }
0x60: {  	_ =	swait.ge [sflag:s15], $0x200  }
0x61: {  	[sflag:s15] =	ssyncset.done $0x0  }
0x62: {  	[sflag:s15] =	ssyncadd.s32 $0xFFFFFE00  }
0x63: {  	[tilespmem:s18], [sflag:$0x1] =	stream.indirect.gather [hbm4b:s6+s17], $0x10, s3, s17, $0xb8;
	[tilespmem:$0x1D800] =	vst v63  }
0x64: {  	s25 =	sadd.s32 $0x40, s25  }
0x65: {  	[tilespmem:s17], [sflag:$0x3] =	stream.linear.gather [hbm4b:s25+s3], $0x200, $0x38;
	[tilespmem:$0x1D800] =	vst v63  }
0x66: {  	_ =	swait.ge [sflag:s15], $0x200  }
0x67: {  	[sflag:s15] =	ssyncset.done $0x0  }
0x68: {  	s24 =	sadd.s32 $0x40, s28;
	[sflag:s15] =	ssyncadd.s32 $0xFFFFFE00  }
0x69: {  	[tilespmem:s19], [sflag:$0x3] =	stream.linear.gather [hbm4b:s24+s3], $0x200, $0x38;
	[tilespmem:$0x1D800] =	vst v63  }
0x6a: {  	_ =	swait.ge [sflag:s15], $0x200  }
0x6b: {  	[sflag:s15] =	ssyncset.done $0x0  }
0x6c: {  	[sflag:s15] =	ssyncadd.s32 $0xFFFFFE00  }
0x6d: {  	[tilespmem:s20], [sflag:$0x1] =	stream.indirect.gather [hbm4b:s6+s17], $0x10, s17, s17, $0xb8;
	[tilespmem:$0x1D800] =	vst v63  }
0x6e: {  	_ =	swait.ge [sflag:s21], $0x2000  }
0x6f: {  	[sflag:s21] =	ssyncset.done $0x0  }
0x70: {  	[sflag:s21] =	ssyncadd.s32 $0xFFFFE000  }
0x71: {  	[spmem:s2] =	stream.indirect.scatter.add.f32 [tilespmem:s18], [sflag:$0x2], $0x10, s16, s17, $0xb8;
	[tilespmem:$0x1D800] =	vst v63  }
0x72: {  	_ =	swait.ge [sflag:s21], $0x2000  }
0x73: {  	[sflag:s21] =	ssyncset.done $0x0  }
0x74: {  	[sflag:s21] =	ssyncadd.s32 $0xFFFFE000  }
0x75: {  	[spmem:s2] =	stream.indirect.scatter.add.f32 [tilespmem:s20], [sflag:$0x2], $0x10, s19, s17, $0xb8;
	[tilespmem:$0x1D800] =	vst v63  }
0x76: {  	_ =	swait.ge [sflag:s22], $0x2000  }
0x77: {  	[sflag:s22] =	ssyncset.done $0x0  }
0x78: {  	[sflag:s22] =	ssyncadd.s32 $0xFFFFE000  }
0x79: {  	_ =	swait.ge [sflag:s22], $0x2000  }
0x7a: {  	[sflag:s22] =	ssyncset.done $0x0  }
0x7b: {  	[sflag:s22] =	ssyncadd.s32 $0xFFFFE000  }
0x7c: {  	[bflag:$0x0] =	sbarrier.arrive $0xFFFF  }
0x7d: {  	[hbm:s7], [sflag:s5] =	dma.local [spmem:s14], $0x3200  }
0x7e: {  	_ =	swait.ge [sflag:s15], $0x3200  }
0x7f: {  	[sflag:s15] =	ssyncset.done $0x0  }
0x80: {  	[sflag:s15] =	ssyncadd.s32 $0xFFFFCE00  }
0x81: {  	[bflag:$0x0] =	sbarrier.arrive $0xFFFF  }
0x82: {  	[spmem:s14], [sflag:s5] =	dma.local [hbm:s8], $0x3200  }
0x83: {  	_ =	swait.ge [sflag:s15], $0x3200  }
0x84: {  	[sflag:s15] =	ssyncset.done $0x0  }
0x85: {  	[sflag:s15] =	ssyncadd.s32 $0xFFFFCE00  }
0x86: {  	s29 =	sadd.s32 $0x0, s12;
	[bflag:$0x0] =	sbarrier.arrive $0xFFFF  }
0x87: {  	[tilespmem:s3], [sflag:$0x3] =	stream.linear.gather [hbm4b:s29+s3], $0x200, $0x38;
	[tilespmem:$0x1D800] =	vst v63  }
0x88: {  	_ =	swait.ge [sflag:s15], $0x200  }
0x89: {  	[sflag:s15] =	ssyncset.done $0x0  }
0x8a: {  	s30 =	sadd.s32 $0x0, s13;
	[sflag:s15] =	ssyncadd.s32 $0xFFFFFE00  }
0x8b: {  	[tilespmem:s16], [sflag:$0x3] =	stream.linear.gather [hbm4b:s30+s3], $0x200, $0x38;
	[tilespmem:$0x1D800] =	vst v63  }
0x8c: {  	_ =	swait.ge [sflag:s15], $0x200  }
0x8d: {  	[sflag:s15] =	ssyncset.done $0x0  }
0x8e: {  	[sflag:s15] =	ssyncadd.s32 $0xFFFFFE00  }
0x8f: {  	[tilespmem:s18], [sflag:$0x1] =	stream.indirect.gather [hbm4b:s9+s17], $0x10, s3, s17, $0xb8;
	[tilespmem:$0x1D800] =	vst v63  }
0x90: {  	s24 =	sadd.s32 $0x40, s29  }
0x91: {  	[tilespmem:s17], [sflag:$0x3] =	stream.linear.gather [hbm4b:s24+s3], $0x200, $0x38;
	[tilespmem:$0x1D800] =	vst v63  }
0x92: {  	_ =	swait.ge [sflag:s15], $0x200  }
0x93: {  	[sflag:s15] =	ssyncset.done $0x0  }
0x94: {  	s31 =	sadd.s32 $0x40, s30;
	[sflag:s15] =	ssyncadd.s32 $0xFFFFFE00  }
0x95: {  	[tilespmem:s19], [sflag:$0x3] =	stream.linear.gather [hbm4b:s31+s3], $0x200, $0x38;
	[tilespmem:$0x1D800] =	vst v63  }
0x96: {  	_ =	swait.ge [sflag:s15], $0x200  }
0x97: {  	[sflag:s15] =	ssyncset.done $0x0  }
0x98: {  	[sflag:s15] =	ssyncadd.s32 $0xFFFFFE00  }
0x99: {  	[tilespmem:s20], [sflag:$0x1] =	stream.indirect.gather [hbm4b:s9+s17], $0x10, s17, s17, $0xb8;
	[tilespmem:$0x1D800] =	vst v63  }
0x9a: {  	_ =	swait.ge [sflag:s21], $0x2000  }
0x9b: {  	[sflag:s21] =	ssyncset.done $0x0  }
0x9c: {  	[sflag:s21] =	ssyncadd.s32 $0xFFFFE000  }
0x9d: {  	[spmem:s2] =	stream.indirect.scatter.add.f32 [tilespmem:s18], [sflag:$0x2], $0x10, s16, s17, $0xb8;
	[tilespmem:$0x1D800] =	vst v63  }
0x9e: {  	_ =	swait.ge [sflag:s21], $0x2000  }
0x9f: {  	[sflag:s21] =	ssyncset.done $0x0  }
0xa0: {  	[sflag:s21] =	ssyncadd.s32 $0xFFFFE000  }
0xa1: {  	[spmem:s2] =	stream.indirect.scatter.add.f32 [tilespmem:s20], [sflag:$0x2], $0x10, s19, s17, $0xb8;
	[tilespmem:$0x1D800] =	vst v63  }
0xa2: {  	_ =	swait.ge [sflag:s22], $0x2000  }
0xa3: {  	[sflag:s22] =	ssyncset.done $0x0  }
0xa4: {  	[sflag:s22] =	ssyncadd.s32 $0xFFFFE000  }
0xa5: {  	_ =	swait.ge [sflag:s22], $0x2000  }
0xa6: {  	s26 =	simm.s32 $0x100;
	s24 =	simm.s32 $0x80;
	[sflag:s22] =	ssyncset.done $0x0  }
.LBB2_4:
0xa7: {  	s28 =	sadd.s32 s24, s12  }
0xa8: {  	[sflag:s22] =	ssyncadd.s32 $0xFFFFE000;
	s29 =	smov.u32 s26;
	s25 =	sadd.s32 $0x80, s26  }
0xa9: {  	[tilespmem:s3], [sflag:$0x3] =	stream.linear.gather [hbm4b:s28+s3], $0x200, $0x38;
	[tilespmem:$0x1D800] =	vst v63  }
0xaa: {  	p0 =	sne.s32 s26, $0x6180;
	_ =	swait.ge [sflag:s15], $0x200  }
0xab: {  	[sflag:s15] =	ssyncset.done $0x0  }
0xac: {  	s26 =	sadd.s32 s24, s13;
	s24 =	smov.u32 s29;
	[sflag:s15] =	ssyncadd.s32 $0xFFFFFE00  }
0xad: {  	[tilespmem:s16], [sflag:$0x3] =	stream.linear.gather [hbm4b:s26+s3], $0x200, $0x38;
	[tilespmem:$0x1D800] =	vst v63  }
0xae: {  	_ =	swait.ge [sflag:s15], $0x200  }
0xaf: {  	[sflag:s15] =	ssyncset.done $0x0  }
0xb0: {  	[sflag:s15] =	ssyncadd.s32 $0xFFFFFE00  }
0xb1: {  	[tilespmem:s18], [sflag:$0x1] =	stream.indirect.gather [hbm4b:s9+s17], $0x10, s3, s17, $0xb8;
	[tilespmem:$0x1D800] =	vst v63  }
0xb2: {  	s28 =	sadd.s32 $0x40, s28  }
0xb3: {  	[tilespmem:s17], [sflag:$0x3] =	stream.linear.gather [hbm4b:s28+s3], $0x200, $0x38;
	[tilespmem:$0x1D800] =	vst v63  }
0xb4: {  	_ =	swait.ge [sflag:s15], $0x200  }
0xb5: {  	[sflag:s15] =	ssyncset.done $0x0  }
0xb6: {  	s26 =	sadd.s32 $0x40, s26;
	[sflag:s15] =	ssyncadd.s32 $0xFFFFFE00  }
0xb7: {  	[tilespmem:s19], [sflag:$0x3] =	stream.linear.gather [hbm4b:s26+s3], $0x200, $0x38;
	[tilespmem:$0x1D800] =	vst v63  }
0xb8: {  	_ =	swait.ge [sflag:s15], $0x200  }
0xb9: {  	[sflag:s15] =	ssyncset.done $0x0  }
0xba: {  	[sflag:s15] =	ssyncadd.s32 $0xFFFFFE00  }
0xbb: {  	[tilespmem:s20], [sflag:$0x1] =	stream.indirect.gather [hbm4b:s9+s17], $0x10, s17, s17, $0xb8;
	[tilespmem:$0x1D800] =	vst v63  }
0xbc: {  	_ =	swait.ge [sflag:s21], $0x2000  }
0xbd: {  	[sflag:s21] =	ssyncset.done $0x0  }
0xbe: {  	[sflag:s21] =	ssyncadd.s32 $0xFFFFE000  }
0xbf: {  	[spmem:s2] =	stream.indirect.scatter.add.f32 [tilespmem:s18], [sflag:$0x2], $0x10, s16, s17, $0xb8;
	[tilespmem:$0x1D800] =	vst v63  }
0xc0: {  	_ =	swait.ge [sflag:s21], $0x2000  }
0xc1: {  	[sflag:s21] =	ssyncset.done $0x0  }
0xc2: {  	[sflag:s21] =	ssyncadd.s32 $0xFFFFE000  }
0xc3: {  	[spmem:s2] =	stream.indirect.scatter.add.f32 [tilespmem:s20], [sflag:$0x2], $0x10, s19, s17, $0xb8;
	[tilespmem:$0x1D800] =	vst v63  }
.Ltmp1:
0xc4: {  	_ =	swait.ge [sflag:s22], $0x2000;
	(pc) =	sbr.rel @p0 .LBB2_4-.Ltmp1, $4  }
0xc5: {  	[sflag:s22] =	ssyncset.done $0x0  }
0xc6: {  	[sflag:s22] =	ssyncadd.s32 $0xFFFFE000  }
0xc7: {  	_ =	swait.ge [sflag:s22], $0x2000  }
0xc8: {  	s26 =	smov.u32 s25;
	[sflag:s22] =	ssyncset.done $0x0  }
0xc9: {  	s25 =	sadd.s32 s24, s12;
	[sflag:s22] =	ssyncadd.s32 $0xFFFFE000  }
0xca: {  	[tilespmem:s3], [sflag:$0x3] =	stream.linear.gather [hbm4b:s25+s3], $0x200, $0x38;
	[tilespmem:$0x1D800] =	vst v63  }
0xcb: {  	_ =	swait.ge [sflag:s15], $0x200  }
0xcc: {  	[sflag:s15] =	ssyncset.done $0x0  }
0xcd: {  	s31 =	sadd.s32 s24, s13;
	[sflag:s15] =	ssyncadd.s32 $0xFFFFFE00  }
0xce: {  	[tilespmem:s16], [sflag:$0x3] =	stream.linear.gather [hbm4b:s31+s3], $0x200, $0x38;
	[tilespmem:$0x1D800] =	vst v63  }
0xcf: {  	_ =	swait.ge [sflag:s15], $0x200  }
0xd0: {  	[sflag:s15] =	ssyncset.done $0x0  }
0xd1: {  	[sflag:s15] =	ssyncadd.s32 $0xFFFFFE00  }
0xd2: {  	[tilespmem:s18], [sflag:$0x1] =	stream.indirect.gather [hbm4b:s9+s17], $0x10, s3, s17, $0xb8;
	[tilespmem:$0x1D800] =	vst v63  }
0xd3: {  	s25 =	sadd.s32 $0x40, s25  }
0xd4: {  	[tilespmem:s17], [sflag:$0x3] =	stream.linear.gather [hbm4b:s25+s3], $0x200, $0x38;
	[tilespmem:$0x1D800] =	vst v63  }
0xd5: {  	_ =	swait.ge [sflag:s15], $0x200  }
0xd6: {  	[sflag:s15] =	ssyncset.done $0x0  }
0xd7: {  	s24 =	sadd.s32 $0x40, s31;
	[sflag:s15] =	ssyncadd.s32 $0xFFFFFE00  }
0xd8: {  	[tilespmem:s19], [sflag:$0x3] =	stream.linear.gather [hbm4b:s24+s3], $0x200, $0x38;
	[tilespmem:$0x1D800] =	vst v63  }
0xd9: {  	_ =	swait.ge [sflag:s15], $0x200  }
0xda: {  	[sflag:s15] =	ssyncset.done $0x0  }
0xdb: {  	[sflag:s15] =	ssyncadd.s32 $0xFFFFFE00  }
0xdc: {  	[tilespmem:s20], [sflag:$0x1] =	stream.indirect.gather [hbm4b:s9+s17], $0x10, s17, s17, $0xb8;
	[tilespmem:$0x1D800] =	vst v63  }
0xdd: {  	_ =	swait.ge [sflag:s21], $0x2000  }
0xde: {  	[sflag:s21] =	ssyncset.done $0x0  }
0xdf: {  	[sflag:s21] =	ssyncadd.s32 $0xFFFFE000  }
0xe0: {  	[spmem:s2] =	stream.indirect.scatter.add.f32 [tilespmem:s18], [sflag:$0x2], $0x10, s16, s17, $0xb8;
	[tilespmem:$0x1D800] =	vst v63  }
0xe1: {  	_ =	swait.ge [sflag:s21], $0x2000  }
0xe2: {  	[sflag:s21] =	ssyncset.done $0x0  }
0xe3: {  	[sflag:s21] =	ssyncadd.s32 $0xFFFFE000  }
0xe4: {  	[spmem:s2] =	stream.indirect.scatter.add.f32 [tilespmem:s20], [sflag:$0x2], $0x10, s19, s17, $0xb8;
	[tilespmem:$0x1D800] =	vst v63  }
0xe5: {  	_ =	swait.ge [sflag:s22], $0x2000  }
0xe6: {  	[sflag:s22] =	ssyncset.done $0x0  }
0xe7: {  	[sflag:s22] =	ssyncadd.s32 $0xFFFFE000  }
0xe8: {  	_ =	swait.ge [sflag:s22], $0x2000  }
0xe9: {  	[sflag:s22] =	ssyncset.done $0x0  }
0xea: {  	s23 =	sadd.s32 $0x1, s23;
	[sflag:s22] =	ssyncadd.s32 $0xFFFFE000  }
0xeb: {  	p0 =	sne.s32 s23, s11;
	[bflag:$0x0] =	sbarrier.arrive $0xFFFF  }
0xec: {  	[hbm:s10], [sflag:s5] =	dma.local [spmem:s14], $0x3200  }
.Ltmp2:
0xed: {  	_ =	swait.ge [sflag:s15], $0x3200;
	(pc) =	sbr.rel @p0 .LBB2_1-.Ltmp2, $3  }
0xee: {  	[sflag:s15] =	ssyncset.done $0x0  }
0xef: {  	[sflag:s15] =	ssyncadd.s32 $0xFFFFCE00  }
0xf0: {  	[bflag:$0x0] =	sbarrier.arrive $0xFFFF;
	_ =	sdelay $0x1  }
0xf1: {  	_ =	sfence.sel $0x180000  }
0xf2: {  	[bflag:$0x0] =	sbarrier.arrive $0xFFFF  }
0xf3: {  	p0 =	sne.s32 s1, $0x0;
	_ =	strace $0x9000004A  }
0xf4: {  	s0 =	sadd.s32 @!p0 $0x100000, s0;
	[bflag:$0x2] =	sbarrier.arrive $0xFFFF  }
0xf5: {  	[sflag:s0] =	ssyncadd.tile.s32 @!p0 $0x1;
	_ =	shalt  }
.Lfunc_end2:
_tile_overlayer_lowered:
.L_overlay_start_2:
0xf6: {  	(tag) =	ssettag $0x2  }
0xf7: {  	s0 =	rddreg [dreg:$0x0];
	s2 =	stileid.u32  }
0xf8: {  	s1 =	rddreg [dreg:$0x1];
	p0 =	sne.s32 s2, $0x0  }
0xf9: {  	s3 =	rddreg [dreg:$0x2];
	[bflag:$0x3] =	sbarrier.arrive $0xFFFF;
	s2 =	simm.s32 @!p0 $0x1C03  }
0xfa: {  	[timem:s3], [sflag:s2] =	dma.local @!p0 [hbm:s0], s1  }
0xfb: {  	s0 =	simm.s32 @!p0 $0x3  }
0xfc: {  	_ =	swait.ge @!p0 [sflag:s0], s1  }
0xfd: {  	s1 =	ssub.s32 @!p0 $0x0, s1;
	[sflag:s0] =	ssyncset.done @!p0 $0x0  }
0xfe: {  	[sflag:s0] =	ssyncadd.s32 @!p0 s1  }
0xff: {  	[bflag:$0x3] =	sbarrier.arrive $0xFFFF  }
0x100: {  	_ =	shalt  }

// kernel: kernel.15.cloned.1.call-start
scs
__scs_entry_jumppad:
0x0: {  	(pc) =	sbr.rel $0x88, $3  }
0x1: {  	(tag) =	ssettag $0x0;
	lr =	simm.s32 $0x1  }
0x2: {  	[smem:$0x3F92] =	sst lr;
	_ =	strace $0xD0000000  }
0x3: {  	_ = 	snop  }
0x4: {  	_ = 	snop  }
0x5: {  	_ = 	snop  }
0x6: {  	_ = 	snop  }
0x7: {  	_ = 	snop  }
__scs_overlays_trampoline_lowered:
0x8: {  	[smem:$0x3FA1] =	sst s0  }
0x9: {  	[smem:$0x3FA2] =	sst s1  }
0xa: {  	[smem:$0x3FA3] =	sst s2  }
0xb: {  	[smem:$0x3FA4] =	sst s3  }
0xc: {  	[smem:$0x3FA5] =	sst s4  }
0xd: {  	[smem:$0x3FA6] =	sst s5  }
0xe: {  	[smem:$0x3FA7] =	sst s6  }
0xf: {  	[smem:$0x3FA8] =	sst s7  }
0x10: {  	[smem:$0x3FA9] =	sst s8  }
0x11: {  	[smem:$0x3FAA] =	sst s9;
	s0 =	simm.s32 @!p0 $0x0  }
0x12: {  	s1 =	sld [smem:$0x3F90];
	s0 =	simm.s32 @p0 $0x1  }
0x13: {  	[smem:$0x3FAB] =	sst s0;
	s0 =	simm.s32 @!p1 $0x0  }
0x14: {  	s2 =	sld [smem:$0x3F8F];
	s0 =	simm.s32 @p1 $0x1  }
0x15: {  	[smem:$0x3FAC] =	sst s0;
	s0 =	simm.s32 @!p2 $0x0  }
0x16: {  	s3 =	sld [smem:$0x3FDB];
	s0 =	simm.s32 @p2 $0x1  }
0x17: {  	s4 =	simm.s32 $0x1BF5;
	[smem:$0x3FAE] =	sst s0  }
0x18: {  	s0 =	sld [smem:$0x3F91];
	_ =	swait.ge [sflag:s4], $0x0  }
0x19: {  	s7 =	sld [smem:$0x3F92]  }
0x1a: {  	s8 =	sadd.s32 $0xFFFFE003, lr  }
0x1b: {  	s9 =	sadd.s32 $0xFFFFFEF7, lr;
	s5 =	simm.s32 $0xFFFFFFFF;
	p2 =	slt.u32 s8, $0xFFFFF086  }
0x1c: {  	p1 =	slt.u32 s9, $0xF7A;
	s5 =	simm.s32 @!p2 $0x0  }
0x1d: {  	s5 =	simm.s32 @p1 $0x1;
	p0 =	seq.s32 s7, s2  }
0x1e: {  	s7 =	smul.u32 @!p0 $0xF7A, s2;
	p2 =	seq.s32 @!p0 s5, $0x0  }
0x1f: {  	s9 =	smul.u32 $0xF7A, s1;
	s8 =	simm.s32 @!p0 $0x1BF5;
	p2 =	por !p2, p0  }
0x20: {  	[sflag:s8] =	ssyncset.s32 @!p0 $0xFFFFF086;
	s6 =	sadd.s32 @!p0 s3, s7;
	s7 =	simm.s32 @!p0 $0x108  }
0x21: {  	s3 =	sadd.s32 s3, s9;
	s6 =	sadd.s32 @!p0 $0x88, s6;
	s7 =	simm.s32 @p2 $0x1082  }
0x22: {  	[simem:s7], [sflag:s8] =	dma.local @!p0 [hbm:s6], $0xF7A  }
0x23: {  	s9 =	sor.u32 $0xD0000000, s2;
	s6 =	simm.s32 $0x108;
	_ =	swait.ge @!p0 [sflag:s8], $0x0  }
0x24: {  	s3 =	sadd.s32 $0x88, s3;
	s6 =	simm.s32 @!p1 $0x1082;
	[sflag:s4] =	ssyncset.s32 $0xFFFFF086  }
0x25: {  	[simem:s6], [sflag:s4] =	dma.local [hbm:s3], $0xF7A  }
0x26: {  	[smem:$0x3F92] =	sst s1;
	(tag) =	ssettag s2;
	_ =	strace s9  }
0x27: {  	s1 =	sld [smem:$0x3FA2]  }
0x28: {  	s2 =	sld [smem:$0x3FA3]  }
0x29: {  	s4 =	sld [smem:$0x3FA5]  }
0x2a: {  	p0 =	seq.s32 s5, $0x0;
	s5 =	sld [smem:$0x3FA6]  }
0x2b: {  	s6 =	sld [smem:$0x3FA7]  }
0x2c: {  	s7 =	sld [smem:$0x3FA8]  }
0x2d: {  	s3 =	simm.s32 $0x108;
	s8 =	sld [smem:$0x3FA9]  }
0x2e: {  	s3 =	simm.s32 @!p0 $0x1082;
	s9 =	sld [smem:$0x3FAA]  }
0x2f: {  	lr =	sadd.s32 s0, s3;
	s0 =	sld [smem:$0x3FA1]  }
0x30: {  	s3 =	sld [smem:$0x3FA4]  }
0x31: {  	[smem:$0x3FAD] =	sst s10  }
0x32: {  	s10 =	sld [smem:$0x3FAB];
	_ =	sdelay $0x3  }
0x33: {  	p0 =	seq.s32 s10, $0x1;
	s10 =	sld [smem:$0x3FAD];
	_ =	sdelay $0x3  }
0x34: {  	[smem:$0x3FAD] =	sst s10  }
0x35: {  	s10 =	sld [smem:$0x3FAC];
	_ =	sdelay $0x3  }
0x36: {  	p1 =	seq.s32 s10, $0x1;
	s10 =	sld [smem:$0x3FAD];
	_ =	sdelay $0x3  }
0x37: {  	[smem:$0x3FAD] =	sst s10  }
0x38: {  	s10 =	sld [smem:$0x3FAE]  }
0x39: {  	_ = 	snop;
	(pc) =	sbr.ind lr, $3  }
0x3a: {  	_ = 	snop  }
0x3b: {  	_ = 	snop  }
0x3c: {  	p2 =	seq.s32 s10, $0x1;
	s10 =	sld [smem:$0x3FAD]  }
0x3d: {  	_ =	shalt  }
0x3e: {  	_ =	shalt  }
0x3f: {  	_ =	shalt  }
0x40: {  	_ =	shalt  }
0x41: {  	_ =	shalt  }
0x42: {  	_ =	shalt  }
0x43: {  	_ =	shalt  }
0x44: {  	_ =	shalt  }
0x45: {  	_ =	shalt  }
0x46: {  	_ =	shalt  }
0x47: {  	_ =	shalt  }
0x48: {  	_ =	shalt  }
0x49: {  	_ =	shalt  }
0x4a: {  	_ =	shalt  }
0x4b: {  	_ =	shalt  }
0x4c: {  	_ =	shalt  }
0x4d: {  	_ =	shalt  }
0x4e: {  	_ =	shalt  }
0x4f: {  	_ =	shalt  }
0x50: {  	_ =	shalt  }
0x51: {  	_ =	shalt  }
0x52: {  	_ =	shalt  }
0x53: {  	_ =	shalt  }
0x54: {  	_ =	shalt  }
0x55: {  	_ =	shalt  }
0x56: {  	_ =	shalt  }
0x57: {  	_ =	shalt  }
0x58: {  	_ =	shalt  }
0x59: {  	_ =	shalt  }
0x5a: {  	_ =	shalt  }
0x5b: {  	_ =	shalt  }
0x5c: {  	_ =	shalt  }
0x5d: {  	_ =	shalt  }
0x5e: {  	_ =	shalt  }
0x5f: {  	_ =	shalt  }
0x60: {  	_ =	shalt  }
0x61: {  	_ =	shalt  }
0x62: {  	_ =	shalt  }
0x63: {  	_ =	shalt  }
0x64: {  	_ =	shalt  }
0x65: {  	_ =	shalt  }
0x66: {  	_ =	shalt  }
0x67: {  	_ =	shalt  }
0x68: {  	_ =	shalt  }
0x69: {  	_ =	shalt  }
0x6a: {  	_ =	shalt  }
0x6b: {  	_ =	shalt  }
0x6c: {  	_ =	shalt  }
0x6d: {  	_ =	shalt  }
0x6e: {  	_ =	shalt  }
0x6f: {  	_ =	shalt  }
0x70: {  	_ =	shalt  }
0x71: {  	_ =	shalt  }
0x72: {  	_ =	shalt  }
0x73: {  	_ =	shalt  }
0x74: {  	_ =	shalt  }
0x75: {  	_ =	shalt  }
0x76: {  	_ =	shalt  }
0x77: {  	_ =	shalt  }
0x78: {  	_ =	shalt  }
0x79: {  	_ =	shalt  }
0x7a: {  	_ =	shalt  }
0x7b: {  	_ =	shalt  }
0x7c: {  	_ =	shalt  }
0x7d: {  	_ =	shalt  }
0x7e: {  	_ =	shalt  }
0x7f: {  	_ =	shalt  }
0x80: {  	_ =	shalt  }
0x81: {  	_ =	shalt  }
0x82: {  	_ =	shalt  }
0x83: {  	_ =	shalt  }
0x84: {  	_ =	shalt  }
0x85: {  	_ =	shalt  }
0x86: {  	_ =	shalt  }
0x87: {  	_ =	shalt  }
.Lfunc_end0:
.L_simem_size_0:
called_computation.2_lowered:
.L_overlay_start_0:
0x88: {  	s2 =	sld [smem:$0x3FD9]  }
0x89: {  	s3 =	sld [smem:$0x3FFE];
	_ =	sdelay $0x1  }
0x8a: {  	s1 =	srdreg.scid  }
0x8b: {  	s0 =	sand.u32 $0x1, s1  }
0x8c: {  	s16 =	sshll.u32 s0, $0xA;
	s2 =	sadd.s32 s3, s2  }
0x8d: {  	s2 =	sadd.s32 s2, s16  }
0x8e: {  	[smem:$0x3FB9] =	sst s2  }
0x8f: {  	_ = 	snop  }
0x90: {  	(tm) =	ssettm $0x1  }
0x91: {  	s17 =	sld [smem:$0x3FFB];
	_ =	sdelay $0x3  }
0x92: {  	_ =	strace s17  }
0x93: {  	s2 =	sld [smem:$0x3FFC];
	_ =	sdelay $0x3  }
0x94: {  	_ =	strace s2  }
0x95: {  	s2 =	sld [smem:$0x3FFD];
	_ =	sdelay $0x3  }
0x96: {  	_ =	strace s2  }
0x97: {  	_ =	strace $0x8FFFFFFF  }
0x98: {  	s18 =	sld [smem:$0x3FDB];
	_ =	sdelay $0x1  }
0x99: {  	s19 =	simm.s32 $_scs_section_size  }
0x9a: {  	s4 =	simm.s32 $_size__tile_overlayer_lowered;
	s5 =	simm.s32 $_tile_overlayer_lowered  }
0x9b: {  	s22 =	simm.s32 $0x1BFF;
	s21 =	sshll.u32 s5, $0x1;
	s2 =	sadd.s32 s19, s18  }
0x9c: {  	s6 =	simm.s32 $0x0;
	s20 =	sshll.u32 s4, $0x1;
	s4 =	sadd.s32 s21, s2  }
0x9d: {  	[timem:s6], [sflag:s22] =	dma.local [hbm:s4], s20  }
0x9e: {  	_ =	swait.ge [sflag:s22], s20  }
0x9f: {  	s3 =	ssub.s32 $0x0, s20;
	[sflag:s22] =	ssyncset.done $0x0  }
0xa0: {  	[sflag:s22] =	ssyncadd.s32 s3;
	_ =	sdelay $0x1  }
0xa1: {  	s23 =	simm.s32 $0x1B8B  }
0xa2: {  	_ =	swait.ge [sflag:s23], $0x1  }
0xa3: {  	[sflag:s23] =	ssyncset.done $0x0  }
0xa4: {  	s25 =	simm.s32 $0x1B8E;
	s24 =	sld [smem:$0x3FFE];
	[sflag:s23] =	ssyncadd.s32 $0xFFFFFFFF  }
0xa5: {  	s26 =	simm.s32 $execute0_lowered;
	[smem:$0x3FD2] =	sst s25  }
0xa6: {  	s4 =	sshll.u32 s26, $0x1;
	_ =	strace $0x8000004C;
	[dreg:$0x1] =	wrdreg $0xFFFFFFFF  }
0xa7: {  	s28 =	simm.s32 $_size_execute0_lowered;
	s2 =	sadd.s32 s2, s4;
	[dreg:$0x0] =	wrdreg $0x0  }
0xa8: {  	s4 =	sshll.u32 s28, $0x1;
	[dreg:$0x2] =	wrdreg s2  }
0xa9: {  	[dreg:$0x3] =	wrdreg s4  }
0xaa: {  	[dreg:$0x4] =	wrdreg $0xC0  }
0xab: {  	_ =	task [dreg:s6], $0x5FFFF  }
0xac: {  	[dreg:$0x1] =	wrdreg $0xFFFFFFFF  }
0xad: {  	[dreg:$0x0] =	wrdreg $0x60  }
0xae: {  	[dreg:$0x2] =	wrdreg s24  }
0xaf: {  	[dreg:$0x3] =	wrdreg $0x48000  }
0xb0: {  	[dreg:$0x4] =	wrdreg $0x9  }
0xb1: {  	_ =	task.clear_ibuf [dreg:s6], $0x5FFFF;
	_ =	strace $0x9000004C  }
0xb2: {  	s29 =	simm.s32 $0x9;
	_ =	strace $0x8000004E  }
0xb3: {  	_ =	swait.ge [sflag:s29], $0x1  }
0xb4: {  	[sflag:s29] =	ssyncadd.s32 $0xFFFFFFFF  }
0xb5: {  	_ =	strace $0x9000004E  }
0xb6: {  	_ =	sfence  }
0xb7: {  	s30 =	sld [smem:$0x0];
	_ =	sdelay $0x2  }
0xb8: {  	s31 =	sshll.u32 s1, $0xD;
	s1 =	sshrl.u32 s1, $0x2  }
0xb9: {  	s3 =	sand.u32 $0x4000, s31;
	s1 =	sadd.s32 s1, s30  }
0xba: {  	s0 =	sor.u32 s3, s0;
	s1 =	sshll.u32 s1, $0x11  }
0xbb: {  	s0 =	sor.u32 s1, s0  }
0xbc: {  	s0 =	sadd.s32 $0x8F2B, s0  }
0xbd: {  	[sflag:s0] =	ssyncadd.remote.s32 $0x1  }
0xbe: {  	_ =	sfence.sel $0xFFFF  }
0xbf: {  	[dreg:$0x0] =	wrdreg $0xFFFFFFFF;
	(pc) =	sbr.abs _section_cstart, $3  }
0xc0: {  	[dreg:$0x1] =	wrdreg $0xFFFFFFFF  }
0xc1: {  	_ =	task.clear_ibuf [dreg:s6], $0x2FFFF;
	_ =	strace $0x9FFFFFFF  }
0xc2: {  	(tm) =	ssettm $0x7FFFFFFF  }
0xc3: {  	_ =	shalt  }
tec
execute0_lowered:
.L_overlay_start_1:
0x0: {  	(tag) =	ssettag $0x1  }
0x1: {  	s4 =	rddreg [dreg:$0x0]  }
0x2: {  	s2 =	rddreg [dreg:$0x1]  }
0x3: {  	s0 =	rddreg [dreg:$0x2]  }
0x4: {  	s1 =	stileid.u32;
	s6 =	srdreg.scid  }
0x5: {  	s3 =	simm.s32 $0x0;
	s17 =	simm.s32 $0x200;
	s18 =	simm.s32 $0x800  }
0x6: {  	s19 =	simm.s32 $0x600;
	s20 =	simm.s32 $0x2800;
	s21 =	simm.s32 $0x1  }
0x7: {  	s22 =	simm.s32 $0x2;
	s23 =	simm.s32 $0x0;
	s5 =	smul.u32 $0x6200, s1  }
0x8: {  	s6 =	sand.u32 $0x1, s6;
	s7 =	smul.u32 $0x19000, s1;
	[smem:$0x7FF] =	sst s3  }
0x9: {  	s9 =	sadd.s32 $0xC6C00, s4;
	s11 =	sadd.s32 $0x18EC00, s4;
	s29 =	sshll.u32 s1, $0x6  }
0xa: {  	s8 =	smul.u32 $0x320000, s6;
	_ =	strace $0x8000004D;
	s6 =	ssub.s32 $0x2, s6  }
0xb: {  	s13 =	sadd.s32 s5, s4;
	s28 =	sshrl.u32 s6, $0x1;
	s14 =	sadd.s32 s7, s2  }
0xc: {  	s5 =	sor.u32 $0x1C03, s29;
	s10 =	sadd.s32 s7, s8;
	s12 =	ssub.s32 s6, s28  }
0xd: {  	s15 =	sadd.s32 $0x190000, s8;
	s30 =	sshrl.u32 s8, $0x3;
	s14 =	sshrl.u32 s14, $0x3  }
0xe: {  	s10 =	sshrl.u32 s10, $0x3;
	s7 =	sadd.s32 s7, s15;
	s6 =	sadd.s32 s9, s30  }
0xf: {  	s31 =	sshrl.u32 s15, $0x3;
	s15 =	simm.s32 $0x3;
	s16 =	sshrl.u32 s7, $0x3  }
0x10: {  	s4 =	sadd.s32 s9, s10;
	s7 =	sadd.s32 s11, s10;
	s8 =	sadd.s32 s9, s16  }
0x11: {  	s9 =	sadd.s32 s9, s31;
	s10 =	sadd.s32 s11, s16;
	s11 =	smax.u32 s12, $0x1  }
0x12: {  	s12 =	sadd.s32 $0x64C00, s13;
	s13 =	sadd.s32 $0x2C00, s13;
	s16 =	simm.s32 $0x400  }
.LBB2_1:
0x13: {  	[spmem:s14], [sflag:s5] =	dma.local [hbm:s4], $0x3200  }
0x14: {  	_ =	swait.ge [sflag:s15], $0x3200  }
0x15: {  	[sflag:s15] =	ssyncset.done $0x0  }
0x16: {  	[sflag:s15] =	ssyncadd.s32 $0xFFFFCE00  }
0x17: {  	s24 =	sadd.s32 $0x0, s12;
	[bflag:$0x0] =	sbarrier.arrive $0xFFFF  }
0x18: {  	[tilespmem:s3], [sflag:$0x3] =	stream.linear.gather [hbm4b:s24+s3], $0x200, $0x38;
	[tilespmem:$0x1D800] =	vst v63  }
0x19: {  	_ =	swait.ge [sflag:s15], $0x200  }
0x1a: {  	[sflag:s15] =	ssyncset.done $0x0  }
0x1b: {  	s25 =	sadd.s32 $0x0, s13;
	[sflag:s15] =	ssyncadd.s32 $0xFFFFFE00  }
0x1c: {  	[tilespmem:s16], [sflag:$0x3] =	stream.linear.gather [hbm4b:s25+s3], $0x200, $0x38;
	[tilespmem:$0x1D800] =	vst v63  }
0x1d: {  	_ =	swait.ge [sflag:s15], $0x200  }
0x1e: {  	[sflag:s15] =	ssyncset.done $0x0  }
0x1f: {  	[sflag:s15] =	ssyncadd.s32 $0xFFFFFE00  }
0x20: {  	[tilespmem:s18], [sflag:$0x1] =	stream.indirect.gather [hbm4b:s6+s17], $0x10, s3, s17, $0xb8;
	[tilespmem:$0x1D800] =	vst v63  }
0x21: {  	s24 =	sadd.s32 $0x40, s24  }
0x22: {  	[tilespmem:s17], [sflag:$0x3] =	stream.linear.gather [hbm4b:s24+s3], $0x200, $0x38;
	[tilespmem:$0x1D800] =	vst v63  }
0x23: {  	_ =	swait.ge [sflag:s15], $0x200  }
0x24: {  	[sflag:s15] =	ssyncset.done $0x0  }
0x25: {  	s31 =	sadd.s32 $0x40, s25;
	[sflag:s15] =	ssyncadd.s32 $0xFFFFFE00  }
0x26: {  	[tilespmem:s19], [sflag:$0x3] =	stream.linear.gather [hbm4b:s31+s3], $0x200, $0x38;
	[tilespmem:$0x1D800] =	vst v63  }
0x27: {  	_ =	swait.ge [sflag:s15], $0x200  }
0x28: {  	[sflag:s15] =	ssyncset.done $0x0  }
0x29: {  	[sflag:s15] =	ssyncadd.s32 $0xFFFFFE00  }
0x2a: {  	[tilespmem:s20], [sflag:$0x1] =	stream.indirect.gather [hbm4b:s6+s17], $0x10, s17, s17, $0xb8;
	[tilespmem:$0x1D800] =	vst v63  }
0x2b: {  	_ =	swait.ge [sflag:s21], $0x2000  }
0x2c: {  	[sflag:s21] =	ssyncset.done $0x0  }
0x2d: {  	[sflag:s21] =	ssyncadd.s32 $0xFFFFE000  }
0x2e: {  	[spmem:s2] =	stream.indirect.scatter.add.f32 [tilespmem:s18], [sflag:$0x2], $0x10, s16, s17, $0xb8;
	[tilespmem:$0x1D800] =	vst v63  }
0x2f: {  	_ =	swait.ge [sflag:s21], $0x2000  }
0x30: {  	[sflag:s21] =	ssyncset.done $0x0  }
0x31: {  	[sflag:s21] =	ssyncadd.s32 $0xFFFFE000  }
0x32: {  	[spmem:s2] =	stream.indirect.scatter.add.f32 [tilespmem:s20], [sflag:$0x2], $0x10, s19, s17, $0xb8;
	[tilespmem:$0x1D800] =	vst v63  }
0x33: {  	_ =	swait.ge [sflag:s22], $0x2000  }
0x34: {  	[sflag:s22] =	ssyncset.done $0x0  }
0x35: {  	[sflag:s22] =	ssyncadd.s32 $0xFFFFE000  }
0x36: {  	_ =	swait.ge [sflag:s22], $0x2000  }
0x37: {  	s26 =	simm.s32 $0x100;
	s24 =	simm.s32 $0x80;
	[sflag:s22] =	ssyncset.done $0x0  }
.LBB2_2:
0x38: {  	s28 =	sadd.s32 s24, s12  }
0x39: {  	[sflag:s22] =	ssyncadd.s32 $0xFFFFE000;
	s29 =	smov.u32 s26;
	s25 =	sadd.s32 $0x80, s26  }
0x3a: {  	[tilespmem:s3], [sflag:$0x3] =	stream.linear.gather [hbm4b:s28+s3], $0x200, $0x38;
	[tilespmem:$0x1D800] =	vst v63  }
0x3b: {  	p0 =	sne.s32 s26, $0x6180;
	_ =	swait.ge [sflag:s15], $0x200  }
0x3c: {  	[sflag:s15] =	ssyncset.done $0x0  }
0x3d: {  	s26 =	sadd.s32 s24, s13;
	s24 =	smov.u32 s29;
	[sflag:s15] =	ssyncadd.s32 $0xFFFFFE00  }
0x3e: {  	[tilespmem:s16], [sflag:$0x3] =	stream.linear.gather [hbm4b:s26+s3], $0x200, $0x38;
	[tilespmem:$0x1D800] =	vst v63  }
0x3f: {  	_ =	swait.ge [sflag:s15], $0x200  }
0x40: {  	[sflag:s15] =	ssyncset.done $0x0  }
0x41: {  	[sflag:s15] =	ssyncadd.s32 $0xFFFFFE00  }
0x42: {  	[tilespmem:s18], [sflag:$0x1] =	stream.indirect.gather [hbm4b:s6+s17], $0x10, s3, s17, $0xb8;
	[tilespmem:$0x1D800] =	vst v63  }
0x43: {  	s28 =	sadd.s32 $0x40, s28  }
0x44: {  	[tilespmem:s17], [sflag:$0x3] =	stream.linear.gather [hbm4b:s28+s3], $0x200, $0x38;
	[tilespmem:$0x1D800] =	vst v63  }
0x45: {  	_ =	swait.ge [sflag:s15], $0x200  }
0x46: {  	[sflag:s15] =	ssyncset.done $0x0  }
0x47: {  	s26 =	sadd.s32 $0x40, s26;
	[sflag:s15] =	ssyncadd.s32 $0xFFFFFE00  }
0x48: {  	[tilespmem:s19], [sflag:$0x3] =	stream.linear.gather [hbm4b:s26+s3], $0x200, $0x38;
	[tilespmem:$0x1D800] =	vst v63  }
0x49: {  	_ =	swait.ge [sflag:s15], $0x200  }
0x4a: {  	[sflag:s15] =	ssyncset.done $0x0  }
0x4b: {  	[sflag:s15] =	ssyncadd.s32 $0xFFFFFE00  }
0x4c: {  	[tilespmem:s20], [sflag:$0x1] =	stream.indirect.gather [hbm4b:s6+s17], $0x10, s17, s17, $0xb8;
	[tilespmem:$0x1D800] =	vst v63  }
0x4d: {  	_ =	swait.ge [sflag:s21], $0x2000  }
0x4e: {  	[sflag:s21] =	ssyncset.done $0x0  }
0x4f: {  	[sflag:s21] =	ssyncadd.s32 $0xFFFFE000  }
0x50: {  	[spmem:s2] =	stream.indirect.scatter.add.f32 [tilespmem:s18], [sflag:$0x2], $0x10, s16, s17, $0xb8;
	[tilespmem:$0x1D800] =	vst v63  }
0x51: {  	_ =	swait.ge [sflag:s21], $0x2000  }
0x52: {  	[sflag:s21] =	ssyncset.done $0x0  }
0x53: {  	[sflag:s21] =	ssyncadd.s32 $0xFFFFE000  }
0x54: {  	[spmem:s2] =	stream.indirect.scatter.add.f32 [tilespmem:s20], [sflag:$0x2], $0x10, s19, s17, $0xb8;
	[tilespmem:$0x1D800] =	vst v63  }
.Ltmp0:
0x55: {  	_ =	swait.ge [sflag:s22], $0x2000;
	(pc) =	sbr.rel @p0 .LBB2_2-.Ltmp0, $4  }
0x56: {  	[sflag:s22] =	ssyncset.done $0x0  }
0x57: {  	[sflag:s22] =	ssyncadd.s32 $0xFFFFE000  }
0x58: {  	_ =	swait.ge [sflag:s22], $0x2000  }
0x59: {  	s26 =	smov.u32 s25;
	[sflag:s22] =	ssyncset.done $0x0  }
0x5a: {  	s25 =	sadd.s32 s24, s12;
	[sflag:s22] =	ssyncadd.s32 $0xFFFFE000  }
0x5b: {  	[tilespmem:s3], [sflag:$0x3] =	stream.linear.gather [hbm4b:s25+s3], $0x200, $0x38;
	[tilespmem:$0x1D800] =	vst v63  }
0x5c: {  	_ =	swait.ge [sflag:s15], $0x200  }
0x5d: {  	[sflag:s15] =	ssyncset.done $0x0  }
0x5e: {  	s28 =	sadd.s32 s24, s13;
	[sflag:s15] =	ssyncadd.s32 $0xFFFFFE00  }
0x5f: {  	[tilespmem:s16], [sflag:$0x3] =	stream.linear.gather [hbm4b:s28+s3], $0x200, $0x38;
	[tilespmem:$0x1D800] =	vst v63  }
0x60: {  	_ =	swait.ge [sflag:s15], $0x200  }
0x61: {  	[sflag:s15] =	ssyncset.done $0x0  }
0x62: {  	[sflag:s15] =	ssyncadd.s32 $0xFFFFFE00  }
0x63: {  	[tilespmem:s18], [sflag:$0x1] =	stream.indirect.gather [hbm4b:s6+s17], $0x10, s3, s17, $0xb8;
	[tilespmem:$0x1D800] =	vst v63  }
0x64: {  	s25 =	sadd.s32 $0x40, s25  }
0x65: {  	[tilespmem:s17], [sflag:$0x3] =	stream.linear.gather [hbm4b:s25+s3], $0x200, $0x38;
	[tilespmem:$0x1D800] =	vst v63  }
0x66: {  	_ =	swait.ge [sflag:s15], $0x200  }
0x67: {  	[sflag:s15] =	ssyncset.done $0x0  }
0x68: {  	s24 =	sadd.s32 $0x40, s28;
	[sflag:s15] =	ssyncadd.s32 $0xFFFFFE00  }
0x69: {  	[tilespmem:s19], [sflag:$0x3] =	stream.linear.gather [hbm4b:s24+s3], $0x200, $0x38;
	[tilespmem:$0x1D800] =	vst v63  }
0x6a: {  	_ =	swait.ge [sflag:s15], $0x200  }
0x6b: {  	[sflag:s15] =	ssyncset.done $0x0  }
0x6c: {  	[sflag:s15] =	ssyncadd.s32 $0xFFFFFE00  }
0x6d: {  	[tilespmem:s20], [sflag:$0x1] =	stream.indirect.gather [hbm4b:s6+s17], $0x10, s17, s17, $0xb8;
	[tilespmem:$0x1D800] =	vst v63  }
0x6e: {  	_ =	swait.ge [sflag:s21], $0x2000  }
0x6f: {  	[sflag:s21] =	ssyncset.done $0x0  }
0x70: {  	[sflag:s21] =	ssyncadd.s32 $0xFFFFE000  }
0x71: {  	[spmem:s2] =	stream.indirect.scatter.add.f32 [tilespmem:s18], [sflag:$0x2], $0x10, s16, s17, $0xb8;
	[tilespmem:$0x1D800] =	vst v63  }
0x72: {  	_ =	swait.ge [sflag:s21], $0x2000  }
0x73: {  	[sflag:s21] =	ssyncset.done $0x0  }
0x74: {  	[sflag:s21] =	ssyncadd.s32 $0xFFFFE000  }
0x75: {  	[spmem:s2] =	stream.indirect.scatter.add.f32 [tilespmem:s20], [sflag:$0x2], $0x10, s19, s17, $0xb8;
	[tilespmem:$0x1D800] =	vst v63  }
0x76: {  	_ =	swait.ge [sflag:s22], $0x2000  }
0x77: {  	[sflag:s22] =	ssyncset.done $0x0  }
0x78: {  	[sflag:s22] =	ssyncadd.s32 $0xFFFFE000  }
0x79: {  	_ =	swait.ge [sflag:s22], $0x2000  }
0x7a: {  	[sflag:s22] =	ssyncset.done $0x0  }
0x7b: {  	[sflag:s22] =	ssyncadd.s32 $0xFFFFE000  }
0x7c: {  	[bflag:$0x0] =	sbarrier.arrive $0xFFFF  }
0x7d: {  	[hbm:s7], [sflag:s5] =	dma.local [spmem:s14], $0x3200  }
0x7e: {  	_ =	swait.ge [sflag:s15], $0x3200  }
0x7f: {  	[sflag:s15] =	ssyncset.done $0x0  }
0x80: {  	[sflag:s15] =	ssyncadd.s32 $0xFFFFCE00  }
0x81: {  	[bflag:$0x0] =	sbarrier.arrive $0xFFFF  }
0x82: {  	[spmem:s14], [sflag:s5] =	dma.local [hbm:s8], $0x3200  }
0x83: {  	_ =	swait.ge [sflag:s15], $0x3200  }
0x84: {  	[sflag:s15] =	ssyncset.done $0x0  }
0x85: {  	[sflag:s15] =	ssyncadd.s32 $0xFFFFCE00  }
0x86: {  	s29 =	sadd.s32 $0x0, s12;
	[bflag:$0x0] =	sbarrier.arrive $0xFFFF  }
0x87: {  	[tilespmem:s3], [sflag:$0x3] =	stream.linear.gather [hbm4b:s29+s3], $0x200, $0x38;
	[tilespmem:$0x1D800] =	vst v63  }
0x88: {  	_ =	swait.ge [sflag:s15], $0x200  }
0x89: {  	[sflag:s15] =	ssyncset.done $0x0  }
0x8a: {  	s30 =	sadd.s32 $0x0, s13;
	[sflag:s15] =	ssyncadd.s32 $0xFFFFFE00  }
0x8b: {  	[tilespmem:s16], [sflag:$0x3] =	stream.linear.gather [hbm4b:s30+s3], $0x200, $0x38;
	[tilespmem:$0x1D800] =	vst v63  }
0x8c: {  	_ =	swait.ge [sflag:s15], $0x200  }
0x8d: {  	[sflag:s15] =	ssyncset.done $0x0  }
0x8e: {  	[sflag:s15] =	ssyncadd.s32 $0xFFFFFE00  }
0x8f: {  	[tilespmem:s18], [sflag:$0x1] =	stream.indirect.gather [hbm4b:s9+s17], $0x10, s3, s17, $0xb8;
	[tilespmem:$0x1D800] =	vst v63  }
0x90: {  	s24 =	sadd.s32 $0x40, s29  }
0x91: {  	[tilespmem:s17], [sflag:$0x3] =	stream.linear.gather [hbm4b:s24+s3], $0x200, $0x38;
	[tilespmem:$0x1D800] =	vst v63  }
0x92: {  	_ =	swait.ge [sflag:s15], $0x200  }
0x93: {  	[sflag:s15] =	ssyncset.done $0x0  }
0x94: {  	s31 =	sadd.s32 $0x40, s30;
	[sflag:s15] =	ssyncadd.s32 $0xFFFFFE00  }
0x95: {  	[tilespmem:s19], [sflag:$0x3] =	stream.linear.gather [hbm4b:s31+s3], $0x200, $0x38;
	[tilespmem:$0x1D800] =	vst v63  }
0x96: {  	_ =	swait.ge [sflag:s15], $0x200  }
0x97: {  	[sflag:s15] =	ssyncset.done $0x0  }
0x98: {  	[sflag:s15] =	ssyncadd.s32 $0xFFFFFE00  }
0x99: {  	[tilespmem:s20], [sflag:$0x1] =	stream.indirect.gather [hbm4b:s9+s17], $0x10, s17, s17, $0xb8;
	[tilespmem:$0x1D800] =	vst v63  }
0x9a: {  	_ =	swait.ge [sflag:s21], $0x2000  }
0x9b: {  	[sflag:s21] =	ssyncset.done $0x0  }
0x9c: {  	[sflag:s21] =	ssyncadd.s32 $0xFFFFE000  }
0x9d: {  	[spmem:s2] =	stream.indirect.scatter.add.f32 [tilespmem:s18], [sflag:$0x2], $0x10, s16, s17, $0xb8;
	[tilespmem:$0x1D800] =	vst v63  }
0x9e: {  	_ =	swait.ge [sflag:s21], $0x2000  }
0x9f: {  	[sflag:s21] =	ssyncset.done $0x0  }
0xa0: {  	[sflag:s21] =	ssyncadd.s32 $0xFFFFE000  }
0xa1: {  	[spmem:s2] =	stream.indirect.scatter.add.f32 [tilespmem:s20], [sflag:$0x2], $0x10, s19, s17, $0xb8;
	[tilespmem:$0x1D800] =	vst v63  }
0xa2: {  	_ =	swait.ge [sflag:s22], $0x2000  }
0xa3: {  	[sflag:s22] =	ssyncset.done $0x0  }
0xa4: {  	[sflag:s22] =	ssyncadd.s32 $0xFFFFE000  }
0xa5: {  	_ =	swait.ge [sflag:s22], $0x2000  }
0xa6: {  	s26 =	simm.s32 $0x100;
	s24 =	simm.s32 $0x80;
	[sflag:s22] =	ssyncset.done $0x0  }
.LBB2_4:
0xa7: {  	s28 =	sadd.s32 s24, s12  }
0xa8: {  	[sflag:s22] =	ssyncadd.s32 $0xFFFFE000;
	s29 =	smov.u32 s26;
	s25 =	sadd.s32 $0x80, s26  }
0xa9: {  	[tilespmem:s3], [sflag:$0x3] =	stream.linear.gather [hbm4b:s28+s3], $0x200, $0x38;
	[tilespmem:$0x1D800] =	vst v63  }
0xaa: {  	p0 =	sne.s32 s26, $0x6180;
	_ =	swait.ge [sflag:s15], $0x200  }
0xab: {  	[sflag:s15] =	ssyncset.done $0x0  }
0xac: {  	s26 =	sadd.s32 s24, s13;
	s24 =	smov.u32 s29;
	[sflag:s15] =	ssyncadd.s32 $0xFFFFFE00  }
0xad: {  	[tilespmem:s16], [sflag:$0x3] =	stream.linear.gather [hbm4b:s26+s3], $0x200, $0x38;
	[tilespmem:$0x1D800] =	vst v63  }
0xae: {  	_ =	swait.ge [sflag:s15], $0x200  }
0xaf: {  	[sflag:s15] =	ssyncset.done $0x0  }
0xb0: {  	[sflag:s15] =	ssyncadd.s32 $0xFFFFFE00  }
0xb1: {  	[tilespmem:s18], [sflag:$0x1] =	stream.indirect.gather [hbm4b:s9+s17], $0x10, s3, s17, $0xb8;
	[tilespmem:$0x1D800] =	vst v63  }
0xb2: {  	s28 =	sadd.s32 $0x40, s28  }
0xb3: {  	[tilespmem:s17], [sflag:$0x3] =	stream.linear.gather [hbm4b:s28+s3], $0x200, $0x38;
	[tilespmem:$0x1D800] =	vst v63  }
0xb4: {  	_ =	swait.ge [sflag:s15], $0x200  }
0xb5: {  	[sflag:s15] =	ssyncset.done $0x0  }
0xb6: {  	s26 =	sadd.s32 $0x40, s26;
	[sflag:s15] =	ssyncadd.s32 $0xFFFFFE00  }
0xb7: {  	[tilespmem:s19], [sflag:$0x3] =	stream.linear.gather [hbm4b:s26+s3], $0x200, $0x38;
	[tilespmem:$0x1D800] =	vst v63  }
0xb8: {  	_ =	swait.ge [sflag:s15], $0x200  }
0xb9: {  	[sflag:s15] =	ssyncset.done $0x0  }
0xba: {  	[sflag:s15] =	ssyncadd.s32 $0xFFFFFE00  }
0xbb: {  	[tilespmem:s20], [sflag:$0x1] =	stream.indirect.gather [hbm4b:s9+s17], $0x10, s17, s17, $0xb8;
	[tilespmem:$0x1D800] =	vst v63  }
0xbc: {  	_ =	swait.ge [sflag:s21], $0x2000  }
0xbd: {  	[sflag:s21] =	ssyncset.done $0x0  }
0xbe: {  	[sflag:s21] =	ssyncadd.s32 $0xFFFFE000  }
0xbf: {  	[spmem:s2] =	stream.indirect.scatter.add.f32 [tilespmem:s18], [sflag:$0x2], $0x10, s16, s17, $0xb8;
	[tilespmem:$0x1D800] =	vst v63  }
0xc0: {  	_ =	swait.ge [sflag:s21], $0x2000  }
0xc1: {  	[sflag:s21] =	ssyncset.done $0x0  }
0xc2: {  	[sflag:s21] =	ssyncadd.s32 $0xFFFFE000  }
0xc3: {  	[spmem:s2] =	stream.indirect.scatter.add.f32 [tilespmem:s20], [sflag:$0x2], $0x10, s19, s17, $0xb8;
	[tilespmem:$0x1D800] =	vst v63  }
.Ltmp1:
0xc4: {  	_ =	swait.ge [sflag:s22], $0x2000;
	(pc) =	sbr.rel @p0 .LBB2_4-.Ltmp1, $4  }
0xc5: {  	[sflag:s22] =	ssyncset.done $0x0  }
0xc6: {  	[sflag:s22] =	ssyncadd.s32 $0xFFFFE000  }
0xc7: {  	_ =	swait.ge [sflag:s22], $0x2000  }
0xc8: {  	s26 =	smov.u32 s25;
	[sflag:s22] =	ssyncset.done $0x0  }
0xc9: {  	s25 =	sadd.s32 s24, s12;
	[sflag:s22] =	ssyncadd.s32 $0xFFFFE000  }
0xca: {  	[tilespmem:s3], [sflag:$0x3] =	stream.linear.gather [hbm4b:s25+s3], $0x200, $0x38;
	[tilespmem:$0x1D800] =	vst v63  }
0xcb: {  	_ =	swait.ge [sflag:s15], $0x200  }
0xcc: {  	[sflag:s15] =	ssyncset.done $0x0  }
0xcd: {  	s31 =	sadd.s32 s24, s13;
	[sflag:s15] =	ssyncadd.s32 $0xFFFFFE00  }
0xce: {  	[tilespmem:s16], [sflag:$0x3] =	stream.linear.gather [hbm4b:s31+s3], $0x200, $0x38;
	[tilespmem:$0x1D800] =	vst v63  }
0xcf: {  	_ =	swait.ge [sflag:s15], $0x200  }
0xd0: {  	[sflag:s15] =	ssyncset.done $0x0  }
0xd1: {  	[sflag:s15] =	ssyncadd.s32 $0xFFFFFE00  }
0xd2: {  	[tilespmem:s18], [sflag:$0x1] =	stream.indirect.gather [hbm4b:s9+s17], $0x10, s3, s17, $0xb8;
	[tilespmem:$0x1D800] =	vst v63  }
0xd3: {  	s25 =	sadd.s32 $0x40, s25  }
0xd4: {  	[tilespmem:s17], [sflag:$0x3] =	stream.linear.gather [hbm4b:s25+s3], $0x200, $0x38;
	[tilespmem:$0x1D800] =	vst v63  }
0xd5: {  	_ =	swait.ge [sflag:s15], $0x200  }
0xd6: {  	[sflag:s15] =	ssyncset.done $0x0  }
0xd7: {  	s24 =	sadd.s32 $0x40, s31;
	[sflag:s15] =	ssyncadd.s32 $0xFFFFFE00  }
0xd8: {  	[tilespmem:s19], [sflag:$0x3] =	stream.linear.gather [hbm4b:s24+s3], $0x200, $0x38;
	[tilespmem:$0x1D800] =	vst v63  }
0xd9: {  	_ =	swait.ge [sflag:s15], $0x200  }
0xda: {  	[sflag:s15] =	ssyncset.done $0x0  }
0xdb: {  	[sflag:s15] =	ssyncadd.s32 $0xFFFFFE00  }
0xdc: {  	[tilespmem:s20], [sflag:$0x1] =	stream.indirect.gather [hbm4b:s9+s17], $0x10, s17, s17, $0xb8;
	[tilespmem:$0x1D800] =	vst v63  }
0xdd: {  	_ =	swait.ge [sflag:s21], $0x2000  }
0xde: {  	[sflag:s21] =	ssyncset.done $0x0  }
0xdf: {  	[sflag:s21] =	ssyncadd.s32 $0xFFFFE000  }
0xe0: {  	[spmem:s2] =	stream.indirect.scatter.add.f32 [tilespmem:s18], [sflag:$0x2], $0x10, s16, s17, $0xb8;
	[tilespmem:$0x1D800] =	vst v63  }
0xe1: {  	_ =	swait.ge [sflag:s21], $0x2000  }
0xe2: {  	[sflag:s21] =	ssyncset.done $0x0  }
0xe3: {  	[sflag:s21] =	ssyncadd.s32 $0xFFFFE000  }
0xe4: {  	[spmem:s2] =	stream.indirect.scatter.add.f32 [tilespmem:s20], [sflag:$0x2], $0x10, s19, s17, $0xb8;
	[tilespmem:$0x1D800] =	vst v63  }
0xe5: {  	_ =	swait.ge [sflag:s22], $0x2000  }
0xe6: {  	[sflag:s22] =	ssyncset.done $0x0  }
0xe7: {  	[sflag:s22] =	ssyncadd.s32 $0xFFFFE000  }
0xe8: {  	_ =	swait.ge [sflag:s22], $0x2000  }
0xe9: {  	[sflag:s22] =	ssyncset.done $0x0  }
0xea: {  	s23 =	sadd.s32 $0x1, s23;
	[sflag:s22] =	ssyncadd.s32 $0xFFFFE000  }
0xeb: {  	p0 =	sne.s32 s23, s11;
	[bflag:$0x0] =	sbarrier.arrive $0xFFFF  }
0xec: {  	[hbm:s10], [sflag:s5] =	dma.local [spmem:s14], $0x3200  }
.Ltmp2:
0xed: {  	_ =	swait.ge [sflag:s15], $0x3200;
	(pc) =	sbr.rel @p0 .LBB2_1-.Ltmp2, $3  }
0xee: {  	[sflag:s15] =	ssyncset.done $0x0  }
0xef: {  	[sflag:s15] =	ssyncadd.s32 $0xFFFFCE00  }
0xf0: {  	[bflag:$0x0] =	sbarrier.arrive $0xFFFF;
	_ =	sdelay $0x1  }
0xf1: {  	_ =	sfence.sel $0x180000  }
0xf2: {  	[bflag:$0x0] =	sbarrier.arrive $0xFFFF  }
0xf3: {  	p0 =	sne.s32 s1, $0x0;
	_ =	strace $0x9000004D  }
0xf4: {  	s0 =	sadd.s32 @!p0 $0x100000, s0;
	[bflag:$0x2] =	sbarrier.arrive $0xFFFF  }
0xf5: {  	[sflag:s0] =	ssyncadd.tile.s32 @!p0 $0x1;
	_ =	shalt  }
.Lfunc_end2:
_tile_overlayer_lowered:
.L_overlay_start_2:
0xf6: {  	(tag) =	ssettag $0x2  }
0xf7: {  	s0 =	rddreg [dreg:$0x0];
	s2 =	stileid.u32  }
0xf8: {  	s1 =	rddreg [dreg:$0x1];
	p0 =	sne.s32 s2, $0x0  }
0xf9: {  	s3 =	rddreg [dreg:$0x2];
	[bflag:$0x3] =	sbarrier.arrive $0xFFFF;
	s2 =	simm.s32 @!p0 $0x1C03  }
0xfa: {  	[timem:s3], [sflag:s2] =	dma.local @!p0 [hbm:s0], s1  }
0xfb: {  	s0 =	simm.s32 @!p0 $0x3  }
0xfc: {  	_ =	swait.ge @!p0 [sflag:s0], s1  }
0xfd: {  	s1 =	ssub.s32 @!p0 $0x0, s1;
	[sflag:s0] =	ssyncset.done @!p0 $0x0  }
0xfe: {  	[sflag:s0] =	ssyncadd.s32 @!p0 s1  }
0xff: {  	[bflag:$0x3] =	sbarrier.arrive $0xFFFF  }
0x100: {  	_ =	shalt  }

// kernel: kernel.18.cloned.1.call-start
scs
__scs_entry_jumppad:
0x0: {  	(pc) =	sbr.rel $0x88, $3  }
0x1: {  	(tag) =	ssettag $0x0;
	lr =	simm.s32 $0x1  }
0x2: {  	[smem:$0x3F92] =	sst lr;
	_ =	strace $0xD0000000  }
0x3: {  	_ = 	snop  }
0x4: {  	_ = 	snop  }
0x5: {  	_ = 	snop  }
0x6: {  	_ = 	snop  }
0x7: {  	_ = 	snop  }
__scs_overlays_trampoline_lowered:
0x8: {  	[smem:$0x3FA1] =	sst s0  }
0x9: {  	[smem:$0x3FA2] =	sst s1  }
0xa: {  	[smem:$0x3FA3] =	sst s2  }
0xb: {  	[smem:$0x3FA4] =	sst s3  }
0xc: {  	[smem:$0x3FA5] =	sst s4  }
0xd: {  	[smem:$0x3FA6] =	sst s5  }
0xe: {  	[smem:$0x3FA7] =	sst s6  }
0xf: {  	[smem:$0x3FA8] =	sst s7  }
0x10: {  	[smem:$0x3FA9] =	sst s8  }
0x11: {  	[smem:$0x3FAA] =	sst s9;
	s0 =	simm.s32 @!p0 $0x0  }
0x12: {  	s1 =	sld [smem:$0x3F90];
	s0 =	simm.s32 @p0 $0x1  }
0x13: {  	[smem:$0x3FAB] =	sst s0;
	s0 =	simm.s32 @!p1 $0x0  }
0x14: {  	s2 =	sld [smem:$0x3F8F];
	s0 =	simm.s32 @p1 $0x1  }
0x15: {  	[smem:$0x3FAC] =	sst s0;
	s0 =	simm.s32 @!p2 $0x0  }
0x16: {  	s3 =	sld [smem:$0x3FDB];
	s0 =	simm.s32 @p2 $0x1  }
0x17: {  	s4 =	simm.s32 $0x1BF5;
	[smem:$0x3FAE] =	sst s0  }
0x18: {  	s0 =	sld [smem:$0x3F91];
	_ =	swait.ge [sflag:s4], $0x0  }
0x19: {  	s7 =	sld [smem:$0x3F92]  }
0x1a: {  	s8 =	sadd.s32 $0xFFFFE003, lr  }
0x1b: {  	s9 =	sadd.s32 $0xFFFFFEF7, lr;
	s5 =	simm.s32 $0xFFFFFFFF;
	p2 =	slt.u32 s8, $0xFFFFF086  }
0x1c: {  	p1 =	slt.u32 s9, $0xF7A;
	s5 =	simm.s32 @!p2 $0x0  }
0x1d: {  	s5 =	simm.s32 @p1 $0x1;
	p0 =	seq.s32 s7, s2  }
0x1e: {  	s7 =	smul.u32 @!p0 $0xF7A, s2;
	p2 =	seq.s32 @!p0 s5, $0x0  }
0x1f: {  	s9 =	smul.u32 $0xF7A, s1;
	s8 =	simm.s32 @!p0 $0x1BF5;
	p2 =	por !p2, p0  }
0x20: {  	[sflag:s8] =	ssyncset.s32 @!p0 $0xFFFFF086;
	s6 =	sadd.s32 @!p0 s3, s7;
	s7 =	simm.s32 @!p0 $0x108  }
0x21: {  	s3 =	sadd.s32 s3, s9;
	s6 =	sadd.s32 @!p0 $0x88, s6;
	s7 =	simm.s32 @p2 $0x1082  }
0x22: {  	[simem:s7], [sflag:s8] =	dma.local @!p0 [hbm:s6], $0xF7A  }
0x23: {  	s9 =	sor.u32 $0xD0000000, s2;
	s6 =	simm.s32 $0x108;
	_ =	swait.ge @!p0 [sflag:s8], $0x0  }
0x24: {  	s3 =	sadd.s32 $0x88, s3;
	s6 =	simm.s32 @!p1 $0x1082;
	[sflag:s4] =	ssyncset.s32 $0xFFFFF086  }
0x25: {  	[simem:s6], [sflag:s4] =	dma.local [hbm:s3], $0xF7A  }
0x26: {  	[smem:$0x3F92] =	sst s1;
	(tag) =	ssettag s2;
	_ =	strace s9  }
0x27: {  	s1 =	sld [smem:$0x3FA2]  }
0x28: {  	s2 =	sld [smem:$0x3FA3]  }
0x29: {  	s4 =	sld [smem:$0x3FA5]  }
0x2a: {  	p0 =	seq.s32 s5, $0x0;
	s5 =	sld [smem:$0x3FA6]  }
0x2b: {  	s6 =	sld [smem:$0x3FA7]  }
0x2c: {  	s7 =	sld [smem:$0x3FA8]  }
0x2d: {  	s3 =	simm.s32 $0x108;
	s8 =	sld [smem:$0x3FA9]  }
0x2e: {  	s3 =	simm.s32 @!p0 $0x1082;
	s9 =	sld [smem:$0x3FAA]  }
0x2f: {  	lr =	sadd.s32 s0, s3;
	s0 =	sld [smem:$0x3FA1]  }
0x30: {  	s3 =	sld [smem:$0x3FA4]  }
0x31: {  	[smem:$0x3FAD] =	sst s10  }
0x32: {  	s10 =	sld [smem:$0x3FAB];
	_ =	sdelay $0x3  }
0x33: {  	p0 =	seq.s32 s10, $0x1;
	s10 =	sld [smem:$0x3FAD];
	_ =	sdelay $0x3  }
0x34: {  	[smem:$0x3FAD] =	sst s10  }
0x35: {  	s10 =	sld [smem:$0x3FAC];
	_ =	sdelay $0x3  }
0x36: {  	p1 =	seq.s32 s10, $0x1;
	s10 =	sld [smem:$0x3FAD];
	_ =	sdelay $0x3  }
0x37: {  	[smem:$0x3FAD] =	sst s10  }
0x38: {  	s10 =	sld [smem:$0x3FAE]  }
0x39: {  	_ = 	snop;
	(pc) =	sbr.ind lr, $3  }
0x3a: {  	_ = 	snop  }
0x3b: {  	_ = 	snop  }
0x3c: {  	p2 =	seq.s32 s10, $0x1;
	s10 =	sld [smem:$0x3FAD]  }
0x3d: {  	_ =	shalt  }
0x3e: {  	_ =	shalt  }
0x3f: {  	_ =	shalt  }
0x40: {  	_ =	shalt  }
0x41: {  	_ =	shalt  }
0x42: {  	_ =	shalt  }
0x43: {  	_ =	shalt  }
0x44: {  	_ =	shalt  }
0x45: {  	_ =	shalt  }
0x46: {  	_ =	shalt  }
0x47: {  	_ =	shalt  }
0x48: {  	_ =	shalt  }
0x49: {  	_ =	shalt  }
0x4a: {  	_ =	shalt  }
0x4b: {  	_ =	shalt  }
0x4c: {  	_ =	shalt  }
0x4d: {  	_ =	shalt  }
0x4e: {  	_ =	shalt  }
0x4f: {  	_ =	shalt  }
0x50: {  	_ =	shalt  }
0x51: {  	_ =	shalt  }
0x52: {  	_ =	shalt  }
0x53: {  	_ =	shalt  }
0x54: {  	_ =	shalt  }
0x55: {  	_ =	shalt  }
0x56: {  	_ =	shalt  }
0x57: {  	_ =	shalt  }
0x58: {  	_ =	shalt  }
0x59: {  	_ =	shalt  }
0x5a: {  	_ =	shalt  }
0x5b: {  	_ =	shalt  }
0x5c: {  	_ =	shalt  }
0x5d: {  	_ =	shalt  }
0x5e: {  	_ =	shalt  }
0x5f: {  	_ =	shalt  }
0x60: {  	_ =	shalt  }
0x61: {  	_ =	shalt  }
0x62: {  	_ =	shalt  }
0x63: {  	_ =	shalt  }
0x64: {  	_ =	shalt  }
0x65: {  	_ =	shalt  }
0x66: {  	_ =	shalt  }
0x67: {  	_ =	shalt  }
0x68: {  	_ =	shalt  }
0x69: {  	_ =	shalt  }
0x6a: {  	_ =	shalt  }
0x6b: {  	_ =	shalt  }
0x6c: {  	_ =	shalt  }
0x6d: {  	_ =	shalt  }
0x6e: {  	_ =	shalt  }
0x6f: {  	_ =	shalt  }
0x70: {  	_ =	shalt  }
0x71: {  	_ =	shalt  }
0x72: {  	_ =	shalt  }
0x73: {  	_ =	shalt  }
0x74: {  	_ =	shalt  }
0x75: {  	_ =	shalt  }
0x76: {  	_ =	shalt  }
0x77: {  	_ =	shalt  }
0x78: {  	_ =	shalt  }
0x79: {  	_ =	shalt  }
0x7a: {  	_ =	shalt  }
0x7b: {  	_ =	shalt  }
0x7c: {  	_ =	shalt  }
0x7d: {  	_ =	shalt  }
0x7e: {  	_ =	shalt  }
0x7f: {  	_ =	shalt  }
0x80: {  	_ =	shalt  }
0x81: {  	_ =	shalt  }
0x82: {  	_ =	shalt  }
0x83: {  	_ =	shalt  }
0x84: {  	_ =	shalt  }
0x85: {  	_ =	shalt  }
0x86: {  	_ =	shalt  }
0x87: {  	_ =	shalt  }
.Lfunc_end0:
.L_simem_size_0:
called_computation.3_lowered:
.L_overlay_start_0:
0x88: {  	s2 =	sld [smem:$0x3FD9]  }
0x89: {  	s3 =	sld [smem:$0x3FFE];
	_ =	sdelay $0x1  }
0x8a: {  	s1 =	srdreg.scid  }
0x8b: {  	s0 =	sand.u32 $0x1, s1  }
0x8c: {  	s17 =	sshll.u32 s0, $0xA;
	s2 =	sadd.s32 s3, s2  }
0x8d: {  	s2 =	sadd.s32 s2, s17  }
0x8e: {  	[smem:$0x3FB9] =	sst s2  }
0x8f: {  	_ = 	snop  }
0x90: {  	s2 =	sld [smem:$0x3FD0];
	(tm) =	ssettm $0x1  }
0x91: {  	s18 =	sld [smem:$0x3FFB];
	_ =	sdelay $0x3  }
0x92: {  	_ =	strace s18  }
0x93: {  	s3 =	sld [smem:$0x3FFC];
	_ =	sdelay $0x3  }
0x94: {  	_ =	strace s3  }
0x95: {  	s3 =	sld [smem:$0x3FFD];
	_ =	sdelay $0x3  }
0x96: {  	_ =	strace s3  }
0x97: {  	_ =	strace $0x8FFFFFFF  }
0x98: {  	s19 =	sld [smem:$0x3FDB];
	_ =	sdelay $0x1  }
0x99: {  	s4 =	simm.s32 $_scs_section_size  }
0x9a: {  	s5 =	simm.s32 $_size__tile_overlayer_lowered;
	s6 =	simm.s32 $_tile_overlayer_lowered  }
0x9b: {  	s22 =	simm.s32 $0x1BFF;
	s21 =	sshll.u32 s6, $0x1;
	s3 =	sadd.s32 s4, s19  }
0x9c: {  	s7 =	simm.s32 $0x0;
	s20 =	sshll.u32 s5, $0x1;
	s5 =	sadd.s32 s21, s3  }
0x9d: {  	[timem:s7], [sflag:s22] =	dma.local [hbm:s5], s20  }
0x9e: {  	_ =	swait.ge [sflag:s22], s20  }
0x9f: {  	s4 =	ssub.s32 $0x0, s20;
	[sflag:s22] =	ssyncset.done $0x0  }
0xa0: {  	[sflag:s22] =	ssyncadd.s32 s4;
	_ =	sdelay $0x1  }
0xa1: {  	s23 =	simm.s32 $0x1B8B  }
0xa2: {  	_ =	swait.ge [sflag:s23], $0x1  }
0xa3: {  	[sflag:s23] =	ssyncset.done $0x0  }
0xa4: {  	s25 =	simm.s32 $0x1B8E;
	s24 =	sld [smem:$0x3FFE];
	[sflag:s23] =	ssyncadd.s32 $0xFFFFFFFF  }
0xa5: {  	s26 =	simm.s32 $execute0_lowered;
	[smem:$0x3FD2] =	sst s25  }
0xa6: {  	s5 =	sshll.u32 s26, $0x1;
	_ =	strace $0x8000004F;
	[dreg:$0x1] =	wrdreg $0xFFFFFFFF  }
0xa7: {  	s28 =	simm.s32 $_size_execute0_lowered;
	s3 =	sadd.s32 s3, s5;
	[dreg:$0x0] =	wrdreg $0x0  }
0xa8: {  	s5 =	sshll.u32 s28, $0x1;
	[dreg:$0x2] =	wrdreg s3  }
0xa9: {  	[dreg:$0x3] =	wrdreg s5  }
0xaa: {  	[dreg:$0x4] =	wrdreg $0xC0  }
0xab: {  	_ =	task [dreg:s7], $0x5FFFF  }
0xac: {  	[dreg:$0x1] =	wrdreg $0xFFFFFFFF  }
0xad: {  	[dreg:$0x0] =	wrdreg $0x60  }
0xae: {  	[dreg:$0x2] =	wrdreg s24  }
0xaf: {  	[dreg:$0x3] =	wrdreg s2  }
0xb0: {  	[dreg:$0x4] =	wrdreg $0x55000  }
0xb1: {  	[dreg:$0x5] =	wrdreg $0x9  }
0xb2: {  	_ =	task.clear_ibuf [dreg:s7], $0x6FFFF;
	_ =	strace $0x9000004F  }
0xb3: {  	s29 =	simm.s32 $0x9;
	_ =	strace $0x80000051  }
0xb4: {  	_ =	swait.ge [sflag:s29], $0x1  }
0xb5: {  	[sflag:s29] =	ssyncadd.s32 $0xFFFFFFFF  }
0xb6: {  	_ =	strace $0x90000051  }
0xb7: {  	_ =	sfence  }
0xb8: {  	s30 =	sld [smem:$0x0];
	_ =	sdelay $0x2  }
0xb9: {  	s31 =	sshll.u32 s1, $0xD;
	s1 =	sshrl.u32 s1, $0x2  }
0xba: {  	s3 =	sand.u32 $0x4000, s31;
	s1 =	sadd.s32 s1, s30  }
0xbb: {  	s0 =	sor.u32 s3, s0;
	s1 =	sshll.u32 s1, $0x11  }
0xbc: {  	s0 =	sor.u32 s1, s0  }
0xbd: {  	s0 =	sadd.s32 $0x8F2B, s0  }
0xbe: {  	[sflag:s0] =	ssyncadd.remote.s32 $0x1  }
0xbf: {  	_ =	sfence.sel $0xFFFF  }
0xc0: {  	[dreg:$0x0] =	wrdreg $0xFFFFFFFF;
	(pc) =	sbr.abs _section_cstart, $3  }
0xc1: {  	[dreg:$0x1] =	wrdreg $0xFFFFFFFF  }
0xc2: {  	_ =	task.clear_ibuf [dreg:s7], $0x2FFFF;
	_ =	strace $0x9FFFFFFF  }
0xc3: {  	(tm) =	ssettm $0x7FFFFFFF  }
tec
execute0_lowered:
.L_overlay_start_1:
0x0: {  	(tag) =	ssettag $0x1  }
0x1: {  	s0 =	rddreg [dreg:$0x0]  }
0x2: {  	s1 =	rddreg [dreg:$0x1]  }
0x3: {  	s2 =	rddreg [dreg:$0x2]  }
0x4: {  	s3 =	simm.s32 $0x0;
	s13 =	stileid.u32;
	s5 =	srdreg.scid  }
0x5: {  	s14 =	simm.s32 $0x500;
	s15 =	simm.s32 $0x80;
	s16 =	simm.s32 $0xD00  }
0x6: {  	s17 =	simm.s32 $0x100;
	s28 =	simm.s32 $0x380;
	s29 =	simm.s32 $0x3D00  }
0x7: {  	s30 =	simm.s32 $0x400;
	s31 =	simm.s32 $0x4500;
	s4 =	smul.u32 $0x320, s13  }
0x8: {  	[smem:$0x7FF] =	sst s3;
	s5 =	sand.u32 $0x1, s5;
	s9 =	smul.u32 $0x2800, s13  }
0x9: {  	s6 =	sadd.s32 $0x2C00, s0;
	s19 =	sshll.u32 s13, $0x6;
	s21 =	smul.u32 $0x19000, s13  }
0xa: {  	s13 =	simm.s32 $0x2;
	_ =	strace $0x80000050;
	s18 =	smul.u32 $0x50000, s5  }
0xb: {  	s7 =	ssub.s32 $0x2, s5;
	s10 =	sshllo.u32 s5, $0x1;
	s20 =	smul.u32 $0x320000, s5  }
0xc: {  	s5 =	sor.u32 $0x1C02, s19;
	s19 =	simm.s32 $0x180;
	s4 =	sadd.s32 s4, s0  }
0xd: {  	s0 =	sadd.s32 $0xCAC00, s0;
	s8 =	sshrl.u32 s7, $0x1;
	s12 =	sadd.s32 s9, s2  }
0xe: {  	s11 =	sshrl.u32 s9, $0x3;
	s10 =	smul.u32 $0x28000, s10;
	s7 =	ssub.s32 s7, s8  }
0xf: {  	s1 =	sadd.s32 s1, s11;
	s8 =	sadd.s32 s9, s18;
	s24 =	sadd.s32 s21, s20  }
0x10: {  	s12 =	sshrl.u32 s12, $0x3;
	s18 =	simm.s32 $0x1500;
	s20 =	simm.s32 $0x1D00  }
0x11: {  	s21 =	simm.s32 $0x200;
	[dreg:$0x4] =	wrdreg s1;
	s9 =	sadd.s32 s9, s10  }
0x12: {  	s22 =	sshrl.u32 s8, $0x3;
	s25 =	smax.u32 s7, $0x1;
	s26 =	sshrl.u32 s24, $0x3  }
0x13: {  	s7 =	simm.s32 $0x0;
	s23 =	sshrl.u32 s9, $0x3;
	s1 =	sadd.s32 s0, s22  }
0x14: {  	[dreg:$0x7] =	wrdreg s25;
	s9 =	sadd.s32 $0x256C00, s4;
	s22 =	simm.s32 $0x2500  }
0x15: {  	s25 =	simm.s32 $0x300;
	[dreg:$0x5] =	wrdreg s1;
	s0 =	sadd.s32 s0, s23  }
0x16: {  	s1 =	sadd.s32 s26, s6;
	s23 =	simm.s32 $0x280;
	[dreg:$0x6] =	wrdreg s0  }
0x17: {  	s26 =	simm.s32 $0x3500;
	s0 =	sadd.s32 $0x190000, s24;
	[dreg:$0x8] =	wrdreg s1  }
0x18: {  	s24 =	simm.s32 $0x2D00;
	s1 =	simm.s32 $0x4D00;
	s0 =	sshrl.u32 s0, $0x3  }
0x19: {  	s11 =	sadd.s32 s0, s6;
	s0 =	simm.s32 $0x480;
	s6 =	simm.s32 $0x1  }
.LBB2_1:
0x1a: {  	s4 =	rddreg [dreg:$0x4]  }
0x1b: {  	[spmem:s12], [sflag:s5] =	dma.local [hbm:s4], $0x500  }
0x1c: {  	_ =	swait.ge [sflag:s13], $0x500  }
0x1d: {  	[sflag:s13] =	ssyncset.done $0x0  }
0x1e: {  	[sflag:s13] =	ssyncadd.s32 $0xFFFFFB00  }
0x1f: {  	[bflag:$0x0] =	sbarrier.arrive $0xFFFF  }
0x20: {  	s10 =	rddreg [dreg:$0x8]  }
0x21: {  	[tilespmem:s14], [sflag:$0x2] =	stream.linear.gather [hbm4b:s10+s3], $0x5000, $0x38;
	[tilespmem:$0x7D00] =	vst v63  }
0x22: {  	_ =	swait.ge [sflag:s13], $0x5000  }
0x23: {  	[sflag:s13] =	ssyncset.done $0x0  }
0x24: {  	s8 =	sadd.s32 $0x0, s9;
	[sflag:s13] =	ssyncadd.s32 $0xFFFFB000  }
0x25: {  	[tilespmem:s3], [sflag:$0x2] =	stream.linear.gather [hbm4b:s8+s3], $0x500, $0x38;
	[tilespmem:$0x7D00] =	vst v63  }
0x26: {  	_ =	swait.ge [sflag:s13], $0x500  }
0x27: {  	[sflag:s13] =	ssyncset.done $0x0  }
0x28: {  	[sflag:s13] =	ssyncadd.s32 $0xFFFFFB00  }
0x29: {  	[spmem:s2] =	stream.indirect.scatter.add.f32 [tilespmem:s14], [sflag:$0x1], $0x10, s3, s15, $0xb8;
	[tilespmem:$0x7D00] =	vst v63  }
0x2a: {  	_ = 	snop  }
0x2b: {  	[spmem:s2] =	stream.indirect.scatter.add.f32 [tilespmem:s16], [sflag:$0x1], $0x10, s15, s15, $0xb8;
	[tilespmem:$0x7D00] =	vst v63  }
0x2c: {  	_ = 	snop  }
0x2d: {  	[spmem:s2] =	stream.indirect.scatter.add.f32 [tilespmem:s18], [sflag:$0x1], $0x10, s17, s15, $0xb8;
	[tilespmem:$0x7D00] =	vst v63  }
0x2e: {  	_ = 	snop  }
0x2f: {  	[spmem:s2] =	stream.indirect.scatter.add.f32 [tilespmem:s20], [sflag:$0x1], $0x10, s19, s15, $0xb8;
	[tilespmem:$0x7D00] =	vst v63  }
0x30: {  	_ = 	snop  }
0x31: {  	[spmem:s2] =	stream.indirect.scatter.add.f32 [tilespmem:s22], [sflag:$0x1], $0x10, s21, s15, $0xb8;
	[tilespmem:$0x7D00] =	vst v63  }
0x32: {  	_ = 	snop  }
0x33: {  	[spmem:s2] =	stream.indirect.scatter.add.f32 [tilespmem:s24], [sflag:$0x1], $0x10, s23, s15, $0xb8;
	[tilespmem:$0x7D00] =	vst v63  }
0x34: {  	_ = 	snop  }
0x35: {  	[spmem:s2] =	stream.indirect.scatter.add.f32 [tilespmem:s26], [sflag:$0x1], $0x10, s25, s15, $0xb8;
	[tilespmem:$0x7D00] =	vst v63  }
0x36: {  	_ = 	snop  }
0x37: {  	[spmem:s2] =	stream.indirect.scatter.add.f32 [tilespmem:s29], [sflag:$0x1], $0x10, s28, s15, $0xb8;
	[tilespmem:$0x7D00] =	vst v63  }
0x38: {  	_ = 	snop  }
0x39: {  	[spmem:s2] =	stream.indirect.scatter.add.f32 [tilespmem:s31], [sflag:$0x1], $0x10, s30, s15, $0xb8;
	[tilespmem:$0x7D00] =	vst v63  }
0x3a: {  	_ = 	snop  }
0x3b: {  	[spmem:s2] =	stream.indirect.scatter.add.f32 [tilespmem:s1], [sflag:$0x1], $0x10, s0, s15, $0xb8;
	[tilespmem:$0x7D00] =	vst v63  }
0x3c: {  	_ =	swait.ge [sflag:s6], $0x800  }
0x3d: {  	[sflag:s6] =	ssyncset.done $0x0  }
0x3e: {  	[sflag:s6] =	ssyncadd.s32 $0xFFFFF800  }
0x3f: {  	_ =	swait.ge [sflag:s6], $0x800  }
0x40: {  	[sflag:s6] =	ssyncset.done $0x0  }
0x41: {  	[sflag:s6] =	ssyncadd.s32 $0xFFFFF800  }
0x42: {  	_ =	swait.ge [sflag:s6], $0x800  }
0x43: {  	[sflag:s6] =	ssyncset.done $0x0  }
0x44: {  	[sflag:s6] =	ssyncadd.s32 $0xFFFFF800  }
0x45: {  	_ =	swait.ge [sflag:s6], $0x800  }
0x46: {  	[sflag:s6] =	ssyncset.done $0x0  }
0x47: {  	[sflag:s6] =	ssyncadd.s32 $0xFFFFF800  }
0x48: {  	_ =	swait.ge [sflag:s6], $0x800  }
0x49: {  	[sflag:s6] =	ssyncset.done $0x0  }
0x4a: {  	[sflag:s6] =	ssyncadd.s32 $0xFFFFF800  }
0x4b: {  	_ =	swait.ge [sflag:s6], $0x800  }
0x4c: {  	[sflag:s6] =	ssyncset.done $0x0  }
0x4d: {  	[sflag:s6] =	ssyncadd.s32 $0xFFFFF800  }
0x4e: {  	_ =	swait.ge [sflag:s6], $0x800  }
0x4f: {  	[sflag:s6] =	ssyncset.done $0x0  }
0x50: {  	[sflag:s6] =	ssyncadd.s32 $0xFFFFF800  }
0x51: {  	_ =	swait.ge [sflag:s6], $0x800  }
0x52: {  	[sflag:s6] =	ssyncset.done $0x0  }
0x53: {  	[sflag:s6] =	ssyncadd.s32 $0xFFFFF800  }
0x54: {  	_ =	swait.ge [sflag:s6], $0x800  }
0x55: {  	[sflag:s6] =	ssyncset.done $0x0  }
0x56: {  	[sflag:s6] =	ssyncadd.s32 $0xFFFFF800  }
0x57: {  	_ =	swait.ge [sflag:s6], $0x800  }
0x58: {  	s8 =	simm.s32 $0xA0;
	[sflag:s6] =	ssyncset.done $0x0  }
.LBB2_2:
0x59: {  	p0 =	sne.s32 s8, $0x280;
	[sflag:s6] =	ssyncadd.s32 $0xFFFFF800;
	s10 =	sadd.s32 $0xA00, s10  }
0x5a: {  	[tilespmem:s14], [sflag:$0x2] =	stream.linear.gather [hbm4b:s10+s3], $0x5000, $0x38;
	[tilespmem:$0x7D00] =	vst v63  }
0x5b: {  	s4 =	smov.u32 s8;
	s8 =	sadd.s32 $0xA0, s8;
	_ =	swait.ge [sflag:s13], $0x5000  }
0x5c: {  	[sflag:s13] =	ssyncset.done $0x0  }
0x5d: {  	s4 =	sadd.s32 s4, s9;
	[sflag:s13] =	ssyncadd.s32 $0xFFFFB000  }
0x5e: {  	[tilespmem:s3], [sflag:$0x2] =	stream.linear.gather [hbm4b:s4+s3], $0x500, $0x38;
	[tilespmem:$0x7D00] =	vst v63  }
0x5f: {  	_ =	swait.ge [sflag:s13], $0x500  }
0x60: {  	[sflag:s13] =	ssyncset.done $0x0  }
0x61: {  	[sflag:s13] =	ssyncadd.s32 $0xFFFFFB00  }
0x62: {  	[spmem:s2] =	stream.indirect.scatter.add.f32 [tilespmem:s14], [sflag:$0x1], $0x10, s3, s15, $0xb8;
	[tilespmem:$0x7D00] =	vst v63  }
0x63: {  	_ = 	snop  }
0x64: {  	[spmem:s2] =	stream.indirect.scatter.add.f32 [tilespmem:s16], [sflag:$0x1], $0x10, s15, s15, $0xb8;
	[tilespmem:$0x7D00] =	vst v63  }
0x65: {  	_ = 	snop  }
0x66: {  	[spmem:s2] =	stream.indirect.scatter.add.f32 [tilespmem:s18], [sflag:$0x1], $0x10, s17, s15, $0xb8;
	[tilespmem:$0x7D00] =	vst v63  }
0x67: {  	_ = 	snop  }
0x68: {  	[spmem:s2] =	stream.indirect.scatter.add.f32 [tilespmem:s20], [sflag:$0x1], $0x10, s19, s15, $0xb8;
	[tilespmem:$0x7D00] =	vst v63  }
0x69: {  	_ = 	snop  }
0x6a: {  	[spmem:s2] =	stream.indirect.scatter.add.f32 [tilespmem:s22], [sflag:$0x1], $0x10, s21, s15, $0xb8;
	[tilespmem:$0x7D00] =	vst v63  }
0x6b: {  	_ = 	snop  }
0x6c: {  	[spmem:s2] =	stream.indirect.scatter.add.f32 [tilespmem:s24], [sflag:$0x1], $0x10, s23, s15, $0xb8;
	[tilespmem:$0x7D00] =	vst v63  }
0x6d: {  	_ = 	snop  }
0x6e: {  	[spmem:s2] =	stream.indirect.scatter.add.f32 [tilespmem:s26], [sflag:$0x1], $0x10, s25, s15, $0xb8;
	[tilespmem:$0x7D00] =	vst v63  }
0x6f: {  	_ = 	snop  }
0x70: {  	[spmem:s2] =	stream.indirect.scatter.add.f32 [tilespmem:s29], [sflag:$0x1], $0x10, s28, s15, $0xb8;
	[tilespmem:$0x7D00] =	vst v63  }
0x71: {  	_ = 	snop  }
0x72: {  	[spmem:s2] =	stream.indirect.scatter.add.f32 [tilespmem:s31], [sflag:$0x1], $0x10, s30, s15, $0xb8;
	[tilespmem:$0x7D00] =	vst v63  }
0x73: {  	_ = 	snop  }
0x74: {  	[spmem:s2] =	stream.indirect.scatter.add.f32 [tilespmem:s1], [sflag:$0x1], $0x10, s0, s15, $0xb8;
	[tilespmem:$0x7D00] =	vst v63  }
0x75: {  	_ =	swait.ge [sflag:s6], $0x800  }
0x76: {  	[sflag:s6] =	ssyncset.done $0x0  }
0x77: {  	[sflag:s6] =	ssyncadd.s32 $0xFFFFF800  }
0x78: {  	_ =	swait.ge [sflag:s6], $0x800  }
0x79: {  	[sflag:s6] =	ssyncset.done $0x0  }
0x7a: {  	[sflag:s6] =	ssyncadd.s32 $0xFFFFF800  }
0x7b: {  	_ =	swait.ge [sflag:s6], $0x800  }
0x7c: {  	[sflag:s6] =	ssyncset.done $0x0  }
0x7d: {  	[sflag:s6] =	ssyncadd.s32 $0xFFFFF800  }
0x7e: {  	_ =	swait.ge [sflag:s6], $0x800  }
0x7f: {  	[sflag:s6] =	ssyncset.done $0x0  }
0x80: {  	[sflag:s6] =	ssyncadd.s32 $0xFFFFF800  }
0x81: {  	_ =	swait.ge [sflag:s6], $0x800  }
0x82: {  	[sflag:s6] =	ssyncset.done $0x0  }
0x83: {  	[sflag:s6] =	ssyncadd.s32 $0xFFFFF800  }
0x84: {  	_ =	swait.ge [sflag:s6], $0x800  }
0x85: {  	[sflag:s6] =	ssyncset.done $0x0  }
0x86: {  	[sflag:s6] =	ssyncadd.s32 $0xFFFFF800  }
0x87: {  	_ =	swait.ge [sflag:s6], $0x800  }
0x88: {  	[sflag:s6] =	ssyncset.done $0x0  }
0x89: {  	[sflag:s6] =	ssyncadd.s32 $0xFFFFF800  }
0x8a: {  	_ =	swait.ge [sflag:s6], $0x800  }
0x8b: {  	[sflag:s6] =	ssyncset.done $0x0  }
0x8c: {  	[sflag:s6] =	ssyncadd.s32 $0xFFFFF800  }
.Ltmp0:
0x8d: {  	_ =	swait.ge [sflag:s6], $0x800;
	(pc) =	sbr.rel @p0 .LBB2_2-.Ltmp0, $4  }
0x8e: {  	[sflag:s6] =	ssyncset.done $0x0  }
0x8f: {  	[sflag:s6] =	ssyncadd.s32 $0xFFFFF800  }
0x90: {  	_ =	swait.ge [sflag:s6], $0x800  }
0x91: {  	[sflag:s6] =	ssyncset.done $0x0  }
0x92: {  	[sflag:s6] =	ssyncadd.s32 $0xFFFFF800  }
0x93: {  	[bflag:$0x0] =	sbarrier.arrive $0xFFFF  }
0x94: {  	s4 =	rddreg [dreg:$0x5]  }
0x95: {  	[hbm:s4], [sflag:s5] =	dma.local [spmem:s12], $0x500  }
0x96: {  	_ =	swait.ge [sflag:s13], $0x500  }
0x97: {  	[sflag:s13] =	ssyncset.done $0x0  }
0x98: {  	[sflag:s13] =	ssyncadd.s32 $0xFFFFFB00  }
0x99: {  	[bflag:$0x0] =	sbarrier.arrive $0xFFFF  }
0x9a: {  	s8 =	rddreg [dreg:$0x4]  }
0x9b: {  	[spmem:s12], [sflag:s5] =	dma.local [hbm:s8], $0x500  }
0x9c: {  	_ =	swait.ge [sflag:s13], $0x500  }
0x9d: {  	[sflag:s13] =	ssyncset.done $0x0  }
0x9e: {  	[sflag:s13] =	ssyncadd.s32 $0xFFFFFB00  }
0x9f: {  	[bflag:$0x0] =	sbarrier.arrive $0xFFFF  }
0xa0: {  	[tilespmem:s14], [sflag:$0x2] =	stream.linear.gather [hbm4b:s11+s3], $0x5000, $0x38;
	[tilespmem:$0x7D00] =	vst v63  }
0xa1: {  	_ =	swait.ge [sflag:s13], $0x5000  }
0xa2: {  	[sflag:s13] =	ssyncset.done $0x0  }
0xa3: {  	s10 =	sadd.s32 $0x0, s9;
	[sflag:s13] =	ssyncadd.s32 $0xFFFFB000  }
0xa4: {  	[tilespmem:s3], [sflag:$0x2] =	stream.linear.gather [hbm4b:s10+s3], $0x500, $0x38;
	[tilespmem:$0x7D00] =	vst v63  }
0xa5: {  	_ =	swait.ge [sflag:s13], $0x500  }
0xa6: {  	[sflag:s13] =	ssyncset.done $0x0  }
0xa7: {  	[sflag:s13] =	ssyncadd.s32 $0xFFFFFB00  }
0xa8: {  	[spmem:s2] =	stream.indirect.scatter.add.f32 [tilespmem:s14], [sflag:$0x1], $0x10, s3, s15, $0xb8;
	[tilespmem:$0x7D00] =	vst v63  }
0xa9: {  	_ = 	snop  }
0xaa: {  	[spmem:s2] =	stream.indirect.scatter.add.f32 [tilespmem:s16], [sflag:$0x1], $0x10, s15, s15, $0xb8;
	[tilespmem:$0x7D00] =	vst v63  }
0xab: {  	_ = 	snop  }
0xac: {  	[spmem:s2] =	stream.indirect.scatter.add.f32 [tilespmem:s18], [sflag:$0x1], $0x10, s17, s15, $0xb8;
	[tilespmem:$0x7D00] =	vst v63  }
0xad: {  	_ = 	snop  }
0xae: {  	[spmem:s2] =	stream.indirect.scatter.add.f32 [tilespmem:s20], [sflag:$0x1], $0x10, s19, s15, $0xb8;
	[tilespmem:$0x7D00] =	vst v63  }
0xaf: {  	_ = 	snop  }
0xb0: {  	[spmem:s2] =	stream.indirect.scatter.add.f32 [tilespmem:s22], [sflag:$0x1], $0x10, s21, s15, $0xb8;
	[tilespmem:$0x7D00] =	vst v63  }
0xb1: {  	_ = 	snop  }
0xb2: {  	[spmem:s2] =	stream.indirect.scatter.add.f32 [tilespmem:s24], [sflag:$0x1], $0x10, s23, s15, $0xb8;
	[tilespmem:$0x7D00] =	vst v63  }
0xb3: {  	_ = 	snop  }
0xb4: {  	[spmem:s2] =	stream.indirect.scatter.add.f32 [tilespmem:s26], [sflag:$0x1], $0x10, s25, s15, $0xb8;
	[tilespmem:$0x7D00] =	vst v63  }
0xb5: {  	_ = 	snop  }
0xb6: {  	[spmem:s2] =	stream.indirect.scatter.add.f32 [tilespmem:s29], [sflag:$0x1], $0x10, s28, s15, $0xb8;
	[tilespmem:$0x7D00] =	vst v63  }
0xb7: {  	_ = 	snop  }
0xb8: {  	[spmem:s2] =	stream.indirect.scatter.add.f32 [tilespmem:s31], [sflag:$0x1], $0x10, s30, s15, $0xb8;
	[tilespmem:$0x7D00] =	vst v63  }
0xb9: {  	_ = 	snop  }
0xba: {  	[spmem:s2] =	stream.indirect.scatter.add.f32 [tilespmem:s1], [sflag:$0x1], $0x10, s0, s15, $0xb8;
	[tilespmem:$0x7D00] =	vst v63  }
0xbb: {  	_ =	swait.ge [sflag:s6], $0x800  }
0xbc: {  	[sflag:s6] =	ssyncset.done $0x0  }
0xbd: {  	[sflag:s6] =	ssyncadd.s32 $0xFFFFF800  }
0xbe: {  	_ =	swait.ge [sflag:s6], $0x800  }
0xbf: {  	[sflag:s6] =	ssyncset.done $0x0  }
0xc0: {  	[sflag:s6] =	ssyncadd.s32 $0xFFFFF800  }
0xc1: {  	_ =	swait.ge [sflag:s6], $0x800  }
0xc2: {  	[sflag:s6] =	ssyncset.done $0x0  }
0xc3: {  	[sflag:s6] =	ssyncadd.s32 $0xFFFFF800  }
0xc4: {  	_ =	swait.ge [sflag:s6], $0x800  }
0xc5: {  	[sflag:s6] =	ssyncset.done $0x0  }
0xc6: {  	[sflag:s6] =	ssyncadd.s32 $0xFFFFF800  }
0xc7: {  	_ =	swait.ge [sflag:s6], $0x800  }
0xc8: {  	[sflag:s6] =	ssyncset.done $0x0  }
0xc9: {  	[sflag:s6] =	ssyncadd.s32 $0xFFFFF800  }
0xca: {  	_ =	swait.ge [sflag:s6], $0x800  }
0xcb: {  	[sflag:s6] =	ssyncset.done $0x0  }
0xcc: {  	[sflag:s6] =	ssyncadd.s32 $0xFFFFF800  }
0xcd: {  	_ =	swait.ge [sflag:s6], $0x800  }
0xce: {  	[sflag:s6] =	ssyncset.done $0x0  }
0xcf: {  	[sflag:s6] =	ssyncadd.s32 $0xFFFFF800  }
0xd0: {  	_ =	swait.ge [sflag:s6], $0x800  }
0xd1: {  	[sflag:s6] =	ssyncset.done $0x0  }
0xd2: {  	[sflag:s6] =	ssyncadd.s32 $0xFFFFF800  }
0xd3: {  	_ =	swait.ge [sflag:s6], $0x800  }
0xd4: {  	[sflag:s6] =	ssyncset.done $0x0  }
0xd5: {  	[sflag:s6] =	ssyncadd.s32 $0xFFFFF800  }
0xd6: {  	_ =	swait.ge [sflag:s6], $0x800  }
0xd7: {  	s8 =	simm.s32 $0xA0;
	s10 =	smov.u32 s11;
	[sflag:s6] =	ssyncset.done $0x0  }
.LBB2_4:
0xd8: {  	p0 =	sne.s32 s8, $0x280;
	[sflag:s6] =	ssyncadd.s32 $0xFFFFF800;
	s10 =	sadd.s32 $0xA00, s10  }
0xd9: {  	[tilespmem:s14], [sflag:$0x2] =	stream.linear.gather [hbm4b:s10+s3], $0x5000, $0x38;
	[tilespmem:$0x7D00] =	vst v63  }
0xda: {  	s4 =	smov.u32 s8;
	s8 =	sadd.s32 $0xA0, s8;
	_ =	swait.ge [sflag:s13], $0x5000  }
0xdb: {  	[sflag:s13] =	ssyncset.done $0x0  }
0xdc: {  	s4 =	sadd.s32 s4, s9;
	[sflag:s13] =	ssyncadd.s32 $0xFFFFB000  }
0xdd: {  	[tilespmem:s3], [sflag:$0x2] =	stream.linear.gather [hbm4b:s4+s3], $0x500, $0x38;
	[tilespmem:$0x7D00] =	vst v63  }
0xde: {  	_ =	swait.ge [sflag:s13], $0x500  }
0xdf: {  	[sflag:s13] =	ssyncset.done $0x0  }
0xe0: {  	[sflag:s13] =	ssyncadd.s32 $0xFFFFFB00  }
0xe1: {  	[spmem:s2] =	stream.indirect.scatter.add.f32 [tilespmem:s14], [sflag:$0x1], $0x10, s3, s15, $0xb8;
	[tilespmem:$0x7D00] =	vst v63  }
0xe2: {  	_ = 	snop  }
0xe3: {  	[spmem:s2] =	stream.indirect.scatter.add.f32 [tilespmem:s16], [sflag:$0x1], $0x10, s15, s15, $0xb8;
	[tilespmem:$0x7D00] =	vst v63  }
0xe4: {  	_ = 	snop  }
0xe5: {  	[spmem:s2] =	stream.indirect.scatter.add.f32 [tilespmem:s18], [sflag:$0x1], $0x10, s17, s15, $0xb8;
	[tilespmem:$0x7D00] =	vst v63  }
0xe6: {  	_ = 	snop  }
0xe7: {  	[spmem:s2] =	stream.indirect.scatter.add.f32 [tilespmem:s20], [sflag:$0x1], $0x10, s19, s15, $0xb8;
	[tilespmem:$0x7D00] =	vst v63  }
0xe8: {  	_ = 	snop  }
0xe9: {  	[spmem:s2] =	stream.indirect.scatter.add.f32 [tilespmem:s22], [sflag:$0x1], $0x10, s21, s15, $0xb8;
	[tilespmem:$0x7D00] =	vst v63  }
0xea: {  	_ = 	snop  }
0xeb: {  	[spmem:s2] =	stream.indirect.scatter.add.f32 [tilespmem:s24], [sflag:$0x1], $0x10, s23, s15, $0xb8;
	[tilespmem:$0x7D00] =	vst v63  }
0xec: {  	_ = 	snop  }
0xed: {  	[spmem:s2] =	stream.indirect.scatter.add.f32 [tilespmem:s26], [sflag:$0x1], $0x10, s25, s15, $0xb8;
	[tilespmem:$0x7D00] =	vst v63  }
0xee: {  	_ = 	snop  }
0xef: {  	[spmem:s2] =	stream.indirect.scatter.add.f32 [tilespmem:s29], [sflag:$0x1], $0x10, s28, s15, $0xb8;
	[tilespmem:$0x7D00] =	vst v63  }
0xf0: {  	_ = 	snop  }
0xf1: {  	[spmem:s2] =	stream.indirect.scatter.add.f32 [tilespmem:s31], [sflag:$0x1], $0x10, s30, s15, $0xb8;
	[tilespmem:$0x7D00] =	vst v63  }
0xf2: {  	_ = 	snop  }
0xf3: {  	[spmem:s2] =	stream.indirect.scatter.add.f32 [tilespmem:s1], [sflag:$0x1], $0x10, s0, s15, $0xb8;
	[tilespmem:$0x7D00] =	vst v63  }
0xf4: {  	_ =	swait.ge [sflag:s6], $0x800  }
0xf5: {  	[sflag:s6] =	ssyncset.done $0x0  }
0xf6: {  	[sflag:s6] =	ssyncadd.s32 $0xFFFFF800  }
0xf7: {  	_ =	swait.ge [sflag:s6], $0x800  }
0xf8: {  	[sflag:s6] =	ssyncset.done $0x0  }
0xf9: {  	[sflag:s6] =	ssyncadd.s32 $0xFFFFF800  }
0xfa: {  	_ =	swait.ge [sflag:s6], $0x800  }
0xfb: {  	[sflag:s6] =	ssyncset.done $0x0  }
0xfc: {  	[sflag:s6] =	ssyncadd.s32 $0xFFFFF800  }
0xfd: {  	_ =	swait.ge [sflag:s6], $0x800  }
0xfe: {  	[sflag:s6] =	ssyncset.done $0x0  }
0xff: {  	[sflag:s6] =	ssyncadd.s32 $0xFFFFF800  }
0x100: {  	_ =	swait.ge [sflag:s6], $0x800  }
0x101: {  	[sflag:s6] =	ssyncset.done $0x0  }
0x102: {  	[sflag:s6] =	ssyncadd.s32 $0xFFFFF800  }
0x103: {  	_ =	swait.ge [sflag:s6], $0x800  }
0x104: {  	[sflag:s6] =	ssyncset.done $0x0  }
0x105: {  	[sflag:s6] =	ssyncadd.s32 $0xFFFFF800  }
0x106: {  	_ =	swait.ge [sflag:s6], $0x800  }
0x107: {  	[sflag:s6] =	ssyncset.done $0x0  }
0x108: {  	[sflag:s6] =	ssyncadd.s32 $0xFFFFF800  }
0x109: {  	_ =	swait.ge [sflag:s6], $0x800  }
0x10a: {  	[sflag:s6] =	ssyncset.done $0x0  }
0x10b: {  	[sflag:s6] =	ssyncadd.s32 $0xFFFFF800  }
.Ltmp1:
0x10c: {  	_ =	swait.ge [sflag:s6], $0x800;
	(pc) =	sbr.rel @p0 .LBB2_4-.Ltmp1, $4  }
0x10d: {  	[sflag:s6] =	ssyncset.done $0x0  }
0x10e: {  	[sflag:s6] =	ssyncadd.s32 $0xFFFFF800  }
0x10f: {  	_ =	swait.ge [sflag:s6], $0x800  }
0x110: {  	[sflag:s6] =	ssyncset.done $0x0  }
0x111: {  	[sflag:s6] =	ssyncadd.s32 $0xFFFFF800  }
0x112: {  	[bflag:$0x0] =	sbarrier.arrive $0xFFFF  }
0x113: {  	s4 =	rddreg [dreg:$0x6]  }
0x114: {  	[hbm:s4], [sflag:s5] =	dma.local [spmem:s12], $0x500  }
0x115: {  	_ =	swait.ge [sflag:s13], $0x500  }
0x116: {  	s7 =	sadd.s32 $0x1, s7;
	s10 =	rddreg [dreg:$0x7]  }
0x117: {  	p0 =	sne.s32 s7, s10  }
.Ltmp2:
0x118: {  	_ = 	snop;
	(pc) =	sbr.rel @p0 .LBB2_1-.Ltmp2, $3  }
0x119: {  	[sflag:s13] =	ssyncset.done $0x0  }
0x11a: {  	[sflag:s13] =	ssyncadd.s32 $0xFFFFFB00  }
0x11b: {  	[bflag:$0x0] =	sbarrier.arrive $0xFFFF;
	_ =	sdelay $0x1  }
0x11c: {  	_ =	sfence.sel $0x180000  }
0x11d: {  	[bflag:$0x0] =	sbarrier.arrive $0xFFFF  }
0x11e: {  	_ =	strace $0x90000050  }
0x11f: {  	s0 =	stileid.u32;
	[bflag:$0x2] =	sbarrier.arrive $0xFFFF  }
0x120: {  	p0 =	sne.s32 s0, $0x0;
	s0 =	rddreg [dreg:$0x3]  }
0x121: {  	s0 =	sadd.s32 @!p0 $0x100000, s0  }
0x122: {  	[sflag:s0] =	ssyncadd.tile.s32 @!p0 $0x1;
	_ =	shalt  }
.Lfunc_end2:
_tile_overlayer_lowered:
.L_overlay_start_2:
0x123: {  	(tag) =	ssettag $0x2  }
0x124: {  	s0 =	rddreg [dreg:$0x0];
	s2 =	stileid.u32  }
0x125: {  	s1 =	rddreg [dreg:$0x1];
	p0 =	sne.s32 s2, $0x0  }
0x126: {  	s3 =	rddreg [dreg:$0x2];
	[bflag:$0x3] =	sbarrier.arrive $0xFFFF;
	s2 =	simm.s32 @!p0 $0x1C02  }
0x127: {  	[timem:s3], [sflag:s2] =	dma.local @!p0 [hbm:s0], s1  }
0x128: {  	s0 =	simm.s32 @!p0 $0x2  }
0x129: {  	_ =	swait.ge @!p0 [sflag:s0], s1  }
0x12a: {  	s1 =	ssub.s32 @!p0 $0x0, s1;
	[sflag:s0] =	ssyncset.done @!p0 $0x0  }
0x12b: {  	[sflag:s0] =	ssyncadd.s32 @!p0 s1  }
0x12c: {  	[bflag:$0x3] =	sbarrier.arrive $0xFFFF  }
0x12d: {  	_ =	shalt  }

// kernel: kernel.9.cloned.1.call-start
scs
__scs_entry_jumppad:
0x0: {  	(pc) =	sbr.rel $0x88, $3  }
0x1: {  	(tag) =	ssettag $0x0;
	lr =	simm.s32 $0x1  }
0x2: {  	[smem:$0x3F92] =	sst lr;
	_ =	strace $0xD0000000  }
0x3: {  	_ = 	snop  }
0x4: {  	_ = 	snop  }
0x5: {  	_ = 	snop  }
0x6: {  	_ = 	snop  }
0x7: {  	_ = 	snop  }
__scs_overlays_trampoline_lowered:
0x8: {  	[smem:$0x3FA1] =	sst s0  }
0x9: {  	[smem:$0x3FA2] =	sst s1  }
0xa: {  	[smem:$0x3FA3] =	sst s2  }
0xb: {  	[smem:$0x3FA4] =	sst s3  }
0xc: {  	[smem:$0x3FA5] =	sst s4  }
0xd: {  	[smem:$0x3FA6] =	sst s5  }
0xe: {  	[smem:$0x3FA7] =	sst s6  }
0xf: {  	[smem:$0x3FA8] =	sst s7  }
0x10: {  	[smem:$0x3FA9] =	sst s8  }
0x11: {  	[smem:$0x3FAA] =	sst s9;
	s0 =	simm.s32 @!p0 $0x0  }
0x12: {  	s1 =	sld [smem:$0x3F90];
	s0 =	simm.s32 @p0 $0x1  }
0x13: {  	[smem:$0x3FAB] =	sst s0;
	s0 =	simm.s32 @!p1 $0x0  }
0x14: {  	s2 =	sld [smem:$0x3F8F];
	s0 =	simm.s32 @p1 $0x1  }
0x15: {  	[smem:$0x3FAC] =	sst s0;
	s0 =	simm.s32 @!p2 $0x0  }
0x16: {  	s3 =	sld [smem:$0x3FDB];
	s0 =	simm.s32 @p2 $0x1  }
0x17: {  	s4 =	simm.s32 $0x1BF5;
	[smem:$0x3FAE] =	sst s0  }
0x18: {  	s0 =	sld [smem:$0x3F91];
	_ =	swait.ge [sflag:s4], $0x0  }
0x19: {  	s7 =	sld [smem:$0x3F92]  }
0x1a: {  	s8 =	sadd.s32 $0xFFFFE003, lr  }
0x1b: {  	s9 =	sadd.s32 $0xFFFFFEF7, lr;
	s5 =	simm.s32 $0xFFFFFFFF;
	p2 =	slt.u32 s8, $0xFFFFF086  }
0x1c: {  	p1 =	slt.u32 s9, $0xF7A;
	s5 =	simm.s32 @!p2 $0x0  }
0x1d: {  	s5 =	simm.s32 @p1 $0x1;
	p0 =	seq.s32 s7, s2  }
0x1e: {  	s7 =	smul.u32 @!p0 $0xF7A, s2;
	p2 =	seq.s32 @!p0 s5, $0x0  }
0x1f: {  	s9 =	smul.u32 $0xF7A, s1;
	s8 =	simm.s32 @!p0 $0x1BF5;
	p2 =	por !p2, p0  }
0x20: {  	[sflag:s8] =	ssyncset.s32 @!p0 $0xFFFFF086;
	s6 =	sadd.s32 @!p0 s3, s7;
	s7 =	simm.s32 @!p0 $0x108  }
0x21: {  	s3 =	sadd.s32 s3, s9;
	s6 =	sadd.s32 @!p0 $0x88, s6;
	s7 =	simm.s32 @p2 $0x1082  }
0x22: {  	[simem:s7], [sflag:s8] =	dma.local @!p0 [hbm:s6], $0xF7A  }
0x23: {  	s9 =	sor.u32 $0xD0000000, s2;
	s6 =	simm.s32 $0x108;
	_ =	swait.ge @!p0 [sflag:s8], $0x0  }
0x24: {  	s3 =	sadd.s32 $0x88, s3;
	s6 =	simm.s32 @!p1 $0x1082;
	[sflag:s4] =	ssyncset.s32 $0xFFFFF086  }
0x25: {  	[simem:s6], [sflag:s4] =	dma.local [hbm:s3], $0xF7A  }
0x26: {  	[smem:$0x3F92] =	sst s1;
	(tag) =	ssettag s2;
	_ =	strace s9  }
0x27: {  	s1 =	sld [smem:$0x3FA2]  }
0x28: {  	s2 =	sld [smem:$0x3FA3]  }
0x29: {  	s4 =	sld [smem:$0x3FA5]  }
0x2a: {  	p0 =	seq.s32 s5, $0x0;
	s5 =	sld [smem:$0x3FA6]  }
0x2b: {  	s6 =	sld [smem:$0x3FA7]  }
0x2c: {  	s7 =	sld [smem:$0x3FA8]  }
0x2d: {  	s3 =	simm.s32 $0x108;
	s8 =	sld [smem:$0x3FA9]  }
0x2e: {  	s3 =	simm.s32 @!p0 $0x1082;
	s9 =	sld [smem:$0x3FAA]  }
0x2f: {  	lr =	sadd.s32 s0, s3;
	s0 =	sld [smem:$0x3FA1]  }
0x30: {  	s3 =	sld [smem:$0x3FA4]  }
0x31: {  	[smem:$0x3FAD] =	sst s10  }
0x32: {  	s10 =	sld [smem:$0x3FAB];
	_ =	sdelay $0x3  }
0x33: {  	p0 =	seq.s32 s10, $0x1;
	s10 =	sld [smem:$0x3FAD];
	_ =	sdelay $0x3  }
0x34: {  	[smem:$0x3FAD] =	sst s10  }
0x35: {  	s10 =	sld [smem:$0x3FAC];
	_ =	sdelay $0x3  }
0x36: {  	p1 =	seq.s32 s10, $0x1;
	s10 =	sld [smem:$0x3FAD];
	_ =	sdelay $0x3  }
0x37: {  	[smem:$0x3FAD] =	sst s10  }
0x38: {  	s10 =	sld [smem:$0x3FAE]  }
0x39: {  	_ = 	snop;
	(pc) =	sbr.ind lr, $3  }
0x3a: {  	_ = 	snop  }
0x3b: {  	_ = 	snop  }
0x3c: {  	p2 =	seq.s32 s10, $0x1;
	s10 =	sld [smem:$0x3FAD]  }
0x3d: {  	_ =	shalt  }
0x3e: {  	_ =	shalt  }
0x3f: {  	_ =	shalt  }
0x40: {  	_ =	shalt  }
0x41: {  	_ =	shalt  }
0x42: {  	_ =	shalt  }
0x43: {  	_ =	shalt  }
0x44: {  	_ =	shalt  }
0x45: {  	_ =	shalt  }
0x46: {  	_ =	shalt  }
0x47: {  	_ =	shalt  }
0x48: {  	_ =	shalt  }
0x49: {  	_ =	shalt  }
0x4a: {  	_ =	shalt  }
0x4b: {  	_ =	shalt  }
0x4c: {  	_ =	shalt  }
0x4d: {  	_ =	shalt  }
0x4e: {  	_ =	shalt  }
0x4f: {  	_ =	shalt  }
0x50: {  	_ =	shalt  }
0x51: {  	_ =	shalt  }
0x52: {  	_ =	shalt  }
0x53: {  	_ =	shalt  }
0x54: {  	_ =	shalt  }
0x55: {  	_ =	shalt  }
0x56: {  	_ =	shalt  }
0x57: {  	_ =	shalt  }
0x58: {  	_ =	shalt  }
0x59: {  	_ =	shalt  }
0x5a: {  	_ =	shalt  }
0x5b: {  	_ =	shalt  }
0x5c: {  	_ =	shalt  }
0x5d: {  	_ =	shalt  }
0x5e: {  	_ =	shalt  }
0x5f: {  	_ =	shalt  }
0x60: {  	_ =	shalt  }
0x61: {  	_ =	shalt  }
0x62: {  	_ =	shalt  }
0x63: {  	_ =	shalt  }
0x64: {  	_ =	shalt  }
0x65: {  	_ =	shalt  }
0x66: {  	_ =	shalt  }
0x67: {  	_ =	shalt  }
0x68: {  	_ =	shalt  }
0x69: {  	_ =	shalt  }
0x6a: {  	_ =	shalt  }
0x6b: {  	_ =	shalt  }
0x6c: {  	_ =	shalt  }
0x6d: {  	_ =	shalt  }
0x6e: {  	_ =	shalt  }
0x6f: {  	_ =	shalt  }
0x70: {  	_ =	shalt  }
0x71: {  	_ =	shalt  }
0x72: {  	_ =	shalt  }
0x73: {  	_ =	shalt  }
0x74: {  	_ =	shalt  }
0x75: {  	_ =	shalt  }
0x76: {  	_ =	shalt  }
0x77: {  	_ =	shalt  }
0x78: {  	_ =	shalt  }
0x79: {  	_ =	shalt  }
0x7a: {  	_ =	shalt  }
0x7b: {  	_ =	shalt  }
0x7c: {  	_ =	shalt  }
0x7d: {  	_ =	shalt  }
0x7e: {  	_ =	shalt  }
0x7f: {  	_ =	shalt  }
0x80: {  	_ =	shalt  }
0x81: {  	_ =	shalt  }
0x82: {  	_ =	shalt  }
0x83: {  	_ =	shalt  }
0x84: {  	_ =	shalt  }
0x85: {  	_ =	shalt  }
0x86: {  	_ =	shalt  }
0x87: {  	_ =	shalt  }
.Lfunc_end0:
.L_simem_size_0:
called_computation_lowered:
.L_overlay_start_0:
0x88: {  	s2 =	sld [smem:$0x3FD9]  }
0x89: {  	s3 =	sld [smem:$0x3FFE];
	_ =	sdelay $0x1  }
0x8a: {  	s1 =	srdreg.scid  }
0x8b: {  	s0 =	sand.u32 $0x1, s1  }
0x8c: {  	s16 =	sshll.u32 s0, $0xA;
	s2 =	sadd.s32 s3, s2  }
0x8d: {  	s2 =	sadd.s32 s2, s16  }
0x8e: {  	[smem:$0x3FB9] =	sst s2  }
0x8f: {  	_ = 	snop  }
0x90: {  	(tm) =	ssettm $0x1  }
0x91: {  	s17 =	sld [smem:$0x3FFB];
	_ =	sdelay $0x3  }
0x92: {  	_ =	strace s17  }
0x93: {  	s2 =	sld [smem:$0x3FFC];
	_ =	sdelay $0x3  }
0x94: {  	_ =	strace s2  }
0x95: {  	s2 =	sld [smem:$0x3FFD];
	_ =	sdelay $0x3  }
0x96: {  	_ =	strace s2  }
0x97: {  	_ =	strace $0x8FFFFFFF  }
0x98: {  	s18 =	sld [smem:$0x3FDB];
	_ =	sdelay $0x1  }
0x99: {  	s19 =	simm.s32 $_scs_section_size  }
0x9a: {  	s4 =	simm.s32 $_size__tile_overlayer_lowered;
	s5 =	simm.s32 $_tile_overlayer_lowered  }
0x9b: {  	s22 =	simm.s32 $0x1BFF;
	s21 =	sshll.u32 s5, $0x1;
	s2 =	sadd.s32 s19, s18  }
0x9c: {  	s6 =	simm.s32 $0x0;
	s20 =	sshll.u32 s4, $0x1;
	s4 =	sadd.s32 s21, s2  }
0x9d: {  	[timem:s6], [sflag:s22] =	dma.local [hbm:s4], s20  }
0x9e: {  	_ =	swait.ge [sflag:s22], s20  }
0x9f: {  	s3 =	ssub.s32 $0x0, s20;
	[sflag:s22] =	ssyncset.done $0x0  }
0xa0: {  	[sflag:s22] =	ssyncadd.s32 s3;
	_ =	sdelay $0x1  }
0xa1: {  	s23 =	simm.s32 $0x1B8B  }
0xa2: {  	_ =	swait.ge [sflag:s23], $0x1  }
0xa3: {  	[sflag:s23] =	ssyncset.done $0x0  }
0xa4: {  	s25 =	simm.s32 $0x1B8E;
	s24 =	sld [smem:$0x3FFE];
	[sflag:s23] =	ssyncadd.s32 $0xFFFFFFFF  }
0xa5: {  	s26 =	simm.s32 $execute0_lowered;
	[smem:$0x3FD2] =	sst s25  }
0xa6: {  	s4 =	sshll.u32 s26, $0x1;
	_ =	strace $0x80000046;
	[dreg:$0x1] =	wrdreg $0xFFFFFFFF  }
0xa7: {  	s28 =	simm.s32 $_size_execute0_lowered;
	s2 =	sadd.s32 s2, s4;
	[dreg:$0x0] =	wrdreg $0x0  }
0xa8: {  	s4 =	sshll.u32 s28, $0x1;
	[dreg:$0x2] =	wrdreg s2  }
0xa9: {  	[dreg:$0x3] =	wrdreg s4  }
0xaa: {  	[dreg:$0x4] =	wrdreg $0xC0  }
0xab: {  	_ =	task [dreg:s6], $0x5FFFF  }
0xac: {  	[dreg:$0x1] =	wrdreg $0xFFFFFFFF  }
0xad: {  	[dreg:$0x0] =	wrdreg $0x60  }
0xae: {  	[dreg:$0x2] =	wrdreg s24  }
0xaf: {  	[dreg:$0x3] =	wrdreg $0x48000  }
0xb0: {  	[dreg:$0x4] =	wrdreg $0x9  }
0xb1: {  	_ =	task.clear_ibuf [dreg:s6], $0x5FFFF;
	_ =	strace $0x90000046  }
0xb2: {  	s29 =	simm.s32 $0x9;
	_ =	strace $0x80000048  }
0xb3: {  	_ =	swait.ge [sflag:s29], $0x1  }
0xb4: {  	[sflag:s29] =	ssyncadd.s32 $0xFFFFFFFF  }
0xb5: {  	_ =	strace $0x90000048  }
0xb6: {  	_ =	sfence  }
0xb7: {  	s30 =	sld [smem:$0x0];
	_ =	sdelay $0x2  }
0xb8: {  	s31 =	sshll.u32 s1, $0xD;
	s1 =	sshrl.u32 s1, $0x2  }
0xb9: {  	s3 =	sand.u32 $0x4000, s31;
	s1 =	sadd.s32 s1, s30  }
0xba: {  	s0 =	sor.u32 s3, s0;
	s1 =	sshll.u32 s1, $0x11  }
0xbb: {  	s0 =	sor.u32 s1, s0  }
0xbc: {  	s0 =	sadd.s32 $0x8F2B, s0  }
0xbd: {  	[sflag:s0] =	ssyncadd.remote.s32 $0x1  }
0xbe: {  	_ =	sfence.sel $0xFFFF  }
0xbf: {  	[dreg:$0x0] =	wrdreg $0xFFFFFFFF;
	(pc) =	sbr.abs _section_cstart, $3  }
0xc0: {  	[dreg:$0x1] =	wrdreg $0xFFFFFFFF  }
0xc1: {  	_ =	task.clear_ibuf [dreg:s6], $0x2FFFF;
	_ =	strace $0x9FFFFFFF  }
0xc2: {  	(tm) =	ssettm $0x7FFFFFFF  }
0xc3: {  	_ =	shalt  }
tec
execute0_lowered:
.L_overlay_start_1:
0x0: {  	(tag) =	ssettag $0x1  }
0x1: {  	s5 =	rddreg [dreg:$0x0]  }
0x2: {  	s0 =	srdreg.scid;
	s2 =	rddreg [dreg:$0x1]  }
0x3: {  	s1 =	stileid.u32;
	s3 =	simm.s32 $0x0;
	s14 =	simm.s32 $0x200  }
0x4: {  	s15 =	simm.s32 $0x800;
	s16 =	simm.s32 $0x600;
	s17 =	simm.s32 $0x2800  }
0x5: {  	s18 =	simm.s32 $0x1;
	s19 =	simm.s32 $0x2;
	s8 =	smul.u32 $0x19000, s1  }
0x6: {  	s6 =	sand.u32 $0x1, s0;
	s0 =	rddreg [dreg:$0x2];
	s12 =	smul.u32 $0x3100, s1  }
0x7: {  	s20 =	simm.s32 $0x0;
	[smem:$0x7FF] =	sst s3;
	s7 =	smul.u32 $0x31000, s6  }
0x8: {  	s4 =	sadd.s32 $0xC6C00, s5;
	s31 =	sshll.u32 s1, $0x6;
	s9 =	smul.u32 $0x190000, s6  }
0x9: {  	_ =	strace $0x80000047;
	s6 =	ssub.s32 $0x2, s6;
	s29 =	sshrl.u32 s8, $0x3  }
0xa: {  	s30 =	sshrl.u32 s6, $0x1;
	s13 =	sadd.s32 s8, s2;
	s10 =	sadd.s32 s7, s5  }
0xb: {  	s28 =	sadd.s32 s8, s9;
	s9 =	sadd.s32 s29, s5;
	s11 =	ssub.s32 s6, s30  }
0xc: {  	s6 =	sor.u32 $0x1C03, s31;
	s7 =	sshrl.u32 s28, $0x3;
	s8 =	smax.u32 s11, $0x1  }
0xd: {  	s10 =	sadd.s32 s12, s10;
	s11 =	sshrl.u32 s13, $0x3;
	s12 =	simm.s32 $0x3  }
0xe: {  	s13 =	simm.s32 $0x400;
	s7 =	sadd.s32 s7, s5;
	s5 =	sadd.s32 $0xF8C00, s9  }
0xf: {  	s9 =	sadd.s32 $0x2C00, s10;
	s10 =	sadd.s32 $0x64C00, s10;
	s7 =	sadd.s32 $0x12AC00, s7  }
.LBB2_1:
0x10: {  	[spmem:s11], [sflag:s6] =	dma.local [hbm:s5], $0x3200  }
0x11: {  	_ =	swait.ge [sflag:s12], $0x3200  }
0x12: {  	[sflag:s12] =	ssyncset.done $0x0  }
0x13: {  	[sflag:s12] =	ssyncadd.s32 $0xFFFFCE00  }
0x14: {  	s21 =	sadd.s32 $0x0, s10;
	[bflag:$0x0] =	sbarrier.arrive $0xFFFF  }
0x15: {  	[tilespmem:s3], [sflag:$0x3] =	stream.linear.gather [hbm4b:s21+s3], $0x200, $0x38;
	[tilespmem:$0x1D800] =	vst v63  }
0x16: {  	_ =	swait.ge [sflag:s12], $0x200  }
0x17: {  	[sflag:s12] =	ssyncset.done $0x0  }
0x18: {  	s22 =	sadd.s32 $0x0, s9;
	[sflag:s12] =	ssyncadd.s32 $0xFFFFFE00  }
0x19: {  	[tilespmem:s13], [sflag:$0x3] =	stream.linear.gather [hbm4b:s22+s3], $0x200, $0x38;
	[tilespmem:$0x1D800] =	vst v63  }
0x1a: {  	_ =	swait.ge [sflag:s12], $0x200  }
0x1b: {  	[sflag:s12] =	ssyncset.done $0x0  }
0x1c: {  	[sflag:s12] =	ssyncadd.s32 $0xFFFFFE00  }
0x1d: {  	[tilespmem:s15], [sflag:$0x1] =	stream.indirect.gather [hbm4b:s4+s14], $0x10, s3, s14, $0xb8;
	[tilespmem:$0x1D800] =	vst v63  }
0x1e: {  	s21 =	sadd.s32 $0x40, s21  }
0x1f: {  	[tilespmem:s14], [sflag:$0x3] =	stream.linear.gather [hbm4b:s21+s3], $0x200, $0x38;
	[tilespmem:$0x1D800] =	vst v63  }
0x20: {  	_ =	swait.ge [sflag:s12], $0x200  }
0x21: {  	[sflag:s12] =	ssyncset.done $0x0  }
0x22: {  	s31 =	sadd.s32 $0x40, s22;
	[sflag:s12] =	ssyncadd.s32 $0xFFFFFE00  }
0x23: {  	[tilespmem:s16], [sflag:$0x3] =	stream.linear.gather [hbm4b:s31+s3], $0x200, $0x38;
	[tilespmem:$0x1D800] =	vst v63  }
0x24: {  	_ =	swait.ge [sflag:s12], $0x200  }
0x25: {  	[sflag:s12] =	ssyncset.done $0x0  }
0x26: {  	[sflag:s12] =	ssyncadd.s32 $0xFFFFFE00  }
0x27: {  	[tilespmem:s17], [sflag:$0x1] =	stream.indirect.gather [hbm4b:s4+s14], $0x10, s14, s14, $0xb8;
	[tilespmem:$0x1D800] =	vst v63  }
0x28: {  	_ =	swait.ge [sflag:s18], $0x2000  }
0x29: {  	[sflag:s18] =	ssyncset.done $0x0  }
0x2a: {  	[sflag:s18] =	ssyncadd.s32 $0xFFFFE000  }
0x2b: {  	[spmem:s2] =	stream.indirect.scatter.add.f32 [tilespmem:s15], [sflag:$0x2], $0x10, s13, s14, $0xb8;
	[tilespmem:$0x1D800] =	vst v63  }
0x2c: {  	_ =	swait.ge [sflag:s18], $0x2000  }
0x2d: {  	[sflag:s18] =	ssyncset.done $0x0  }
0x2e: {  	[sflag:s18] =	ssyncadd.s32 $0xFFFFE000  }
0x2f: {  	[spmem:s2] =	stream.indirect.scatter.add.f32 [tilespmem:s17], [sflag:$0x2], $0x10, s16, s14, $0xb8;
	[tilespmem:$0x1D800] =	vst v63  }
0x30: {  	_ =	swait.ge [sflag:s19], $0x2000  }
0x31: {  	[sflag:s19] =	ssyncset.done $0x0  }
0x32: {  	[sflag:s19] =	ssyncadd.s32 $0xFFFFE000  }
0x33: {  	_ =	swait.ge [sflag:s19], $0x2000  }
0x34: {  	s23 =	simm.s32 $0x100;
	s21 =	simm.s32 $0x80;
	[sflag:s19] =	ssyncset.done $0x0  }
.LBB2_2:
0x35: {  	s24 =	sadd.s32 s21, s10  }
0x36: {  	[sflag:s19] =	ssyncadd.s32 $0xFFFFE000;
	s25 =	smov.u32 s23;
	s22 =	sadd.s32 $0x80, s23  }
0x37: {  	[tilespmem:s3], [sflag:$0x3] =	stream.linear.gather [hbm4b:s24+s3], $0x200, $0x38;
	[tilespmem:$0x1D800] =	vst v63  }
0x38: {  	p0 =	sne.s32 s23, $0x3080;
	_ =	swait.ge [sflag:s12], $0x200  }
0x39: {  	[sflag:s12] =	ssyncset.done $0x0  }
0x3a: {  	s23 =	sadd.s32 s21, s9;
	s21 =	smov.u32 s25;
	[sflag:s12] =	ssyncadd.s32 $0xFFFFFE00  }
0x3b: {  	[tilespmem:s13], [sflag:$0x3] =	stream.linear.gather [hbm4b:s23+s3], $0x200, $0x38;
	[tilespmem:$0x1D800] =	vst v63  }
0x3c: {  	_ =	swait.ge [sflag:s12], $0x200  }
0x3d: {  	[sflag:s12] =	ssyncset.done $0x0  }
0x3e: {  	[sflag:s12] =	ssyncadd.s32 $0xFFFFFE00  }
0x3f: {  	[tilespmem:s15], [sflag:$0x1] =	stream.indirect.gather [hbm4b:s4+s14], $0x10, s3, s14, $0xb8;
	[tilespmem:$0x1D800] =	vst v63  }
0x40: {  	s24 =	sadd.s32 $0x40, s24  }
0x41: {  	[tilespmem:s14], [sflag:$0x3] =	stream.linear.gather [hbm4b:s24+s3], $0x200, $0x38;
	[tilespmem:$0x1D800] =	vst v63  }
0x42: {  	_ =	swait.ge [sflag:s12], $0x200  }
0x43: {  	[sflag:s12] =	ssyncset.done $0x0  }
0x44: {  	s23 =	sadd.s32 $0x40, s23;
	[sflag:s12] =	ssyncadd.s32 $0xFFFFFE00  }
0x45: {  	[tilespmem:s16], [sflag:$0x3] =	stream.linear.gather [hbm4b:s23+s3], $0x200, $0x38;
	[tilespmem:$0x1D800] =	vst v63  }
0x46: {  	_ =	swait.ge [sflag:s12], $0x200  }
0x47: {  	[sflag:s12] =	ssyncset.done $0x0  }
0x48: {  	[sflag:s12] =	ssyncadd.s32 $0xFFFFFE00  }
0x49: {  	[tilespmem:s17], [sflag:$0x1] =	stream.indirect.gather [hbm4b:s4+s14], $0x10, s14, s14, $0xb8;
	[tilespmem:$0x1D800] =	vst v63  }
0x4a: {  	_ =	swait.ge [sflag:s18], $0x2000  }
0x4b: {  	[sflag:s18] =	ssyncset.done $0x0  }
0x4c: {  	[sflag:s18] =	ssyncadd.s32 $0xFFFFE000  }
0x4d: {  	[spmem:s2] =	stream.indirect.scatter.add.f32 [tilespmem:s15], [sflag:$0x2], $0x10, s13, s14, $0xb8;
	[tilespmem:$0x1D800] =	vst v63  }
0x4e: {  	_ =	swait.ge [sflag:s18], $0x2000  }
0x4f: {  	[sflag:s18] =	ssyncset.done $0x0  }
0x50: {  	[sflag:s18] =	ssyncadd.s32 $0xFFFFE000  }
0x51: {  	[spmem:s2] =	stream.indirect.scatter.add.f32 [tilespmem:s17], [sflag:$0x2], $0x10, s16, s14, $0xb8;
	[tilespmem:$0x1D800] =	vst v63  }
.Ltmp0:
0x52: {  	_ =	swait.ge [sflag:s19], $0x2000;
	(pc) =	sbr.rel @p0 .LBB2_2-.Ltmp0, $4  }
0x53: {  	[sflag:s19] =	ssyncset.done $0x0  }
0x54: {  	[sflag:s19] =	ssyncadd.s32 $0xFFFFE000  }
0x55: {  	_ =	swait.ge [sflag:s19], $0x2000  }
0x56: {  	s23 =	smov.u32 s22;
	[sflag:s19] =	ssyncset.done $0x0  }
0x57: {  	s22 =	sadd.s32 s21, s10;
	[sflag:s19] =	ssyncadd.s32 $0xFFFFE000  }
0x58: {  	[tilespmem:s3], [sflag:$0x3] =	stream.linear.gather [hbm4b:s22+s3], $0x200, $0x38;
	[tilespmem:$0x1D800] =	vst v63  }
0x59: {  	_ =	swait.ge [sflag:s12], $0x200  }
0x5a: {  	[sflag:s12] =	ssyncset.done $0x0  }
0x5b: {  	s31 =	sadd.s32 s21, s9;
	[sflag:s12] =	ssyncadd.s32 $0xFFFFFE00  }
0x5c: {  	[tilespmem:s13], [sflag:$0x3] =	stream.linear.gather [hbm4b:s31+s3], $0x200, $0x38;
	[tilespmem:$0x1D800] =	vst v63  }
0x5d: {  	_ =	swait.ge [sflag:s12], $0x200  }
0x5e: {  	[sflag:s12] =	ssyncset.done $0x0  }
0x5f: {  	[sflag:s12] =	ssyncadd.s32 $0xFFFFFE00  }
0x60: {  	[tilespmem:s15], [sflag:$0x1] =	stream.indirect.gather [hbm4b:s4+s14], $0x10, s3, s14, $0xb8;
	[tilespmem:$0x1D800] =	vst v63  }
0x61: {  	s22 =	sadd.s32 $0x40, s22  }
0x62: {  	[tilespmem:s14], [sflag:$0x3] =	stream.linear.gather [hbm4b:s22+s3], $0x200, $0x38;
	[tilespmem:$0x1D800] =	vst v63  }
0x63: {  	_ =	swait.ge [sflag:s12], $0x200  }
0x64: {  	[sflag:s12] =	ssyncset.done $0x0  }
0x65: {  	s21 =	sadd.s32 $0x40, s31;
	[sflag:s12] =	ssyncadd.s32 $0xFFFFFE00  }
0x66: {  	[tilespmem:s16], [sflag:$0x3] =	stream.linear.gather [hbm4b:s21+s3], $0x200, $0x38;
	[tilespmem:$0x1D800] =	vst v63  }
0x67: {  	_ =	swait.ge [sflag:s12], $0x200  }
0x68: {  	[sflag:s12] =	ssyncset.done $0x0  }
0x69: {  	[sflag:s12] =	ssyncadd.s32 $0xFFFFFE00  }
0x6a: {  	[tilespmem:s17], [sflag:$0x1] =	stream.indirect.gather [hbm4b:s4+s14], $0x10, s14, s14, $0xb8;
	[tilespmem:$0x1D800] =	vst v63  }
0x6b: {  	_ =	swait.ge [sflag:s18], $0x2000  }
0x6c: {  	[sflag:s18] =	ssyncset.done $0x0  }
0x6d: {  	[sflag:s18] =	ssyncadd.s32 $0xFFFFE000  }
0x6e: {  	[spmem:s2] =	stream.indirect.scatter.add.f32 [tilespmem:s15], [sflag:$0x2], $0x10, s13, s14, $0xb8;
	[tilespmem:$0x1D800] =	vst v63  }
0x6f: {  	_ =	swait.ge [sflag:s18], $0x2000  }
0x70: {  	[sflag:s18] =	ssyncset.done $0x0  }
0x71: {  	[sflag:s18] =	ssyncadd.s32 $0xFFFFE000  }
0x72: {  	[spmem:s2] =	stream.indirect.scatter.add.f32 [tilespmem:s17], [sflag:$0x2], $0x10, s16, s14, $0xb8;
	[tilespmem:$0x1D800] =	vst v63  }
0x73: {  	_ =	swait.ge [sflag:s19], $0x2000  }
0x74: {  	[sflag:s19] =	ssyncset.done $0x0  }
0x75: {  	[sflag:s19] =	ssyncadd.s32 $0xFFFFE000  }
0x76: {  	_ =	swait.ge [sflag:s19], $0x2000  }
0x77: {  	[sflag:s19] =	ssyncset.done $0x0  }
0x78: {  	s20 =	sadd.s32 $0x1, s20;
	[sflag:s19] =	ssyncadd.s32 $0xFFFFE000  }
0x79: {  	p0 =	sne.s32 s20, s8;
	[bflag:$0x0] =	sbarrier.arrive $0xFFFF  }
0x7a: {  	[hbm:s7], [sflag:s6] =	dma.local [spmem:s11], $0x3200  }
.Ltmp1:
0x7b: {  	_ =	swait.ge [sflag:s12], $0x3200;
	(pc) =	sbr.rel @p0 .LBB2_1-.Ltmp1, $3  }
0x7c: {  	[sflag:s12] =	ssyncset.done $0x0  }
0x7d: {  	[sflag:s12] =	ssyncadd.s32 $0xFFFFCE00  }
0x7e: {  	[bflag:$0x0] =	sbarrier.arrive $0xFFFF;
	_ =	sdelay $0x1  }
0x7f: {  	_ =	sfence.sel $0x180000  }
0x80: {  	[bflag:$0x0] =	sbarrier.arrive $0xFFFF  }
0x81: {  	p0 =	sne.s32 s1, $0x0;
	_ =	strace $0x90000047  }
0x82: {  	s0 =	sadd.s32 @!p0 $0x100000, s0;
	[bflag:$0x2] =	sbarrier.arrive $0xFFFF  }
0x83: {  	[sflag:s0] =	ssyncadd.tile.s32 @!p0 $0x1;
	_ =	shalt  }
.Lfunc_end2:
_tile_overlayer_lowered:
.L_overlay_start_2:
0x84: {  	(tag) =	ssettag $0x2  }
0x85: {  	s0 =	rddreg [dreg:$0x0];
	s2 =	stileid.u32  }
0x86: {  	s1 =	rddreg [dreg:$0x1];
	p0 =	sne.s32 s2, $0x0  }
0x87: {  	s3 =	rddreg [dreg:$0x2];
	[bflag:$0x3] =	sbarrier.arrive $0xFFFF;
	s2 =	simm.s32 @!p0 $0x1C03  }
0x88: {  	[timem:s3], [sflag:s2] =	dma.local @!p0 [hbm:s0], s1  }
0x89: {  	s0 =	simm.s32 @!p0 $0x3  }
0x8a: {  	_ =	swait.ge @!p0 [sflag:s0], s1  }
0x8b: {  	s1 =	ssub.s32 @!p0 $0x0, s1;
	[sflag:s0] =	ssyncset.done @!p0 $0x0  }
0x8c: {  	[sflag:s0] =	ssyncadd.s32 @!p0 s1  }
0x8d: {  	[bflag:$0x3] =	sbarrier.arrive $0xFFFF  }
0x8e: {  	_ =	shalt  }

</sc_bundles>
